<compile_context>
chip_gen: v7x
topology: tpu7x:2x2x1
jax: 0.10.2.dev20260603
libtpu: 0.0.44.dev20260713+nightly
codegen_flags: <defaults>
</compile_context>

<pallas_src>
import functools

import jax
import jax.numpy as jnp
from jax import lax
from jax.experimental import pallas as pl
from jax.experimental.pallas import tpu as pltpu
from jax.experimental.pallas import tpu_sc as plsc

_N = 10000
_E = 320000
_H = 128
_F = 9
_L = 5
_G = 128

_NC = 2
_NS = 16
_NW = _NC * _NS
_EPW = _E // _NW
_K = 80
_NCHUNK = _EPW // _K

_BLK = 2000
_NB = _N // _BLK

def _dot(a, b, dims, precision=jax.lax.Precision.HIGHEST):
    return jax.lax.dot_general(a, b, (dims, ((), ())),
                               precision=precision,
                               preferred_element_type=jnp.float32)


_EXACT = jax.lax.Precision.HIGHEST


def _agg_body(h_hbm, src_hbm, dst_hbm, out_hbm, src_v, dst_v, rows_v, acc_sh,
              sem):
    c = lax.axis_index("c")
    s = lax.axis_index("s")

    def _zrow(i, carry):
        for j in range(_H // 16):
            rows_v[i, pl.ds(j * 16, 16)] = jnp.zeros((16,), jnp.float32)
        return carry

    lax.fori_loop(0, _K, _zrow, 0)
    nrow_chunks = _N // _K
    for k in range(pl.cdiv(nrow_chunks, _NS)):
        cid = s + _NS * k

        @pl.when(cid < nrow_chunks)
        def _zero_chunk():
            off = pl.multiple_of(cid * _K, 8)
            pltpu.sync_copy(rows_v, acc_sh.at[pl.ds(off, _K)])

    plsc.subcore_barrier()

    ebase = (c * _NS + s) * _EPW

    def _chunk(j, carry):
        base = pl.multiple_of(ebase + j * _K, 8)
        pltpu.sync_copy(src_hbm.at[pl.ds(base, _K)], src_v)
        pltpu.sync_copy(dst_hbm.at[pl.ds(base, _K)], dst_v)
        pltpu.async_copy(h_hbm.at[src_v], rows_v, sem).wait()
        pltpu.sync_copy(rows_v, acc_sh.at[dst_v], add=True)
        return carry

    lax.fori_loop(0, _NCHUNK, _chunk, 0)
    plsc.subcore_barrier()

    for k in range(pl.cdiv(nrow_chunks, _NS)):
        cid = s + _NS * k

        @pl.when(cid < nrow_chunks)
        def _copy_chunk():
            off = pl.multiple_of(cid * _K, 8)
            pltpu.sync_copy(acc_sh.at[pl.ds(off, _K)],
                            out_hbm.at[c, pl.ds(off, _K)])


@functools.cache
def _aggregate_fn():
    return pl.kernel(
        _agg_body,
        out_type=jax.ShapeDtypeStruct((_NC, _N, _H), jnp.float32),
        mesh=plsc.VectorSubcoreMesh(core_axis_name="c", subcore_axis_name="s"),
        scratch_types=[
            pltpu.VMEM((_K,), jnp.int32),
            pltpu.VMEM((_K,), jnp.int32),
            pltpu.VMEM((_K, _H), jnp.float32),
            pltpu.VMEM_SHARED((_N, _H), jnp.float32),
            pltpu.SemaphoreType.DMA,
        ],
    )


def _aggregate(h, src, dst):
    return _aggregate_fn()(h, src, dst)


def _row_spec(cols=_H):
    return pl.BlockSpec((_BLK, cols), lambda b: (b, 0))


def _full_spec(shape):
    return pl.BlockSpec(shape, lambda b: tuple(0 for _ in shape))


_SMEM_SPEC = pl.BlockSpec(memory_space=pltpu.SMEM)


def _atom_body(x_ref, emb_ref, out_ref):
    acc = jnp.zeros((_BLK, _H), jnp.float32)
    ids = jax.lax.broadcasted_iota(jnp.int32, (_BLK, _H), 1)
    for f in range(_F):
        onehot = (x_ref[:, f:f + 1] == ids).astype(jnp.float32)
        acc = acc + _dot(onehot, emb_ref[f], ((1,), (0,)), _EXACT)
    out_ref[...] = acc


def _atom_encode(x, atom_emb):
    return pl.pallas_call(
        _atom_body,
        grid=(_NB,),
        in_specs=[_row_spec(_F), _full_spec((_F, _H, _H))],
        out_specs=_row_spec(),
        out_shape=jax.ShapeDtypeStruct((_N, _H), jnp.float32),
    )(x, atom_emb)


def _mlp_body(h_ref, p_ref, w1_ref, b1_ref, w2_ref, b2_ref, eps_ref,
              z_ref, stats_ref, acc_ref, *, last):
    b = pl.program_id(0)
    h = h_ref[...]
    z = (1.0 + eps_ref[0]) * h + p_ref[0] + p_ref[1]
    z = jnp.maximum(_dot(z, w1_ref[...], ((1,), (0,))) + b1_ref[...], 0.0)
    z = _dot(z, w2_ref[...], ((1,), (0,))) + b2_ref[...]
    z_ref[...] = z
    if not last:
        @pl.when(b == 0)
        def _init():
            acc_ref[...] = jnp.zeros((8, _H), jnp.float32)

        acc_ref[0:1, :] += jnp.sum(z, axis=0, keepdims=True)
        acc_ref[1:2, :] += jnp.sum(z * z, axis=0, keepdims=True)

        @pl.when(b == _NB - 1)
        def _flush():
            stats_ref[...] = acc_ref[...]


def _mlp(h, parts, w1, b1, w2, b2, eps_i, last):
    body = functools.partial(_mlp_body, last=last)
    in_specs = [
        _row_spec(),
        pl.BlockSpec((_NC, _BLK, _H), lambda b: (0, b, 0)),
        _full_spec((_H, _H)), _full_spec((1, _H)),
        _full_spec((_H, _H)), _full_spec((1, _H)),
        _SMEM_SPEC,
    ]
    out_shape = [jax.ShapeDtypeStruct((_N, _H), jnp.float32),
                 jax.ShapeDtypeStruct((8, _H), jnp.float32)]
    out_specs = [_row_spec(), _full_spec((8, _H))]
    return pl.pallas_call(
        body,
        grid=(_NB,),
        in_specs=in_specs,
        out_specs=out_specs,
        out_shape=out_shape,
        scratch_shapes=[pltpu.VMEM((8, _H), jnp.float32)],
    )(h, parts, w1, b1, w2, b2, eps_i)


def _bn_body(z_ref, stats_ref, g_ref, bb_ref, out_ref):
    mean = stats_ref[0:1, :] / _N
    var = stats_ref[1:2, :] / _N - mean * mean
    z = z_ref[...]
    z = g_ref[...] * (z - mean) * jax.lax.rsqrt(var + 1e-5) + bb_ref[...]
    out_ref[...] = jnp.maximum(z, 0.0)


def _bn_relu(z, stats, gamma, beta):
    return pl.pallas_call(
        _bn_body,
        grid=(_NB,),
        in_specs=[_row_spec(), _full_spec((8, _H)),
                  _full_spec((1, _H)), _full_spec((1, _H))],
        out_specs=_row_spec(),
        out_shape=jax.ShapeDtypeStruct((_N, _H), jnp.float32),
    )(z, stats, gamma, beta)


def _pool_body(h_ref, batch_ref, wh_ref, bh_ref, wo_ref, bo_ref, out_ref,
               acc_ref):
    b = pl.program_id(0)

    @pl.when(b == 0)
    def _init():
        acc_ref[...] = jnp.zeros((_G, _H), jnp.float32)

    ids = jax.lax.broadcasted_iota(jnp.int32, (_BLK, _G), 1)
    onehot = (batch_ref[...] == ids).astype(jnp.float32)
    acc_ref[...] += _dot(onehot, h_ref[...], ((0,), (0,)), _EXACT)

    @pl.when(b == _NB - 1)
    def _head():
        pooled = acc_ref[...]
        g = jnp.maximum(_dot(pooled, wh_ref[...], ((1,), (0,)))
                        + bh_ref[...], 0.0)
        res = _dot(g, wo_ref[...], ((1,), (0,)))
        out_ref[...] = res[:, 0:1] + bo_ref[0]


def _pool(h, batch2d, wh, bh, wo_pad, bo):
    return pl.pallas_call(
        _pool_body,
        grid=(_NB,),
        in_specs=[_row_spec(), _row_spec(1), _full_spec((_H, _H)),
                  _full_spec((1, _H)), _full_spec((_H, _H)), _SMEM_SPEC],
        out_specs=pl.BlockSpec((_G, 1), lambda b: (0, 0)),
        out_shape=jax.ShapeDtypeStruct((_G, 1), jnp.float32),
        scratch_shapes=[pltpu.VMEM((_G, _H), jnp.float32)],
    )(h, batch2d, wh, bh, wo_pad, bo)


def kernel(x, edge_index, batch, atom_emb, conv_w1, conv_b1, conv_w2, conv_b2,
           eps, bn_gamma, bn_beta, wh, bh, wo, bo):
    src = edge_index[0]
    dst = edge_index[1]
    h = _atom_encode(x, atom_emb)
    for i in range(_L):
        parts = _aggregate(h, src, dst)
        last = i == _L - 1
        z, stats = _mlp(h, parts, conv_w1[i], conv_b1[i].reshape(1, _H),
                        conv_w2[i], conv_b2[i].reshape(1, _H),
                        eps[i].reshape(1), last)
        if last:
            h = z
        else:
            h = _bn_relu(z, stats, bn_gamma[i].reshape(1, _H),
                         bn_beta[i].reshape(1, _H))
    wo_pad = jnp.pad(wo, ((0, 0), (0, _H - 1)))
    return _pool(h, batch.reshape(_N, 1), wh, bh.reshape(1, _H), wo_pad,
                 bo.reshape(1))

# --- scband reference (transcript-rebuilt; emitter-appended) ---
"""Pipeline reference for scband-gingraph-property-model-11244224381646 (READ-ONLY COPY).

The authoritative reference and input builder live on the scoring server;
editing this copy changes nothing except your own understanding.
"""

import jax, jax.numpy as jnp
import numpy as np

N = 10000
E = 320000
H = 128
F = 9
L = 5
G = 128
VOCAB = 128

def setup_inputs(seed: int = 0) -> dict:
    key = jax.random.key(seed)
    ks = jax.random.split(key, 16)
    x = jax.random.randint(ks[0], (N, F), 0, 100)
    edge_index = jax.random.randint(ks[1], (2, E), 0, N)
    batch = jnp.sort(jax.random.randint(ks[2], (N,), 0, G))
    s = 0.05
    atom_emb = jax.random.normal(ks[3], (F, VOCAB, H), dtype=jnp.float32) * s
    conv_w1 = jax.random.normal(ks[4], (L, H, H), dtype=jnp.float32) * s
    conv_b1 = jnp.zeros((L, H), dtype=jnp.float32)
    conv_w2 = jax.random.normal(ks[5], (L, H, H), dtype=jnp.float32) * s
    conv_b2 = jnp.zeros((L, H), dtype=jnp.float32)
    eps = jnp.zeros((L,), dtype=jnp.float32)
    bn_gamma = jnp.ones((L - 1, H), dtype=jnp.float32)
    bn_beta = jnp.zeros((L - 1, H), dtype=jnp.float32)
    wh = jax.random.normal(ks[6], (H, H), dtype=jnp.float32) * s
    bh = jnp.zeros((H,), dtype=jnp.float32)
    wo = jax.random.normal(ks[7], (H, 1), dtype=jnp.float32) * s
    bo = jnp.zeros((1,), dtype=jnp.float32)
    return {"x": x, "edge_index": edge_index, "batch": batch,
            "atom_emb": atom_emb, "conv_w1": conv_w1, "conv_b1": conv_b1,
            "conv_w2": conv_w2, "conv_b2": conv_b2, "eps": eps,
            "bn_gamma": bn_gamma, "bn_beta": bn_beta,
            "wh": wh, "bh": bh, "wo": wo, "bo": bo}

def reference(x, edge_index, batch, atom_emb, conv_w1, conv_b1, conv_w2, conv_b2,
              eps, bn_gamma, bn_beta, wh, bh, wo, bo):
    # AtomEncoder: sum of per-feature embeddings
    h = jnp.zeros((N, H), dtype=jnp.float32)
    for f in range(F):
        h = h + jnp.take(atom_emb[f], x[:, f], axis=0)
    src, dst = edge_index[0], edge_index[1]
    for i in range(L):
        # GINConv: (1+eps)*x_i + sum_{j in N(i)} x_j, then MLP
        msgs = jnp.take(h, src, axis=0)
        agg = jax.ops.segment_sum(msgs, dst, num_segments=N)
        z = (1.0 + eps[i]) * h + agg
        z = jax.nn.relu(z @ conv_w1[i] + conv_b1[i])
        h = z @ conv_w2[i] + conv_b2[i]
        if i < L - 1:
            mean = jnp.mean(h, axis=0, keepdims=True)
            var = jnp.var(h, axis=0, keepdims=True)
            h = bn_gamma[i] * (h - mean) / jnp.sqrt(var + 1e-5) + bn_beta[i]
            h = jax.nn.relu(h)
            # dropout is identity in eval mode
    pooled = jax.ops.segment_sum(h, batch, num_segments=G)
    g = jax.nn.relu(pooled @ wh + bh)
    out = g @ wo + bo
    return out

if __name__ == "__main__":
    import jax
    _d = setup_inputs()
    print(jax.jit(kernel)(*tuple(_d.values())))

</pallas_src>

<mosaic_0001>
#map = affine_map<(d0, d1) -> (0, 0)>
#map1 = affine_map<(d0, d1) -> (0)>
#map2 = affine_map<(d0, d1) -> (0, 0, 0)>
module attributes {stable_mosaic.version = 14 : i64} {
  func.func @_agg_body(%arg0: i32, %arg1: i32, %arg2: memref<10000x128xf32, #tpu.memory_space<hbm>>, %arg3: memref<320000xi32, #tpu.memory_space<hbm>>, %arg4: memref<320000xi32, #tpu.memory_space<hbm>>, %arg5: memref<2x10000x128xf32, #tpu.memory_space<hbm>>, %arg6: memref<80xi32, #tpu.memory_space<vmem>>, %arg7: memref<80xi32, #tpu.memory_space<vmem>>, %arg8: memref<80x128xf32, #tpu.memory_space<vmem>>, %arg9: memref<10000x128xf32, #tpu.memory_space<vmem_shared>>, %arg10: memref<!tpu.dma_semaphore, #tpu.memory_space<semaphore_mem>>) attributes {dimension_semantics = [#tpu.dimension_semantics<core_parallel>, #tpu.dimension_semantics<subcore_parallel>], iteration_bounds = array<i64: 2, 16>, scalar_prefetch = 0 : i64, scratch_operands = 5 : i64, tpu.core_type = #tpu.core_type<sc_vector_subcore>, window_params = [{transform_indices = #map}, {transform_indices = #map1}, {transform_indices = #map1}, {transform_indices = #map2}]} {
    %scan3A = arith.constant 0 : i32
    %scan3A_0 = arith.constant 0 : i32
    %scan3A_1 = arith.constant 80 : i32
    %scan3A_2 = arith.addi %scan3A_0, %scan3A_1 : i32
    %scan3A_3 = arith.constant 1 : i32
    scf.for %scan3A_124 = %scan3A_0 to %scan3A_2 step %scan3A_3  : i32 {
      %broadcast_in_dim3A = arith.constant 0.000000e+00 : f32
      %broadcast_in_dim3A_125 = vector.broadcast %broadcast_in_dim3A : f32 to vector<16xf32>
      %swap3A = arith.index_cast %scan3A_124 : i32 to index
      %swap3A_126 = arith.constant 0 : index
      %swap3A_127 = tpu.vector_load %arg8[%swap3A, %swap3A_126] {strides = array<i32>} : memref<80x128xf32, #tpu.memory_space<vmem>>, vector<1x16xf32>,
      %swap3A_128 = vector.shape_cast %swap3A_127 : vector<1x16xf32> to vector<16xf32>
      %swap3A_129 = vector.shape_cast %broadcast_in_dim3A_125 : vector<16xf32> to vector<1x16xf32>
      tpu.vector_store %arg8[%swap3A, %swap3A_126], %swap3A_129 {strides = array<i32>} : memref<80x128xf32, #tpu.memory_space<vmem>>, vector<1x16xf32>,
      %broadcast_in_dim3A_130 = arith.constant 0.000000e+00 : f32
      %broadcast_in_dim3A_131 = vector.broadcast %broadcast_in_dim3A_130 : f32 to vector<16xf32>
      %swap3A_132 = arith.index_cast %scan3A_124 : i32 to index
      %swap3A_133 = arith.constant 16 : index
      %swap3A_134 = tpu.vector_load %arg8[%swap3A_132, %swap3A_133] {strides = array<i32>} : memref<80x128xf32, #tpu.memory_space<vmem>>, vector<1x16xf32>,
      %swap3A_135 = vector.shape_cast %swap3A_134 : vector<1x16xf32> to vector<16xf32>
      %swap3A_136 = vector.shape_cast %broadcast_in_dim3A_131 : vector<16xf32> to vector<1x16xf32>
      tpu.vector_store %arg8[%swap3A_132, %swap3A_133], %swap3A_136 {strides = array<i32>} : memref<80x128xf32, #tpu.memory_space<vmem>>, vector<1x16xf32>,
      %broadcast_in_dim3A_137 = arith.constant 0.000000e+00 : f32
      %broadcast_in_dim3A_138 = vector.broadcast %broadcast_in_dim3A_137 : f32 to vector<16xf32>
      %swap3A_139 = arith.index_cast %scan3A_124 : i32 to index
      %swap3A_140 = arith.constant 32 : index
      %swap3A_141 = tpu.vector_load %arg8[%swap3A_139, %swap3A_140] {strides = array<i32>} : memref<80x128xf32, #tpu.memory_space<vmem>>, vector<1x16xf32>,
      %swap3A_142 = vector.shape_cast %swap3A_141 : vector<1x16xf32> to vector<16xf32>
      %swap3A_143 = vector.shape_cast %broadcast_in_dim3A_138 : vector<16xf32> to vector<1x16xf32>
      tpu.vector_store %arg8[%swap3A_139, %swap3A_140], %swap3A_143 {strides = array<i32>} : memref<80x128xf32, #tpu.memory_space<vmem>>, vector<1x16xf32>,
      %broadcast_in_dim3A_144 = arith.constant 0.000000e+00 : f32
      %broadcast_in_dim3A_145 = vector.broadcast %broadcast_in_dim3A_144 : f32 to vector<16xf32>
      %swap3A_146 = arith.index_cast %scan3A_124 : i32 to index
      %swap3A_147 = arith.constant 48 : index
      %swap3A_148 = tpu.vector_load %arg8[%swap3A_146, %swap3A_147] {strides = array<i32>} : memref<80x128xf32, #tpu.memory_space<vmem>>, vector<1x16xf32>,
      %swap3A_149 = vector.shape_cast %swap3A_148 : vector<1x16xf32> to vector<16xf32>
      %swap3A_150 = vector.shape_cast %broadcast_in_dim3A_145 : vector<16xf32> to vector<1x16xf32>
      tpu.vector_store %arg8[%swap3A_146, %swap3A_147], %swap3A_150 {strides = array<i32>} : memref<80x128xf32, #tpu.memory_space<vmem>>, vector<1x16xf32>,
      %broadcast_in_dim3A_151 = arith.constant 0.000000e+00 : f32
      %broadcast_in_dim3A_152 = vector.broadcast %broadcast_in_dim3A_151 : f32 to vector<16xf32>
      %swap3A_153 = arith.index_cast %scan3A_124 : i32 to index
      %swap3A_154 = arith.constant 64 : index
      %swap3A_155 = tpu.vector_load %arg8[%swap3A_153, %swap3A_154] {strides = array<i32>} : memref<80x128xf32, #tpu.memory_space<vmem>>, vector<1x16xf32>,
      %swap3A_156 = vector.shape_cast %swap3A_155 : vector<1x16xf32> to vector<16xf32>
      %swap3A_157 = vector.shape_cast %broadcast_in_dim3A_152 : vector<16xf32> to vector<1x16xf32>
      tpu.vector_store %arg8[%swap3A_153, %swap3A_154], %swap3A_157 {strides = array<i32>} : memref<80x128xf32, #tpu.memory_space<vmem>>, vector<1x16xf32>,
      %broadcast_in_dim3A_158 = arith.constant 0.000000e+00 : f32
      %broadcast_in_dim3A_159 = vector.broadcast %broadcast_in_dim3A_158 : f32 to vector<16xf32>
      %swap3A_160 = arith.index_cast %scan3A_124 : i32 to index
      %swap3A_161 = arith.constant 80 : index
      %swap3A_162 = tpu.vector_load %arg8[%swap3A_160, %swap3A_161] {strides = array<i32>} : memref<80x128xf32, #tpu.memory_space<vmem>>, vector<1x16xf32>,
      %swap3A_163 = vector.shape_cast %swap3A_162 : vector<1x16xf32> to vector<16xf32>
      %swap3A_164 = vector.shape_cast %broadcast_in_dim3A_159 : vector<16xf32> to vector<1x16xf32>
      tpu.vector_store %arg8[%swap3A_160, %swap3A_161], %swap3A_164 {strides = array<i32>} : memref<80x128xf32, #tpu.memory_space<vmem>>, vector<1x16xf32>,
      %broadcast_in_dim3A_165 = arith.constant 0.000000e+00 : f32
      %broadcast_in_dim3A_166 = vector.broadcast %broadcast_in_dim3A_165 : f32 to vector<16xf32>
      %swap3A_167 = arith.index_cast %scan3A_124 : i32 to index
      %swap3A_168 = arith.constant 96 : index
      %swap3A_169 = tpu.vector_load %arg8[%swap3A_167, %swap3A_168] {strides = array<i32>} : memref<80x128xf32, #tpu.memory_space<vmem>>, vector<1x16xf32>,
      %swap3A_170 = vector.shape_cast %swap3A_169 : vector<1x16xf32> to vector<16xf32>
      %swap3A_171 = vector.shape_cast %broadcast_in_dim3A_166 : vector<16xf32> to vector<1x16xf32>
      tpu.vector_store %arg8[%swap3A_167, %swap3A_168], %swap3A_171 {strides = array<i32>} : memref<80x128xf32, #tpu.memory_space<vmem>>, vector<1x16xf32>,
      %broadcast_in_dim3A_172 = arith.constant 0.000000e+00 : f32
      %broadcast_in_dim3A_173 = vector.broadcast %broadcast_in_dim3A_172 : f32 to vector<16xf32>
      %swap3A_174 = arith.index_cast %scan3A_124 : i32 to index
      %swap3A_175 = arith.constant 112 : index
      %swap3A_176 = tpu.vector_load %arg8[%swap3A_174, %swap3A_175] {strides = array<i32>} : memref<80x128xf32, #tpu.memory_space<vmem>>, vector<1x16xf32>,
      %swap3A_177 = vector.shape_cast %swap3A_176 : vector<1x16xf32> to vector<16xf32>
      %swap3A_178 = vector.shape_cast %broadcast_in_dim3A_173 : vector<16xf32> to vector<1x16xf32>
      tpu.vector_store %arg8[%swap3A_174, %swap3A_175], %swap3A_178 {strides = array<i32>} : memref<80x128xf32, #tpu.memory_space<vmem>>, vector<1x16xf32>,
    }
    %scan3A_4 = arith.constant 80 : i32
    %add3A = arith.constant 0 : i32
    %add3A_5 = arith.addi %arg1, %add3A : i32
    %lt3A = arith.constant 125 : i32
    %lt3A_6 = arith.cmpi slt, %add3A_5, %lt3A : i32
    %convert_element_type3A = arith.extui %lt3A_6 : i1 to i32
    %cond3A = arith.constant 0 : i32
    %cond3A_7 = arith.cmpi ne, %convert_element_type3A, %cond3A : i32
    scf.if %cond3A_7 {
      %mul3A_124 = arith.constant 80 : i32
      %mul3A_125 = arith.muli %add3A_5, %mul3A_124 : i32
      %multiple_of3A = tpu.assume_multiple %mul3A_125, 8 : i32
      "tpu.region"() ({
        %run_scoped3A = tpu.sem_alloc : memref<!tpu.dma_semaphore, #tpu.memory_space<semaphore_mem>>
        %dma_start3A = arith.constant 0 : i32
        %dma_start3A_126 = tpu.memref_slice %arg9[%multiple_of3A, %dma_start3A] : memref<10000x128xf32, #tpu.memory_space<vmem_shared>> -> memref<80x128xf32, #tpu.memory_space<vmem_shared>>
        %dma_start3A_127 = arith.constant 0 : i32
        %dma_start3A_128 = tpu.memref_slice %arg9[%multiple_of3A, %dma_start3A_127] : memref<10000x128xf32, #tpu.memory_space<vmem_shared>> -> memref<80x128xf32, #tpu.memory_space<vmem_shared>>
        tpu.enqueue_dma source(%arg8 : memref<80x128xf32, #tpu.memory_space<vmem>>) target(%dma_start3A_128 : memref<80x128xf32, #tpu.memory_space<vmem_shared>>) target_semaphore(%run_scoped3A : memref<!tpu.dma_semaphore, #tpu.memory_space<semaphore_mem>>)
        %dma_wait3A = arith.constant 0 : i32
        %dma_wait3A_129 = tpu.memref_slice %arg9[%multiple_of3A, %dma_wait3A] : memref<10000x128xf32, #tpu.memory_space<vmem_shared>> -> memref<80x128xf32, #tpu.memory_space<vmem_shared>>
        %dma_wait3A_130 = arith.constant 0 : i32
        %dma_wait3A_131 = tpu.memref_slice %arg9[%multiple_of3A, %dma_wait3A_130] : memref<10000x128xf32, #tpu.memory_space<vmem_shared>> -> memref<80x128xf32, #tpu.memory_space<vmem_shared>>
        tpu.wait_dma2 semaphore(%run_scoped3A : memref<!tpu.dma_semaphore, #tpu.memory_space<semaphore_mem>>) src(%arg8 : memref<80x128xf32, #tpu.memory_space<vmem>>) dst(%dma_wait3A_131 : memref<80x128xf32, #tpu.memory_space<vmem_shared>>)
        tpu.yield
      }) : () -> ()
    } else {
    }
    %add3A_8 = arith.constant 16 : i32
    %add3A_9 = arith.addi %arg1, %add3A_8 : i32
    %lt3A_10 = arith.constant 125 : i32
    %lt3A_11 = arith.cmpi slt, %add3A_9, %lt3A_10 : i32
    %convert_element_type3A_12 = arith.extui %lt3A_11 : i1 to i32
    %cond3A_13 = arith.constant 0 : i32
    %cond3A_14 = arith.cmpi ne, %convert_element_type3A_12, %cond3A_13 : i32
    scf.if %cond3A_14 {
      %mul3A_124 = arith.constant 80 : i32
      %mul3A_125 = arith.muli %add3A_9, %mul3A_124 : i32
      %multiple_of3A = tpu.assume_multiple %mul3A_125, 8 : i32
      "tpu.region"() ({
        %run_scoped3A = tpu.sem_alloc : memref<!tpu.dma_semaphore, #tpu.memory_space<semaphore_mem>>
        %dma_start3A = arith.constant 0 : i32
        %dma_start3A_126 = tpu.memref_slice %arg9[%multiple_of3A, %dma_start3A] : memref<10000x128xf32, #tpu.memory_space<vmem_shared>> -> memref<80x128xf32, #tpu.memory_space<vmem_shared>>
        %dma_start3A_127 = arith.constant 0 : i32
        %dma_start3A_128 = tpu.memref_slice %arg9[%multiple_of3A, %dma_start3A_127] : memref<10000x128xf32, #tpu.memory_space<vmem_shared>> -> memref<80x128xf32, #tpu.memory_space<vmem_shared>>
        tpu.enqueue_dma source(%arg8 : memref<80x128xf32, #tpu.memory_space<vmem>>) target(%dma_start3A_128 : memref<80x128xf32, #tpu.memory_space<vmem_shared>>) target_semaphore(%run_scoped3A : memref<!tpu.dma_semaphore, #tpu.memory_space<semaphore_mem>>)
        %dma_wait3A = arith.constant 0 : i32
        %dma_wait3A_129 = tpu.memref_slice %arg9[%multiple_of3A, %dma_wait3A] : memref<10000x128xf32, #tpu.memory_space<vmem_shared>> -> memref<80x128xf32, #tpu.memory_space<vmem_shared>>
        %dma_wait3A_130 = arith.constant 0 : i32
        %dma_wait3A_131 = tpu.memref_slice %arg9[%multiple_of3A, %dma_wait3A_130] : memref<10000x128xf32, #tpu.memory_space<vmem_shared>> -> memref<80x128xf32, #tpu.memory_space<vmem_shared>>
        tpu.wait_dma2 semaphore(%run_scoped3A : memref<!tpu.dma_semaphore, #tpu.memory_space<semaphore_mem>>) src(%arg8 : memref<80x128xf32, #tpu.memory_space<vmem>>) dst(%dma_wait3A_131 : memref<80x128xf32, #tpu.memory_space<vmem_shared>>)
        tpu.yield
      }) : () -> ()
    } else {
    }
    %add3A_15 = arith.constant 32 : i32
    %add3A_16 = arith.addi %arg1, %add3A_15 : i32
    %lt3A_17 = arith.constant 125 : i32
    %lt3A_18 = arith.cmpi slt, %add3A_16, %lt3A_17 : i32
    %convert_element_type3A_19 = arith.extui %lt3A_18 : i1 to i32
    %cond3A_20 = arith.constant 0 : i32
    %cond3A_21 = arith.cmpi ne, %convert_element_type3A_19, %cond3A_20 : i32
    scf.if %cond3A_21 {
      %mul3A_124 = arith.constant 80 : i32
      %mul3A_125 = arith.muli %add3A_16, %mul3A_124 : i32
      %multiple_of3A = tpu.assume_multiple %mul3A_125, 8 : i32
      "tpu.region"() ({
        %run_scoped3A = tpu.sem_alloc : memref<!tpu.dma_semaphore, #tpu.memory_space<semaphore_mem>>
        %dma_start3A = arith.constant 0 : i32
        %dma_start3A_126 = tpu.memref_slice %arg9[%multiple_of3A, %dma_start3A] : memref<10000x128xf32, #tpu.memory_space<vmem_shared>> -> memref<80x128xf32, #tpu.memory_space<vmem_shared>>
        %dma_start3A_127 = arith.constant 0 : i32
        %dma_start3A_128 = tpu.memref_slice %arg9[%multiple_of3A, %dma_start3A_127] : memref<10000x128xf32, #tpu.memory_space<vmem_shared>> -> memref<80x128xf32, #tpu.memory_space<vmem_shared>>
        tpu.enqueue_dma source(%arg8 : memref<80x128xf32, #tpu.memory_space<vmem>>) target(%dma_start3A_128 : memref<80x128xf32, #tpu.memory_space<vmem_shared>>) target_semaphore(%run_scoped3A : memref<!tpu.dma_semaphore, #tpu.memory_space<semaphore_mem>>)
        %dma_wait3A = arith.constant 0 : i32
        %dma_wait3A_129 = tpu.memref_slice %arg9[%multiple_of3A, %dma_wait3A] : memref<10000x128xf32, #tpu.memory_space<vmem_shared>> -> memref<80x128xf32, #tpu.memory_space<vmem_shared>>
        %dma_wait3A_130 = arith.constant 0 : i32
        %dma_wait3A_131 = tpu.memref_slice %arg9[%multiple_of3A, %dma_wait3A_130] : memref<10000x128xf32, #tpu.memory_space<vmem_shared>> -> memref<80x128xf32, #tpu.memory_space<vmem_shared>>
        tpu.wait_dma2 semaphore(%run_scoped3A : memref<!tpu.dma_semaphore, #tpu.memory_space<semaphore_mem>>) src(%arg8 : memref<80x128xf32, #tpu.memory_space<vmem>>) dst(%dma_wait3A_131 : memref<80x128xf32, #tpu.memory_space<vmem_shared>>)
        tpu.yield
      }) : () -> ()
    } else {
    }
    %add3A_22 = arith.constant 48 : i32
    %add3A_23 = arith.addi %arg1, %add3A_22 : i32
    %lt3A_24 = arith.constant 125 : i32
    %lt3A_25 = arith.cmpi slt, %add3A_23, %lt3A_24 : i32
    %convert_element_type3A_26 = arith.extui %lt3A_25 : i1 to i32
    %cond3A_27 = arith.constant 0 : i32
    %cond3A_28 = arith.cmpi ne, %convert_element_type3A_26, %cond3A_27 : i32
    scf.if %cond3A_28 {
      %mul3A_124 = arith.constant 80 : i32
      %mul3A_125 = arith.muli %add3A_23, %mul3A_124 : i32
      %multiple_of3A = tpu.assume_multiple %mul3A_125, 8 : i32
      "tpu.region"() ({
        %run_scoped3A = tpu.sem_alloc : memref<!tpu.dma_semaphore, #tpu.memory_space<semaphore_mem>>
        %dma_start3A = arith.constant 0 : i32
        %dma_start3A_126 = tpu.memref_slice %arg9[%multiple_of3A, %dma_start3A] : memref<10000x128xf32, #tpu.memory_space<vmem_shared>> -> memref<80x128xf32, #tpu.memory_space<vmem_shared>>
        %dma_start3A_127 = arith.constant 0 : i32
        %dma_start3A_128 = tpu.memref_slice %arg9[%multiple_of3A, %dma_start3A_127] : memref<10000x128xf32, #tpu.memory_space<vmem_shared>> -> memref<80x128xf32, #tpu.memory_space<vmem_shared>>
        tpu.enqueue_dma source(%arg8 : memref<80x128xf32, #tpu.memory_space<vmem>>) target(%dma_start3A_128 : memref<80x128xf32, #tpu.memory_space<vmem_shared>>) target_semaphore(%run_scoped3A : memref<!tpu.dma_semaphore, #tpu.memory_space<semaphore_mem>>)
        %dma_wait3A = arith.constant 0 : i32
        %dma_wait3A_129 = tpu.memref_slice %arg9[%multiple_of3A, %dma_wait3A] : memref<10000x128xf32, #tpu.memory_space<vmem_shared>> -> memref<80x128xf32, #tpu.memory_space<vmem_shared>>
        %dma_wait3A_130 = arith.constant 0 : i32
        %dma_wait3A_131 = tpu.memref_slice %arg9[%multiple_of3A, %dma_wait3A_130] : memref<10000x128xf32, #tpu.memory_space<vmem_shared>> -> memref<80x128xf32, #tpu.memory_space<vmem_shared>>
        tpu.wait_dma2 semaphore(%run_scoped3A : memref<!tpu.dma_semaphore, #tpu.memory_space<semaphore_mem>>) src(%arg8 : memref<80x128xf32, #tpu.memory_space<vmem>>) dst(%dma_wait3A_131 : memref<80x128xf32, #tpu.memory_space<vmem_shared>>)
        tpu.yield
      }) : () -> ()
    } else {
    }
    %add3A_29 = arith.constant 64 : i32
    %add3A_30 = arith.addi %arg1, %add3A_29 : i32
    %lt3A_31 = arith.constant 125 : i32
    %lt3A_32 = arith.cmpi slt, %add3A_30, %lt3A_31 : i32
    %convert_element_type3A_33 = arith.extui %lt3A_32 : i1 to i32
    %cond3A_34 = arith.constant 0 : i32
    %cond3A_35 = arith.cmpi ne, %convert_element_type3A_33, %cond3A_34 : i32
    scf.if %cond3A_35 {
      %mul3A_124 = arith.constant 80 : i32
      %mul3A_125 = arith.muli %add3A_30, %mul3A_124 : i32
      %multiple_of3A = tpu.assume_multiple %mul3A_125, 8 : i32
      "tpu.region"() ({
        %run_scoped3A = tpu.sem_alloc : memref<!tpu.dma_semaphore, #tpu.memory_space<semaphore_mem>>
        %dma_start3A = arith.constant 0 : i32
        %dma_start3A_126 = tpu.memref_slice %arg9[%multiple_of3A, %dma_start3A] : memref<10000x128xf32, #tpu.memory_space<vmem_shared>> -> memref<80x128xf32, #tpu.memory_space<vmem_shared>>
        %dma_start3A_127 = arith.constant 0 : i32
        %dma_start3A_128 = tpu.memref_slice %arg9[%multiple_of3A, %dma_start3A_127] : memref<10000x128xf32, #tpu.memory_space<vmem_shared>> -> memref<80x128xf32, #tpu.memory_space<vmem_shared>>
        tpu.enqueue_dma source(%arg8 : memref<80x128xf32, #tpu.memory_space<vmem>>) target(%dma_start3A_128 : memref<80x128xf32, #tpu.memory_space<vmem_shared>>) target_semaphore(%run_scoped3A : memref<!tpu.dma_semaphore, #tpu.memory_space<semaphore_mem>>)
        %dma_wait3A = arith.constant 0 : i32
        %dma_wait3A_129 = tpu.memref_slice %arg9[%multiple_of3A, %dma_wait3A] : memref<10000x128xf32, #tpu.memory_space<vmem_shared>> -> memref<80x128xf32, #tpu.memory_space<vmem_shared>>
        %dma_wait3A_130 = arith.constant 0 : i32
        %dma_wait3A_131 = tpu.memref_slice %arg9[%multiple_of3A, %dma_wait3A_130] : memref<10000x128xf32, #tpu.memory_space<vmem_shared>> -> memref<80x128xf32, #tpu.memory_space<vmem_shared>>
        tpu.wait_dma2 semaphore(%run_scoped3A : memref<!tpu.dma_semaphore, #tpu.memory_space<semaphore_mem>>) src(%arg8 : memref<80x128xf32, #tpu.memory_space<vmem>>) dst(%dma_wait3A_131 : memref<80x128xf32, #tpu.memory_space<vmem_shared>>)
        tpu.yield
      }) : () -> ()
    } else {
    }
    %add3A_36 = arith.constant 80 : i32
    %add3A_37 = arith.addi %arg1, %add3A_36 : i32
    %lt3A_38 = arith.constant 125 : i32
    %lt3A_39 = arith.cmpi slt, %add3A_37, %lt3A_38 : i32
    %convert_element_type3A_40 = arith.extui %lt3A_39 : i1 to i32
    %cond3A_41 = arith.constant 0 : i32
    %cond3A_42 = arith.cmpi ne, %convert_element_type3A_40, %cond3A_41 : i32
    scf.if %cond3A_42 {
      %mul3A_124 = arith.constant 80 : i32
      %mul3A_125 = arith.muli %add3A_37, %mul3A_124 : i32
      %multiple_of3A = tpu.assume_multiple %mul3A_125, 8 : i32
      "tpu.region"() ({
        %run_scoped3A = tpu.sem_alloc : memref<!tpu.dma_semaphore, #tpu.memory_space<semaphore_mem>>
        %dma_start3A = arith.constant 0 : i32
        %dma_start3A_126 = tpu.memref_slice %arg9[%multiple_of3A, %dma_start3A] : memref<10000x128xf32, #tpu.memory_space<vmem_shared>> -> memref<80x128xf32, #tpu.memory_space<vmem_shared>>
        %dma_start3A_127 = arith.constant 0 : i32
        %dma_start3A_128 = tpu.memref_slice %arg9[%multiple_of3A, %dma_start3A_127] : memref<10000x128xf32, #tpu.memory_space<vmem_shared>> -> memref<80x128xf32, #tpu.memory_space<vmem_shared>>
        tpu.enqueue_dma source(%arg8 : memref<80x128xf32, #tpu.memory_space<vmem>>) target(%dma_start3A_128 : memref<80x128xf32, #tpu.memory_space<vmem_shared>>) target_semaphore(%run_scoped3A : memref<!tpu.dma_semaphore, #tpu.memory_space<semaphore_mem>>)
        %dma_wait3A = arith.constant 0 : i32
        %dma_wait3A_129 = tpu.memref_slice %arg9[%multiple_of3A, %dma_wait3A] : memref<10000x128xf32, #tpu.memory_space<vmem_shared>> -> memref<80x128xf32, #tpu.memory_space<vmem_shared>>
        %dma_wait3A_130 = arith.constant 0 : i32
        %dma_wait3A_131 = tpu.memref_slice %arg9[%multiple_of3A, %dma_wait3A_130] : memref<10000x128xf32, #tpu.memory_space<vmem_shared>> -> memref<80x128xf32, #tpu.memory_space<vmem_shared>>
        tpu.wait_dma2 semaphore(%run_scoped3A : memref<!tpu.dma_semaphore, #tpu.memory_space<semaphore_mem>>) src(%arg8 : memref<80x128xf32, #tpu.memory_space<vmem>>) dst(%dma_wait3A_131 : memref<80x128xf32, #tpu.memory_space<vmem_shared>>)
        tpu.yield
      }) : () -> ()
    } else {
    }
    %add3A_43 = arith.constant 96 : i32
    %add3A_44 = arith.addi %arg1, %add3A_43 : i32
    %lt3A_45 = arith.constant 125 : i32
    %lt3A_46 = arith.cmpi slt, %add3A_44, %lt3A_45 : i32
    %convert_element_type3A_47 = arith.extui %lt3A_46 : i1 to i32
    %cond3A_48 = arith.constant 0 : i32
    %cond3A_49 = arith.cmpi ne, %convert_element_type3A_47, %cond3A_48 : i32
    scf.if %cond3A_49 {
      %mul3A_124 = arith.constant 80 : i32
      %mul3A_125 = arith.muli %add3A_44, %mul3A_124 : i32
      %multiple_of3A = tpu.assume_multiple %mul3A_125, 8 : i32
      "tpu.region"() ({
        %run_scoped3A = tpu.sem_alloc : memref<!tpu.dma_semaphore, #tpu.memory_space<semaphore_mem>>
        %dma_start3A = arith.constant 0 : i32
        %dma_start3A_126 = tpu.memref_slice %arg9[%multiple_of3A, %dma_start3A] : memref<10000x128xf32, #tpu.memory_space<vmem_shared>> -> memref<80x128xf32, #tpu.memory_space<vmem_shared>>
        %dma_start3A_127 = arith.constant 0 : i32
        %dma_start3A_128 = tpu.memref_slice %arg9[%multiple_of3A, %dma_start3A_127] : memref<10000x128xf32, #tpu.memory_space<vmem_shared>> -> memref<80x128xf32, #tpu.memory_space<vmem_shared>>
        tpu.enqueue_dma source(%arg8 : memref<80x128xf32, #tpu.memory_space<vmem>>) target(%dma_start3A_128 : memref<80x128xf32, #tpu.memory_space<vmem_shared>>) target_semaphore(%run_scoped3A : memref<!tpu.dma_semaphore, #tpu.memory_space<semaphore_mem>>)
        %dma_wait3A = arith.constant 0 : i32
        %dma_wait3A_129 = tpu.memref_slice %arg9[%multiple_of3A, %dma_wait3A] : memref<10000x128xf32, #tpu.memory_space<vmem_shared>> -> memref<80x128xf32, #tpu.memory_space<vmem_shared>>
        %dma_wait3A_130 = arith.constant 0 : i32
        %dma_wait3A_131 = tpu.memref_slice %arg9[%multiple_of3A, %dma_wait3A_130] : memref<10000x128xf32, #tpu.memory_space<vmem_shared>> -> memref<80x128xf32, #tpu.memory_space<vmem_shared>>
        tpu.wait_dma2 semaphore(%run_scoped3A : memref<!tpu.dma_semaphore, #tpu.memory_space<semaphore_mem>>) src(%arg8 : memref<80x128xf32, #tpu.memory_space<vmem>>) dst(%dma_wait3A_131 : memref<80x128xf32, #tpu.memory_space<vmem_shared>>)
        tpu.yield
      }) : () -> ()
    } else {
    }
    %add3A_50 = arith.constant 112 : i32
    %add3A_51 = arith.addi %arg1, %add3A_50 : i32
    %lt3A_52 = arith.constant 125 : i32
    %lt3A_53 = arith.cmpi slt, %add3A_51, %lt3A_52 : i32
    %convert_element_type3A_54 = arith.extui %lt3A_53 : i1 to i32
    %cond3A_55 = arith.constant 0 : i32
    %cond3A_56 = arith.cmpi ne, %convert_element_type3A_54, %cond3A_55 : i32
    scf.if %cond3A_56 {
      %mul3A_124 = arith.constant 80 : i32
      %mul3A_125 = arith.muli %add3A_51, %mul3A_124 : i32
      %multiple_of3A = tpu.assume_multiple %mul3A_125, 8 : i32
      "tpu.region"() ({
        %run_scoped3A = tpu.sem_alloc : memref<!tpu.dma_semaphore, #tpu.memory_space<semaphore_mem>>
        %dma_start3A = arith.constant 0 : i32
        %dma_start3A_126 = tpu.memref_slice %arg9[%multiple_of3A, %dma_start3A] : memref<10000x128xf32, #tpu.memory_space<vmem_shared>> -> memref<80x128xf32, #tpu.memory_space<vmem_shared>>
        %dma_start3A_127 = arith.constant 0 : i32
        %dma_start3A_128 = tpu.memref_slice %arg9[%multiple_of3A, %dma_start3A_127] : memref<10000x128xf32, #tpu.memory_space<vmem_shared>> -> memref<80x128xf32, #tpu.memory_space<vmem_shared>>
        tpu.enqueue_dma source(%arg8 : memref<80x128xf32, #tpu.memory_space<vmem>>) target(%dma_start3A_128 : memref<80x128xf32, #tpu.memory_space<vmem_shared>>) target_semaphore(%run_scoped3A : memref<!tpu.dma_semaphore, #tpu.memory_space<semaphore_mem>>)
        %dma_wait3A = arith.constant 0 : i32
        %dma_wait3A_129 = tpu.memref_slice %arg9[%multiple_of3A, %dma_wait3A] : memref<10000x128xf32, #tpu.memory_space<vmem_shared>> -> memref<80x128xf32, #tpu.memory_space<vmem_shared>>
        %dma_wait3A_130 = arith.constant 0 : i32
        %dma_wait3A_131 = tpu.memref_slice %arg9[%multiple_of3A, %dma_wait3A_130] : memref<10000x128xf32, #tpu.memory_space<vmem_shared>> -> memref<80x128xf32, #tpu.memory_space<vmem_shared>>
        tpu.wait_dma2 semaphore(%run_scoped3A : memref<!tpu.dma_semaphore, #tpu.memory_space<semaphore_mem>>) src(%arg8 : memref<80x128xf32, #tpu.memory_space<vmem>>) dst(%dma_wait3A_131 : memref<80x128xf32, #tpu.memory_space<vmem_shared>>)
        tpu.yield
      }) : () -> ()
    } else {
    }
    %barrier3A = arith.constant 0 : index
    tpu.barrier barrier_id(%barrier3A)
    %mul3A = arith.constant 16 : i32
    %mul3A_57 = arith.muli %arg0, %mul3A : i32
    %add3A_58 = arith.addi %mul3A_57, %arg1 : i32
    %mul3A_59 = arith.constant 10000 : i32
    %mul3A_60 = arith.muli %add3A_58, %mul3A_59 : i32
    %scan3A_61 = arith.constant 0 : i32
    %scan3A_62 = arith.constant 0 : i32
    %scan3A_63 = arith.constant 125 : i32
    %scan3A_64 = arith.addi %scan3A_62, %scan3A_63 : i32
    %scan3A_65 = arith.constant 1 : i32
    scf.for %scan3A_124 = %scan3A_62 to %scan3A_64 step %scan3A_65  : i32 {
      %mul3A_125 = arith.constant 80 : i32
      %mul3A_126 = arith.muli %scan3A_124, %mul3A_125 : i32
      %add3A_127 = arith.addi %mul3A_60, %mul3A_126 : i32
      %multiple_of3A = tpu.assume_multiple %add3A_127, 8 : i32
      "tpu.region"() ({
        %run_scoped3A = tpu.sem_alloc : memref<!tpu.dma_semaphore, #tpu.memory_space<semaphore_mem>>
        %dma_start3A_132 = tpu.memref_slice %arg3[%multiple_of3A] : memref<320000xi32, #tpu.memory_space<hbm>> -> memref<80xi32, #tpu.memory_space<hbm>>
        %dma_start3A_133 = tpu.memref_slice %arg3[%multiple_of3A] : memref<320000xi32, #tpu.memory_space<hbm>> -> memref<80xi32, #tpu.memory_space<hbm>>
        tpu.enqueue_dma source(%dma_start3A_133 : memref<80xi32, #tpu.memory_space<hbm>>) target(%arg6 : memref<80xi32, #tpu.memory_space<vmem>>) target_semaphore(%run_scoped3A : memref<!tpu.dma_semaphore, #tpu.memory_space<semaphore_mem>>)
        %dma_wait3A_134 = tpu.memref_slice %arg3[%multiple_of3A] : memref<320000xi32, #tpu.memory_space<hbm>> -> memref<80xi32, #tpu.memory_space<hbm>>
        %dma_wait3A_135 = tpu.memref_slice %arg3[%multiple_of3A] : memref<320000xi32, #tpu.memory_space<hbm>> -> memref<80xi32, #tpu.memory_space<hbm>>
        tpu.wait_dma2 semaphore(%run_scoped3A : memref<!tpu.dma_semaphore, #tpu.memory_space<semaphore_mem>>) src(%dma_wait3A_135 : memref<80xi32, #tpu.memory_space<hbm>>) dst(%arg6 : memref<80xi32, #tpu.memory_space<vmem>>)
        tpu.yield
      }) : () -> ()
      "tpu.region"() ({
        %run_scoped3A = tpu.sem_alloc : memref<!tpu.dma_semaphore, #tpu.memory_space<semaphore_mem>>
        %dma_start3A_132 = tpu.memref_slice %arg4[%multiple_of3A] : memref<320000xi32, #tpu.memory_space<hbm>> -> memref<80xi32, #tpu.memory_space<hbm>>
        %dma_start3A_133 = tpu.memref_slice %arg4[%multiple_of3A] : memref<320000xi32, #tpu.memory_space<hbm>> -> memref<80xi32, #tpu.memory_space<hbm>>
        tpu.enqueue_dma source(%dma_start3A_133 : memref<80xi32, #tpu.memory_space<hbm>>) target(%arg7 : memref<80xi32, #tpu.memory_space<vmem>>) target_semaphore(%run_scoped3A : memref<!tpu.dma_semaphore, #tpu.memory_space<semaphore_mem>>)
        %dma_wait3A_134 = tpu.memref_slice %arg4[%multiple_of3A] : memref<320000xi32, #tpu.memory_space<hbm>> -> memref<80xi32, #tpu.memory_space<hbm>>
        %dma_wait3A_135 = tpu.memref_slice %arg4[%multiple_of3A] : memref<320000xi32, #tpu.memory_space<hbm>> -> memref<80xi32, #tpu.memory_space<hbm>>
        tpu.wait_dma2 semaphore(%run_scoped3A : memref<!tpu.dma_semaphore, #tpu.memory_space<semaphore_mem>>) src(%dma_wait3A_135 : memref<80xi32, #tpu.memory_space<hbm>>) dst(%arg7 : memref<80xi32, #tpu.memory_space<vmem>>)
        tpu.yield
      }) : () -> ()
      %dma_start3A = arith.constant 0 : i32
      %dma_start3A_128 = arith.constant 0 : i32
      %dma_start3A_129 = tpu.memref_slice %arg2[%dma_start3A, %dma_start3A_128] : memref<10000x128xf32, #tpu.memory_space<hbm>> -> memref<10000x128xf32, #tpu.memory_space<hbm>>
      tpu.enqueue_indirect_dma source(%dma_start3A_129 : memref<10000x128xf32, #tpu.memory_space<hbm>>) target(%arg8 : memref<80x128xf32, #tpu.memory_space<vmem>>) offsets(%arg6 : memref<80xi32, #tpu.memory_space<vmem>>) semaphore(%arg10 : memref<!tpu.dma_semaphore, #tpu.memory_space<semaphore_mem>>)
      %dma_wait3A = arith.constant 0 : i32
      %dma_wait3A_130 = arith.constant 0 : i32
      %dma_wait3A_131 = tpu.memref_slice %arg2[%dma_wait3A, %dma_wait3A_130] : memref<10000x128xf32, #tpu.memory_space<hbm>> -> memref<10000x128xf32, #tpu.memory_space<hbm>>
      tpu.wait_indirect_dma semaphore(%arg10 : memref<!tpu.dma_semaphore, #tpu.memory_space<semaphore_mem>>) src(%dma_wait3A_131 : memref<10000x128xf32, #tpu.memory_space<hbm>>) dst(%arg8 : memref<80x128xf32, #tpu.memory_space<vmem>>)
      "tpu.region"() ({
        %run_scoped3A = tpu.sem_alloc : memref<!tpu.dma_semaphore, #tpu.memory_space<semaphore_mem>>
        %dma_start3A_132 = arith.constant 0 : i32
        %dma_start3A_133 = arith.constant 0 : i32
        %dma_start3A_134 = tpu.memref_slice %arg9[%dma_start3A_132, %dma_start3A_133] : memref<10000x128xf32, #tpu.memory_space<vmem_shared>> -> memref<10000x128xf32, #tpu.memory_space<vmem_shared>>
        tpu.enqueue_indirect_dma source(%arg8 : memref<80x128xf32, #tpu.memory_space<vmem>>) target(%dma_start3A_134 : memref<10000x128xf32, #tpu.memory_space<vmem_shared>>) offsets(%arg7 : memref<80xi32, #tpu.memory_space<vmem>>) semaphore(%run_scoped3A : memref<!tpu.dma_semaphore, #tpu.memory_space<semaphore_mem>>) {add = true}
        %dma_wait3A_135 = arith.constant 0 : i32
        %dma_wait3A_136 = arith.constant 0 : i32
        %dma_wait3A_137 = tpu.memref_slice %arg9[%dma_wait3A_135, %dma_wait3A_136] : memref<10000x128xf32, #tpu.memory_space<vmem_shared>> -> memref<10000x128xf32, #tpu.memory_space<vmem_shared>>
        tpu.wait_indirect_dma semaphore(%run_scoped3A : memref<!tpu.dma_semaphore, #tpu.memory_space<semaphore_mem>>) src(%arg8 : memref<80x128xf32, #tpu.memory_space<vmem>>) dst(%dma_wait3A_137 : memref<10000x128xf32, #tpu.memory_space<vmem_shared>>)
        tpu.yield
      }) : () -> ()
    }
    %scan3A_66 = arith.constant 125 : i32
    %barrier3A_67 = arith.constant 0 : index
    tpu.barrier barrier_id(%barrier3A_67)
    %add3A_68 = arith.constant 0 : i32
    %add3A_69 = arith.addi %arg1, %add3A_68 : i32
    %lt3A_70 = arith.constant 125 : i32
    %lt3A_71 = arith.cmpi slt, %add3A_69, %lt3A_70 : i32
    %convert_element_type3A_72 = arith.extui %lt3A_71 : i1 to i32
    %cond3A_73 = arith.constant 0 : i32
    %cond3A_74 = arith.cmpi ne, %convert_element_type3A_72, %cond3A_73 : i32
    scf.if %cond3A_74 {
      %mul3A_124 = arith.constant 80 : i32
      %mul3A_125 = arith.muli %add3A_69, %mul3A_124 : i32
      %multiple_of3A = tpu.assume_multiple %mul3A_125, 8 : i32
      "tpu.region"() ({
        %run_scoped3A = tpu.sem_alloc : memref<!tpu.dma_semaphore, #tpu.memory_space<semaphore_mem>>
        %dma_start3A = arith.constant 0 : i32
        %dma_start3A_126 = tpu.memref_slice %arg5[%arg0, %multiple_of3A, %dma_start3A] : memref<2x10000x128xf32, #tpu.memory_space<hbm>> -> memref<1x80x128xf32, #tpu.memory_space<hbm>>
        %dma_start3A_127 = tpu.memref_squeeze %dma_start3A_126 : memref<1x80x128xf32, #tpu.memory_space<hbm>> -> memref<80x128xf32, #tpu.memory_space<hbm>>
        %dma_start3A_128 = arith.constant 0 : i32
        %dma_start3A_129 = tpu.memref_slice %arg9[%multiple_of3A, %dma_start3A_128] : memref<10000x128xf32, #tpu.memory_space<vmem_shared>> -> memref<80x128xf32, #tpu.memory_space<vmem_shared>>
        tpu.enqueue_dma source(%dma_start3A_129 : memref<80x128xf32, #tpu.memory_space<vmem_shared>>) target(%dma_start3A_127 : memref<80x128xf32, #tpu.memory_space<hbm>>) target_semaphore(%run_scoped3A : memref<!tpu.dma_semaphore, #tpu.memory_space<semaphore_mem>>)
        %dma_wait3A = arith.constant 0 : i32
        %dma_wait3A_130 = tpu.memref_slice %arg5[%arg0, %multiple_of3A, %dma_wait3A] : memref<2x10000x128xf32, #tpu.memory_space<hbm>> -> memref<1x80x128xf32, #tpu.memory_space<hbm>>
        %dma_wait3A_131 = tpu.memref_squeeze %dma_wait3A_130 : memref<1x80x128xf32, #tpu.memory_space<hbm>> -> memref<80x128xf32, #tpu.memory_space<hbm>>
        %dma_wait3A_132 = arith.constant 0 : i32
        %dma_wait3A_133 = tpu.memref_slice %arg9[%multiple_of3A, %dma_wait3A_132] : memref<10000x128xf32, #tpu.memory_space<vmem_shared>> -> memref<80x128xf32, #tpu.memory_space<vmem_shared>>
        tpu.wait_dma2 semaphore(%run_scoped3A : memref<!tpu.dma_semaphore, #tpu.memory_space<semaphore_mem>>) src(%dma_wait3A_133 : memref<80x128xf32, #tpu.memory_space<vmem_shared>>) dst(%dma_wait3A_131 : memref<80x128xf32, #tpu.memory_space<hbm>>)
        tpu.yield
      }) : () -> ()
    } else {
    }
    %add3A_75 = arith.constant 16 : i32
    %add3A_76 = arith.addi %arg1, %add3A_75 : i32
    %lt3A_77 = arith.constant 125 : i32
    %lt3A_78 = arith.cmpi slt, %add3A_76, %lt3A_77 : i32
    %convert_element_type3A_79 = arith.extui %lt3A_78 : i1 to i32
    %cond3A_80 = arith.constant 0 : i32
    %cond3A_81 = arith.cmpi ne, %convert_element_type3A_79, %cond3A_80 : i32
    scf.if %cond3A_81 {
      %mul3A_124 = arith.constant 80 : i32
      %mul3A_125 = arith.muli %add3A_76, %mul3A_124 : i32
      %multiple_of3A = tpu.assume_multiple %mul3A_125, 8 : i32
      "tpu.region"() ({
        %run_scoped3A = tpu.sem_alloc : memref<!tpu.dma_semaphore, #tpu.memory_space<semaphore_mem>>
        %dma_start3A = arith.constant 0 : i32
        %dma_start3A_126 = tpu.memref_slice %arg5[%arg0, %multiple_of3A, %dma_start3A] : memref<2x10000x128xf32, #tpu.memory_space<hbm>> -> memref<1x80x128xf32, #tpu.memory_space<hbm>>
        %dma_start3A_127 = tpu.memref_squeeze %dma_start3A_126 : memref<1x80x128xf32, #tpu.memory_space<hbm>> -> memref<80x128xf32, #tpu.memory_space<hbm>>
        %dma_start3A_128 = arith.constant 0 : i32
        %dma_start3A_129 = tpu.memref_slice %arg9[%multiple_of3A, %dma_start3A_128] : memref<10000x128xf32, #tpu.memory_space<vmem_shared>> -> memref<80x128xf32, #tpu.memory_space<vmem_shared>>
        tpu.enqueue_dma source(%dma_start3A_129 : memref<80x128xf32, #tpu.memory_space<vmem_shared>>) target(%dma_start3A_127 : memref<80x128xf32, #tpu.memory_space<hbm>>) target_semaphore(%run_scoped3A : memref<!tpu.dma_semaphore, #tpu.memory_space<semaphore_mem>>)
        %dma_wait3A = arith.constant 0 : i32
        %dma_wait3A_130 = tpu.memref_slice %arg5[%arg0, %multiple_of3A, %dma_wait3A] : memref<2x10000x128xf32, #tpu.memory_space<hbm>> -> memref<1x80x128xf32, #tpu.memory_space<hbm>>
        %dma_wait3A_131 = tpu.memref_squeeze %dma_wait3A_130 : memref<1x80x128xf32, #tpu.memory_space<hbm>> -> memref<80x128xf32, #tpu.memory_space<hbm>>
        %dma_wait3A_132 = arith.constant 0 : i32
        %dma_wait3A_133 = tpu.memref_slice %arg9[%multiple_of3A, %dma_wait3A_132] : memref<10000x128xf32, #tpu.memory_space<vmem_shared>> -> memref<80x128xf32, #tpu.memory_space<vmem_shared>>
        tpu.wait_dma2 semaphore(%run_scoped3A : memref<!tpu.dma_semaphore, #tpu.memory_space<semaphore_mem>>) src(%dma_wait3A_133 : memref<80x128xf32, #tpu.memory_space<vmem_shared>>) dst(%dma_wait3A_131 : memref<80x128xf32, #tpu.memory_space<hbm>>)
        tpu.yield
      }) : () -> ()
    } else {
    }
    %add3A_82 = arith.constant 32 : i32
    %add3A_83 = arith.addi %arg1, %add3A_82 : i32
    %lt3A_84 = arith.constant 125 : i32
    %lt3A_85 = arith.cmpi slt, %add3A_83, %lt3A_84 : i32
    %convert_element_type3A_86 = arith.extui %lt3A_85 : i1 to i32
    %cond3A_87 = arith.constant 0 : i32
    %cond3A_88 = arith.cmpi ne, %convert_element_type3A_86, %cond3A_87 : i32
    scf.if %cond3A_88 {
      %mul3A_124 = arith.constant 80 : i32
      %mul3A_125 = arith.muli %add3A_83, %mul3A_124 : i32
      %multiple_of3A = tpu.assume_multiple %mul3A_125, 8 : i32
      "tpu.region"() ({
        %run_scoped3A = tpu.sem_alloc : memref<!tpu.dma_semaphore, #tpu.memory_space<semaphore_mem>>
        %dma_start3A = arith.constant 0 : i32
        %dma_start3A_126 = tpu.memref_slice %arg5[%arg0, %multiple_of3A, %dma_start3A] : memref<2x10000x128xf32, #tpu.memory_space<hbm>> -> memref<1x80x128xf32, #tpu.memory_space<hbm>>
        %dma_start3A_127 = tpu.memref_squeeze %dma_start3A_126 : memref<1x80x128xf32, #tpu.memory_space<hbm>> -> memref<80x128xf32, #tpu.memory_space<hbm>>
        %dma_start3A_128 = arith.constant 0 : i32
        %dma_start3A_129 = tpu.memref_slice %arg9[%multiple_of3A, %dma_start3A_128] : memref<10000x128xf32, #tpu.memory_space<vmem_shared>> -> memref<80x128xf32, #tpu.memory_space<vmem_shared>>
        tpu.enqueue_dma source(%dma_start3A_129 : memref<80x128xf32, #tpu.memory_space<vmem_shared>>) target(%dma_start3A_127 : memref<80x128xf32, #tpu.memory_space<hbm>>) target_semaphore(%run_scoped3A : memref<!tpu.dma_semaphore, #tpu.memory_space<semaphore_mem>>)
        %dma_wait3A = arith.constant 0 : i32
        %dma_wait3A_130 = tpu.memref_slice %arg5[%arg0, %multiple_of3A, %dma_wait3A] : memref<2x10000x128xf32, #tpu.memory_space<hbm>> -> memref<1x80x128xf32, #tpu.memory_space<hbm>>
        %dma_wait3A_131 = tpu.memref_squeeze %dma_wait3A_130 : memref<1x80x128xf32, #tpu.memory_space<hbm>> -> memref<80x128xf32, #tpu.memory_space<hbm>>
        %dma_wait3A_132 = arith.constant 0 : i32
        %dma_wait3A_133 = tpu.memref_slice %arg9[%multiple_of3A, %dma_wait3A_132] : memref<10000x128xf32, #tpu.memory_space<vmem_shared>> -> memref<80x128xf32, #tpu.memory_space<vmem_shared>>
        tpu.wait_dma2 semaphore(%run_scoped3A : memref<!tpu.dma_semaphore, #tpu.memory_space<semaphore_mem>>) src(%dma_wait3A_133 : memref<80x128xf32, #tpu.memory_space<vmem_shared>>) dst(%dma_wait3A_131 : memref<80x128xf32, #tpu.memory_space<hbm>>)
        tpu.yield
      }) : () -> ()
    } else {
    }
    %add3A_89 = arith.constant 48 : i32
    %add3A_90 = arith.addi %arg1, %add3A_89 : i32
    %lt3A_91 = arith.constant 125 : i32
    %lt3A_92 = arith.cmpi slt, %add3A_90, %lt3A_91 : i32
    %convert_element_type3A_93 = arith.extui %lt3A_92 : i1 to i32
    %cond3A_94 = arith.constant 0 : i32
    %cond3A_95 = arith.cmpi ne, %convert_element_type3A_93, %cond3A_94 : i32
    scf.if %cond3A_95 {
      %mul3A_124 = arith.constant 80 : i32
      %mul3A_125 = arith.muli %add3A_90, %mul3A_124 : i32
      %multiple_of3A = tpu.assume_multiple %mul3A_125, 8 : i32
      "tpu.region"() ({
        %run_scoped3A = tpu.sem_alloc : memref<!tpu.dma_semaphore, #tpu.memory_space<semaphore_mem>>
        %dma_start3A = arith.constant 0 : i32
        %dma_start3A_126 = tpu.memref_slice %arg5[%arg0, %multiple_of3A, %dma_start3A] : memref<2x10000x128xf32, #tpu.memory_space<hbm>> -> memref<1x80x128xf32, #tpu.memory_space<hbm>>
        %dma_start3A_127 = tpu.memref_squeeze %dma_start3A_126 : memref<1x80x128xf32, #tpu.memory_space<hbm>> -> memref<80x128xf32, #tpu.memory_space<hbm>>
        %dma_start3A_128 = arith.constant 0 : i32
        %dma_start3A_129 = tpu.memref_slice %arg9[%multiple_of3A, %dma_start3A_128] : memref<10000x128xf32, #tpu.memory_space<vmem_shared>> -> memref<80x128xf32, #tpu.memory_space<vmem_shared>>
        tpu.enqueue_dma source(%dma_start3A_129 : memref<80x128xf32, #tpu.memory_space<vmem_shared>>) target(%dma_start3A_127 : memref<80x128xf32, #tpu.memory_space<hbm>>) target_semaphore(%run_scoped3A : memref<!tpu.dma_semaphore, #tpu.memory_space<semaphore_mem>>)
        %dma_wait3A = arith.constant 0 : i32
        %dma_wait3A_130 = tpu.memref_slice %arg5[%arg0, %multiple_of3A, %dma_wait3A] : memref<2x10000x128xf32, #tpu.memory_space<hbm>> -> memref<1x80x128xf32, #tpu.memory_space<hbm>>
        %dma_wait3A_131 = tpu.memref_squeeze %dma_wait3A_130 : memref<1x80x128xf32, #tpu.memory_space<hbm>> -> memref<80x128xf32, #tpu.memory_space<hbm>>
        %dma_wait3A_132 = arith.constant 0 : i32
        %dma_wait3A_133 = tpu.memref_slice %arg9[%multiple_of3A, %dma_wait3A_132] : memref<10000x128xf32, #tpu.memory_space<vmem_shared>> -> memref<80x128xf32, #tpu.memory_space<vmem_shared>>
        tpu.wait_dma2 semaphore(%run_scoped3A : memref<!tpu.dma_semaphore, #tpu.memory_space<semaphore_mem>>) src(%dma_wait3A_133 : memref<80x128xf32, #tpu.memory_space<vmem_shared>>) dst(%dma_wait3A_131 : memref<80x128xf32, #tpu.memory_space<hbm>>)
        tpu.yield
      }) : () -> ()
    } else {
    }
    %add3A_96 = arith.constant 64 : i32
    %add3A_97 = arith.addi %arg1, %add3A_96 : i32
    %lt3A_98 = arith.constant 125 : i32
    %lt3A_99 = arith.cmpi slt, %add3A_97, %lt3A_98 : i32
    %convert_element_type3A_100 = arith.extui %lt3A_99 : i1 to i32
    %cond3A_101 = arith.constant 0 : i32
    %cond3A_102 = arith.cmpi ne, %convert_element_type3A_100, %cond3A_101 : i32
    scf.if %cond3A_102 {
      %mul3A_124 = arith.constant 80 : i32
      %mul3A_125 = arith.muli %add3A_97, %mul3A_124 : i32
      %multiple_of3A = tpu.assume_multiple %mul3A_125, 8 : i32
      "tpu.region"() ({
        %run_scoped3A = tpu.sem_alloc : memref<!tpu.dma_semaphore, #tpu.memory_space<semaphore_mem>>
        %dma_start3A = arith.constant 0 : i32
        %dma_start3A_126 = tpu.memref_slice %arg5[%arg0, %multiple_of3A, %dma_start3A] : memref<2x10000x128xf32, #tpu.memory_space<hbm>> -> memref<1x80x128xf32, #tpu.memory_space<hbm>>
        %dma_start3A_127 = tpu.memref_squeeze %dma_start3A_126 : memref<1x80x128xf32, #tpu.memory_space<hbm>> -> memref<80x128xf32, #tpu.memory_space<hbm>>
        %dma_start3A_128 = arith.constant 0 : i32
        %dma_start3A_129 = tpu.memref_slice %arg9[%multiple_of3A, %dma_start3A_128] : memref<10000x128xf32, #tpu.memory_space<vmem_shared>> -> memref<80x128xf32, #tpu.memory_space<vmem_shared>>
        tpu.enqueue_dma source(%dma_start3A_129 : memref<80x128xf32, #tpu.memory_space<vmem_shared>>) target(%dma_start3A_127 : memref<80x128xf32, #tpu.memory_space<hbm>>) target_semaphore(%run_scoped3A : memref<!tpu.dma_semaphore, #tpu.memory_space<semaphore_mem>>)
        %dma_wait3A = arith.constant 0 : i32
        %dma_wait3A_130 = tpu.memref_slice %arg5[%arg0, %multiple_of3A, %dma_wait3A] : memref<2x10000x128xf32, #tpu.memory_space<hbm>> -> memref<1x80x128xf32, #tpu.memory_space<hbm>>
        %dma_wait3A_131 = tpu.memref_squeeze %dma_wait3A_130 : memref<1x80x128xf32, #tpu.memory_space<hbm>> -> memref<80x128xf32, #tpu.memory_space<hbm>>
        %dma_wait3A_132 = arith.constant 0 : i32
        %dma_wait3A_133 = tpu.memref_slice %arg9[%multiple_of3A, %dma_wait3A_132] : memref<10000x128xf32, #tpu.memory_space<vmem_shared>> -> memref<80x128xf32, #tpu.memory_space<vmem_shared>>
        tpu.wait_dma2 semaphore(%run_scoped3A : memref<!tpu.dma_semaphore, #tpu.memory_space<semaphore_mem>>) src(%dma_wait3A_133 : memref<80x128xf32, #tpu.memory_space<vmem_shared>>) dst(%dma_wait3A_131 : memref<80x128xf32, #tpu.memory_space<hbm>>)
        tpu.yield
      }) : () -> ()
    } else {
    }
    %add3A_103 = arith.constant 80 : i32
    %add3A_104 = arith.addi %arg1, %add3A_103 : i32
    %lt3A_105 = arith.constant 125 : i32
    %lt3A_106 = arith.cmpi slt, %add3A_104, %lt3A_105 : i32
    %convert_element_type3A_107 = arith.extui %lt3A_106 : i1 to i32
    %cond3A_108 = arith.constant 0 : i32
    %cond3A_109 = arith.cmpi ne, %convert_element_type3A_107, %cond3A_108 : i32
    scf.if %cond3A_109 {
      %mul3A_124 = arith.constant 80 : i32
      %mul3A_125 = arith.muli %add3A_104, %mul3A_124 : i32
      %multiple_of3A = tpu.assume_multiple %mul3A_125, 8 : i32
      "tpu.region"() ({
        %run_scoped3A = tpu.sem_alloc : memref<!tpu.dma_semaphore, #tpu.memory_space<semaphore_mem>>
        %dma_start3A = arith.constant 0 : i32
        %dma_start3A_126 = tpu.memref_slice %arg5[%arg0, %multiple_of3A, %dma_start3A] : memref<2x10000x128xf32, #tpu.memory_space<hbm>> -> memref<1x80x128xf32, #tpu.memory_space<hbm>>
        %dma_start3A_127 = tpu.memref_squeeze %dma_start3A_126 : memref<1x80x128xf32, #tpu.memory_space<hbm>> -> memref<80x128xf32, #tpu.memory_space<hbm>>
        %dma_start3A_128 = arith.constant 0 : i32
        %dma_start3A_129 = tpu.memref_slice %arg9[%multiple_of3A, %dma_start3A_128] : memref<10000x128xf32, #tpu.memory_space<vmem_shared>> -> memref<80x128xf32, #tpu.memory_space<vmem_shared>>
        tpu.enqueue_dma source(%dma_start3A_129 : memref<80x128xf32, #tpu.memory_space<vmem_shared>>) target(%dma_start3A_127 : memref<80x128xf32, #tpu.memory_space<hbm>>) target_semaphore(%run_scoped3A : memref<!tpu.dma_semaphore, #tpu.memory_space<semaphore_mem>>)
        %dma_wait3A = arith.constant 0 : i32
        %dma_wait3A_130 = tpu.memref_slice %arg5[%arg0, %multiple_of3A, %dma_wait3A] : memref<2x10000x128xf32, #tpu.memory_space<hbm>> -> memref<1x80x128xf32, #tpu.memory_space<hbm>>
        %dma_wait3A_131 = tpu.memref_squeeze %dma_wait3A_130 : memref<1x80x128xf32, #tpu.memory_space<hbm>> -> memref<80x128xf32, #tpu.memory_space<hbm>>
        %dma_wait3A_132 = arith.constant 0 : i32
        %dma_wait3A_133 = tpu.memref_slice %arg9[%multiple_of3A, %dma_wait3A_132] : memref<10000x128xf32, #tpu.memory_space<vmem_shared>> -> memref<80x128xf32, #tpu.memory_space<vmem_shared>>
        tpu.wait_dma2 semaphore(%run_scoped3A : memref<!tpu.dma_semaphore, #tpu.memory_space<semaphore_mem>>) src(%dma_wait3A_133 : memref<80x128xf32, #tpu.memory_space<vmem_shared>>) dst(%dma_wait3A_131 : memref<80x128xf32, #tpu.memory_space<hbm>>)
        tpu.yield
      }) : () -> ()
    } else {
    }
    %add3A_110 = arith.constant 96 : i32
    %add3A_111 = arith.addi %arg1, %add3A_110 : i32
    %lt3A_112 = arith.constant 125 : i32
    %lt3A_113 = arith.cmpi slt, %add3A_111, %lt3A_112 : i32
    %convert_element_type3A_114 = arith.extui %lt3A_113 : i1 to i32
    %cond3A_115 = arith.constant 0 : i32
    %cond3A_116 = arith.cmpi ne, %convert_element_type3A_114, %cond3A_115 : i32
    scf.if %cond3A_116 {
      %mul3A_124 = arith.constant 80 : i32
      %mul3A_125 = arith.muli %add3A_111, %mul3A_124 : i32
      %multiple_of3A = tpu.assume_multiple %mul3A_125, 8 : i32
      "tpu.region"() ({
        %run_scoped3A = tpu.sem_alloc : memref<!tpu.dma_semaphore, #tpu.memory_space<semaphore_mem>>
        %dma_start3A = arith.constant 0 : i32
        %dma_start3A_126 = tpu.memref_slice %arg5[%arg0, %multiple_of3A, %dma_start3A] : memref<2x10000x128xf32, #tpu.memory_space<hbm>> -> memref<1x80x128xf32, #tpu.memory_space<hbm>>
        %dma_start3A_127 = tpu.memref_squeeze %dma_start3A_126 : memref<1x80x128xf32, #tpu.memory_space<hbm>> -> memref<80x128xf32, #tpu.memory_space<hbm>>
        %dma_start3A_128 = arith.constant 0 : i32
        %dma_start3A_129 = tpu.memref_slice %arg9[%multiple_of3A, %dma_start3A_128] : memref<10000x128xf32, #tpu.memory_space<vmem_shared>> -> memref<80x128xf32, #tpu.memory_space<vmem_shared>>
        tpu.enqueue_dma source(%dma_start3A_129 : memref<80x128xf32, #tpu.memory_space<vmem_shared>>) target(%dma_start3A_127 : memref<80x128xf32, #tpu.memory_space<hbm>>) target_semaphore(%run_scoped3A : memref<!tpu.dma_semaphore, #tpu.memory_space<semaphore_mem>>)
        %dma_wait3A = arith.constant 0 : i32
        %dma_wait3A_130 = tpu.memref_slice %arg5[%arg0, %multiple_of3A, %dma_wait3A] : memref<2x10000x128xf32, #tpu.memory_space<hbm>> -> memref<1x80x128xf32, #tpu.memory_space<hbm>>
        %dma_wait3A_131 = tpu.memref_squeeze %dma_wait3A_130 : memref<1x80x128xf32, #tpu.memory_space<hbm>> -> memref<80x128xf32, #tpu.memory_space<hbm>>
        %dma_wait3A_132 = arith.constant 0 : i32
        %dma_wait3A_133 = tpu.memref_slice %arg9[%multiple_of3A, %dma_wait3A_132] : memref<10000x128xf32, #tpu.memory_space<vmem_shared>> -> memref<80x128xf32, #tpu.memory_space<vmem_shared>>
        tpu.wait_dma2 semaphore(%run_scoped3A : memref<!tpu.dma_semaphore, #tpu.memory_space<semaphore_mem>>) src(%dma_wait3A_133 : memref<80x128xf32, #tpu.memory_space<vmem_shared>>) dst(%dma_wait3A_131 : memref<80x128xf32, #tpu.memory_space<hbm>>)
        tpu.yield
      }) : () -> ()
    } else {
    }
    %add3A_117 = arith.constant 112 : i32
    %add3A_118 = arith.addi %arg1, %add3A_117 : i32
    %lt3A_119 = arith.constant 125 : i32
    %lt3A_120 = arith.cmpi slt, %add3A_118, %lt3A_119 : i32
    %convert_element_type3A_121 = arith.extui %lt3A_120 : i1 to i32
    %cond3A_122 = arith.constant 0 : i32
    %cond3A_123 = arith.cmpi ne, %convert_element_type3A_121, %cond3A_122 : i32
    scf.if %cond3A_123 {
      %mul3A_124 = arith.constant 80 : i32
      %mul3A_125 = arith.muli %add3A_118, %mul3A_124 : i32
      %multiple_of3A = tpu.assume_multiple %mul3A_125, 8 : i32
      "tpu.region"() ({
        %run_scoped3A = tpu.sem_alloc : memref<!tpu.dma_semaphore, #tpu.memory_space<semaphore_mem>>
        %dma_start3A = arith.constant 0 : i32
        %dma_start3A_126 = tpu.memref_slice %arg5[%arg0, %multiple_of3A, %dma_start3A] : memref<2x10000x128xf32, #tpu.memory_space<hbm>> -> memref<1x80x128xf32, #tpu.memory_space<hbm>>
        %dma_start3A_127 = tpu.memref_squeeze %dma_start3A_126 : memref<1x80x128xf32, #tpu.memory_space<hbm>> -> memref<80x128xf32, #tpu.memory_space<hbm>>
        %dma_start3A_128 = arith.constant 0 : i32
        %dma_start3A_129 = tpu.memref_slice %arg9[%multiple_of3A, %dma_start3A_128] : memref<10000x128xf32, #tpu.memory_space<vmem_shared>> -> memref<80x128xf32, #tpu.memory_space<vmem_shared>>
        tpu.enqueue_dma source(%dma_start3A_129 : memref<80x128xf32, #tpu.memory_space<vmem_shared>>) target(%dma_start3A_127 : memref<80x128xf32, #tpu.memory_space<hbm>>) target_semaphore(%run_scoped3A : memref<!tpu.dma_semaphore, #tpu.memory_space<semaphore_mem>>)
        %dma_wait3A = arith.constant 0 : i32
        %dma_wait3A_130 = tpu.memref_slice %arg5[%arg0, %multiple_of3A, %dma_wait3A] : memref<2x10000x128xf32, #tpu.memory_space<hbm>> -> memref<1x80x128xf32, #tpu.memory_space<hbm>>
        %dma_wait3A_131 = tpu.memref_squeeze %dma_wait3A_130 : memref<1x80x128xf32, #tpu.memory_space<hbm>> -> memref<80x128xf32, #tpu.memory_space<hbm>>
        %dma_wait3A_132 = arith.constant 0 : i32
        %dma_wait3A_133 = tpu.memref_slice %arg9[%multiple_of3A, %dma_wait3A_132] : memref<10000x128xf32, #tpu.memory_space<vmem_shared>> -> memref<80x128xf32, #tpu.memory_space<vmem_shared>>
        tpu.wait_dma2 semaphore(%run_scoped3A : memref<!tpu.dma_semaphore, #tpu.memory_space<semaphore_mem>>) src(%dma_wait3A_133 : memref<80x128xf32, #tpu.memory_space<vmem_shared>>) dst(%dma_wait3A_131 : memref<80x128xf32, #tpu.memory_space<hbm>>)
        tpu.yield
      }) : () -> ()
    } else {
    }
    return
  }
}

#map = affine_map<(d0, d1) -> (0, 0)>
#map1 = affine_map<(d0, d1) -> (0)>
#map2 = affine_map<(d0, d1) -> (0, 0, 0)>
module attributes {stable_mosaic.version = 14 : i64} {
  func.func @_agg_body(%arg0: i32, %arg1: i32, %arg2: memref<10000x128xf32, #tpu.memory_space<hbm>>, %arg3: memref<320000xi32, #tpu.memory_space<hbm>>, %arg4: memref<320000xi32, #tpu.memory_space<hbm>>, %arg5: memref<2x10000x128xf32, #tpu.memory_space<hbm>>, %arg6: memref<80xi32, #tpu.memory_space<vmem>>, %arg7: memref<80xi32, #tpu.memory_space<vmem>>, %arg8: memref<80x128xf32, #tpu.memory_space<vmem>>, %arg9: memref<10000x128xf32, #tpu.memory_space<vmem_shared>>, %arg10: memref<!tpu.dma_semaphore, #tpu.memory_space<semaphore_mem>>) attributes {dimension_semantics = [#tpu.dimension_semantics<core_parallel>, #tpu.dimension_semantics<subcore_parallel>], iteration_bounds = array<i64: 2, 16>, scalar_prefetch = 0 : i64, scratch_operands = 5 : i64, tpu.core_type = #tpu.core_type<sc_vector_subcore>, window_params = [{transform_indices = #map}, {transform_indices = #map1}, {transform_indices = #map1}, {transform_indices = #map2}]} {
    %scan3A = arith.constant 0 : i32
    %scan3A_0 = arith.constant 0 : i32
    %scan3A_1 = arith.constant 80 : i32
    %scan3A_2 = arith.addi %scan3A_0, %scan3A_1 : i32
    %scan3A_3 = arith.constant 1 : i32
    scf.for %scan3A_124 = %scan3A_0 to %scan3A_2 step %scan3A_3  : i32 {
      %broadcast_in_dim3A = arith.constant 0.000000e+00 : f32
      %broadcast_in_dim3A_125 = vector.broadcast %broadcast_in_dim3A : f32 to vector<16xf32>
      %swap3A = arith.index_cast %scan3A_124 : i32 to index
      %swap3A_126 = arith.constant 0 : index
      %swap3A_127 = tpu.vector_load %arg8[%swap3A, %swap3A_126] {strides = array<i32>} : memref<80x128xf32, #tpu.memory_space<vmem>>, vector<1x16xf32>,
      %swap3A_128 = vector.shape_cast %swap3A_127 : vector<1x16xf32> to vector<16xf32>
      %swap3A_129 = vector.shape_cast %broadcast_in_dim3A_125 : vector<16xf32> to vector<1x16xf32>
      tpu.vector_store %arg8[%swap3A, %swap3A_126], %swap3A_129 {strides = array<i32>} : memref<80x128xf32, #tpu.memory_space<vmem>>, vector<1x16xf32>,
      %broadcast_in_dim3A_130 = arith.constant 0.000000e+00 : f32
      %broadcast_in_dim3A_131 = vector.broadcast %broadcast_in_dim3A_130 : f32 to vector<16xf32>
      %swap3A_132 = arith.index_cast %scan3A_124 : i32 to index
      %swap3A_133 = arith.constant 16 : index
      %swap3A_134 = tpu.vector_load %arg8[%swap3A_132, %swap3A_133] {strides = array<i32>} : memref<80x128xf32, #tpu.memory_space<vmem>>, vector<1x16xf32>,
      %swap3A_135 = vector.shape_cast %swap3A_134 : vector<1x16xf32> to vector<16xf32>
      %swap3A_136 = vector.shape_cast %broadcast_in_dim3A_131 : vector<16xf32> to vector<1x16xf32>
      tpu.vector_store %arg8[%swap3A_132, %swap3A_133], %swap3A_136 {strides = array<i32>} : memref<80x128xf32, #tpu.memory_space<vmem>>, vector<1x16xf32>,
      %broadcast_in_dim3A_137 = arith.constant 0.000000e+00 : f32
      %broadcast_in_dim3A_138 = vector.broadcast %broadcast_in_dim3A_137 : f32 to vector<16xf32>
      %swap3A_139 = arith.index_cast %scan3A_124 : i32 to index
      %swap3A_140 = arith.constant 32 : index
      %swap3A_141 = tpu.vector_load %arg8[%swap3A_139, %swap3A_140] {strides = array<i32>} : memref<80x128xf32, #tpu.memory_space<vmem>>, vector<1x16xf32>,
      %swap3A_142 = vector.shape_cast %swap3A_141 : vector<1x16xf32> to vector<16xf32>
      %swap3A_143 = vector.shape_cast %broadcast_in_dim3A_138 : vector<16xf32> to vector<1x16xf32>
      tpu.vector_store %arg8[%swap3A_139, %swap3A_140], %swap3A_143 {strides = array<i32>} : memref<80x128xf32, #tpu.memory_space<vmem>>, vector<1x16xf32>,
      %broadcast_in_dim3A_144 = arith.constant 0.000000e+00 : f32
      %broadcast_in_dim3A_145 = vector.broadcast %broadcast_in_dim3A_144 : f32 to vector<16xf32>
      %swap3A_146 = arith.index_cast %scan3A_124 : i32 to index
      %swap3A_147 = arith.constant 48 : index
      %swap3A_148 = tpu.vector_load %arg8[%swap3A_146, %swap3A_147] {strides = array<i32>} : memref<80x128xf32, #tpu.memory_space<vmem>>, vector<1x16xf32>,
      %swap3A_149 = vector.shape_cast %swap3A_148 : vector<1x16xf32> to vector<16xf32>
      %swap3A_150 = vector.shape_cast %broadcast_in_dim3A_145 : vector<16xf32> to vector<1x16xf32>
      tpu.vector_store %arg8[%swap3A_146, %swap3A_147], %swap3A_150 {strides = array<i32>} : memref<80x128xf32, #tpu.memory_space<vmem>>, vector<1x16xf32>,
      %broadcast_in_dim3A_151 = arith.constant 0.000000e+00 : f32
      %broadcast_in_dim3A_152 = vector.broadcast %broadcast_in_dim3A_151 : f32 to vector<16xf32>
      %swap3A_153 = arith.index_cast %scan3A_124 : i32 to index
      %swap3A_154 = arith.constant 64 : index
      %swap3A_155 = tpu.vector_load %arg8[%swap3A_153, %swap3A_154] {strides = array<i32>} : memref<80x128xf32, #tpu.memory_space<vmem>>, vector<1x16xf32>,
      %swap3A_156 = vector.shape_cast %swap3A_155 : vector<1x16xf32> to vector<16xf32>
      %swap3A_157 = vector.shape_cast %broadcast_in_dim3A_152 : vector<16xf32> to vector<1x16xf32>
      tpu.vector_store %arg8[%swap3A_153, %swap3A_154], %swap3A_157 {strides = array<i32>} : memref<80x128xf32, #tpu.memory_space<vmem>>, vector<1x16xf32>,
      %broadcast_in_dim3A_158 = arith.constant 0.000000e+00 : f32
      %broadcast_in_dim3A_159 = vector.broadcast %broadcast_in_dim3A_158 : f32 to vector<16xf32>
      %swap3A_160 = arith.index_cast %scan3A_124 : i32 to index
      %swap3A_161 = arith.constant 80 : index
      %swap3A_162 = tpu.vector_load %arg8[%swap3A_160, %swap3A_161] {strides = array<i32>} : memref<80x128xf32, #tpu.memory_space<vmem>>, vector<1x16xf32>,
      %swap3A_163 = vector.shape_cast %swap3A_162 : vector<1x16xf32> to vector<16xf32>
      %swap3A_164 = vector.shape_cast %broadcast_in_dim3A_159 : vector<16xf32> to vector<1x16xf32>
      tpu.vector_store %arg8[%swap3A_160, %swap3A_161], %swap3A_164 {strides = array<i32>} : memref<80x128xf32, #tpu.memory_space<vmem>>, vector<1x16xf32>,
      %broadcast_in_dim3A_165 = arith.constant 0.000000e+00 : f32
      %broadcast_in_dim3A_166 = vector.broadcast %broadcast_in_dim3A_165 : f32 to vector<16xf32>
      %swap3A_167 = arith.index_cast %scan3A_124 : i32 to index
      %swap3A_168 = arith.constant 96 : index
      %swap3A_169 = tpu.vector_load %arg8[%swap3A_167, %swap3A_168] {strides = array<i32>} : memref<80x128xf32, #tpu.memory_space<vmem>>, vector<1x16xf32>,
      %swap3A_170 = vector.shape_cast %swap3A_169 : vector<1x16xf32> to vector<16xf32>
      %swap3A_171 = vector.shape_cast %broadcast_in_dim3A_166 : vector<16xf32> to vector<1x16xf32>
      tpu.vector_store %arg8[%swap3A_167, %swap3A_168], %swap3A_171 {strides = array<i32>} : memref<80x128xf32, #tpu.memory_space<vmem>>, vector<1x16xf32>,
      %broadcast_in_dim3A_172 = arith.constant 0.000000e+00 : f32
      %broadcast_in_dim3A_173 = vector.broadcast %broadcast_in_dim3A_172 : f32 to vector<16xf32>
      %swap3A_174 = arith.index_cast %scan3A_124 : i32 to index
      %swap3A_175 = arith.constant 112 : index
      %swap3A_176 = tpu.vector_load %arg8[%swap3A_174, %swap3A_175] {strides = array<i32>} : memref<80x128xf32, #tpu.memory_space<vmem>>, vector<1x16xf32>,
      %swap3A_177 = vector.shape_cast %swap3A_176 : vector<1x16xf32> to vector<16xf32>
      %swap3A_178 = vector.shape_cast %broadcast_in_dim3A_173 : vector<16xf32> to vector<1x16xf32>
      tpu.vector_store %arg8[%swap3A_174, %swap3A_175], %swap3A_178 {strides = array<i32>} : memref<80x128xf32, #tpu.memory_space<vmem>>, vector<1x16xf32>,
    }
    %scan3A_4 = arith.constant 80 : i32
    %add3A = arith.constant 0 : i32
    %add3A_5 = arith.addi %arg1, %add3A : i32
    %lt3A = arith.constant 125 : i32
    %lt3A_6 = arith.cmpi slt, %add3A_5, %lt3A : i32
    %convert_element_type3A = arith.extui %lt3A_6 : i1 to i32
    %cond3A = arith.constant 0 : i32
    %cond3A_7 = arith.cmpi ne, %convert_element_type3A, %cond3A : i32
    scf.if %cond3A_7 {
      %mul3A_124 = arith.constant 80 : i32
      %mul3A_125 = arith.muli %add3A_5, %mul3A_124 : i32
      %multiple_of3A = tpu.assume_multiple %mul3A_125, 8 : i32
      "tpu.region"() ({
        %run_scoped3A = tpu.sem_alloc : memref<!tpu.dma_semaphore, #tpu.memory_space<semaphore_mem>>
        %dma_start3A = arith.constant 0 : i32
        %dma_start3A_126 = tpu.memref_slice %arg9[%multiple_of3A, %dma_start3A] : memref<10000x128xf32, #tpu.memory_space<vmem_shared>> -> memref<80x128xf32, #tpu.memory_space<vmem_shared>>
        %dma_start3A_127 = arith.constant 0 : i32
        %dma_start3A_128 = tpu.memref_slice %arg9[%multiple_of3A, %dma_start3A_127] : memref<10000x128xf32, #tpu.memory_space<vmem_shared>> -> memref<80x128xf32, #tpu.memory_space<vmem_shared>>
        tpu.enqueue_dma source(%arg8 : memref<80x128xf32, #tpu.memory_space<vmem>>) target(%dma_start3A_128 : memref<80x128xf32, #tpu.memory_space<vmem_shared>>) target_semaphore(%run_scoped3A : memref<!tpu.dma_semaphore, #tpu.memory_space<semaphore_mem>>)
        %dma_wait3A = arith.constant 0 : i32
        %dma_wait3A_129 = tpu.memref_slice %arg9[%multiple_of3A, %dma_wait3A] : memref<10000x128xf32, #tpu.memory_space<vmem_shared>> -> memref<80x128xf32, #tpu.memory_space<vmem_shared>>
        %dma_wait3A_130 = arith.constant 0 : i32
        %dma_wait3A_131 = tpu.memref_slice %arg9[%multiple_of3A, %dma_wait3A_130] : memref<10000x128xf32, #tpu.memory_space<vmem_shared>> -> memref<80x128xf32, #tpu.memory_space<vmem_shared>>
        tpu.wait_dma2 semaphore(%run_scoped3A : memref<!tpu.dma_semaphore, #tpu.memory_space<semaphore_mem>>) src(%arg8 : memref<80x128xf32, #tpu.memory_space<vmem>>) dst(%dma_wait3A_131 : memref<80x128xf32, #tpu.memory_space<vmem_shared>>)
        tpu.yield
      }) : () -> ()
    } else {
    }
    %add3A_8 = arith.constant 16 : i32
    %add3A_9 = arith.addi %arg1, %add3A_8 : i32
    %lt3A_10 = arith.constant 125 : i32
    %lt3A_11 = arith.cmpi slt, %add3A_9, %lt3A_10 : i32
    %convert_element_type3A_12 = arith.extui %lt3A_11 : i1 to i32
    %cond3A_13 = arith.constant 0 : i32
    %cond3A_14 = arith.cmpi ne, %convert_element_type3A_12, %cond3A_13 : i32
    scf.if %cond3A_14 {
      %mul3A_124 = arith.constant 80 : i32
      %mul3A_125 = arith.muli %add3A_9, %mul3A_124 : i32
      %multiple_of3A = tpu.assume_multiple %mul3A_125, 8 : i32
      "tpu.region"() ({
        %run_scoped3A = tpu.sem_alloc : memref<!tpu.dma_semaphore, #tpu.memory_space<semaphore_mem>>
        %dma_start3A = arith.constant 0 : i32
        %dma_start3A_126 = tpu.memref_slice %arg9[%multiple_of3A, %dma_start3A] : memref<10000x128xf32, #tpu.memory_space<vmem_shared>> -> memref<80x128xf32, #tpu.memory_space<vmem_shared>>
        %dma_start3A_127 = arith.constant 0 : i32
        %dma_start3A_128 = tpu.memref_slice %arg9[%multiple_of3A, %dma_start3A_127] : memref<10000x128xf32, #tpu.memory_space<vmem_shared>> -> memref<80x128xf32, #tpu.memory_space<vmem_shared>>
        tpu.enqueue_dma source(%arg8 : memref<80x128xf32, #tpu.memory_space<vmem>>) target(%dma_start3A_128 : memref<80x128xf32, #tpu.memory_space<vmem_shared>>) target_semaphore(%run_scoped3A : memref<!tpu.dma_semaphore, #tpu.memory_space<semaphore_mem>>)
        %dma_wait3A = arith.constant 0 : i32
        %dma_wait3A_129 = tpu.memref_slice %arg9[%multiple_of3A, %dma_wait3A] : memref<10000x128xf32, #tpu.memory_space<vmem_shared>> -> memref<80x128xf32, #tpu.memory_space<vmem_shared>>
        %dma_wait3A_130 = arith.constant 0 : i32
        %dma_wait3A_131 = tpu.memref_slice %arg9[%multiple_of3A, %dma_wait3A_130] : memref<10000x128xf32, #tpu.memory_space<vmem_shared>> -> memref<80x128xf32, #tpu.memory_space<vmem_shared>>
        tpu.wait_dma2 semaphore(%run_scoped3A : memref<!tpu.dma_semaphore, #tpu.memory_space<semaphore_mem>>) src(%arg8 : memref<80x128xf32, #tpu.memory_space<vmem>>) dst(%dma_wait3A_131 : memref<80x128xf32, #tpu.memory_space<vmem_shared>>)
        tpu.yield
      }) : () -> ()
    } else {
    }
    %add3A_15 = arith.constant 32 : i32
    %add3A_16 = arith.addi %arg1, %add3A_15 : i32
    %lt3A_17 = arith.constant 125 : i32
    %lt3A_18 = arith.cmpi slt, %add3A_16, %lt3A_17 : i32
    %convert_element_type3A_19 = arith.extui %lt3A_18 : i1 to i32
    %cond3A_20 = arith.constant 0 : i32
    %cond3A_21 = arith.cmpi ne, %convert_element_type3A_19, %cond3A_20 : i32
    scf.if %cond3A_21 {
      %mul3A_124 = arith.constant 80 : i32
      %mul3A_125 = arith.muli %add3A_16, %mul3A_124 : i32
      %multiple_of3A = tpu.assume_multiple %mul3A_125, 8 : i32
      "tpu.region"() ({
        %run_scoped3A = tpu.sem_alloc : memref<!tpu.dma_semaphore, #tpu.memory_space<semaphore_mem>>
        %dma_start3A = arith.constant 0 : i32
        %dma_start3A_126 = tpu.memref_slice %arg9[%multiple_of3A, %dma_start3A] : memref<10000x128xf32, #tpu.memory_space<vmem_shared>> -> memref<80x128xf32, #tpu.memory_space<vmem_shared>>
        %dma_start3A_127 = arith.constant 0 : i32
        %dma_start3A_128 = tpu.memref_slice %arg9[%multiple_of3A, %dma_start3A_127] : memref<10000x128xf32, #tpu.memory_space<vmem_shared>> -> memref<80x128xf32, #tpu.memory_space<vmem_shared>>
        tpu.enqueue_dma source(%arg8 : memref<80x128xf32, #tpu.memory_space<vmem>>) target(%dma_start3A_128 : memref<80x128xf32, #tpu.memory_space<vmem_shared>>) target_semaphore(%run_scoped3A : memref<!tpu.dma_semaphore, #tpu.memory_space<semaphore_mem>>)
        %dma_wait3A = arith.constant 0 : i32
        %dma_wait3A_129 = tpu.memref_slice %arg9[%multiple_of3A, %dma_wait3A] : memref<10000x128xf32, #tpu.memory_space<vmem_shared>> -> memref<80x128xf32, #tpu.memory_space<vmem_shared>>
        %dma_wait3A_130 = arith.constant 0 : i32
        %dma_wait3A_131 = tpu.memref_slice %arg9[%multiple_of3A, %dma_wait3A_130] : memref<10000x128xf32, #tpu.memory_space<vmem_shared>> -> memref<80x128xf32, #tpu.memory_space<vmem_shared>>
        tpu.wait_dma2 semaphore(%run_scoped3A : memref<!tpu.dma_semaphore, #tpu.memory_space<semaphore_mem>>) src(%arg8 : memref<80x128xf32, #tpu.memory_space<vmem>>) dst(%dma_wait3A_131 : memref<80x128xf32, #tpu.memory_space<vmem_shared>>)
        tpu.yield
      }) : () -> ()
    } else {
    }
    %add3A_22 = arith.constant 48 : i32
    %add3A_23 = arith.addi %arg1, %add3A_22 : i32
    %lt3A_24 = arith.constant 125 : i32
    %lt3A_25 = arith.cmpi slt, %add3A_23, %lt3A_24 : i32
    %convert_element_type3A_26 = arith.extui %lt3A_25 : i1 to i32
    %cond3A_27 = arith.constant 0 : i32
    %cond3A_28 = arith.cmpi ne, %convert_element_type3A_26, %cond3A_27 : i32
    scf.if %cond3A_28 {
      %mul3A_124 = arith.constant 80 : i32
      %mul3A_125 = arith.muli %add3A_23, %mul3A_124 : i32
      %multiple_of3A = tpu.assume_multiple %mul3A_125, 8 : i32
      "tpu.region"() ({
        %run_scoped3A = tpu.sem_alloc : memref<!tpu.dma_semaphore, #tpu.memory_space<semaphore_mem>>
        %dma_start3A = arith.constant 0 : i32
        %dma_start3A_126 = tpu.memref_slice %arg9[%multiple_of3A, %dma_start3A] : memref<10000x128xf32, #tpu.memory_space<vmem_shared>> -> memref<80x128xf32, #tpu.memory_space<vmem_shared>>
        %dma_start3A_127 = arith.constant 0 : i32
        %dma_start3A_128 = tpu.memref_slice %arg9[%multiple_of3A, %dma_start3A_127] : memref<10000x128xf32, #tpu.memory_space<vmem_shared>> -> memref<80x128xf32, #tpu.memory_space<vmem_shared>>
        tpu.enqueue_dma source(%arg8 : memref<80x128xf32, #tpu.memory_space<vmem>>) target(%dma_start3A_128 : memref<80x128xf32, #tpu.memory_space<vmem_shared>>) target_semaphore(%run_scoped3A : memref<!tpu.dma_semaphore, #tpu.memory_space<semaphore_mem>>)
        %dma_wait3A = arith.constant 0 : i32
        %dma_wait3A_129 = tpu.memref_slice %arg9[%multiple_of3A, %dma_wait3A] : memref<10000x128xf32, #tpu.memory_space<vmem_shared>> -> memref<80x128xf32, #tpu.memory_space<vmem_shared>>
        %dma_wait3A_130 = arith.constant 0 : i32
        %dma_wait3A_131 = tpu.memref_slice %arg9[%multiple_of3A, %dma_wait3A_130] : memref<10000x128xf32, #tpu.memory_space<vmem_shared>> -> memref<80x128xf32, #tpu.memory_space<vmem_shared>>
        tpu.wait_dma2 semaphore(%run_scoped3A : memref<!tpu.dma_semaphore, #tpu.memory_space<semaphore_mem>>) src(%arg8 : memref<80x128xf32, #tpu.memory_space<vmem>>) dst(%dma_wait3A_131 : memref<80x128xf32, #tpu.memory_space<vmem_shared>>)
        tpu.yield
      }) : () -> ()
    } else {
    }
    %add3A_29 = arith.constant 64 : i32
    %add3A_30 = arith.addi %arg1, %add3A_29 : i32
    %lt3A_31 = arith.constant 125 : i32
    %lt3A_32 = arith.cmpi slt, %add3A_30, %lt3A_31 : i32
    %convert_element_type3A_33 = arith.extui %lt3A_32 : i1 to i32
    %cond3A_34 = arith.constant 0 : i32
    %cond3A_35 = arith.cmpi ne, %convert_element_type3A_33, %cond3A_34 : i32
    scf.if %cond3A_35 {
      %mul3A_124 = arith.constant 80 : i32
      %mul3A_125 = arith.muli %add3A_30, %mul3A_124 : i32
      %multiple_of3A = tpu.assume_multiple %mul3A_125, 8 : i32
      "tpu.region"() ({
        %run_scoped3A = tpu.sem_alloc : memref<!tpu.dma_semaphore, #tpu.memory_space<semaphore_mem>>
        %dma_start3A = arith.constant 0 : i32
        %dma_start3A_126 = tpu.memref_slice %arg9[%multiple_of3A, %dma_start3A] : memref<10000x128xf32, #tpu.memory_space<vmem_shared>> -> memref<80x128xf32, #tpu.memory_space<vmem_shared>>
        %dma_start3A_127 = arith.constant 0 : i32
        %dma_start3A_128 = tpu.memref_slice %arg9[%multiple_of3A, %dma_start3A_127] : memref<10000x128xf32, #tpu.memory_space<vmem_shared>> -> memref<80x128xf32, #tpu.memory_space<vmem_shared>>
        tpu.enqueue_dma source(%arg8 : memref<80x128xf32, #tpu.memory_space<vmem>>) target(%dma_start3A_128 : memref<80x128xf32, #tpu.memory_space<vmem_shared>>) target_semaphore(%run_scoped3A : memref<!tpu.dma_semaphore, #tpu.memory_space<semaphore_mem>>)
        %dma_wait3A = arith.constant 0 : i32
        %dma_wait3A_129 = tpu.memref_slice %arg9[%multiple_of3A, %dma_wait3A] : memref<10000x128xf32, #tpu.memory_space<vmem_shared>> -> memref<80x128xf32, #tpu.memory_space<vmem_shared>>
        %dma_wait3A_130 = arith.constant 0 : i32
        %dma_wait3A_131 = tpu.memref_slice %arg9[%multiple_of3A, %dma_wait3A_130] : memref<10000x128xf32, #tpu.memory_space<vmem_shared>> -> memref<80x128xf32, #tpu.memory_space<vmem_shared>>
        tpu.wait_dma2 semaphore(%run_scoped3A : memref<!tpu.dma_semaphore, #tpu.memory_space<semaphore_mem>>) src(%arg8 : memref<80x128xf32, #tpu.memory_space<vmem>>) dst(%dma_wait3A_131 : memref<80x128xf32, #tpu.memory_space<vmem_shared>>)
        tpu.yield
      }) : () -> ()
    } else {
    }
    %add3A_36 = arith.constant 80 : i32
    %add3A_37 = arith.addi %arg1, %add3A_36 : i32
    %lt3A_38 = arith.constant 125 : i32
    %lt3A_39 = arith.cmpi slt, %add3A_37, %lt3A_38 : i32
    %convert_element_type3A_40 = arith.extui %lt3A_39 : i1 to i32
    %cond3A_41 = arith.constant 0 : i32
    %cond3A_42 = arith.cmpi ne, %convert_element_type3A_40, %cond3A_41 : i32
    scf.if %cond3A_42 {
      %mul3A_124 = arith.constant 80 : i32
      %mul3A_125 = arith.muli %add3A_37, %mul3A_124 : i32
      %multiple_of3A = tpu.assume_multiple %mul3A_125, 8 : i32
      "tpu.region"() ({
        %run_scoped3A = tpu.sem_alloc : memref<!tpu.dma_semaphore, #tpu.memory_space<semaphore_mem>>
        %dma_start3A = arith.constant 0 : i32
        %dma_start3A_126 = tpu.memref_slice %arg9[%multiple_of3A, %dma_start3A] : memref<10000x128xf32, #tpu.memory_space<vmem_shared>> -> memref<80x128xf32, #tpu.memory_space<vmem_shared>>
        %dma_start3A_127 = arith.constant 0 : i32
        %dma_start3A_128 = tpu.memref_slice %arg9[%multiple_of3A, %dma_start3A_127] : memref<10000x128xf32, #tpu.memory_space<vmem_shared>> -> memref<80x128xf32, #tpu.memory_space<vmem_shared>>
        tpu.enqueue_dma source(%arg8 : memref<80x128xf32, #tpu.memory_space<vmem>>) target(%dma_start3A_128 : memref<80x128xf32, #tpu.memory_space<vmem_shared>>) target_semaphore(%run_scoped3A : memref<!tpu.dma_semaphore, #tpu.memory_space<semaphore_mem>>)
        %dma_wait3A = arith.constant 0 : i32
        %dma_wait3A_129 = tpu.memref_slice %arg9[%multiple_of3A, %dma_wait3A] : memref<10000x128xf32, #tpu.memory_space<vmem_shared>> -> memref<80x128xf32, #tpu.memory_space<vmem_shared>>
        %dma_wait3A_130 = arith.constant 0 : i32
        %dma_wait3A_131 = tpu.memref_slice %arg9[%multiple_of3A, %dma_wait3A_130] : memref<10000x128xf32, #tpu.memory_space<vmem_shared>> -> memref<80x128xf32, #tpu.memory_space<vmem_shared>>
        tpu.wait_dma2 semaphore(%run_scoped3A : memref<!tpu.dma_semaphore, #tpu.memory_space<semaphore_mem>>) src(%arg8 : memref<80x128xf32, #tpu.memory_space<vmem>>) dst(%dma_wait3A_131 : memref<80x128xf32, #tpu.memory_space<vmem_shared>>)
        tpu.yield
      }) : () -> ()
    } else {
    }
    %add3A_43 = arith.constant 96 : i32
    %add3A_44 = arith.addi %arg1, %add3A_43 : i32
    %lt3A_45 = arith.constant 125 : i32
    %lt3A_46 = arith.cmpi slt, %add3A_44, %lt3A_45 : i32
    %convert_element_type3A_47 = arith.extui %lt3A_46 : i1 to i32
    %cond3A_48 = arith.constant 0 : i32
    %cond3A_49 = arith.cmpi ne, %convert_element_type3A_47, %cond3A_48 : i32
    scf.if %cond3A_49 {
      %mul3A_124 = arith.constant 80 : i32
      %mul3A_125 = arith.muli %add3A_44, %mul3A_124 : i32
      %multiple_of3A = tpu.assume_multiple %mul3A_125, 8 : i32
      "tpu.region"() ({
        %run_scoped3A = tpu.sem_alloc : memref<!tpu.dma_semaphore, #tpu.memory_space<semaphore_mem>>
        %dma_start3A = arith.constant 0 : i32
        %dma_start3A_126 = tpu.memref_slice %arg9[%multiple_of3A, %dma_start3A] : memref<10000x128xf32, #tpu.memory_space<vmem_shared>> -> memref<80x128xf32, #tpu.memory_space<vmem_shared>>
        %dma_start3A_127 = arith.constant 0 : i32
        %dma_start3A_128 = tpu.memref_slice %arg9[%multiple_of3A, %dma_start3A_127] : memref<10000x128xf32, #tpu.memory_space<vmem_shared>> -> memref<80x128xf32, #tpu.memory_space<vmem_shared>>
        tpu.enqueue_dma source(%arg8 : memref<80x128xf32, #tpu.memory_space<vmem>>) target(%dma_start3A_128 : memref<80x128xf32, #tpu.memory_space<vmem_shared>>) target_semaphore(%run_scoped3A : memref<!tpu.dma_semaphore, #tpu.memory_space<semaphore_mem>>)
        %dma_wait3A = arith.constant 0 : i32
        %dma_wait3A_129 = tpu.memref_slice %arg9[%multiple_of3A, %dma_wait3A] : memref<10000x128xf32, #tpu.memory_space<vmem_shared>> -> memref<80x128xf32, #tpu.memory_space<vmem_shared>>
        %dma_wait3A_130 = arith.constant 0 : i32
        %dma_wait3A_131 = tpu.memref_slice %arg9[%multiple_of3A, %dma_wait3A_130] : memref<10000x128xf32, #tpu.memory_space<vmem_shared>> -> memref<80x128xf32, #tpu.memory_space<vmem_shared>>
        tpu.wait_dma2 semaphore(%run_scoped3A : memref<!tpu.dma_semaphore, #tpu.memory_space<semaphore_mem>>) src(%arg8 : memref<80x128xf32, #tpu.memory_space<vmem>>) dst(%dma_wait3A_131 : memref<80x128xf32, #tpu.memory_space<vmem_shared>>)
        tpu.yield
      }) : () -> ()
    } else {
    }
    %add3A_50 = arith.constant 112 : i32
    %add3A_51 = arith.addi %arg1, %add3A_50 : i32
    %lt3A_52 = arith.constant 125 : i32
    %lt3A_53 = arith.cmpi slt, %add3A_51, %lt3A_52 : i32
    %convert_element_type3A_54 = arith.extui %lt3A_53 : i1 to i32
    %cond3A_55 = arith.constant 0 : i32
    %cond3A_56 = arith.cmpi ne, %convert_element_type3A_54, %cond3A_55 : i32
    scf.if %cond3A_56 {
      %mul3A_124 = arith.constant 80 : i32
      %mul3A_125 = arith.muli %add3A_51, %mul3A_124 : i32
      %multiple_of3A = tpu.assume_multiple %mul3A_125, 8 : i32
      "tpu.region"() ({
        %run_scoped3A = tpu.sem_alloc : memref<!tpu.dma_semaphore, #tpu.memory_space<semaphore_mem>>
        %dma_start3A = arith.constant 0 : i32
        %dma_start3A_126 = tpu.memref_slice %arg9[%multiple_of3A, %dma_start3A] : memref<10000x128xf32, #tpu.memory_space<vmem_shared>> -> memref<80x128xf32, #tpu.memory_space<vmem_shared>>
        %dma_start3A_127 = arith.constant 0 : i32
        %dma_start3A_128 = tpu.memref_slice %arg9[%multiple_of3A, %dma_start3A_127] : memref<10000x128xf32, #tpu.memory_space<vmem_shared>> -> memref<80x128xf32, #tpu.memory_space<vmem_shared>>
        tpu.enqueue_dma source(%arg8 : memref<80x128xf32, #tpu.memory_space<vmem>>) target(%dma_start3A_128 : memref<80x128xf32, #tpu.memory_space<vmem_shared>>) target_semaphore(%run_scoped3A : memref<!tpu.dma_semaphore, #tpu.memory_space<semaphore_mem>>)
        %dma_wait3A = arith.constant 0 : i32
        %dma_wait3A_129 = tpu.memref_slice %arg9[%multiple_of3A, %dma_wait3A] : memref<10000x128xf32, #tpu.memory_space<vmem_shared>> -> memref<80x128xf32, #tpu.memory_space<vmem_shared>>
        %dma_wait3A_130 = arith.constant 0 : i32
        %dma_wait3A_131 = tpu.memref_slice %arg9[%multiple_of3A, %dma_wait3A_130] : memref<10000x128xf32, #tpu.memory_space<vmem_shared>> -> memref<80x128xf32, #tpu.memory_space<vmem_shared>>
        tpu.wait_dma2 semaphore(%run_scoped3A : memref<!tpu.dma_semaphore, #tpu.memory_space<semaphore_mem>>) src(%arg8 : memref<80x128xf32, #tpu.memory_space<vmem>>) dst(%dma_wait3A_131 : memref<80x128xf32, #tpu.memory_space<vmem_shared>>)
        tpu.yield
      }) : () -> ()
    } else {
    }
    %barrier3A = arith.constant 0 : index
    tpu.barrier barrier_id(%barrier3A)
    %mul3A = arith.constant 16 : i32
    %mul3A_57 = arith.muli %arg0, %mul3A : i32
    %add3A_58 = arith.addi %mul3A_57, %arg1 : i32
    %mul3A_59 = arith.constant 10000 : i32
    %mul3A_60 = arith.muli %add3A_58, %mul3A_59 : i32
    %scan3A_61 = arith.constant 0 : i32
    %scan3A_62 = arith.constant 0 : i32
    %scan3A_63 = arith.constant 125 : i32
    %scan3A_64 = arith.addi %scan3A_62, %scan3A_63 : i32
    %scan3A_65 = arith.constant 1 : i32
    scf.for %scan3A_124 = %scan3A_62 to %scan3A_64 step %scan3A_65  : i32 {
      %mul3A_125 = arith.constant 80 : i32
      %mul3A_126 = arith.muli %scan3A_124, %mul3A_125 : i32
      %add3A_127 = arith.addi %mul3A_60, %mul3A_126 : i32
      %multiple_of3A = tpu.assume_multiple %add3A_127, 8 : i32
      "tpu.region"() ({
        %run_scoped3A = tpu.sem_alloc : memref<!tpu.dma_semaphore, #tpu.memory_space<semaphore_mem>>
        %dma_start3A_132 = tpu.memref_slice %arg3[%multiple_of3A] : memref<320000xi32, #tpu.memory_space<hbm>> -> memref<80xi32, #tpu.memory_space<hbm>>
        %dma_start3A_133 = tpu.memref_slice %arg3[%multiple_of3A] : memref<320000xi32, #tpu.memory_space<hbm>> -> memref<80xi32, #tpu.memory_space<hbm>>
        tpu.enqueue_dma source(%dma_start3A_133 : memref<80xi32, #tpu.memory_space<hbm>>) target(%arg6 : memref<80xi32, #tpu.memory_space<vmem>>) target_semaphore(%run_scoped3A : memref<!tpu.dma_semaphore, #tpu.memory_space<semaphore_mem>>)
        %dma_wait3A_134 = tpu.memref_slice %arg3[%multiple_of3A] : memref<320000xi32, #tpu.memory_space<hbm>> -> memref<80xi32, #tpu.memory_space<hbm>>
        %dma_wait3A_135 = tpu.memref_slice %arg3[%multiple_of3A] : memref<320000xi32, #tpu.memory_space<hbm>> -> memref<80xi32, #tpu.memory_space<hbm>>
        tpu.wait_dma2 semaphore(%run_scoped3A : memref<!tpu.dma_semaphore, #tpu.memory_space<semaphore_mem>>) src(%dma_wait3A_135 : memref<80xi32, #tpu.memory_space<hbm>>) dst(%arg6 : memref<80xi32, #tpu.memory_space<vmem>>)
        tpu.yield
      }) : () -> ()
      "tpu.region"() ({
        %run_scoped3A = tpu.sem_alloc : memref<!tpu.dma_semaphore, #tpu.memory_space<semaphore_mem>>
        %dma_start3A_132 = tpu.memref_slice %arg4[%multiple_of3A] : memref<320000xi32, #tpu.memory_space<hbm>> -> memref<80xi32, #tpu.memory_space<hbm>>
        %dma_start3A_133 = tpu.memref_slice %arg4[%multiple_of3A] : memref<320000xi32, #tpu.memory_space<hbm>> -> memref<80xi32, #tpu.memory_space<hbm>>
        tpu.enqueue_dma source(%dma_start3A_133 : memref<80xi32, #tpu.memory_space<hbm>>) target(%arg7 : memref<80xi32, #tpu.memory_space<vmem>>) target_semaphore(%run_scoped3A : memref<!tpu.dma_semaphore, #tpu.memory_space<semaphore_mem>>)
        %dma_wait3A_134 = tpu.memref_slice %arg4[%multiple_of3A] : memref<320000xi32, #tpu.memory_space<hbm>> -> memref<80xi32, #tpu.memory_space<hbm>>
        %dma_wait3A_135 = tpu.memref_slice %arg4[%multiple_of3A] : memref<320000xi32, #tpu.memory_space<hbm>> -> memref<80xi32, #tpu.memory_space<hbm>>
        tpu.wait_dma2 semaphore(%run_scoped3A : memref<!tpu.dma_semaphore, #tpu.memory_space<semaphore_mem>>) src(%dma_wait3A_135 : memref<80xi32, #tpu.memory_space<hbm>>) dst(%arg7 : memref<80xi32, #tpu.memory_space<vmem>>)
        tpu.yield
      }) : () -> ()
      %dma_start3A = arith.constant 0 : i32
      %dma_start3A_128 = arith.constant 0 : i32
      %dma_start3A_129 = tpu.memref_slice %arg2[%dma_start3A, %dma_start3A_128] : memref<10000x128xf32, #tpu.memory_space<hbm>> -> memref<10000x128xf32, #tpu.memory_space<hbm>>
      tpu.enqueue_indirect_dma source(%dma_start3A_129 : memref<10000x128xf32, #tpu.memory_space<hbm>>) target(%arg8 : memref<80x128xf32, #tpu.memory_space<vmem>>) offsets(%arg6 : memref<80xi32, #tpu.memory_space<vmem>>) semaphore(%arg10 : memref<!tpu.dma_semaphore, #tpu.memory_space<semaphore_mem>>)
      %dma_wait3A = arith.constant 0 : i32
      %dma_wait3A_130 = arith.constant 0 : i32
      %dma_wait3A_131 = tpu.memref_slice %arg2[%dma_wait3A, %dma_wait3A_130] : memref<10000x128xf32, #tpu.memory_space<hbm>> -> memref<10000x128xf32, #tpu.memory_space<hbm>>
      tpu.wait_indirect_dma semaphore(%arg10 : memref<!tpu.dma_semaphore, #tpu.memory_space<semaphore_mem>>) src(%dma_wait3A_131 : memref<10000x128xf32, #tpu.memory_space<hbm>>) dst(%arg8 : memref<80x128xf32, #tpu.memory_space<vmem>>)
      "tpu.region"() ({
        %run_scoped3A = tpu.sem_alloc : memref<!tpu.dma_semaphore, #tpu.memory_space<semaphore_mem>>
        %dma_start3A_132 = arith.constant 0 : i32
        %dma_start3A_133 = arith.constant 0 : i32
        %dma_start3A_134 = tpu.memref_slice %arg9[%dma_start3A_132, %dma_start3A_133] : memref<10000x128xf32, #tpu.memory_space<vmem_shared>> -> memref<10000x128xf32, #tpu.memory_space<vmem_shared>>
        tpu.enqueue_indirect_dma source(%arg8 : memref<80x128xf32, #tpu.memory_space<vmem>>) target(%dma_start3A_134 : memref<10000x128xf32, #tpu.memory_space<vmem_shared>>) offsets(%arg7 : memref<80xi32, #tpu.memory_space<vmem>>) semaphore(%run_scoped3A : memref<!tpu.dma_semaphore, #tpu.memory_space<semaphore_mem>>) {add = true}
        %dma_wait3A_135 = arith.constant 0 : i32
        %dma_wait3A_136 = arith.constant 0 : i32
        %dma_wait3A_137 = tpu.memref_slice %arg9[%dma_wait3A_135, %dma_wait3A_136] : memref<10000x128xf32, #tpu.memory_space<vmem_shared>> -> memref<10000x128xf32, #tpu.memory_space<vmem_shared>>
        tpu.wait_indirect_dma semaphore(%run_scoped3A : memref<!tpu.dma_semaphore, #tpu.memory_space<semaphore_mem>>) src(%arg8 : memref<80x128xf32, #tpu.memory_space<vmem>>) dst(%dma_wait3A_137 : memref<10000x128xf32, #tpu.memory_space<vmem_shared>>)
        tpu.yield
      }) : () -> ()
    }
    %scan3A_66 = arith.constant 125 : i32
    %barrier3A_67 = arith.constant 0 : index
    tpu.barrier barrier_id(%barrier3A_67)
    %add3A_68 = arith.constant 0 : i32
    %add3A_69 = arith.addi %arg1, %add3A_68 : i32
    %lt3A_70 = arith.constant 125 : i32
    %lt3A_71 = arith.cmpi slt, %add3A_69, %lt3A_70 : i32
    %convert_element_type3A_72 = arith.extui %lt3A_71 : i1 to i32
    %cond3A_73 = arith.constant 0 : i32
    %cond3A_74 = arith.cmpi ne, %convert_element_type3A_72, %cond3A_73 : i32
    scf.if %cond3A_74 {
      %mul3A_124 = arith.constant 80 : i32
      %mul3A_125 = arith.muli %add3A_69, %mul3A_124 : i32
      %multiple_of3A = tpu.assume_multiple %mul3A_125, 8 : i32
      "tpu.region"() ({
        %run_scoped3A = tpu.sem_alloc : memref<!tpu.dma_semaphore, #tpu.memory_space<semaphore_mem>>
        %dma_start3A = arith.constant 0 : i32
        %dma_start3A_126 = tpu.memref_slice %arg5[%arg0, %multiple_of3A, %dma_start3A] : memref<2x10000x128xf32, #tpu.memory_space<hbm>> -> memref<1x80x128xf32, #tpu.memory_space<hbm>>
        %dma_start3A_127 = tpu.memref_squeeze %dma_start3A_126 : memref<1x80x128xf32, #tpu.memory_space<hbm>> -> memref<80x128xf32, #tpu.memory_space<hbm>>
        %dma_start3A_128 = arith.constant 0 : i32
        %dma_start3A_129 = tpu.memref_slice %arg9[%multiple_of3A, %dma_start3A_128] : memref<10000x128xf32, #tpu.memory_space<vmem_shared>> -> memref<80x128xf32, #tpu.memory_space<vmem_shared>>
        tpu.enqueue_dma source(%dma_start3A_129 : memref<80x128xf32, #tpu.memory_space<vmem_shared>>) target(%dma_start3A_127 : memref<80x128xf32, #tpu.memory_space<hbm>>) target_semaphore(%run_scoped3A : memref<!tpu.dma_semaphore, #tpu.memory_space<semaphore_mem>>)
        %dma_wait3A = arith.constant 0 : i32
        %dma_wait3A_130 = tpu.memref_slice %arg5[%arg0, %multiple_of3A, %dma_wait3A] : memref<2x10000x128xf32, #tpu.memory_space<hbm>> -> memref<1x80x128xf32, #tpu.memory_space<hbm>>
        %dma_wait3A_131 = tpu.memref_squeeze %dma_wait3A_130 : memref<1x80x128xf32, #tpu.memory_space<hbm>> -> memref<80x128xf32, #tpu.memory_space<hbm>>
        %dma_wait3A_132 = arith.constant 0 : i32
        %dma_wait3A_133 = tpu.memref_slice %arg9[%multiple_of3A, %dma_wait3A_132] : memref<10000x128xf32, #tpu.memory_space<vmem_shared>> -> memref<80x128xf32, #tpu.memory_space<vmem_shared>>
        tpu.wait_dma2 semaphore(%run_scoped3A : memref<!tpu.dma_semaphore, #tpu.memory_space<semaphore_mem>>) src(%dma_wait3A_133 : memref<80x128xf32, #tpu.memory_space<vmem_shared>>) dst(%dma_wait3A_131 : memref<80x128xf32, #tpu.memory_space<hbm>>)
        tpu.yield
      }) : () -> ()
    } else {
    }
    %add3A_75 = arith.constant 16 : i32
    %add3A_76 = arith.addi %arg1, %add3A_75 : i32
    %lt3A_77 = arith.constant 125 : i32
    %lt3A_78 = arith.cmpi slt, %add3A_76, %lt3A_77 : i32
    %convert_element_type3A_79 = arith.extui %lt3A_78 : i1 to i32
    %cond3A_80 = arith.constant 0 : i32
    %cond3A_81 = arith.cmpi ne, %convert_element_type3A_79, %cond3A_80 : i32
    scf.if %cond3A_81 {
      %mul3A_124 = arith.constant 80 : i32
      %mul3A_125 = arith.muli %add3A_76, %mul3A_124 : i32
      %multiple_of3A = tpu.assume_multiple %mul3A_125, 8 : i32
      "tpu.region"() ({
        %run_scoped3A = tpu.sem_alloc : memref<!tpu.dma_semaphore, #tpu.memory_space<semaphore_mem>>
        %dma_start3A = arith.constant 0 : i32
        %dma_start3A_126 = tpu.memref_slice %arg5[%arg0, %multiple_of3A, %dma_start3A] : memref<2x10000x128xf32, #tpu.memory_space<hbm>> -> memref<1x80x128xf32, #tpu.memory_space<hbm>>
        %dma_start3A_127 = tpu.memref_squeeze %dma_start3A_126 : memref<1x80x128xf32, #tpu.memory_space<hbm>> -> memref<80x128xf32, #tpu.memory_space<hbm>>
        %dma_start3A_128 = arith.constant 0 : i32
        %dma_start3A_129 = tpu.memref_slice %arg9[%multiple_of3A, %dma_start3A_128] : memref<10000x128xf32, #tpu.memory_space<vmem_shared>> -> memref<80x128xf32, #tpu.memory_space<vmem_shared>>
        tpu.enqueue_dma source(%dma_start3A_129 : memref<80x128xf32, #tpu.memory_space<vmem_shared>>) target(%dma_start3A_127 : memref<80x128xf32, #tpu.memory_space<hbm>>) target_semaphore(%run_scoped3A : memref<!tpu.dma_semaphore, #tpu.memory_space<semaphore_mem>>)
        %dma_wait3A = arith.constant 0 : i32
        %dma_wait3A_130 = tpu.memref_slice %arg5[%arg0, %multiple_of3A, %dma_wait3A] : memref<2x10000x128xf32, #tpu.memory_space<hbm>> -> memref<1x80x128xf32, #tpu.memory_space<hbm>>
        %dma_wait3A_131 = tpu.memref_squeeze %dma_wait3A_130 : memref<1x80x128xf32, #tpu.memory_space<hbm>> -> memref<80x128xf32, #tpu.memory_space<hbm>>
        %dma_wait3A_132 = arith.constant 0 : i32
        %dma_wait3A_133 = tpu.memref_slice %arg9[%multiple_of3A, %dma_wait3A_132] : memref<10000x128xf32, #tpu.memory_space<vmem_shared>> -> memref<80x128xf32, #tpu.memory_space<vmem_shared>>
        tpu.wait_dma2 semaphore(%run_scoped3A : memref<!tpu.dma_semaphore, #tpu.memory_space<semaphore_mem>>) src(%dma_wait3A_133 : memref<80x128xf32, #tpu.memory_space<vmem_shared>>) dst(%dma_wait3A_131 : memref<80x128xf32, #tpu.memory_space<hbm>>)
        tpu.yield
      }) : () -> ()
    } else {
    }
    %add3A_82 = arith.constant 32 : i32
    %add3A_83 = arith.addi %arg1, %add3A_82 : i32
    %lt3A_84 = arith.constant 125 : i32
    %lt3A_85 = arith.cmpi slt, %add3A_83, %lt3A_84 : i32
    %convert_element_type3A_86 = arith.extui %lt3A_85 : i1 to i32
    %cond3A_87 = arith.constant 0 : i32
    %cond3A_88 = arith.cmpi ne, %convert_element_type3A_86, %cond3A_87 : i32
    scf.if %cond3A_88 {
      %mul3A_124 = arith.constant 80 : i32
      %mul3A_125 = arith.muli %add3A_83, %mul3A_124 : i32
      %multiple_of3A = tpu.assume_multiple %mul3A_125, 8 : i32
      "tpu.region"() ({
        %run_scoped3A = tpu.sem_alloc : memref<!tpu.dma_semaphore, #tpu.memory_space<semaphore_mem>>
        %dma_start3A = arith.constant 0 : i32
        %dma_start3A_126 = tpu.memref_slice %arg5[%arg0, %multiple_of3A, %dma_start3A] : memref<2x10000x128xf32, #tpu.memory_space<hbm>> -> memref<1x80x128xf32, #tpu.memory_space<hbm>>
        %dma_start3A_127 = tpu.memref_squeeze %dma_start3A_126 : memref<1x80x128xf32, #tpu.memory_space<hbm>> -> memref<80x128xf32, #tpu.memory_space<hbm>>
        %dma_start3A_128 = arith.constant 0 : i32
        %dma_start3A_129 = tpu.memref_slice %arg9[%multiple_of3A, %dma_start3A_128] : memref<10000x128xf32, #tpu.memory_space<vmem_shared>> -> memref<80x128xf32, #tpu.memory_space<vmem_shared>>
        tpu.enqueue_dma source(%dma_start3A_129 : memref<80x128xf32, #tpu.memory_space<vmem_shared>>) target(%dma_start3A_127 : memref<80x128xf32, #tpu.memory_space<hbm>>) target_semaphore(%run_scoped3A : memref<!tpu.dma_semaphore, #tpu.memory_space<semaphore_mem>>)
        %dma_wait3A = arith.constant 0 : i32
        %dma_wait3A_130 = tpu.memref_slice %arg5[%arg0, %multiple_of3A, %dma_wait3A] : memref<2x10000x128xf32, #tpu.memory_space<hbm>> -> memref<1x80x128xf32, #tpu.memory_space<hbm>>
        %dma_wait3A_131 = tpu.memref_squeeze %dma_wait3A_130 : memref<1x80x128xf32, #tpu.memory_space<hbm>> -> memref<80x128xf32, #tpu.memory_space<hbm>>
        %dma_wait3A_132 = arith.constant 0 : i32
        %dma_wait3A_133 = tpu.memref_slice %arg9[%multiple_of3A, %dma_wait3A_132] : memref<10000x128xf32, #tpu.memory_space<vmem_shared>> -> memref<80x128xf32, #tpu.memory_space<vmem_shared>>
        tpu.wait_dma2 semaphore(%run_scoped3A : memref<!tpu.dma_semaphore, #tpu.memory_space<semaphore_mem>>) src(%dma_wait3A_133 : memref<80x128xf32, #tpu.memory_space<vmem_shared>>) dst(%dma_wait3A_131 : memref<80x128xf32, #tpu.memory_space<hbm>>)
        tpu.yield
      }) : () -> ()
    } else {
    }
    %add3A_89 = arith.constant 48 : i32
    %add3A_90 = arith.addi %arg1, %add3A_89 : i32
    %lt3A_91 = arith.constant 125 : i32
    %lt3A_92 = arith.cmpi slt, %add3A_90, %lt3A_91 : i32
    %convert_element_type3A_93 = arith.extui %lt3A_92 : i1 to i32
    %cond3A_94 = arith.constant 0 : i32
    %cond3A_95 = arith.cmpi ne, %convert_element_type3A_93, %cond3A_94 : i32
    scf.if %cond3A_95 {
      %mul3A_124 = arith.constant 80 : i32
      %mul3A_125 = arith.muli %add3A_90, %mul3A_124 : i32
      %multiple_of3A = tpu.assume_multiple %mul3A_125, 8 : i32
      "tpu.region"() ({
        %run_scoped3A = tpu.sem_alloc : memref<!tpu.dma_semaphore, #tpu.memory_space<semaphore_mem>>
        %dma_start3A = arith.constant 0 : i32
        %dma_start3A_126 = tpu.memref_slice %arg5[%arg0, %multiple_of3A, %dma_start3A] : memref<2x10000x128xf32, #tpu.memory_space<hbm>> -> memref<1x80x128xf32, #tpu.memory_space<hbm>>
        %dma_start3A_127 = tpu.memref_squeeze %dma_start3A_126 : memref<1x80x128xf32, #tpu.memory_space<hbm>> -> memref<80x128xf32, #tpu.memory_space<hbm>>
        %dma_start3A_128 = arith.constant 0 : i32
        %dma_start3A_129 = tpu.memref_slice %arg9[%multiple_of3A, %dma_start3A_128] : memref<10000x128xf32, #tpu.memory_space<vmem_shared>> -> memref<80x128xf32, #tpu.memory_space<vmem_shared>>
        tpu.enqueue_dma source(%dma_start3A_129 : memref<80x128xf32, #tpu.memory_space<vmem_shared>>) target(%dma_start3A_127 : memref<80x128xf32, #tpu.memory_space<hbm>>) target_semaphore(%run_scoped3A : memref<!tpu.dma_semaphore, #tpu.memory_space<semaphore_mem>>)
        %dma_wait3A = arith.constant 0 : i32
        %dma_wait3A_130 = tpu.memref_slice %arg5[%arg0, %multiple_of3A, %dma_wait3A] : memref<2x10000x128xf32, #tpu.memory_space<hbm>> -> memref<1x80x128xf32, #tpu.memory_space<hbm>>
        %dma_wait3A_131 = tpu.memref_squeeze %dma_wait3A_130 : memref<1x80x128xf32, #tpu.memory_space<hbm>> -> memref<80x128xf32, #tpu.memory_space<hbm>>
        %dma_wait3A_132 = arith.constant 0 : i32
        %dma_wait3A_133 = tpu.memref_slice %arg9[%multiple_of3A, %dma_wait3A_132] : memref<10000x128xf32, #tpu.memory_space<vmem_shared>> -> memref<80x128xf32, #tpu.memory_space<vmem_shared>>
        tpu.wait_dma2 semaphore(%run_scoped3A : memref<!tpu.dma_semaphore, #tpu.memory_space<semaphore_mem>>) src(%dma_wait3A_133 : memref<80x128xf32, #tpu.memory_space<vmem_shared>>) dst(%dma_wait3A_131 : memref<80x128xf32, #tpu.memory_space<hbm>>)
        tpu.yield
      }) : () -> ()
    } else {
    }
    %add3A_96 = arith.constant 64 : i32
    %add3A_97 = arith.addi %arg1, %add3A_96 : i32
    %lt3A_98 = arith.constant 125 : i32
    %lt3A_99 = arith.cmpi slt, %add3A_97, %lt3A_98 : i32
    %convert_element_type3A_100 = arith.extui %lt3A_99 : i1 to i32
    %cond3A_101 = arith.constant 0 : i32
    %cond3A_102 = arith.cmpi ne, %convert_element_type3A_100, %cond3A_101 : i32
    scf.if %cond3A_102 {
      %mul3A_124 = arith.constant 80 : i32
      %mul3A_125 = arith.muli %add3A_97, %mul3A_124 : i32
      %multiple_of3A = tpu.assume_multiple %mul3A_125, 8 : i32
      "tpu.region"() ({
        %run_scoped3A = tpu.sem_alloc : memref<!tpu.dma_semaphore, #tpu.memory_space<semaphore_mem>>
        %dma_start3A = arith.constant 0 : i32
        %dma_start3A_126 = tpu.memref_slice %arg5[%arg0, %multiple_of3A, %dma_start3A] : memref<2x10000x128xf32, #tpu.memory_space<hbm>> -> memref<1x80x128xf32, #tpu.memory_space<hbm>>
        %dma_start3A_127 = tpu.memref_squeeze %dma_start3A_126 : memref<1x80x128xf32, #tpu.memory_space<hbm>> -> memref<80x128xf32, #tpu.memory_space<hbm>>
        %dma_start3A_128 = arith.constant 0 : i32
        %dma_start3A_129 = tpu.memref_slice %arg9[%multiple_of3A, %dma_start3A_128] : memref<10000x128xf32, #tpu.memory_space<vmem_shared>> -> memref<80x128xf32, #tpu.memory_space<vmem_shared>>
        tpu.enqueue_dma source(%dma_start3A_129 : memref<80x128xf32, #tpu.memory_space<vmem_shared>>) target(%dma_start3A_127 : memref<80x128xf32, #tpu.memory_space<hbm>>) target_semaphore(%run_scoped3A : memref<!tpu.dma_semaphore, #tpu.memory_space<semaphore_mem>>)
        %dma_wait3A = arith.constant 0 : i32
        %dma_wait3A_130 = tpu.memref_slice %arg5[%arg0, %multiple_of3A, %dma_wait3A] : memref<2x10000x128xf32, #tpu.memory_space<hbm>> -> memref<1x80x128xf32, #tpu.memory_space<hbm>>
        %dma_wait3A_131 = tpu.memref_squeeze %dma_wait3A_130 : memref<1x80x128xf32, #tpu.memory_space<hbm>> -> memref<80x128xf32, #tpu.memory_space<hbm>>
        %dma_wait3A_132 = arith.constant 0 : i32
        %dma_wait3A_133 = tpu.memref_slice %arg9[%multiple_of3A, %dma_wait3A_132] : memref<10000x128xf32, #tpu.memory_space<vmem_shared>> -> memref<80x128xf32, #tpu.memory_space<vmem_shared>>
        tpu.wait_dma2 semaphore(%run_scoped3A : memref<!tpu.dma_semaphore, #tpu.memory_space<semaphore_mem>>) src(%dma_wait3A_133 : memref<80x128xf32, #tpu.memory_space<vmem_shared>>) dst(%dma_wait3A_131 : memref<80x128xf32, #tpu.memory_space<hbm>>)
        tpu.yield
      }) : () -> ()
    } else {
    }
    %add3A_103 = arith.constant 80 : i32
    %add3A_104 = arith.addi %arg1, %add3A_103 : i32
    %lt3A_105 = arith.constant 125 : i32
    %lt3A_106 = arith.cmpi slt, %add3A_104, %lt3A_105 : i32
    %convert_element_type3A_107 = arith.extui %lt3A_106 : i1 to i32
    %cond3A_108 = arith.constant 0 : i32
    %cond3A_109 = arith.cmpi ne, %convert_element_type3A_107, %cond3A_108 : i32
    scf.if %cond3A_109 {
      %mul3A_124 = arith.constant 80 : i32
      %mul3A_125 = arith.muli %add3A_104, %mul3A_124 : i32
      %multiple_of3A = tpu.assume_multiple %mul3A_125, 8 : i32
      "tpu.region"() ({
        %run_scoped3A = tpu.sem_alloc : memref<!tpu.dma_semaphore, #tpu.memory_space<semaphore_mem>>
        %dma_start3A = arith.constant 0 : i32
        %dma_start3A_126 = tpu.memref_slice %arg5[%arg0, %multiple_of3A, %dma_start3A] : memref<2x10000x128xf32, #tpu.memory_space<hbm>> -> memref<1x80x128xf32, #tpu.memory_space<hbm>>
        %dma_start3A_127 = tpu.memref_squeeze %dma_start3A_126 : memref<1x80x128xf32, #tpu.memory_space<hbm>> -> memref<80x128xf32, #tpu.memory_space<hbm>>
        %dma_start3A_128 = arith.constant 0 : i32
        %dma_start3A_129 = tpu.memref_slice %arg9[%multiple_of3A, %dma_start3A_128] : memref<10000x128xf32, #tpu.memory_space<vmem_shared>> -> memref<80x128xf32, #tpu.memory_space<vmem_shared>>
        tpu.enqueue_dma source(%dma_start3A_129 : memref<80x128xf32, #tpu.memory_space<vmem_shared>>) target(%dma_start3A_127 : memref<80x128xf32, #tpu.memory_space<hbm>>) target_semaphore(%run_scoped3A : memref<!tpu.dma_semaphore, #tpu.memory_space<semaphore_mem>>)
        %dma_wait3A = arith.constant 0 : i32
        %dma_wait3A_130 = tpu.memref_slice %arg5[%arg0, %multiple_of3A, %dma_wait3A] : memref<2x10000x128xf32, #tpu.memory_space<hbm>> -> memref<1x80x128xf32, #tpu.memory_space<hbm>>
        %dma_wait3A_131 = tpu.memref_squeeze %dma_wait3A_130 : memref<1x80x128xf32, #tpu.memory_space<hbm>> -> memref<80x128xf32, #tpu.memory_space<hbm>>
        %dma_wait3A_132 = arith.constant 0 : i32
        %dma_wait3A_133 = tpu.memref_slice %arg9[%multiple_of3A, %dma_wait3A_132] : memref<10000x128xf32, #tpu.memory_space<vmem_shared>> -> memref<80x128xf32, #tpu.memory_space<vmem_shared>>
        tpu.wait_dma2 semaphore(%run_scoped3A : memref<!tpu.dma_semaphore, #tpu.memory_space<semaphore_mem>>) src(%dma_wait3A_133 : memref<80x128xf32, #tpu.memory_space<vmem_shared>>) dst(%dma_wait3A_131 : memref<80x128xf32, #tpu.memory_space<hbm>>)
        tpu.yield
      }) : () -> ()
    } else {
    }
    %add3A_110 = arith.constant 96 : i32
    %add3A_111 = arith.addi %arg1, %add3A_110 : i32
    %lt3A_112 = arith.constant 125 : i32
    %lt3A_113 = arith.cmpi slt, %add3A_111, %lt3A_112 : i32
    %convert_element_type3A_114 = arith.extui %lt3A_113 : i1 to i32
    %cond3A_115 = arith.constant 0 : i32
    %cond3A_116 = arith.cmpi ne, %convert_element_type3A_114, %cond3A_115 : i32
    scf.if %cond3A_116 {
      %mul3A_124 = arith.constant 80 : i32
      %mul3A_125 = arith.muli %add3A_111, %mul3A_124 : i32
      %multiple_of3A = tpu.assume_multiple %mul3A_125, 8 : i32
      "tpu.region"() ({
        %run_scoped3A = tpu.sem_alloc : memref<!tpu.dma_semaphore, #tpu.memory_space<semaphore_mem>>
        %dma_start3A = arith.constant 0 : i32
        %dma_start3A_126 = tpu.memref_slice %arg5[%arg0, %multiple_of3A, %dma_start3A] : memref<2x10000x128xf32, #tpu.memory_space<hbm>> -> memref<1x80x128xf32, #tpu.memory_space<hbm>>
        %dma_start3A_127 = tpu.memref_squeeze %dma_start3A_126 : memref<1x80x128xf32, #tpu.memory_space<hbm>> -> memref<80x128xf32, #tpu.memory_space<hbm>>
        %dma_start3A_128 = arith.constant 0 : i32
        %dma_start3A_129 = tpu.memref_slice %arg9[%multiple_of3A, %dma_start3A_128] : memref<10000x128xf32, #tpu.memory_space<vmem_shared>> -> memref<80x128xf32, #tpu.memory_space<vmem_shared>>
        tpu.enqueue_dma source(%dma_start3A_129 : memref<80x128xf32, #tpu.memory_space<vmem_shared>>) target(%dma_start3A_127 : memref<80x128xf32, #tpu.memory_space<hbm>>) target_semaphore(%run_scoped3A : memref<!tpu.dma_semaphore, #tpu.memory_space<semaphore_mem>>)
        %dma_wait3A = arith.constant 0 : i32
        %dma_wait3A_130 = tpu.memref_slice %arg5[%arg0, %multiple_of3A, %dma_wait3A] : memref<2x10000x128xf32, #tpu.memory_space<hbm>> -> memref<1x80x128xf32, #tpu.memory_space<hbm>>
        %dma_wait3A_131 = tpu.memref_squeeze %dma_wait3A_130 : memref<1x80x128xf32, #tpu.memory_space<hbm>> -> memref<80x128xf32, #tpu.memory_space<hbm>>
        %dma_wait3A_132 = arith.constant 0 : i32
        %dma_wait3A_133 = tpu.memref_slice %arg9[%multiple_of3A, %dma_wait3A_132] : memref<10000x128xf32, #tpu.memory_space<vmem_shared>> -> memref<80x128xf32, #tpu.memory_space<vmem_shared>>
        tpu.wait_dma2 semaphore(%run_scoped3A : memref<!tpu.dma_semaphore, #tpu.memory_space<semaphore_mem>>) src(%dma_wait3A_133 : memref<80x128xf32, #tpu.memory_space<vmem_shared>>) dst(%dma_wait3A_131 : memref<80x128xf32, #tpu.memory_space<hbm>>)
        tpu.yield
      }) : () -> ()
    } else {
    }
    %add3A_117 = arith.constant 112 : i32
    %add3A_118 = arith.addi %arg1, %add3A_117 : i32
    %lt3A_119 = arith.constant 125 : i32
    %lt3A_120 = arith.cmpi slt, %add3A_118, %lt3A_119 : i32
    %convert_element_type3A_121 = arith.extui %lt3A_120 : i1 to i32
    %cond3A_122 = arith.constant 0 : i32
    %cond3A_123 = arith.cmpi ne, %convert_element_type3A_121, %cond3A_122 : i32
    scf.if %cond3A_123 {
      %mul3A_124 = arith.constant 80 : i32
      %mul3A_125 = arith.muli %add3A_118, %mul3A_124 : i32
      %multiple_of3A = tpu.assume_multiple %mul3A_125, 8 : i32
      "tpu.region"() ({
        %run_scoped3A = tpu.sem_alloc : memref<!tpu.dma_semaphore, #tpu.memory_space<semaphore_mem>>
        %dma_start3A = arith.constant 0 : i32
        %dma_start3A_126 = tpu.memref_slice %arg5[%arg0, %multiple_of3A, %dma_start3A] : memref<2x10000x128xf32, #tpu.memory_space<hbm>> -> memref<1x80x128xf32, #tpu.memory_space<hbm>>
        %dma_start3A_127 = tpu.memref_squeeze %dma_start3A_126 : memref<1x80x128xf32, #tpu.memory_space<hbm>> -> memref<80x128xf32, #tpu.memory_space<hbm>>
        %dma_start3A_128 = arith.constant 0 : i32
        %dma_start3A_129 = tpu.memref_slice %arg9[%multiple_of3A, %dma_start3A_128] : memref<10000x128xf32, #tpu.memory_space<vmem_shared>> -> memref<80x128xf32, #tpu.memory_space<vmem_shared>>
        tpu.enqueue_dma source(%dma_start3A_129 : memref<80x128xf32, #tpu.memory_space<vmem_shared>>) target(%dma_start3A_127 : memref<80x128xf32, #tpu.memory_space<hbm>>) target_semaphore(%run_scoped3A : memref<!tpu.dma_semaphore, #tpu.memory_space<semaphore_mem>>)
        %dma_wait3A = arith.constant 0 : i32
        %dma_wait3A_130 = tpu.memref_slice %arg5[%arg0, %multiple_of3A, %dma_wait3A] : memref<2x10000x128xf32, #tpu.memory_space<hbm>> -> memref<1x80x128xf32, #tpu.memory_space<hbm>>
        %dma_wait3A_131 = tpu.memref_squeeze %dma_wait3A_130 : memref<1x80x128xf32, #tpu.memory_space<hbm>> -> memref<80x128xf32, #tpu.memory_space<hbm>>
        %dma_wait3A_132 = arith.constant 0 : i32
        %dma_wait3A_133 = tpu.memref_slice %arg9[%multiple_of3A, %dma_wait3A_132] : memref<10000x128xf32, #tpu.memory_space<vmem_shared>> -> memref<80x128xf32, #tpu.memory_space<vmem_shared>>
        tpu.wait_dma2 semaphore(%run_scoped3A : memref<!tpu.dma_semaphore, #tpu.memory_space<semaphore_mem>>) src(%dma_wait3A_133 : memref<80x128xf32, #tpu.memory_space<vmem_shared>>) dst(%dma_wait3A_131 : memref<80x128xf32, #tpu.memory_space<hbm>>)
        tpu.yield
      }) : () -> ()
    } else {
    }
    return
  }
}

#map = affine_map<(d0, d1) -> (0, 0)>
#map1 = affine_map<(d0, d1) -> (0)>
#map2 = affine_map<(d0, d1) -> (0, 0, 0)>
module attributes {stable_mosaic.version = 14 : i64} {
  func.func @_agg_body(%arg0: i32, %arg1: i32, %arg2: memref<10000x128xf32, #tpu.memory_space<hbm>>, %arg3: memref<320000xi32, #tpu.memory_space<hbm>>, %arg4: memref<320000xi32, #tpu.memory_space<hbm>>, %arg5: memref<2x10000x128xf32, #tpu.memory_space<hbm>>, %arg6: memref<80xi32, #tpu.memory_space<vmem>>, %arg7: memref<80xi32, #tpu.memory_space<vmem>>, %arg8: memref<80x128xf32, #tpu.memory_space<vmem>>, %arg9: memref<10000x128xf32, #tpu.memory_space<vmem_shared>>, %arg10: memref<!tpu.dma_semaphore, #tpu.memory_space<semaphore_mem>>) attributes {dimension_semantics = [#tpu.dimension_semantics<core_parallel>, #tpu.dimension_semantics<subcore_parallel>], iteration_bounds = array<i64: 2, 16>, scalar_prefetch = 0 : i64, scratch_operands = 5 : i64, tpu.core_type = #tpu.core_type<sc_vector_subcore>, window_params = [{transform_indices = #map}, {transform_indices = #map1}, {transform_indices = #map1}, {transform_indices = #map2}]} {
    %scan3A = arith.constant 0 : i32
    %scan3A_0 = arith.constant 0 : i32
    %scan3A_1 = arith.constant 80 : i32
    %scan3A_2 = arith.addi %scan3A_0, %scan3A_1 : i32
    %scan3A_3 = arith.constant 1 : i32
    scf.for %scan3A_124 = %scan3A_0 to %scan3A_2 step %scan3A_3  : i32 {
      %broadcast_in_dim3A = arith.constant 0.000000e+00 : f32
      %broadcast_in_dim3A_125 = vector.broadcast %broadcast_in_dim3A : f32 to vector<16xf32>
      %swap3A = arith.index_cast %scan3A_124 : i32 to index
      %swap3A_126 = arith.constant 0 : index
      %swap3A_127 = tpu.vector_load %arg8[%swap3A, %swap3A_126] {strides = array<i32>} : memref<80x128xf32, #tpu.memory_space<vmem>>, vector<1x16xf32>,
      %swap3A_128 = vector.shape_cast %swap3A_127 : vector<1x16xf32> to vector<16xf32>
      %swap3A_129 = vector.shape_cast %broadcast_in_dim3A_125 : vector<16xf32> to vector<1x16xf32>
      tpu.vector_store %arg8[%swap3A, %swap3A_126], %swap3A_129 {strides = array<i32>} : memref<80x128xf32, #tpu.memory_space<vmem>>, vector<1x16xf32>,
      %broadcast_in_dim3A_130 = arith.constant 0.000000e+00 : f32
      %broadcast_in_dim3A_131 = vector.broadcast %broadcast_in_dim3A_130 : f32 to vector<16xf32>
      %swap3A_132 = arith.index_cast %scan3A_124 : i32 to index
      %swap3A_133 = arith.constant 16 : index
      %swap3A_134 = tpu.vector_load %arg8[%swap3A_132, %swap3A_133] {strides = array<i32>} : memref<80x128xf32, #tpu.memory_space<vmem>>, vector<1x16xf32>,
      %swap3A_135 = vector.shape_cast %swap3A_134 : vector<1x16xf32> to vector<16xf32>
      %swap3A_136 = vector.shape_cast %broadcast_in_dim3A_131 : vector<16xf32> to vector<1x16xf32>
      tpu.vector_store %arg8[%swap3A_132, %swap3A_133], %swap3A_136 {strides = array<i32>} : memref<80x128xf32, #tpu.memory_space<vmem>>, vector<1x16xf32>,
      %broadcast_in_dim3A_137 = arith.constant 0.000000e+00 : f32
      %broadcast_in_dim3A_138 = vector.broadcast %broadcast_in_dim3A_137 : f32 to vector<16xf32>
      %swap3A_139 = arith.index_cast %scan3A_124 : i32 to index
      %swap3A_140 = arith.constant 32 : index
      %swap3A_141 = tpu.vector_load %arg8[%swap3A_139, %swap3A_140] {strides = array<i32>} : memref<80x128xf32, #tpu.memory_space<vmem>>, vector<1x16xf32>,
      %swap3A_142 = vector.shape_cast %swap3A_141 : vector<1x16xf32> to vector<16xf32>
      %swap3A_143 = vector.shape_cast %broadcast_in_dim3A_138 : vector<16xf32> to vector<1x16xf32>
      tpu.vector_store %arg8[%swap3A_139, %swap3A_140], %swap3A_143 {strides = array<i32>} : memref<80x128xf32, #tpu.memory_space<vmem>>, vector<1x16xf32>,
      %broadcast_in_dim3A_144 = arith.constant 0.000000e+00 : f32
      %broadcast_in_dim3A_145 = vector.broadcast %broadcast_in_dim3A_144 : f32 to vector<16xf32>
      %swap3A_146 = arith.index_cast %scan3A_124 : i32 to index
      %swap3A_147 = arith.constant 48 : index
      %swap3A_148 = tpu.vector_load %arg8[%swap3A_146, %swap3A_147] {strides = array<i32>} : memref<80x128xf32, #tpu.memory_space<vmem>>, vector<1x16xf32>,
      %swap3A_149 = vector.shape_cast %swap3A_148 : vector<1x16xf32> to vector<16xf32>
      %swap3A_150 = vector.shape_cast %broadcast_in_dim3A_145 : vector<16xf32> to vector<1x16xf32>
      tpu.vector_store %arg8[%swap3A_146, %swap3A_147], %swap3A_150 {strides = array<i32>} : memref<80x128xf32, #tpu.memory_space<vmem>>, vector<1x16xf32>,
      %broadcast_in_dim3A_151 = arith.constant 0.000000e+00 : f32
      %broadcast_in_dim3A_152 = vector.broadcast %broadcast_in_dim3A_151 : f32 to vector<16xf32>
      %swap3A_153 = arith.index_cast %scan3A_124 : i32 to index
      %swap3A_154 = arith.constant 64 : index
      %swap3A_155 = tpu.vector_load %arg8[%swap3A_153, %swap3A_154] {strides = array<i32>} : memref<80x128xf32, #tpu.memory_space<vmem>>, vector<1x16xf32>,
      %swap3A_156 = vector.shape_cast %swap3A_155 : vector<1x16xf32> to vector<16xf32>
      %swap3A_157 = vector.shape_cast %broadcast_in_dim3A_152 : vector<16xf32> to vector<1x16xf32>
      tpu.vector_store %arg8[%swap3A_153, %swap3A_154], %swap3A_157 {strides = array<i32>} : memref<80x128xf32, #tpu.memory_space<vmem>>, vector<1x16xf32>,
      %broadcast_in_dim3A_158 = arith.constant 0.000000e+00 : f32
      %broadcast_in_dim3A_159 = vector.broadcast %broadcast_in_dim3A_158 : f32 to vector<16xf32>
      %swap3A_160 = arith.index_cast %scan3A_124 : i32 to index
      %swap3A_161 = arith.constant 80 : index
      %swap3A_162 = tpu.vector_load %arg8[%swap3A_160, %swap3A_161] {strides = array<i32>} : memref<80x128xf32, #tpu.memory_space<vmem>>, vector<1x16xf32>,
      %swap3A_163 = vector.shape_cast %swap3A_162 : vector<1x16xf32> to vector<16xf32>
      %swap3A_164 = vector.shape_cast %broadcast_in_dim3A_159 : vector<16xf32> to vector<1x16xf32>
      tpu.vector_store %arg8[%swap3A_160, %swap3A_161], %swap3A_164 {strides = array<i32>} : memref<80x128xf32, #tpu.memory_space<vmem>>, vector<1x16xf32>,
      %broadcast_in_dim3A_165 = arith.constant 0.000000e+00 : f32
      %broadcast_in_dim3A_166 = vector.broadcast %broadcast_in_dim3A_165 : f32 to vector<16xf32>
      %swap3A_167 = arith.index_cast %scan3A_124 : i32 to index
      %swap3A_168 = arith.constant 96 : index
      %swap3A_169 = tpu.vector_load %arg8[%swap3A_167, %swap3A_168] {strides = array<i32>} : memref<80x128xf32, #tpu.memory_space<vmem>>, vector<1x16xf32>,
      %swap3A_170 = vector.shape_cast %swap3A_169 : vector<1x16xf32> to vector<16xf32>
      %swap3A_171 = vector.shape_cast %broadcast_in_dim3A_166 : vector<16xf32> to vector<1x16xf32>
      tpu.vector_store %arg8[%swap3A_167, %swap3A_168], %swap3A_171 {strides = array<i32>} : memref<80x128xf32, #tpu.memory_space<vmem>>, vector<1x16xf32>,
      %broadcast_in_dim3A_172 = arith.constant 0.000000e+00 : f32
      %broadcast_in_dim3A_173 = vector.broadcast %broadcast_in_dim3A_172 : f32 to vector<16xf32>
      %swap3A_174 = arith.index_cast %scan3A_124 : i32 to index
      %swap3A_175 = arith.constant 112 : index
      %swap3A_176 = tpu.vector_load %arg8[%swap3A_174, %swap3A_175] {strides = array<i32>} : memref<80x128xf32, #tpu.memory_space<vmem>>, vector<1x16xf32>,
      %swap3A_177 = vector.shape_cast %swap3A_176 : vector<1x16xf32> to vector<16xf32>
      %swap3A_178 = vector.shape_cast %broadcast_in_dim3A_173 : vector<16xf32> to vector<1x16xf32>
      tpu.vector_store %arg8[%swap3A_174, %swap3A_175], %swap3A_178 {strides = array<i32>} : memref<80x128xf32, #tpu.memory_space<vmem>>, vector<1x16xf32>,
    }
    %scan3A_4 = arith.constant 80 : i32
    %add3A = arith.constant 0 : i32
    %add3A_5 = arith.addi %arg1, %add3A : i32
    %lt3A = arith.constant 125 : i32
    %lt3A_6 = arith.cmpi slt, %add3A_5, %lt3A : i32
    %convert_element_type3A = arith.extui %lt3A_6 : i1 to i32
    %cond3A = arith.constant 0 : i32
    %cond3A_7 = arith.cmpi ne, %convert_element_type3A, %cond3A : i32
    scf.if %cond3A_7 {
      %mul3A_124 = arith.constant 80 : i32
      %mul3A_125 = arith.muli %add3A_5, %mul3A_124 : i32
      %multiple_of3A = tpu.assume_multiple %mul3A_125, 8 : i32
      "tpu.region"() ({
        %run_scoped3A = tpu.sem_alloc : memref<!tpu.dma_semaphore, #tpu.memory_space<semaphore_mem>>
        %dma_start3A = arith.constant 0 : i32
        %dma_start3A_126 = tpu.memref_slice %arg9[%multiple_of3A, %dma_start3A] : memref<10000x128xf32, #tpu.memory_space<vmem_shared>> -> memref<80x128xf32, #tpu.memory_space<vmem_shared>>
        %dma_start3A_127 = arith.constant 0 : i32
        %dma_start3A_128 = tpu.memref_slice %arg9[%multiple_of3A, %dma_start3A_127] : memref<10000x128xf32, #tpu.memory_space<vmem_shared>> -> memref<80x128xf32, #tpu.memory_space<vmem_shared>>
        tpu.enqueue_dma source(%arg8 : memref<80x128xf32, #tpu.memory_space<vmem>>) target(%dma_start3A_128 : memref<80x128xf32, #tpu.memory_space<vmem_shared>>) target_semaphore(%run_scoped3A : memref<!tpu.dma_semaphore, #tpu.memory_space<semaphore_mem>>)
        %dma_wait3A = arith.constant 0 : i32
        %dma_wait3A_129 = tpu.memref_slice %arg9[%multiple_of3A, %dma_wait3A] : memref<10000x128xf32, #tpu.memory_space<vmem_shared>> -> memref<80x128xf32, #tpu.memory_space<vmem_shared>>
        %dma_wait3A_130 = arith.constant 0 : i32
        %dma_wait3A_131 = tpu.memref_slice %arg9[%multiple_of3A, %dma_wait3A_130] : memref<10000x128xf32, #tpu.memory_space<vmem_shared>> -> memref<80x128xf32, #tpu.memory_space<vmem_shared>>
        tpu.wait_dma2 semaphore(%run_scoped3A : memref<!tpu.dma_semaphore, #tpu.memory_space<semaphore_mem>>) src(%arg8 : memref<80x128xf32, #tpu.memory_space<vmem>>) dst(%dma_wait3A_131 : memref<80x128xf32, #tpu.memory_space<vmem_shared>>)
        tpu.yield
      }) : () -> ()
    } else {
    }
    %add3A_8 = arith.constant 16 : i32
    %add3A_9 = arith.addi %arg1, %add3A_8 : i32
    %lt3A_10 = arith.constant 125 : i32
    %lt3A_11 = arith.cmpi slt, %add3A_9, %lt3A_10 : i32
    %convert_element_type3A_12 = arith.extui %lt3A_11 : i1 to i32
    %cond3A_13 = arith.constant 0 : i32
    %cond3A_14 = arith.cmpi ne, %convert_element_type3A_12, %cond3A_13 : i32
    scf.if %cond3A_14 {
      %mul3A_124 = arith.constant 80 : i32
      %mul3A_125 = arith.muli %add3A_9, %mul3A_124 : i32
      %multiple_of3A = tpu.assume_multiple %mul3A_125, 8 : i32
      "tpu.region"() ({
        %run_scoped3A = tpu.sem_alloc : memref<!tpu.dma_semaphore, #tpu.memory_space<semaphore_mem>>
        %dma_start3A = arith.constant 0 : i32
        %dma_start3A_126 = tpu.memref_slice %arg9[%multiple_of3A, %dma_start3A] : memref<10000x128xf32, #tpu.memory_space<vmem_shared>> -> memref<80x128xf32, #tpu.memory_space<vmem_shared>>
        %dma_start3A_127 = arith.constant 0 : i32
        %dma_start3A_128 = tpu.memref_slice %arg9[%multiple_of3A, %dma_start3A_127] : memref<10000x128xf32, #tpu.memory_space<vmem_shared>> -> memref<80x128xf32, #tpu.memory_space<vmem_shared>>
        tpu.enqueue_dma source(%arg8 : memref<80x128xf32, #tpu.memory_space<vmem>>) target(%dma_start3A_128 : memref<80x128xf32, #tpu.memory_space<vmem_shared>>) target_semaphore(%run_scoped3A : memref<!tpu.dma_semaphore, #tpu.memory_space<semaphore_mem>>)
        %dma_wait3A = arith.constant 0 : i32
        %dma_wait3A_129 = tpu.memref_slice %arg9[%multiple_of3A, %dma_wait3A] : memref<10000x128xf32, #tpu.memory_space<vmem_shared>> -> memref<80x128xf32, #tpu.memory_space<vmem_shared>>
        %dma_wait3A_130 = arith.constant 0 : i32
        %dma_wait3A_131 = tpu.memref_slice %arg9[%multiple_of3A, %dma_wait3A_130] : memref<10000x128xf32, #tpu.memory_space<vmem_shared>> -> memref<80x128xf32, #tpu.memory_space<vmem_shared>>
        tpu.wait_dma2 semaphore(%run_scoped3A : memref<!tpu.dma_semaphore, #tpu.memory_space<semaphore_mem>>) src(%arg8 : memref<80x128xf32, #tpu.memory_space<vmem>>) dst(%dma_wait3A_131 : memref<80x128xf32, #tpu.memory_space<vmem_shared>>)
        tpu.yield
      }) : () -> ()
    } else {
    }
    %add3A_15 = arith.constant 32 : i32
    %add3A_16 = arith.addi %arg1, %add3A_15 : i32
    %lt3A_17 = arith.constant 125 : i32
    %lt3A_18 = arith.cmpi slt, %add3A_16, %lt3A_17 : i32
    %convert_element_type3A_19 = arith.extui %lt3A_18 : i1 to i32
    %cond3A_20 = arith.constant 0 : i32
    %cond3A_21 = arith.cmpi ne, %convert_element_type3A_19, %cond3A_20 : i32
    scf.if %cond3A_21 {
      %mul3A_124 = arith.constant 80 : i32
      %mul3A_125 = arith.muli %add3A_16, %mul3A_124 : i32
      %multiple_of3A = tpu.assume_multiple %mul3A_125, 8 : i32
      "tpu.region"() ({
        %run_scoped3A = tpu.sem_alloc : memref<!tpu.dma_semaphore, #tpu.memory_space<semaphore_mem>>
        %dma_start3A = arith.constant 0 : i32
        %dma_start3A_126 = tpu.memref_slice %arg9[%multiple_of3A, %dma_start3A] : memref<10000x128xf32, #tpu.memory_space<vmem_shared>> -> memref<80x128xf32, #tpu.memory_space<vmem_shared>>
        %dma_start3A_127 = arith.constant 0 : i32
        %dma_start3A_128 = tpu.memref_slice %arg9[%multiple_of3A, %dma_start3A_127] : memref<10000x128xf32, #tpu.memory_space<vmem_shared>> -> memref<80x128xf32, #tpu.memory_space<vmem_shared>>
        tpu.enqueue_dma source(%arg8 : memref<80x128xf32, #tpu.memory_space<vmem>>) target(%dma_start3A_128 : memref<80x128xf32, #tpu.memory_space<vmem_shared>>) target_semaphore(%run_scoped3A : memref<!tpu.dma_semaphore, #tpu.memory_space<semaphore_mem>>)
        %dma_wait3A = arith.constant 0 : i32
        %dma_wait3A_129 = tpu.memref_slice %arg9[%multiple_of3A, %dma_wait3A] : memref<10000x128xf32, #tpu.memory_space<vmem_shared>> -> memref<80x128xf32, #tpu.memory_space<vmem_shared>>
        %dma_wait3A_130 = arith.constant 0 : i32
        %dma_wait3A_131 = tpu.memref_slice %arg9[%multiple_of3A, %dma_wait3A_130] : memref<10000x128xf32, #tpu.memory_space<vmem_shared>> -> memref<80x128xf32, #tpu.memory_space<vmem_shared>>
        tpu.wait_dma2 semaphore(%run_scoped3A : memref<!tpu.dma_semaphore, #tpu.memory_space<semaphore_mem>>) src(%arg8 : memref<80x128xf32, #tpu.memory_space<vmem>>) dst(%dma_wait3A_131 : memref<80x128xf32, #tpu.memory_space<vmem_shared>>)
        tpu.yield
      }) : () -> ()
    } else {
    }
    %add3A_22 = arith.constant 48 : i32
    %add3A_23 = arith.addi %arg1, %add3A_22 : i32
    %lt3A_24 = arith.constant 125 : i32
    %lt3A_25 = arith.cmpi slt, %add3A_23, %lt3A_24 : i32
    %convert_element_type3A_26 = arith.extui %lt3A_25 : i1 to i32
    %cond3A_27 = arith.constant 0 : i32
    %cond3A_28 = arith.cmpi ne, %convert_element_type3A_26, %cond3A_27 : i32
    scf.if %cond3A_28 {
      %mul3A_124 = arith.constant 80 : i32
      %mul3A_125 = arith.muli %add3A_23, %mul3A_124 : i32
      %multiple_of3A = tpu.assume_multiple %mul3A_125, 8 : i32
      "tpu.region"() ({
        %run_scoped3A = tpu.sem_alloc : memref<!tpu.dma_semaphore, #tpu.memory_space<semaphore_mem>>
        %dma_start3A = arith.constant 0 : i32
        %dma_start3A_126 = tpu.memref_slice %arg9[%multiple_of3A, %dma_start3A] : memref<10000x128xf32, #tpu.memory_space<vmem_shared>> -> memref<80x128xf32, #tpu.memory_space<vmem_shared>>
        %dma_start3A_127 = arith.constant 0 : i32
        %dma_start3A_128 = tpu.memref_slice %arg9[%multiple_of3A, %dma_start3A_127] : memref<10000x128xf32, #tpu.memory_space<vmem_shared>> -> memref<80x128xf32, #tpu.memory_space<vmem_shared>>
        tpu.enqueue_dma source(%arg8 : memref<80x128xf32, #tpu.memory_space<vmem>>) target(%dma_start3A_128 : memref<80x128xf32, #tpu.memory_space<vmem_shared>>) target_semaphore(%run_scoped3A : memref<!tpu.dma_semaphore, #tpu.memory_space<semaphore_mem>>)
        %dma_wait3A = arith.constant 0 : i32
        %dma_wait3A_129 = tpu.memref_slice %arg9[%multiple_of3A, %dma_wait3A] : memref<10000x128xf32, #tpu.memory_space<vmem_shared>> -> memref<80x128xf32, #tpu.memory_space<vmem_shared>>
        %dma_wait3A_130 = arith.constant 0 : i32
        %dma_wait3A_131 = tpu.memref_slice %arg9[%multiple_of3A, %dma_wait3A_130] : memref<10000x128xf32, #tpu.memory_space<vmem_shared>> -> memref<80x128xf32, #tpu.memory_space<vmem_shared>>
        tpu.wait_dma2 semaphore(%run_scoped3A : memref<!tpu.dma_semaphore, #tpu.memory_space<semaphore_mem>>) src(%arg8 : memref<80x128xf32, #tpu.memory_space<vmem>>) dst(%dma_wait3A_131 : memref<80x128xf32, #tpu.memory_space<vmem_shared>>)
        tpu.yield
      }) : () -> ()
    } else {
    }
    %add3A_29 = arith.constant 64 : i32
    %add3A_30 = arith.addi %arg1, %add3A_29 : i32
    %lt3A_31 = arith.constant 125 : i32
    %lt3A_32 = arith.cmpi slt, %add3A_30, %lt3A_31 : i32
    %convert_element_type3A_33 = arith.extui %lt3A_32 : i1 to i32
    %cond3A_34 = arith.constant 0 : i32
    %cond3A_35 = arith.cmpi ne, %convert_element_type3A_33, %cond3A_34 : i32
    scf.if %cond3A_35 {
      %mul3A_124 = arith.constant 80 : i32
      %mul3A_125 = arith.muli %add3A_30, %mul3A_124 : i32
      %multiple_of3A = tpu.assume_multiple %mul3A_125, 8 : i32
      "tpu.region"() ({
        %run_scoped3A = tpu.sem_alloc : memref<!tpu.dma_semaphore, #tpu.memory_space<semaphore_mem>>
        %dma_start3A = arith.constant 0 : i32
        %dma_start3A_126 = tpu.memref_slice %arg9[%multiple_of3A, %dma_start3A] : memref<10000x128xf32, #tpu.memory_space<vmem_shared>> -> memref<80x128xf32, #tpu.memory_space<vmem_shared>>
        %dma_start3A_127 = arith.constant 0 : i32
        %dma_start3A_128 = tpu.memref_slice %arg9[%multiple_of3A, %dma_start3A_127] : memref<10000x128xf32, #tpu.memory_space<vmem_shared>> -> memref<80x128xf32, #tpu.memory_space<vmem_shared>>
        tpu.enqueue_dma source(%arg8 : memref<80x128xf32, #tpu.memory_space<vmem>>) target(%dma_start3A_128 : memref<80x128xf32, #tpu.memory_space<vmem_shared>>) target_semaphore(%run_scoped3A : memref<!tpu.dma_semaphore, #tpu.memory_space<semaphore_mem>>)
        %dma_wait3A = arith.constant 0 : i32
        %dma_wait3A_129 = tpu.memref_slice %arg9[%multiple_of3A, %dma_wait3A] : memref<10000x128xf32, #tpu.memory_space<vmem_shared>> -> memref<80x128xf32, #tpu.memory_space<vmem_shared>>
        %dma_wait3A_130 = arith.constant 0 : i32
        %dma_wait3A_131 = tpu.memref_slice %arg9[%multiple_of3A, %dma_wait3A_130] : memref<10000x128xf32, #tpu.memory_space<vmem_shared>> -> memref<80x128xf32, #tpu.memory_space<vmem_shared>>
        tpu.wait_dma2 semaphore(%run_scoped3A : memref<!tpu.dma_semaphore, #tpu.memory_space<semaphore_mem>>) src(%arg8 : memref<80x128xf32, #tpu.memory_space<vmem>>) dst(%dma_wait3A_131 : memref<80x128xf32, #tpu.memory_space<vmem_shared>>)
        tpu.yield
      }) : () -> ()
    } else {
    }
    %add3A_36 = arith.constant 80 : i32
    %add3A_37 = arith.addi %arg1, %add3A_36 : i32
    %lt3A_38 = arith.constant 125 : i32
    %lt3A_39 = arith.cmpi slt, %add3A_37, %lt3A_38 : i32
    %convert_element_type3A_40 = arith.extui %lt3A_39 : i1 to i32
    %cond3A_41 = arith.constant 0 : i32
    %cond3A_42 = arith.cmpi ne, %convert_element_type3A_40, %cond3A_41 : i32
    scf.if %cond3A_42 {
      %mul3A_124 = arith.constant 80 : i32
      %mul3A_125 = arith.muli %add3A_37, %mul3A_124 : i32
      %multiple_of3A = tpu.assume_multiple %mul3A_125, 8 : i32
      "tpu.region"() ({
        %run_scoped3A = tpu.sem_alloc : memref<!tpu.dma_semaphore, #tpu.memory_space<semaphore_mem>>
        %dma_start3A = arith.constant 0 : i32
        %dma_start3A_126 = tpu.memref_slice %arg9[%multiple_of3A, %dma_start3A] : memref<10000x128xf32, #tpu.memory_space<vmem_shared>> -> memref<80x128xf32, #tpu.memory_space<vmem_shared>>
        %dma_start3A_127 = arith.constant 0 : i32
        %dma_start3A_128 = tpu.memref_slice %arg9[%multiple_of3A, %dma_start3A_127] : memref<10000x128xf32, #tpu.memory_space<vmem_shared>> -> memref<80x128xf32, #tpu.memory_space<vmem_shared>>
        tpu.enqueue_dma source(%arg8 : memref<80x128xf32, #tpu.memory_space<vmem>>) target(%dma_start3A_128 : memref<80x128xf32, #tpu.memory_space<vmem_shared>>) target_semaphore(%run_scoped3A : memref<!tpu.dma_semaphore, #tpu.memory_space<semaphore_mem>>)
        %dma_wait3A = arith.constant 0 : i32
        %dma_wait3A_129 = tpu.memref_slice %arg9[%multiple_of3A, %dma_wait3A] : memref<10000x128xf32, #tpu.memory_space<vmem_shared>> -> memref<80x128xf32, #tpu.memory_space<vmem_shared>>
        %dma_wait3A_130 = arith.constant 0 : i32
        %dma_wait3A_131 = tpu.memref_slice %arg9[%multiple_of3A, %dma_wait3A_130] : memref<10000x128xf32, #tpu.memory_space<vmem_shared>> -> memref<80x128xf32, #tpu.memory_space<vmem_shared>>
        tpu.wait_dma2 semaphore(%run_scoped3A : memref<!tpu.dma_semaphore, #tpu.memory_space<semaphore_mem>>) src(%arg8 : memref<80x128xf32, #tpu.memory_space<vmem>>) dst(%dma_wait3A_131 : memref<80x128xf32, #tpu.memory_space<vmem_shared>>)
        tpu.yield
      }) : () -> ()
    } else {
    }
    %add3A_43 = arith.constant 96 : i32
    %add3A_44 = arith.addi %arg1, %add3A_43 : i32
    %lt3A_45 = arith.constant 125 : i32
    %lt3A_46 = arith.cmpi slt, %add3A_44, %lt3A_45 : i32
    %convert_element_type3A_47 = arith.extui %lt3A_46 : i1 to i32
    %cond3A_48 = arith.constant 0 : i32
    %cond3A_49 = arith.cmpi ne, %convert_element_type3A_47, %cond3A_48 : i32
    scf.if %cond3A_49 {
      %mul3A_124 = arith.constant 80 : i32
      %mul3A_125 = arith.muli %add3A_44, %mul3A_124 : i32
      %multiple_of3A = tpu.assume_multiple %mul3A_125, 8 : i32
      "tpu.region"() ({
        %run_scoped3A = tpu.sem_alloc : memref<!tpu.dma_semaphore, #tpu.memory_space<semaphore_mem>>
        %dma_start3A = arith.constant 0 : i32
        %dma_start3A_126 = tpu.memref_slice %arg9[%multiple_of3A, %dma_start3A] : memref<10000x128xf32, #tpu.memory_space<vmem_shared>> -> memref<80x128xf32, #tpu.memory_space<vmem_shared>>
        %dma_start3A_127 = arith.constant 0 : i32
        %dma_start3A_128 = tpu.memref_slice %arg9[%multiple_of3A, %dma_start3A_127] : memref<10000x128xf32, #tpu.memory_space<vmem_shared>> -> memref<80x128xf32, #tpu.memory_space<vmem_shared>>
        tpu.enqueue_dma source(%arg8 : memref<80x128xf32, #tpu.memory_space<vmem>>) target(%dma_start3A_128 : memref<80x128xf32, #tpu.memory_space<vmem_shared>>) target_semaphore(%run_scoped3A : memref<!tpu.dma_semaphore, #tpu.memory_space<semaphore_mem>>)
        %dma_wait3A = arith.constant 0 : i32
        %dma_wait3A_129 = tpu.memref_slice %arg9[%multiple_of3A, %dma_wait3A] : memref<10000x128xf32, #tpu.memory_space<vmem_shared>> -> memref<80x128xf32, #tpu.memory_space<vmem_shared>>
        %dma_wait3A_130 = arith.constant 0 : i32
        %dma_wait3A_131 = tpu.memref_slice %arg9[%multiple_of3A, %dma_wait3A_130] : memref<10000x128xf32, #tpu.memory_space<vmem_shared>> -> memref<80x128xf32, #tpu.memory_space<vmem_shared>>
        tpu.wait_dma2 semaphore(%run_scoped3A : memref<!tpu.dma_semaphore, #tpu.memory_space<semaphore_mem>>) src(%arg8 : memref<80x128xf32, #tpu.memory_space<vmem>>) dst(%dma_wait3A_131 : memref<80x128xf32, #tpu.memory_space<vmem_shared>>)
        tpu.yield
      }) : () -> ()
    } else {
    }
    %add3A_50 = arith.constant 112 : i32
    %add3A_51 = arith.addi %arg1, %add3A_50 : i32
    %lt3A_52 = arith.constant 125 : i32
    %lt3A_53 = arith.cmpi slt, %add3A_51, %lt3A_52 : i32
    %convert_element_type3A_54 = arith.extui %lt3A_53 : i1 to i32
    %cond3A_55 = arith.constant 0 : i32
    %cond3A_56 = arith.cmpi ne, %convert_element_type3A_54, %cond3A_55 : i32
    scf.if %cond3A_56 {
      %mul3A_124 = arith.constant 80 : i32
      %mul3A_125 = arith.muli %add3A_51, %mul3A_124 : i32
      %multiple_of3A = tpu.assume_multiple %mul3A_125, 8 : i32
      "tpu.region"() ({
        %run_scoped3A = tpu.sem_alloc : memref<!tpu.dma_semaphore, #tpu.memory_space<semaphore_mem>>
        %dma_start3A = arith.constant 0 : i32
        %dma_start3A_126 = tpu.memref_slice %arg9[%multiple_of3A, %dma_start3A] : memref<10000x128xf32, #tpu.memory_space<vmem_shared>> -> memref<80x128xf32, #tpu.memory_space<vmem_shared>>
        %dma_start3A_127 = arith.constant 0 : i32
        %dma_start3A_128 = tpu.memref_slice %arg9[%multiple_of3A, %dma_start3A_127] : memref<10000x128xf32, #tpu.memory_space<vmem_shared>> -> memref<80x128xf32, #tpu.memory_space<vmem_shared>>
        tpu.enqueue_dma source(%arg8 : memref<80x128xf32, #tpu.memory_space<vmem>>) target(%dma_start3A_128 : memref<80x128xf32, #tpu.memory_space<vmem_shared>>) target_semaphore(%run_scoped3A : memref<!tpu.dma_semaphore, #tpu.memory_space<semaphore_mem>>)
        %dma_wait3A = arith.constant 0 : i32
        %dma_wait3A_129 = tpu.memref_slice %arg9[%multiple_of3A, %dma_wait3A] : memref<10000x128xf32, #tpu.memory_space<vmem_shared>> -> memref<80x128xf32, #tpu.memory_space<vmem_shared>>
        %dma_wait3A_130 = arith.constant 0 : i32
        %dma_wait3A_131 = tpu.memref_slice %arg9[%multiple_of3A, %dma_wait3A_130] : memref<10000x128xf32, #tpu.memory_space<vmem_shared>> -> memref<80x128xf32, #tpu.memory_space<vmem_shared>>
        tpu.wait_dma2 semaphore(%run_scoped3A : memref<!tpu.dma_semaphore, #tpu.memory_space<semaphore_mem>>) src(%arg8 : memref<80x128xf32, #tpu.memory_space<vmem>>) dst(%dma_wait3A_131 : memref<80x128xf32, #tpu.memory_space<vmem_shared>>)
        tpu.yield
      }) : () -> ()
    } else {
    }
    %barrier3A = arith.constant 0 : index
    tpu.barrier barrier_id(%barrier3A)
    %mul3A = arith.constant 16 : i32
    %mul3A_57 = arith.muli %arg0, %mul3A : i32
    %add3A_58 = arith.addi %mul3A_57, %arg1 : i32
    %mul3A_59 = arith.constant 10000 : i32
    %mul3A_60 = arith.muli %add3A_58, %mul3A_59 : i32
    %scan3A_61 = arith.constant 0 : i32
    %scan3A_62 = arith.constant 0 : i32
    %scan3A_63 = arith.constant 125 : i32
    %scan3A_64 = arith.addi %scan3A_62, %scan3A_63 : i32
    %scan3A_65 = arith.constant 1 : i32
    scf.for %scan3A_124 = %scan3A_62 to %scan3A_64 step %scan3A_65  : i32 {
      %mul3A_125 = arith.constant 80 : i32
      %mul3A_126 = arith.muli %scan3A_124, %mul3A_125 : i32
      %add3A_127 = arith.addi %mul3A_60, %mul3A_126 : i32
      %multiple_of3A = tpu.assume_multiple %add3A_127, 8 : i32
      "tpu.region"() ({
        %run_scoped3A = tpu.sem_alloc : memref<!tpu.dma_semaphore, #tpu.memory_space<semaphore_mem>>
        %dma_start3A_132 = tpu.memref_slice %arg3[%multiple_of3A] : memref<320000xi32, #tpu.memory_space<hbm>> -> memref<80xi32, #tpu.memory_space<hbm>>
        %dma_start3A_133 = tpu.memref_slice %arg3[%multiple_of3A] : memref<320000xi32, #tpu.memory_space<hbm>> -> memref<80xi32, #tpu.memory_space<hbm>>
        tpu.enqueue_dma source(%dma_start3A_133 : memref<80xi32, #tpu.memory_space<hbm>>) target(%arg6 : memref<80xi32, #tpu.memory_space<vmem>>) target_semaphore(%run_scoped3A : memref<!tpu.dma_semaphore, #tpu.memory_space<semaphore_mem>>)
        %dma_wait3A_134 = tpu.memref_slice %arg3[%multiple_of3A] : memref<320000xi32, #tpu.memory_space<hbm>> -> memref<80xi32, #tpu.memory_space<hbm>>
        %dma_wait3A_135 = tpu.memref_slice %arg3[%multiple_of3A] : memref<320000xi32, #tpu.memory_space<hbm>> -> memref<80xi32, #tpu.memory_space<hbm>>
        tpu.wait_dma2 semaphore(%run_scoped3A : memref<!tpu.dma_semaphore, #tpu.memory_space<semaphore_mem>>) src(%dma_wait3A_135 : memref<80xi32, #tpu.memory_space<hbm>>) dst(%arg6 : memref<80xi32, #tpu.memory_space<vmem>>)
        tpu.yield
      }) : () -> ()
      "tpu.region"() ({
        %run_scoped3A = tpu.sem_alloc : memref<!tpu.dma_semaphore, #tpu.memory_space<semaphore_mem>>
        %dma_start3A_132 = tpu.memref_slice %arg4[%multiple_of3A] : memref<320000xi32, #tpu.memory_space<hbm>> -> memref<80xi32, #tpu.memory_space<hbm>>
        %dma_start3A_133 = tpu.memref_slice %arg4[%multiple_of3A] : memref<320000xi32, #tpu.memory_space<hbm>> -> memref<80xi32, #tpu.memory_space<hbm>>
        tpu.enqueue_dma source(%dma_start3A_133 : memref<80xi32, #tpu.memory_space<hbm>>) target(%arg7 : memref<80xi32, #tpu.memory_space<vmem>>) target_semaphore(%run_scoped3A : memref<!tpu.dma_semaphore, #tpu.memory_space<semaphore_mem>>)
        %dma_wait3A_134 = tpu.memref_slice %arg4[%multiple_of3A] : memref<320000xi32, #tpu.memory_space<hbm>> -> memref<80xi32, #tpu.memory_space<hbm>>
        %dma_wait3A_135 = tpu.memref_slice %arg4[%multiple_of3A] : memref<320000xi32, #tpu.memory_space<hbm>> -> memref<80xi32, #tpu.memory_space<hbm>>
        tpu.wait_dma2 semaphore(%run_scoped3A : memref<!tpu.dma_semaphore, #tpu.memory_space<semaphore_mem>>) src(%dma_wait3A_135 : memref<80xi32, #tpu.memory_space<hbm>>) dst(%arg7 : memref<80xi32, #tpu.memory_space<vmem>>)
        tpu.yield
      }) : () -> ()
      %dma_start3A = arith.constant 0 : i32
      %dma_start3A_128 = arith.constant 0 : i32
      %dma_start3A_129 = tpu.memref_slice %arg2[%dma_start3A, %dma_start3A_128] : memref<10000x128xf32, #tpu.memory_space<hbm>> -> memref<10000x128xf32, #tpu.memory_space<hbm>>
      tpu.enqueue_indirect_dma source(%dma_start3A_129 : memref<10000x128xf32, #tpu.memory_space<hbm>>) target(%arg8 : memref<80x128xf32, #tpu.memory_space<vmem>>) offsets(%arg6 : memref<80xi32, #tpu.memory_space<vmem>>) semaphore(%arg10 : memref<!tpu.dma_semaphore, #tpu.memory_space<semaphore_mem>>)
      %dma_wait3A = arith.constant 0 : i32
      %dma_wait3A_130 = arith.constant 0 : i32
      %dma_wait3A_131 = tpu.memref_slice %arg2[%dma_wait3A, %dma_wait3A_130] : memref<10000x128xf32, #tpu.memory_space<hbm>> -> memref<10000x128xf32, #tpu.memory_space<hbm>>
      tpu.wait_indirect_dma semaphore(%arg10 : memref<!tpu.dma_semaphore, #tpu.memory_space<semaphore_mem>>) src(%dma_wait3A_131 : memref<10000x128xf32, #tpu.memory_space<hbm>>) dst(%arg8 : memref<80x128xf32, #tpu.memory_space<vmem>>)
      "tpu.region"() ({
        %run_scoped3A = tpu.sem_alloc : memref<!tpu.dma_semaphore, #tpu.memory_space<semaphore_mem>>
        %dma_start3A_132 = arith.constant 0 : i32
        %dma_start3A_133 = arith.constant 0 : i32
        %dma_start3A_134 = tpu.memref_slice %arg9[%dma_start3A_132, %dma_start3A_133] : memref<10000x128xf32, #tpu.memory_space<vmem_shared>> -> memref<10000x128xf32, #tpu.memory_space<vmem_shared>>
        tpu.enqueue_indirect_dma source(%arg8 : memref<80x128xf32, #tpu.memory_space<vmem>>) target(%dma_start3A_134 : memref<10000x128xf32, #tpu.memory_space<vmem_shared>>) offsets(%arg7 : memref<80xi32, #tpu.memory_space<vmem>>) semaphore(%run_scoped3A : memref<!tpu.dma_semaphore, #tpu.memory_space<semaphore_mem>>) {add = true}
        %dma_wait3A_135 = arith.constant 0 : i32
        %dma_wait3A_136 = arith.constant 0 : i32
        %dma_wait3A_137 = tpu.memref_slice %arg9[%dma_wait3A_135, %dma_wait3A_136] : memref<10000x128xf32, #tpu.memory_space<vmem_shared>> -> memref<10000x128xf32, #tpu.memory_space<vmem_shared>>
        tpu.wait_indirect_dma semaphore(%run_scoped3A : memref<!tpu.dma_semaphore, #tpu.memory_space<semaphore_mem>>) src(%arg8 : memref<80x128xf32, #tpu.memory_space<vmem>>) dst(%dma_wait3A_137 : memref<10000x128xf32, #tpu.memory_space<vmem_shared>>)
        tpu.yield
      }) : () -> ()
    }
    %scan3A_66 = arith.constant 125 : i32
    %barrier3A_67 = arith.constant 0 : index
    tpu.barrier barrier_id(%barrier3A_67)
    %add3A_68 = arith.constant 0 : i32
    %add3A_69 = arith.addi %arg1, %add3A_68 : i32
    %lt3A_70 = arith.constant 125 : i32
    %lt3A_71 = arith.cmpi slt, %add3A_69, %lt3A_70 : i32
    %convert_element_type3A_72 = arith.extui %lt3A_71 : i1 to i32
    %cond3A_73 = arith.constant 0 : i32
    %cond3A_74 = arith.cmpi ne, %convert_element_type3A_72, %cond3A_73 : i32
    scf.if %cond3A_74 {
      %mul3A_124 = arith.constant 80 : i32
      %mul3A_125 = arith.muli %add3A_69, %mul3A_124 : i32
      %multiple_of3A = tpu.assume_multiple %mul3A_125, 8 : i32
      "tpu.region"() ({
        %run_scoped3A = tpu.sem_alloc : memref<!tpu.dma_semaphore, #tpu.memory_space<semaphore_mem>>
        %dma_start3A = arith.constant 0 : i32
        %dma_start3A_126 = tpu.memref_slice %arg5[%arg0, %multiple_of3A, %dma_start3A] : memref<2x10000x128xf32, #tpu.memory_space<hbm>> -> memref<1x80x128xf32, #tpu.memory_space<hbm>>
        %dma_start3A_127 = tpu.memref_squeeze %dma_start3A_126 : memref<1x80x128xf32, #tpu.memory_space<hbm>> -> memref<80x128xf32, #tpu.memory_space<hbm>>
        %dma_start3A_128 = arith.constant 0 : i32
        %dma_start3A_129 = tpu.memref_slice %arg9[%multiple_of3A, %dma_start3A_128] : memref<10000x128xf32, #tpu.memory_space<vmem_shared>> -> memref<80x128xf32, #tpu.memory_space<vmem_shared>>
        tpu.enqueue_dma source(%dma_start3A_129 : memref<80x128xf32, #tpu.memory_space<vmem_shared>>) target(%dma_start3A_127 : memref<80x128xf32, #tpu.memory_space<hbm>>) target_semaphore(%run_scoped3A : memref<!tpu.dma_semaphore, #tpu.memory_space<semaphore_mem>>)
        %dma_wait3A = arith.constant 0 : i32
        %dma_wait3A_130 = tpu.memref_slice %arg5[%arg0, %multiple_of3A, %dma_wait3A] : memref<2x10000x128xf32, #tpu.memory_space<hbm>> -> memref<1x80x128xf32, #tpu.memory_space<hbm>>
        %dma_wait3A_131 = tpu.memref_squeeze %dma_wait3A_130 : memref<1x80x128xf32, #tpu.memory_space<hbm>> -> memref<80x128xf32, #tpu.memory_space<hbm>>
        %dma_wait3A_132 = arith.constant 0 : i32
        %dma_wait3A_133 = tpu.memref_slice %arg9[%multiple_of3A, %dma_wait3A_132] : memref<10000x128xf32, #tpu.memory_space<vmem_shared>> -> memref<80x128xf32, #tpu.memory_space<vmem_shared>>
        tpu.wait_dma2 semaphore(%run_scoped3A : memref<!tpu.dma_semaphore, #tpu.memory_space<semaphore_mem>>) src(%dma_wait3A_133 : memref<80x128xf32, #tpu.memory_space<vmem_shared>>) dst(%dma_wait3A_131 : memref<80x128xf32, #tpu.memory_space<hbm>>)
        tpu.yield
      }) : () -> ()
    } else {
    }
    %add3A_75 = arith.constant 16 : i32
    %add3A_76 = arith.addi %arg1, %add3A_75 : i32
    %lt3A_77 = arith.constant 125 : i32
    %lt3A_78 = arith.cmpi slt, %add3A_76, %lt3A_77 : i32
    %convert_element_type3A_79 = arith.extui %lt3A_78 : i1 to i32
    %cond3A_80 = arith.constant 0 : i32
    %cond3A_81 = arith.cmpi ne, %convert_element_type3A_79, %cond3A_80 : i32
    scf.if %cond3A_81 {
      %mul3A_124 = arith.constant 80 : i32
      %mul3A_125 = arith.muli %add3A_76, %mul3A_124 : i32
      %multiple_of3A = tpu.assume_multiple %mul3A_125, 8 : i32
      "tpu.region"() ({
        %run_scoped3A = tpu.sem_alloc : memref<!tpu.dma_semaphore, #tpu.memory_space<semaphore_mem>>
        %dma_start3A = arith.constant 0 : i32
        %dma_start3A_126 = tpu.memref_slice %arg5[%arg0, %multiple_of3A, %dma_start3A] : memref<2x10000x128xf32, #tpu.memory_space<hbm>> -> memref<1x80x128xf32, #tpu.memory_space<hbm>>
        %dma_start3A_127 = tpu.memref_squeeze %dma_start3A_126 : memref<1x80x128xf32, #tpu.memory_space<hbm>> -> memref<80x128xf32, #tpu.memory_space<hbm>>
        %dma_start3A_128 = arith.constant 0 : i32
        %dma_start3A_129 = tpu.memref_slice %arg9[%multiple_of3A, %dma_start3A_128] : memref<10000x128xf32, #tpu.memory_space<vmem_shared>> -> memref<80x128xf32, #tpu.memory_space<vmem_shared>>
        tpu.enqueue_dma source(%dma_start3A_129 : memref<80x128xf32, #tpu.memory_space<vmem_shared>>) target(%dma_start3A_127 : memref<80x128xf32, #tpu.memory_space<hbm>>) target_semaphore(%run_scoped3A : memref<!tpu.dma_semaphore, #tpu.memory_space<semaphore_mem>>)
        %dma_wait3A = arith.constant 0 : i32
        %dma_wait3A_130 = tpu.memref_slice %arg5[%arg0, %multiple_of3A, %dma_wait3A] : memref<2x10000x128xf32, #tpu.memory_space<hbm>> -> memref<1x80x128xf32, #tpu.memory_space<hbm>>
        %dma_wait3A_131 = tpu.memref_squeeze %dma_wait3A_130 : memref<1x80x128xf32, #tpu.memory_space<hbm>> -> memref<80x128xf32, #tpu.memory_space<hbm>>
        %dma_wait3A_132 = arith.constant 0 : i32
        %dma_wait3A_133 = tpu.memref_slice %arg9[%multiple_of3A, %dma_wait3A_132] : memref<10000x128xf32, #tpu.memory_space<vmem_shared>> -> memref<80x128xf32, #tpu.memory_space<vmem_shared>>
        tpu.wait_dma2 semaphore(%run_scoped3A : memref<!tpu.dma_semaphore, #tpu.memory_space<semaphore_mem>>) src(%dma_wait3A_133 : memref<80x128xf32, #tpu.memory_space<vmem_shared>>) dst(%dma_wait3A_131 : memref<80x128xf32, #tpu.memory_space<hbm>>)
        tpu.yield
      }) : () -> ()
    } else {
    }
    %add3A_82 = arith.constant 32 : i32
    %add3A_83 = arith.addi %arg1, %add3A_82 : i32
    %lt3A_84 = arith.constant 125 : i32
    %lt3A_85 = arith.cmpi slt, %add3A_83, %lt3A_84 : i32
    %convert_element_type3A_86 = arith.extui %lt3A_85 : i1 to i32
    %cond3A_87 = arith.constant 0 : i32
    %cond3A_88 = arith.cmpi ne, %convert_element_type3A_86, %cond3A_87 : i32
    scf.if %cond3A_88 {
      %mul3A_124 = arith.constant 80 : i32
      %mul3A_125 = arith.muli %add3A_83, %mul3A_124 : i32
      %multiple_of3A = tpu.assume_multiple %mul3A_125, 8 : i32
      "tpu.region"() ({
        %run_scoped3A = tpu.sem_alloc : memref<!tpu.dma_semaphore, #tpu.memory_space<semaphore_mem>>
        %dma_start3A = arith.constant 0 : i32
        %dma_start3A_126 = tpu.memref_slice %arg5[%arg0, %multiple_of3A, %dma_start3A] : memref<2x10000x128xf32, #tpu.memory_space<hbm>> -> memref<1x80x128xf32, #tpu.memory_space<hbm>>
        %dma_start3A_127 = tpu.memref_squeeze %dma_start3A_126 : memref<1x80x128xf32, #tpu.memory_space<hbm>> -> memref<80x128xf32, #tpu.memory_space<hbm>>
        %dma_start3A_128 = arith.constant 0 : i32
        %dma_start3A_129 = tpu.memref_slice %arg9[%multiple_of3A, %dma_start3A_128] : memref<10000x128xf32, #tpu.memory_space<vmem_shared>> -> memref<80x128xf32, #tpu.memory_space<vmem_shared>>
        tpu.enqueue_dma source(%dma_start3A_129 : memref<80x128xf32, #tpu.memory_space<vmem_shared>>) target(%dma_start3A_127 : memref<80x128xf32, #tpu.memory_space<hbm>>) target_semaphore(%run_scoped3A : memref<!tpu.dma_semaphore, #tpu.memory_space<semaphore_mem>>)
        %dma_wait3A = arith.constant 0 : i32
        %dma_wait3A_130 = tpu.memref_slice %arg5[%arg0, %multiple_of3A, %dma_wait3A] : memref<2x10000x128xf32, #tpu.memory_space<hbm>> -> memref<1x80x128xf32, #tpu.memory_space<hbm>>
        %dma_wait3A_131 = tpu.memref_squeeze %dma_wait3A_130 : memref<1x80x128xf32, #tpu.memory_space<hbm>> -> memref<80x128xf32, #tpu.memory_space<hbm>>
        %dma_wait3A_132 = arith.constant 0 : i32
        %dma_wait3A_133 = tpu.memref_slice %arg9[%multiple_of3A, %dma_wait3A_132] : memref<10000x128xf32, #tpu.memory_space<vmem_shared>> -> memref<80x128xf32, #tpu.memory_space<vmem_shared>>
        tpu.wait_dma2 semaphore(%run_scoped3A : memref<!tpu.dma_semaphore, #tpu.memory_space<semaphore_mem>>) src(%dma_wait3A_133 : memref<80x128xf32, #tpu.memory_space<vmem_shared>>) dst(%dma_wait3A_131 : memref<80x128xf32, #tpu.memory_space<hbm>>)
        tpu.yield
      }) : () -> ()
    } else {
    }
    %add3A_89 = arith.constant 48 : i32
    %add3A_90 = arith.addi %arg1, %add3A_89 : i32
    %lt3A_91 = arith.constant 125 : i32
    %lt3A_92 = arith.cmpi slt, %add3A_90, %lt3A_91 : i32
    %convert_element_type3A_93 = arith.extui %lt3A_92 : i1 to i32
    %cond3A_94 = arith.constant 0 : i32
    %cond3A_95 = arith.cmpi ne, %convert_element_type3A_93, %cond3A_94 : i32
    scf.if %cond3A_95 {
      %mul3A_124 = arith.constant 80 : i32
      %mul3A_125 = arith.muli %add3A_90, %mul3A_124 : i32
      %multiple_of3A = tpu.assume_multiple %mul3A_125, 8 : i32
      "tpu.region"() ({
        %run_scoped3A = tpu.sem_alloc : memref<!tpu.dma_semaphore, #tpu.memory_space<semaphore_mem>>
        %dma_start3A = arith.constant 0 : i32
        %dma_start3A_126 = tpu.memref_slice %arg5[%arg0, %multiple_of3A, %dma_start3A] : memref<2x10000x128xf32, #tpu.memory_space<hbm>> -> memref<1x80x128xf32, #tpu.memory_space<hbm>>
        %dma_start3A_127 = tpu.memref_squeeze %dma_start3A_126 : memref<1x80x128xf32, #tpu.memory_space<hbm>> -> memref<80x128xf32, #tpu.memory_space<hbm>>
        %dma_start3A_128 = arith.constant 0 : i32
        %dma_start3A_129 = tpu.memref_slice %arg9[%multiple_of3A, %dma_start3A_128] : memref<10000x128xf32, #tpu.memory_space<vmem_shared>> -> memref<80x128xf32, #tpu.memory_space<vmem_shared>>
        tpu.enqueue_dma source(%dma_start3A_129 : memref<80x128xf32, #tpu.memory_space<vmem_shared>>) target(%dma_start3A_127 : memref<80x128xf32, #tpu.memory_space<hbm>>) target_semaphore(%run_scoped3A : memref<!tpu.dma_semaphore, #tpu.memory_space<semaphore_mem>>)
        %dma_wait3A = arith.constant 0 : i32
        %dma_wait3A_130 = tpu.memref_slice %arg5[%arg0, %multiple_of3A, %dma_wait3A] : memref<2x10000x128xf32, #tpu.memory_space<hbm>> -> memref<1x80x128xf32, #tpu.memory_space<hbm>>
        %dma_wait3A_131 = tpu.memref_squeeze %dma_wait3A_130 : memref<1x80x128xf32, #tpu.memory_space<hbm>> -> memref<80x128xf32, #tpu.memory_space<hbm>>
        %dma_wait3A_132 = arith.constant 0 : i32
        %dma_wait3A_133 = tpu.memref_slice %arg9[%multiple_of3A, %dma_wait3A_132] : memref<10000x128xf32, #tpu.memory_space<vmem_shared>> -> memref<80x128xf32, #tpu.memory_space<vmem_shared>>
        tpu.wait_dma2 semaphore(%run_scoped3A : memref<!tpu.dma_semaphore, #tpu.memory_space<semaphore_mem>>) src(%dma_wait3A_133 : memref<80x128xf32, #tpu.memory_space<vmem_shared>>) dst(%dma_wait3A_131 : memref<80x128xf32, #tpu.memory_space<hbm>>)
        tpu.yield
      }) : () -> ()
    } else {
    }
    %add3A_96 = arith.constant 64 : i32
    %add3A_97 = arith.addi %arg1, %add3A_96 : i32
    %lt3A_98 = arith.constant 125 : i32
    %lt3A_99 = arith.cmpi slt, %add3A_97, %lt3A_98 : i32
    %convert_element_type3A_100 = arith.extui %lt3A_99 : i1 to i32
    %cond3A_101 = arith.constant 0 : i32
    %cond3A_102 = arith.cmpi ne, %convert_element_type3A_100, %cond3A_101 : i32
    scf.if %cond3A_102 {
      %mul3A_124 = arith.constant 80 : i32
      %mul3A_125 = arith.muli %add3A_97, %mul3A_124 : i32
      %multiple_of3A = tpu.assume_multiple %mul3A_125, 8 : i32
      "tpu.region"() ({
        %run_scoped3A = tpu.sem_alloc : memref<!tpu.dma_semaphore, #tpu.memory_space<semaphore_mem>>
        %dma_start3A = arith.constant 0 : i32
        %dma_start3A_126 = tpu.memref_slice %arg5[%arg0, %multiple_of3A, %dma_start3A] : memref<2x10000x128xf32, #tpu.memory_space<hbm>> -> memref<1x80x128xf32, #tpu.memory_space<hbm>>
        %dma_start3A_127 = tpu.memref_squeeze %dma_start3A_126 : memref<1x80x128xf32, #tpu.memory_space<hbm>> -> memref<80x128xf32, #tpu.memory_space<hbm>>
        %dma_start3A_128 = arith.constant 0 : i32
        %dma_start3A_129 = tpu.memref_slice %arg9[%multiple_of3A, %dma_start3A_128] : memref<10000x128xf32, #tpu.memory_space<vmem_shared>> -> memref<80x128xf32, #tpu.memory_space<vmem_shared>>
        tpu.enqueue_dma source(%dma_start3A_129 : memref<80x128xf32, #tpu.memory_space<vmem_shared>>) target(%dma_start3A_127 : memref<80x128xf32, #tpu.memory_space<hbm>>) target_semaphore(%run_scoped3A : memref<!tpu.dma_semaphore, #tpu.memory_space<semaphore_mem>>)
        %dma_wait3A = arith.constant 0 : i32
        %dma_wait3A_130 = tpu.memref_slice %arg5[%arg0, %multiple_of3A, %dma_wait3A] : memref<2x10000x128xf32, #tpu.memory_space<hbm>> -> memref<1x80x128xf32, #tpu.memory_space<hbm>>
        %dma_wait3A_131 = tpu.memref_squeeze %dma_wait3A_130 : memref<1x80x128xf32, #tpu.memory_space<hbm>> -> memref<80x128xf32, #tpu.memory_space<hbm>>
        %dma_wait3A_132 = arith.constant 0 : i32
        %dma_wait3A_133 = tpu.memref_slice %arg9[%multiple_of3A, %dma_wait3A_132] : memref<10000x128xf32, #tpu.memory_space<vmem_shared>> -> memref<80x128xf32, #tpu.memory_space<vmem_shared>>
        tpu.wait_dma2 semaphore(%run_scoped3A : memref<!tpu.dma_semaphore, #tpu.memory_space<semaphore_mem>>) src(%dma_wait3A_133 : memref<80x128xf32, #tpu.memory_space<vmem_shared>>) dst(%dma_wait3A_131 : memref<80x128xf32, #tpu.memory_space<hbm>>)
        tpu.yield
      }) : () -> ()
    } else {
    }
    %add3A_103 = arith.constant 80 : i32
    %add3A_104 = arith.addi %arg1, %add3A_103 : i32
    %lt3A_105 = arith.constant 125 : i32
    %lt3A_106 = arith.cmpi slt, %add3A_104, %lt3A_105 : i32
    %convert_element_type3A_107 = arith.extui %lt3A_106 : i1 to i32
    %cond3A_108 = arith.constant 0 : i32
    %cond3A_109 = arith.cmpi ne, %convert_element_type3A_107, %cond3A_108 : i32
    scf.if %cond3A_109 {
      %mul3A_124 = arith.constant 80 : i32
      %mul3A_125 = arith.muli %add3A_104, %mul3A_124 : i32
      %multiple_of3A = tpu.assume_multiple %mul3A_125, 8 : i32
      "tpu.region"() ({
        %run_scoped3A = tpu.sem_alloc : memref<!tpu.dma_semaphore, #tpu.memory_space<semaphore_mem>>
        %dma_start3A = arith.constant 0 : i32
        %dma_start3A_126 = tpu.memref_slice %arg5[%arg0, %multiple_of3A, %dma_start3A] : memref<2x10000x128xf32, #tpu.memory_space<hbm>> -> memref<1x80x128xf32, #tpu.memory_space<hbm>>
        %dma_start3A_127 = tpu.memref_squeeze %dma_start3A_126 : memref<1x80x128xf32, #tpu.memory_space<hbm>> -> memref<80x128xf32, #tpu.memory_space<hbm>>
        %dma_start3A_128 = arith.constant 0 : i32
        %dma_start3A_129 = tpu.memref_slice %arg9[%multiple_of3A, %dma_start3A_128] : memref<10000x128xf32, #tpu.memory_space<vmem_shared>> -> memref<80x128xf32, #tpu.memory_space<vmem_shared>>
        tpu.enqueue_dma source(%dma_start3A_129 : memref<80x128xf32, #tpu.memory_space<vmem_shared>>) target(%dma_start3A_127 : memref<80x128xf32, #tpu.memory_space<hbm>>) target_semaphore(%run_scoped3A : memref<!tpu.dma_semaphore, #tpu.memory_space<semaphore_mem>>)
        %dma_wait3A = arith.constant 0 : i32
        %dma_wait3A_130 = tpu.memref_slice %arg5[%arg0, %multiple_of3A, %dma_wait3A] : memref<2x10000x128xf32, #tpu.memory_space<hbm>> -> memref<1x80x128xf32, #tpu.memory_space<hbm>>
        %dma_wait3A_131 = tpu.memref_squeeze %dma_wait3A_130 : memref<1x80x128xf32, #tpu.memory_space<hbm>> -> memref<80x128xf32, #tpu.memory_space<hbm>>
        %dma_wait3A_132 = arith.constant 0 : i32
        %dma_wait3A_133 = tpu.memref_slice %arg9[%multiple_of3A, %dma_wait3A_132] : memref<10000x128xf32, #tpu.memory_space<vmem_shared>> -> memref<80x128xf32, #tpu.memory_space<vmem_shared>>
        tpu.wait_dma2 semaphore(%run_scoped3A : memref<!tpu.dma_semaphore, #tpu.memory_space<semaphore_mem>>) src(%dma_wait3A_133 : memref<80x128xf32, #tpu.memory_space<vmem_shared>>) dst(%dma_wait3A_131 : memref<80x128xf32, #tpu.memory_space<hbm>>)
        tpu.yield
      }) : () -> ()
    } else {
    }
    %add3A_110 = arith.constant 96 : i32
    %add3A_111 = arith.addi %arg1, %add3A_110 : i32
    %lt3A_112 = arith.constant 125 : i32
    %lt3A_113 = arith.cmpi slt, %add3A_111, %lt3A_112 : i32
    %convert_element_type3A_114 = arith.extui %lt3A_113 : i1 to i32
    %cond3A_115 = arith.constant 0 : i32
    %cond3A_116 = arith.cmpi ne, %convert_element_type3A_114, %cond3A_115 : i32
    scf.if %cond3A_116 {
      %mul3A_124 = arith.constant 80 : i32
      %mul3A_125 = arith.muli %add3A_111, %mul3A_124 : i32
      %multiple_of3A = tpu.assume_multiple %mul3A_125, 8 : i32
      "tpu.region"() ({
        %run_scoped3A = tpu.sem_alloc : memref<!tpu.dma_semaphore, #tpu.memory_space<semaphore_mem>>
        %dma_start3A = arith.constant 0 : i32
        %dma_start3A_126 = tpu.memref_slice %arg5[%arg0, %multiple_of3A, %dma_start3A] : memref<2x10000x128xf32, #tpu.memory_space<hbm>> -> memref<1x80x128xf32, #tpu.memory_space<hbm>>
        %dma_start3A_127 = tpu.memref_squeeze %dma_start3A_126 : memref<1x80x128xf32, #tpu.memory_space<hbm>> -> memref<80x128xf32, #tpu.memory_space<hbm>>
        %dma_start3A_128 = arith.constant 0 : i32
        %dma_start3A_129 = tpu.memref_slice %arg9[%multiple_of3A, %dma_start3A_128] : memref<10000x128xf32, #tpu.memory_space<vmem_shared>> -> memref<80x128xf32, #tpu.memory_space<vmem_shared>>
        tpu.enqueue_dma source(%dma_start3A_129 : memref<80x128xf32, #tpu.memory_space<vmem_shared>>) target(%dma_start3A_127 : memref<80x128xf32, #tpu.memory_space<hbm>>) target_semaphore(%run_scoped3A : memref<!tpu.dma_semaphore, #tpu.memory_space<semaphore_mem>>)
        %dma_wait3A = arith.constant 0 : i32
        %dma_wait3A_130 = tpu.memref_slice %arg5[%arg0, %multiple_of3A, %dma_wait3A] : memref<2x10000x128xf32, #tpu.memory_space<hbm>> -> memref<1x80x128xf32, #tpu.memory_space<hbm>>
        %dma_wait3A_131 = tpu.memref_squeeze %dma_wait3A_130 : memref<1x80x128xf32, #tpu.memory_space<hbm>> -> memref<80x128xf32, #tpu.memory_space<hbm>>
        %dma_wait3A_132 = arith.constant 0 : i32
        %dma_wait3A_133 = tpu.memref_slice %arg9[%multiple_of3A, %dma_wait3A_132] : memref<10000x128xf32, #tpu.memory_space<vmem_shared>> -> memref<80x128xf32, #tpu.memory_space<vmem_shared>>
        tpu.wait_dma2 semaphore(%run_scoped3A : memref<!tpu.dma_semaphore, #tpu.memory_space<semaphore_mem>>) src(%dma_wait3A_133 : memref<80x128xf32, #tpu.memory_space<vmem_shared>>) dst(%dma_wait3A_131 : memref<80x128xf32, #tpu.memory_space<hbm>>)
        tpu.yield
      }) : () -> ()
    } else {
    }
    %add3A_117 = arith.constant 112 : i32
    %add3A_118 = arith.addi %arg1, %add3A_117 : i32
    %lt3A_119 = arith.constant 125 : i32
    %lt3A_120 = arith.cmpi slt, %add3A_118, %lt3A_119 : i32
    %convert_element_type3A_121 = arith.extui %lt3A_120 : i1 to i32
    %cond3A_122 = arith.constant 0 : i32
    %cond3A_123 = arith.cmpi ne, %convert_element_type3A_121, %cond3A_122 : i32
    scf.if %cond3A_123 {
      %mul3A_124 = arith.constant 80 : i32
      %mul3A_125 = arith.muli %add3A_118, %mul3A_124 : i32
      %multiple_of3A = tpu.assume_multiple %mul3A_125, 8 : i32
      "tpu.region"() ({
        %run_scoped3A = tpu.sem_alloc : memref<!tpu.dma_semaphore, #tpu.memory_space<semaphore_mem>>
        %dma_start3A = arith.constant 0 : i32
        %dma_start3A_126 = tpu.memref_slice %arg5[%arg0, %multiple_of3A, %dma_start3A] : memref<2x10000x128xf32, #tpu.memory_space<hbm>> -> memref<1x80x128xf32, #tpu.memory_space<hbm>>
        %dma_start3A_127 = tpu.memref_squeeze %dma_start3A_126 : memref<1x80x128xf32, #tpu.memory_space<hbm>> -> memref<80x128xf32, #tpu.memory_space<hbm>>
        %dma_start3A_128 = arith.constant 0 : i32
        %dma_start3A_129 = tpu.memref_slice %arg9[%multiple_of3A, %dma_start3A_128] : memref<10000x128xf32, #tpu.memory_space<vmem_shared>> -> memref<80x128xf32, #tpu.memory_space<vmem_shared>>
        tpu.enqueue_dma source(%dma_start3A_129 : memref<80x128xf32, #tpu.memory_space<vmem_shared>>) target(%dma_start3A_127 : memref<80x128xf32, #tpu.memory_space<hbm>>) target_semaphore(%run_scoped3A : memref<!tpu.dma_semaphore, #tpu.memory_space<semaphore_mem>>)
        %dma_wait3A = arith.constant 0 : i32
        %dma_wait3A_130 = tpu.memref_slice %arg5[%arg0, %multiple_of3A, %dma_wait3A] : memref<2x10000x128xf32, #tpu.memory_space<hbm>> -> memref<1x80x128xf32, #tpu.memory_space<hbm>>
        %dma_wait3A_131 = tpu.memref_squeeze %dma_wait3A_130 : memref<1x80x128xf32, #tpu.memory_space<hbm>> -> memref<80x128xf32, #tpu.memory_space<hbm>>
        %dma_wait3A_132 = arith.constant 0 : i32
        %dma_wait3A_133 = tpu.memref_slice %arg9[%multiple_of3A, %dma_wait3A_132] : memref<10000x128xf32, #tpu.memory_space<vmem_shared>> -> memref<80x128xf32, #tpu.memory_space<vmem_shared>>
        tpu.wait_dma2 semaphore(%run_scoped3A : memref<!tpu.dma_semaphore, #tpu.memory_space<semaphore_mem>>) src(%dma_wait3A_133 : memref<80x128xf32, #tpu.memory_space<vmem_shared>>) dst(%dma_wait3A_131 : memref<80x128xf32, #tpu.memory_space<hbm>>)
        tpu.yield
      }) : () -> ()
    } else {
    }
    return
  }
}

#map = affine_map<(d0, d1) -> (0, 0)>
#map1 = affine_map<(d0, d1) -> (0)>
#map2 = affine_map<(d0, d1) -> (0, 0, 0)>
module attributes {stable_mosaic.version = 14 : i64} {
  func.func @_agg_body(%arg0: i32, %arg1: i32, %arg2: memref<10000x128xf32, #tpu.memory_space<hbm>>, %arg3: memref<320000xi32, #tpu.memory_space<hbm>>, %arg4: memref<320000xi32, #tpu.memory_space<hbm>>, %arg5: memref<2x10000x128xf32, #tpu.memory_space<hbm>>, %arg6: memref<80xi32, #tpu.memory_space<vmem>>, %arg7: memref<80xi32, #tpu.memory_space<vmem>>, %arg8: memref<80x128xf32, #tpu.memory_space<vmem>>, %arg9: memref<10000x128xf32, #tpu.memory_space<vmem_shared>>, %arg10: memref<!tpu.dma_semaphore, #tpu.memory_space<semaphore_mem>>) attributes {dimension_semantics = [#tpu.dimension_semantics<core_parallel>, #tpu.dimension_semantics<subcore_parallel>], iteration_bounds = array<i64: 2, 16>, scalar_prefetch = 0 : i64, scratch_operands = 5 : i64, tpu.core_type = #tpu.core_type<sc_vector_subcore>, window_params = [{transform_indices = #map}, {transform_indices = #map1}, {transform_indices = #map1}, {transform_indices = #map2}]} {
    %scan3A = arith.constant 0 : i32
    %scan3A_0 = arith.constant 0 : i32
    %scan3A_1 = arith.constant 80 : i32
    %scan3A_2 = arith.addi %scan3A_0, %scan3A_1 : i32
    %scan3A_3 = arith.constant 1 : i32
    scf.for %scan3A_124 = %scan3A_0 to %scan3A_2 step %scan3A_3  : i32 {
      %broadcast_in_dim3A = arith.constant 0.000000e+00 : f32
      %broadcast_in_dim3A_125 = vector.broadcast %broadcast_in_dim3A : f32 to vector<16xf32>
      %swap3A = arith.index_cast %scan3A_124 : i32 to index
      %swap3A_126 = arith.constant 0 : index
      %swap3A_127 = tpu.vector_load %arg8[%swap3A, %swap3A_126] {strides = array<i32>} : memref<80x128xf32, #tpu.memory_space<vmem>>, vector<1x16xf32>,
      %swap3A_128 = vector.shape_cast %swap3A_127 : vector<1x16xf32> to vector<16xf32>
      %swap3A_129 = vector.shape_cast %broadcast_in_dim3A_125 : vector<16xf32> to vector<1x16xf32>
      tpu.vector_store %arg8[%swap3A, %swap3A_126], %swap3A_129 {strides = array<i32>} : memref<80x128xf32, #tpu.memory_space<vmem>>, vector<1x16xf32>,
      %broadcast_in_dim3A_130 = arith.constant 0.000000e+00 : f32
      %broadcast_in_dim3A_131 = vector.broadcast %broadcast_in_dim3A_130 : f32 to vector<16xf32>
      %swap3A_132 = arith.index_cast %scan3A_124 : i32 to index
      %swap3A_133 = arith.constant 16 : index
      %swap3A_134 = tpu.vector_load %arg8[%swap3A_132, %swap3A_133] {strides = array<i32>} : memref<80x128xf32, #tpu.memory_space<vmem>>, vector<1x16xf32>,
      %swap3A_135 = vector.shape_cast %swap3A_134 : vector<1x16xf32> to vector<16xf32>
      %swap3A_136 = vector.shape_cast %broadcast_in_dim3A_131 : vector<16xf32> to vector<1x16xf32>
      tpu.vector_store %arg8[%swap3A_132, %swap3A_133], %swap3A_136 {strides = array<i32>} : memref<80x128xf32, #tpu.memory_space<vmem>>, vector<1x16xf32>,
      %broadcast_in_dim3A_137 = arith.constant 0.000000e+00 : f32
      %broadcast_in_dim3A_138 = vector.broadcast %broadcast_in_dim3A_137 : f32 to vector<16xf32>
      %swap3A_139 = arith.index_cast %scan3A_124 : i32 to index
      %swap3A_140 = arith.constant 32 : index
      %swap3A_141 = tpu.vector_load %arg8[%swap3A_139, %swap3A_140] {strides = array<i32>} : memref<80x128xf32, #tpu.memory_space<vmem>>, vector<1x16xf32>,
      %swap3A_142 = vector.shape_cast %swap3A_141 : vector<1x16xf32> to vector<16xf32>
      %swap3A_143 = vector.shape_cast %broadcast_in_dim3A_138 : vector<16xf32> to vector<1x16xf32>
      tpu.vector_store %arg8[%swap3A_139, %swap3A_140], %swap3A_143 {strides = array<i32>} : memref<80x128xf32, #tpu.memory_space<vmem>>, vector<1x16xf32>,
      %broadcast_in_dim3A_144 = arith.constant 0.000000e+00 : f32
      %broadcast_in_dim3A_145 = vector.broadcast %broadcast_in_dim3A_144 : f32 to vector<16xf32>
      %swap3A_146 = arith.index_cast %scan3A_124 : i32 to index
      %swap3A_147 = arith.constant 48 : index
      %swap3A_148 = tpu.vector_load %arg8[%swap3A_146, %swap3A_147] {strides = array<i32>} : memref<80x128xf32, #tpu.memory_space<vmem>>, vector<1x16xf32>,
      %swap3A_149 = vector.shape_cast %swap3A_148 : vector<1x16xf32> to vector<16xf32>
      %swap3A_150 = vector.shape_cast %broadcast_in_dim3A_145 : vector<16xf32> to vector<1x16xf32>
      tpu.vector_store %arg8[%swap3A_146, %swap3A_147], %swap3A_150 {strides = array<i32>} : memref<80x128xf32, #tpu.memory_space<vmem>>, vector<1x16xf32>,
      %broadcast_in_dim3A_151 = arith.constant 0.000000e+00 : f32
      %broadcast_in_dim3A_152 = vector.broadcast %broadcast_in_dim3A_151 : f32 to vector<16xf32>
      %swap3A_153 = arith.index_cast %scan3A_124 : i32 to index
      %swap3A_154 = arith.constant 64 : index
      %swap3A_155 = tpu.vector_load %arg8[%swap3A_153, %swap3A_154] {strides = array<i32>} : memref<80x128xf32, #tpu.memory_space<vmem>>, vector<1x16xf32>,
      %swap3A_156 = vector.shape_cast %swap3A_155 : vector<1x16xf32> to vector<16xf32>
      %swap3A_157 = vector.shape_cast %broadcast_in_dim3A_152 : vector<16xf32> to vector<1x16xf32>
      tpu.vector_store %arg8[%swap3A_153, %swap3A_154], %swap3A_157 {strides = array<i32>} : memref<80x128xf32, #tpu.memory_space<vmem>>, vector<1x16xf32>,
      %broadcast_in_dim3A_158 = arith.constant 0.000000e+00 : f32
      %broadcast_in_dim3A_159 = vector.broadcast %broadcast_in_dim3A_158 : f32 to vector<16xf32>
      %swap3A_160 = arith.index_cast %scan3A_124 : i32 to index
      %swap3A_161 = arith.constant 80 : index
      %swap3A_162 = tpu.vector_load %arg8[%swap3A_160, %swap3A_161] {strides = array<i32>} : memref<80x128xf32, #tpu.memory_space<vmem>>, vector<1x16xf32>,
      %swap3A_163 = vector.shape_cast %swap3A_162 : vector<1x16xf32> to vector<16xf32>
      %swap3A_164 = vector.shape_cast %broadcast_in_dim3A_159 : vector<16xf32> to vector<1x16xf32>
      tpu.vector_store %arg8[%swap3A_160, %swap3A_161], %swap3A_164 {strides = array<i32>} : memref<80x128xf32, #tpu.memory_space<vmem>>, vector<1x16xf32>,
      %broadcast_in_dim3A_165 = arith.constant 0.000000e+00 : f32
      %broadcast_in_dim3A_166 = vector.broadcast %broadcast_in_dim3A_165 : f32 to vector<16xf32>
      %swap3A_167 = arith.index_cast %scan3A_124 : i32 to index
      %swap3A_168 = arith.constant 96 : index
      %swap3A_169 = tpu.vector_load %arg8[%swap3A_167, %swap3A_168] {strides = array<i32>} : memref<80x128xf32, #tpu.memory_space<vmem>>, vector<1x16xf32>,
      %swap3A_170 = vector.shape_cast %swap3A_169 : vector<1x16xf32> to vector<16xf32>
      %swap3A_171 = vector.shape_cast %broadcast_in_dim3A_166 : vector<16xf32> to vector<1x16xf32>
      tpu.vector_store %arg8[%swap3A_167, %swap3A_168], %swap3A_171 {strides = array<i32>} : memref<80x128xf32, #tpu.memory_space<vmem>>, vector<1x16xf32>,
      %broadcast_in_dim3A_172 = arith.constant 0.000000e+00 : f32
      %broadcast_in_dim3A_173 = vector.broadcast %broadcast_in_dim3A_172 : f32 to vector<16xf32>
      %swap3A_174 = arith.index_cast %scan3A_124 : i32 to index
      %swap3A_175 = arith.constant 112 : index
      %swap3A_176 = tpu.vector_load %arg8[%swap3A_174, %swap3A_175] {strides = array<i32>} : memref<80x128xf32, #tpu.memory_space<vmem>>, vector<1x16xf32>,
      %swap3A_177 = vector.shape_cast %swap3A_176 : vector<1x16xf32> to vector<16xf32>
      %swap3A_178 = vector.shape_cast %broadcast_in_dim3A_173 : vector<16xf32> to vector<1x16xf32>
      tpu.vector_store %arg8[%swap3A_174, %swap3A_175], %swap3A_178 {strides = array<i32>} : memref<80x128xf32, #tpu.memory_space<vmem>>, vector<1x16xf32>,
    }
    %scan3A_4 = arith.constant 80 : i32
    %add3A = arith.constant 0 : i32
    %add3A_5 = arith.addi %arg1, %add3A : i32
    %lt3A = arith.constant 125 : i32
    %lt3A_6 = arith.cmpi slt, %add3A_5, %lt3A : i32
    %convert_element_type3A = arith.extui %lt3A_6 : i1 to i32
    %cond3A = arith.constant 0 : i32
    %cond3A_7 = arith.cmpi ne, %convert_element_type3A, %cond3A : i32
    scf.if %cond3A_7 {
      %mul3A_124 = arith.constant 80 : i32
      %mul3A_125 = arith.muli %add3A_5, %mul3A_124 : i32
      %multiple_of3A = tpu.assume_multiple %mul3A_125, 8 : i32
      "tpu.region"() ({
        %run_scoped3A = tpu.sem_alloc : memref<!tpu.dma_semaphore, #tpu.memory_space<semaphore_mem>>
        %dma_start3A = arith.constant 0 : i32
        %dma_start3A_126 = tpu.memref_slice %arg9[%multiple_of3A, %dma_start3A] : memref<10000x128xf32, #tpu.memory_space<vmem_shared>> -> memref<80x128xf32, #tpu.memory_space<vmem_shared>>
        %dma_start3A_127 = arith.constant 0 : i32
        %dma_start3A_128 = tpu.memref_slice %arg9[%multiple_of3A, %dma_start3A_127] : memref<10000x128xf32, #tpu.memory_space<vmem_shared>> -> memref<80x128xf32, #tpu.memory_space<vmem_shared>>
        tpu.enqueue_dma source(%arg8 : memref<80x128xf32, #tpu.memory_space<vmem>>) target(%dma_start3A_128 : memref<80x128xf32, #tpu.memory_space<vmem_shared>>) target_semaphore(%run_scoped3A : memref<!tpu.dma_semaphore, #tpu.memory_space<semaphore_mem>>)
        %dma_wait3A = arith.constant 0 : i32
        %dma_wait3A_129 = tpu.memref_slice %arg9[%multiple_of3A, %dma_wait3A] : memref<10000x128xf32, #tpu.memory_space<vmem_shared>> -> memref<80x128xf32, #tpu.memory_space<vmem_shared>>
        %dma_wait3A_130 = arith.constant 0 : i32
        %dma_wait3A_131 = tpu.memref_slice %arg9[%multiple_of3A, %dma_wait3A_130] : memref<10000x128xf32, #tpu.memory_space<vmem_shared>> -> memref<80x128xf32, #tpu.memory_space<vmem_shared>>
        tpu.wait_dma2 semaphore(%run_scoped3A : memref<!tpu.dma_semaphore, #tpu.memory_space<semaphore_mem>>) src(%arg8 : memref<80x128xf32, #tpu.memory_space<vmem>>) dst(%dma_wait3A_131 : memref<80x128xf32, #tpu.memory_space<vmem_shared>>)
        tpu.yield
      }) : () -> ()
    } else {
    }
    %add3A_8 = arith.constant 16 : i32
    %add3A_9 = arith.addi %arg1, %add3A_8 : i32
    %lt3A_10 = arith.constant 125 : i32
    %lt3A_11 = arith.cmpi slt, %add3A_9, %lt3A_10 : i32
    %convert_element_type3A_12 = arith.extui %lt3A_11 : i1 to i32
    %cond3A_13 = arith.constant 0 : i32
    %cond3A_14 = arith.cmpi ne, %convert_element_type3A_12, %cond3A_13 : i32
    scf.if %cond3A_14 {
      %mul3A_124 = arith.constant 80 : i32
      %mul3A_125 = arith.muli %add3A_9, %mul3A_124 : i32
      %multiple_of3A = tpu.assume_multiple %mul3A_125, 8 : i32
      "tpu.region"() ({
        %run_scoped3A = tpu.sem_alloc : memref<!tpu.dma_semaphore, #tpu.memory_space<semaphore_mem>>
        %dma_start3A = arith.constant 0 : i32
        %dma_start3A_126 = tpu.memref_slice %arg9[%multiple_of3A, %dma_start3A] : memref<10000x128xf32, #tpu.memory_space<vmem_shared>> -> memref<80x128xf32, #tpu.memory_space<vmem_shared>>
        %dma_start3A_127 = arith.constant 0 : i32
        %dma_start3A_128 = tpu.memref_slice %arg9[%multiple_of3A, %dma_start3A_127] : memref<10000x128xf32, #tpu.memory_space<vmem_shared>> -> memref<80x128xf32, #tpu.memory_space<vmem_shared>>
        tpu.enqueue_dma source(%arg8 : memref<80x128xf32, #tpu.memory_space<vmem>>) target(%dma_start3A_128 : memref<80x128xf32, #tpu.memory_space<vmem_shared>>) target_semaphore(%run_scoped3A : memref<!tpu.dma_semaphore, #tpu.memory_space<semaphore_mem>>)
        %dma_wait3A = arith.constant 0 : i32
        %dma_wait3A_129 = tpu.memref_slice %arg9[%multiple_of3A, %dma_wait3A] : memref<10000x128xf32, #tpu.memory_space<vmem_shared>> -> memref<80x128xf32, #tpu.memory_space<vmem_shared>>
        %dma_wait3A_130 = arith.constant 0 : i32
        %dma_wait3A_131 = tpu.memref_slice %arg9[%multiple_of3A, %dma_wait3A_130] : memref<10000x128xf32, #tpu.memory_space<vmem_shared>> -> memref<80x128xf32, #tpu.memory_space<vmem_shared>>
        tpu.wait_dma2 semaphore(%run_scoped3A : memref<!tpu.dma_semaphore, #tpu.memory_space<semaphore_mem>>) src(%arg8 : memref<80x128xf32, #tpu.memory_space<vmem>>) dst(%dma_wait3A_131 : memref<80x128xf32, #tpu.memory_space<vmem_shared>>)
        tpu.yield
      }) : () -> ()
    } else {
    }
    %add3A_15 = arith.constant 32 : i32
    %add3A_16 = arith.addi %arg1, %add3A_15 : i32
    %lt3A_17 = arith.constant 125 : i32
    %lt3A_18 = arith.cmpi slt, %add3A_16, %lt3A_17 : i32
    %convert_element_type3A_19 = arith.extui %lt3A_18 : i1 to i32
    %cond3A_20 = arith.constant 0 : i32
    %cond3A_21 = arith.cmpi ne, %convert_element_type3A_19, %cond3A_20 : i32
    scf.if %cond3A_21 {
      %mul3A_124 = arith.constant 80 : i32
      %mul3A_125 = arith.muli %add3A_16, %mul3A_124 : i32
      %multiple_of3A = tpu.assume_multiple %mul3A_125, 8 : i32
      "tpu.region"() ({
        %run_scoped3A = tpu.sem_alloc : memref<!tpu.dma_semaphore, #tpu.memory_space<semaphore_mem>>
        %dma_start3A = arith.constant 0 : i32
        %dma_start3A_126 = tpu.memref_slice %arg9[%multiple_of3A, %dma_start3A] : memref<10000x128xf32, #tpu.memory_space<vmem_shared>> -> memref<80x128xf32, #tpu.memory_space<vmem_shared>>
        %dma_start3A_127 = arith.constant 0 : i32
        %dma_start3A_128 = tpu.memref_slice %arg9[%multiple_of3A, %dma_start3A_127] : memref<10000x128xf32, #tpu.memory_space<vmem_shared>> -> memref<80x128xf32, #tpu.memory_space<vmem_shared>>
        tpu.enqueue_dma source(%arg8 : memref<80x128xf32, #tpu.memory_space<vmem>>) target(%dma_start3A_128 : memref<80x128xf32, #tpu.memory_space<vmem_shared>>) target_semaphore(%run_scoped3A : memref<!tpu.dma_semaphore, #tpu.memory_space<semaphore_mem>>)
        %dma_wait3A = arith.constant 0 : i32
        %dma_wait3A_129 = tpu.memref_slice %arg9[%multiple_of3A, %dma_wait3A] : memref<10000x128xf32, #tpu.memory_space<vmem_shared>> -> memref<80x128xf32, #tpu.memory_space<vmem_shared>>
        %dma_wait3A_130 = arith.constant 0 : i32
        %dma_wait3A_131 = tpu.memref_slice %arg9[%multiple_of3A, %dma_wait3A_130] : memref<10000x128xf32, #tpu.memory_space<vmem_shared>> -> memref<80x128xf32, #tpu.memory_space<vmem_shared>>
        tpu.wait_dma2 semaphore(%run_scoped3A : memref<!tpu.dma_semaphore, #tpu.memory_space<semaphore_mem>>) src(%arg8 : memref<80x128xf32, #tpu.memory_space<vmem>>) dst(%dma_wait3A_131 : memref<80x128xf32, #tpu.memory_space<vmem_shared>>)
        tpu.yield
      }) : () -> ()
    } else {
    }
    %add3A_22 = arith.constant 48 : i32
    %add3A_23 = arith.addi %arg1, %add3A_22 : i32
    %lt3A_24 = arith.constant 125 : i32
    %lt3A_25 = arith.cmpi slt, %add3A_23, %lt3A_24 : i32
    %convert_element_type3A_26 = arith.extui %lt3A_25 : i1 to i32
    %cond3A_27 = arith.constant 0 : i32
    %cond3A_28 = arith.cmpi ne, %convert_element_type3A_26, %cond3A_27 : i32
    scf.if %cond3A_28 {
      %mul3A_124 = arith.constant 80 : i32
      %mul3A_125 = arith.muli %add3A_23, %mul3A_124 : i32
      %multiple_of3A = tpu.assume_multiple %mul3A_125, 8 : i32
      "tpu.region"() ({
        %run_scoped3A = tpu.sem_alloc : memref<!tpu.dma_semaphore, #tpu.memory_space<semaphore_mem>>
        %dma_start3A = arith.constant 0 : i32
        %dma_start3A_126 = tpu.memref_slice %arg9[%multiple_of3A, %dma_start3A] : memref<10000x128xf32, #tpu.memory_space<vmem_shared>> -> memref<80x128xf32, #tpu.memory_space<vmem_shared>>
        %dma_start3A_127 = arith.constant 0 : i32
        %dma_start3A_128 = tpu.memref_slice %arg9[%multiple_of3A, %dma_start3A_127] : memref<10000x128xf32, #tpu.memory_space<vmem_shared>> -> memref<80x128xf32, #tpu.memory_space<vmem_shared>>
        tpu.enqueue_dma source(%arg8 : memref<80x128xf32, #tpu.memory_space<vmem>>) target(%dma_start3A_128 : memref<80x128xf32, #tpu.memory_space<vmem_shared>>) target_semaphore(%run_scoped3A : memref<!tpu.dma_semaphore, #tpu.memory_space<semaphore_mem>>)
        %dma_wait3A = arith.constant 0 : i32
        %dma_wait3A_129 = tpu.memref_slice %arg9[%multiple_of3A, %dma_wait3A] : memref<10000x128xf32, #tpu.memory_space<vmem_shared>> -> memref<80x128xf32, #tpu.memory_space<vmem_shared>>
        %dma_wait3A_130 = arith.constant 0 : i32
        %dma_wait3A_131 = tpu.memref_slice %arg9[%multiple_of3A, %dma_wait3A_130] : memref<10000x128xf32, #tpu.memory_space<vmem_shared>> -> memref<80x128xf32, #tpu.memory_space<vmem_shared>>
        tpu.wait_dma2 semaphore(%run_scoped3A : memref<!tpu.dma_semaphore, #tpu.memory_space<semaphore_mem>>) src(%arg8 : memref<80x128xf32, #tpu.memory_space<vmem>>) dst(%dma_wait3A_131 : memref<80x128xf32, #tpu.memory_space<vmem_shared>>)
        tpu.yield
      }) : () -> ()
    } else {
    }
    %add3A_29 = arith.constant 64 : i32
    %add3A_30 = arith.addi %arg1, %add3A_29 : i32
    %lt3A_31 = arith.constant 125 : i32
    %lt3A_32 = arith.cmpi slt, %add3A_30, %lt3A_31 : i32
    %convert_element_type3A_33 = arith.extui %lt3A_32 : i1 to i32
    %cond3A_34 = arith.constant 0 : i32
    %cond3A_35 = arith.cmpi ne, %convert_element_type3A_33, %cond3A_34 : i32
    scf.if %cond3A_35 {
      %mul3A_124 = arith.constant 80 : i32
      %mul3A_125 = arith.muli %add3A_30, %mul3A_124 : i32
      %multiple_of3A = tpu.assume_multiple %mul3A_125, 8 : i32
      "tpu.region"() ({
        %run_scoped3A = tpu.sem_alloc : memref<!tpu.dma_semaphore, #tpu.memory_space<semaphore_mem>>
        %dma_start3A = arith.constant 0 : i32
        %dma_start3A_126 = tpu.memref_slice %arg9[%multiple_of3A, %dma_start3A] : memref<10000x128xf32, #tpu.memory_space<vmem_shared>> -> memref<80x128xf32, #tpu.memory_space<vmem_shared>>
        %dma_start3A_127 = arith.constant 0 : i32
        %dma_start3A_128 = tpu.memref_slice %arg9[%multiple_of3A, %dma_start3A_127] : memref<10000x128xf32, #tpu.memory_space<vmem_shared>> -> memref<80x128xf32, #tpu.memory_space<vmem_shared>>
        tpu.enqueue_dma source(%arg8 : memref<80x128xf32, #tpu.memory_space<vmem>>) target(%dma_start3A_128 : memref<80x128xf32, #tpu.memory_space<vmem_shared>>) target_semaphore(%run_scoped3A : memref<!tpu.dma_semaphore, #tpu.memory_space<semaphore_mem>>)
        %dma_wait3A = arith.constant 0 : i32
        %dma_wait3A_129 = tpu.memref_slice %arg9[%multiple_of3A, %dma_wait3A] : memref<10000x128xf32, #tpu.memory_space<vmem_shared>> -> memref<80x128xf32, #tpu.memory_space<vmem_shared>>
        %dma_wait3A_130 = arith.constant 0 : i32
        %dma_wait3A_131 = tpu.memref_slice %arg9[%multiple_of3A, %dma_wait3A_130] : memref<10000x128xf32, #tpu.memory_space<vmem_shared>> -> memref<80x128xf32, #tpu.memory_space<vmem_shared>>
        tpu.wait_dma2 semaphore(%run_scoped3A : memref<!tpu.dma_semaphore, #tpu.memory_space<semaphore_mem>>) src(%arg8 : memref<80x128xf32, #tpu.memory_space<vmem>>) dst(%dma_wait3A_131 : memref<80x128xf32, #tpu.memory_space<vmem_shared>>)
        tpu.yield
      }) : () -> ()
    } else {
    }
    %add3A_36 = arith.constant 80 : i32
    %add3A_37 = arith.addi %arg1, %add3A_36 : i32
    %lt3A_38 = arith.constant 125 : i32
    %lt3A_39 = arith.cmpi slt, %add3A_37, %lt3A_38 : i32
    %convert_element_type3A_40 = arith.extui %lt3A_39 : i1 to i32
    %cond3A_41 = arith.constant 0 : i32
    %cond3A_42 = arith.cmpi ne, %convert_element_type3A_40, %cond3A_41 : i32
    scf.if %cond3A_42 {
      %mul3A_124 = arith.constant 80 : i32
      %mul3A_125 = arith.muli %add3A_37, %mul3A_124 : i32
      %multiple_of3A = tpu.assume_multiple %mul3A_125, 8 : i32
      "tpu.region"() ({
        %run_scoped3A = tpu.sem_alloc : memref<!tpu.dma_semaphore, #tpu.memory_space<semaphore_mem>>
        %dma_start3A = arith.constant 0 : i32
        %dma_start3A_126 = tpu.memref_slice %arg9[%multiple_of3A, %dma_start3A] : memref<10000x128xf32, #tpu.memory_space<vmem_shared>> -> memref<80x128xf32, #tpu.memory_space<vmem_shared>>
        %dma_start3A_127 = arith.constant 0 : i32
        %dma_start3A_128 = tpu.memref_slice %arg9[%multiple_of3A, %dma_start3A_127] : memref<10000x128xf32, #tpu.memory_space<vmem_shared>> -> memref<80x128xf32, #tpu.memory_space<vmem_shared>>
        tpu.enqueue_dma source(%arg8 : memref<80x128xf32, #tpu.memory_space<vmem>>) target(%dma_start3A_128 : memref<80x128xf32, #tpu.memory_space<vmem_shared>>) target_semaphore(%run_scoped3A : memref<!tpu.dma_semaphore, #tpu.memory_space<semaphore_mem>>)
        %dma_wait3A = arith.constant 0 : i32
        %dma_wait3A_129 = tpu.memref_slice %arg9[%multiple_of3A, %dma_wait3A] : memref<10000x128xf32, #tpu.memory_space<vmem_shared>> -> memref<80x128xf32, #tpu.memory_space<vmem_shared>>
        %dma_wait3A_130 = arith.constant 0 : i32
        %dma_wait3A_131 = tpu.memref_slice %arg9[%multiple_of3A, %dma_wait3A_130] : memref<10000x128xf32, #tpu.memory_space<vmem_shared>> -> memref<80x128xf32, #tpu.memory_space<vmem_shared>>
        tpu.wait_dma2 semaphore(%run_scoped3A : memref<!tpu.dma_semaphore, #tpu.memory_space<semaphore_mem>>) src(%arg8 : memref<80x128xf32, #tpu.memory_space<vmem>>) dst(%dma_wait3A_131 : memref<80x128xf32, #tpu.memory_space<vmem_shared>>)
        tpu.yield
      }) : () -> ()
    } else {
    }
    %add3A_43 = arith.constant 96 : i32
    %add3A_44 = arith.addi %arg1, %add3A_43 : i32
    %lt3A_45 = arith.constant 125 : i32
    %lt3A_46 = arith.cmpi slt, %add3A_44, %lt3A_45 : i32
    %convert_element_type3A_47 = arith.extui %lt3A_46 : i1 to i32
    %cond3A_48 = arith.constant 0 : i32
    %cond3A_49 = arith.cmpi ne, %convert_element_type3A_47, %cond3A_48 : i32
    scf.if %cond3A_49 {
      %mul3A_124 = arith.constant 80 : i32
      %mul3A_125 = arith.muli %add3A_44, %mul3A_124 : i32
      %multiple_of3A = tpu.assume_multiple %mul3A_125, 8 : i32
      "tpu.region"() ({
        %run_scoped3A = tpu.sem_alloc : memref<!tpu.dma_semaphore, #tpu.memory_space<semaphore_mem>>
        %dma_start3A = arith.constant 0 : i32
        %dma_start3A_126 = tpu.memref_slice %arg9[%multiple_of3A, %dma_start3A] : memref<10000x128xf32, #tpu.memory_space<vmem_shared>> -> memref<80x128xf32, #tpu.memory_space<vmem_shared>>
        %dma_start3A_127 = arith.constant 0 : i32
        %dma_start3A_128 = tpu.memref_slice %arg9[%multiple_of3A, %dma_start3A_127] : memref<10000x128xf32, #tpu.memory_space<vmem_shared>> -> memref<80x128xf32, #tpu.memory_space<vmem_shared>>
        tpu.enqueue_dma source(%arg8 : memref<80x128xf32, #tpu.memory_space<vmem>>) target(%dma_start3A_128 : memref<80x128xf32, #tpu.memory_space<vmem_shared>>) target_semaphore(%run_scoped3A : memref<!tpu.dma_semaphore, #tpu.memory_space<semaphore_mem>>)
        %dma_wait3A = arith.constant 0 : i32
        %dma_wait3A_129 = tpu.memref_slice %arg9[%multiple_of3A, %dma_wait3A] : memref<10000x128xf32, #tpu.memory_space<vmem_shared>> -> memref<80x128xf32, #tpu.memory_space<vmem_shared>>
        %dma_wait3A_130 = arith.constant 0 : i32
        %dma_wait3A_131 = tpu.memref_slice %arg9[%multiple_of3A, %dma_wait3A_130] : memref<10000x128xf32, #tpu.memory_space<vmem_shared>> -> memref<80x128xf32, #tpu.memory_space<vmem_shared>>
        tpu.wait_dma2 semaphore(%run_scoped3A : memref<!tpu.dma_semaphore, #tpu.memory_space<semaphore_mem>>) src(%arg8 : memref<80x128xf32, #tpu.memory_space<vmem>>) dst(%dma_wait3A_131 : memref<80x128xf32, #tpu.memory_space<vmem_shared>>)
        tpu.yield
      }) : () -> ()
    } else {
    }
    %add3A_50 = arith.constant 112 : i32
    %add3A_51 = arith.addi %arg1, %add3A_50 : i32
    %lt3A_52 = arith.constant 125 : i32
    %lt3A_53 = arith.cmpi slt, %add3A_51, %lt3A_52 : i32
    %convert_element_type3A_54 = arith.extui %lt3A_53 : i1 to i32
    %cond3A_55 = arith.constant 0 : i32
    %cond3A_56 = arith.cmpi ne, %convert_element_type3A_54, %cond3A_55 : i32
    scf.if %cond3A_56 {
      %mul3A_124 = arith.constant 80 : i32
      %mul3A_125 = arith.muli %add3A_51, %mul3A_124 : i32
      %multiple_of3A = tpu.assume_multiple %mul3A_125, 8 : i32
      "tpu.region"() ({
        %run_scoped3A = tpu.sem_alloc : memref<!tpu.dma_semaphore, #tpu.memory_space<semaphore_mem>>
        %dma_start3A = arith.constant 0 : i32
        %dma_start3A_126 = tpu.memref_slice %arg9[%multiple_of3A, %dma_start3A] : memref<10000x128xf32, #tpu.memory_space<vmem_shared>> -> memref<80x128xf32, #tpu.memory_space<vmem_shared>>
        %dma_start3A_127 = arith.constant 0 : i32
        %dma_start3A_128 = tpu.memref_slice %arg9[%multiple_of3A, %dma_start3A_127] : memref<10000x128xf32, #tpu.memory_space<vmem_shared>> -> memref<80x128xf32, #tpu.memory_space<vmem_shared>>
        tpu.enqueue_dma source(%arg8 : memref<80x128xf32, #tpu.memory_space<vmem>>) target(%dma_start3A_128 : memref<80x128xf32, #tpu.memory_space<vmem_shared>>) target_semaphore(%run_scoped3A : memref<!tpu.dma_semaphore, #tpu.memory_space<semaphore_mem>>)
        %dma_wait3A = arith.constant 0 : i32
        %dma_wait3A_129 = tpu.memref_slice %arg9[%multiple_of3A, %dma_wait3A] : memref<10000x128xf32, #tpu.memory_space<vmem_shared>> -> memref<80x128xf32, #tpu.memory_space<vmem_shared>>
        %dma_wait3A_130 = arith.constant 0 : i32
        %dma_wait3A_131 = tpu.memref_slice %arg9[%multiple_of3A, %dma_wait3A_130] : memref<10000x128xf32, #tpu.memory_space<vmem_shared>> -> memref<80x128xf32, #tpu.memory_space<vmem_shared>>
        tpu.wait_dma2 semaphore(%run_scoped3A : memref<!tpu.dma_semaphore, #tpu.memory_space<semaphore_mem>>) src(%arg8 : memref<80x128xf32, #tpu.memory_space<vmem>>) dst(%dma_wait3A_131 : memref<80x128xf32, #tpu.memory_space<vmem_shared>>)
        tpu.yield
      }) : () -> ()
    } else {
    }
    %barrier3A = arith.constant 0 : index
    tpu.barrier barrier_id(%barrier3A)
    %mul3A = arith.constant 16 : i32
    %mul3A_57 = arith.muli %arg0, %mul3A : i32
    %add3A_58 = arith.addi %mul3A_57, %arg1 : i32
    %mul3A_59 = arith.constant 10000 : i32
    %mul3A_60 = arith.muli %add3A_58, %mul3A_59 : i32
    %scan3A_61 = arith.constant 0 : i32
    %scan3A_62 = arith.constant 0 : i32
    %scan3A_63 = arith.constant 125 : i32
    %scan3A_64 = arith.addi %scan3A_62, %scan3A_63 : i32
    %scan3A_65 = arith.constant 1 : i32
    scf.for %scan3A_124 = %scan3A_62 to %scan3A_64 step %scan3A_65  : i32 {
      %mul3A_125 = arith.constant 80 : i32
      %mul3A_126 = arith.muli %scan3A_124, %mul3A_125 : i32
      %add3A_127 = arith.addi %mul3A_60, %mul3A_126 : i32
      %multiple_of3A = tpu.assume_multiple %add3A_127, 8 : i32
      "tpu.region"() ({
        %run_scoped3A = tpu.sem_alloc : memref<!tpu.dma_semaphore, #tpu.memory_space<semaphore_mem>>
        %dma_start3A_132 = tpu.memref_slice %arg3[%multiple_of3A] : memref<320000xi32, #tpu.memory_space<hbm>> -> memref<80xi32, #tpu.memory_space<hbm>>
        %dma_start3A_133 = tpu.memref_slice %arg3[%multiple_of3A] : memref<320000xi32, #tpu.memory_space<hbm>> -> memref<80xi32, #tpu.memory_space<hbm>>
        tpu.enqueue_dma source(%dma_start3A_133 : memref<80xi32, #tpu.memory_space<hbm>>) target(%arg6 : memref<80xi32, #tpu.memory_space<vmem>>) target_semaphore(%run_scoped3A : memref<!tpu.dma_semaphore, #tpu.memory_space<semaphore_mem>>)
        %dma_wait3A_134 = tpu.memref_slice %arg3[%multiple_of3A] : memref<320000xi32, #tpu.memory_space<hbm>> -> memref<80xi32, #tpu.memory_space<hbm>>
        %dma_wait3A_135 = tpu.memref_slice %arg3[%multiple_of3A] : memref<320000xi32, #tpu.memory_space<hbm>> -> memref<80xi32, #tpu.memory_space<hbm>>
        tpu.wait_dma2 semaphore(%run_scoped3A : memref<!tpu.dma_semaphore, #tpu.memory_space<semaphore_mem>>) src(%dma_wait3A_135 : memref<80xi32, #tpu.memory_space<hbm>>) dst(%arg6 : memref<80xi32, #tpu.memory_space<vmem>>)
        tpu.yield
      }) : () -> ()
      "tpu.region"() ({
        %run_scoped3A = tpu.sem_alloc : memref<!tpu.dma_semaphore, #tpu.memory_space<semaphore_mem>>
        %dma_start3A_132 = tpu.memref_slice %arg4[%multiple_of3A] : memref<320000xi32, #tpu.memory_space<hbm>> -> memref<80xi32, #tpu.memory_space<hbm>>
        %dma_start3A_133 = tpu.memref_slice %arg4[%multiple_of3A] : memref<320000xi32, #tpu.memory_space<hbm>> -> memref<80xi32, #tpu.memory_space<hbm>>
        tpu.enqueue_dma source(%dma_start3A_133 : memref<80xi32, #tpu.memory_space<hbm>>) target(%arg7 : memref<80xi32, #tpu.memory_space<vmem>>) target_semaphore(%run_scoped3A : memref<!tpu.dma_semaphore, #tpu.memory_space<semaphore_mem>>)
        %dma_wait3A_134 = tpu.memref_slice %arg4[%multiple_of3A] : memref<320000xi32, #tpu.memory_space<hbm>> -> memref<80xi32, #tpu.memory_space<hbm>>
        %dma_wait3A_135 = tpu.memref_slice %arg4[%multiple_of3A] : memref<320000xi32, #tpu.memory_space<hbm>> -> memref<80xi32, #tpu.memory_space<hbm>>
        tpu.wait_dma2 semaphore(%run_scoped3A : memref<!tpu.dma_semaphore, #tpu.memory_space<semaphore_mem>>) src(%dma_wait3A_135 : memref<80xi32, #tpu.memory_space<hbm>>) dst(%arg7 : memref<80xi32, #tpu.memory_space<vmem>>)
        tpu.yield
      }) : () -> ()
      %dma_start3A = arith.constant 0 : i32
      %dma_start3A_128 = arith.constant 0 : i32
      %dma_start3A_129 = tpu.memref_slice %arg2[%dma_start3A, %dma_start3A_128] : memref<10000x128xf32, #tpu.memory_space<hbm>> -> memref<10000x128xf32, #tpu.memory_space<hbm>>
      tpu.enqueue_indirect_dma source(%dma_start3A_129 : memref<10000x128xf32, #tpu.memory_space<hbm>>) target(%arg8 : memref<80x128xf32, #tpu.memory_space<vmem>>) offsets(%arg6 : memref<80xi32, #tpu.memory_space<vmem>>) semaphore(%arg10 : memref<!tpu.dma_semaphore, #tpu.memory_space<semaphore_mem>>)
      %dma_wait3A = arith.constant 0 : i32
      %dma_wait3A_130 = arith.constant 0 : i32
      %dma_wait3A_131 = tpu.memref_slice %arg2[%dma_wait3A, %dma_wait3A_130] : memref<10000x128xf32, #tpu.memory_space<hbm>> -> memref<10000x128xf32, #tpu.memory_space<hbm>>
      tpu.wait_indirect_dma semaphore(%arg10 : memref<!tpu.dma_semaphore, #tpu.memory_space<semaphore_mem>>) src(%dma_wait3A_131 : memref<10000x128xf32, #tpu.memory_space<hbm>>) dst(%arg8 : memref<80x128xf32, #tpu.memory_space<vmem>>)
      "tpu.region"() ({
        %run_scoped3A = tpu.sem_alloc : memref<!tpu.dma_semaphore, #tpu.memory_space<semaphore_mem>>
        %dma_start3A_132 = arith.constant 0 : i32
        %dma_start3A_133 = arith.constant 0 : i32
        %dma_start3A_134 = tpu.memref_slice %arg9[%dma_start3A_132, %dma_start3A_133] : memref<10000x128xf32, #tpu.memory_space<vmem_shared>> -> memref<10000x128xf32, #tpu.memory_space<vmem_shared>>
        tpu.enqueue_indirect_dma source(%arg8 : memref<80x128xf32, #tpu.memory_space<vmem>>) target(%dma_start3A_134 : memref<10000x128xf32, #tpu.memory_space<vmem_shared>>) offsets(%arg7 : memref<80xi32, #tpu.memory_space<vmem>>) semaphore(%run_scoped3A : memref<!tpu.dma_semaphore, #tpu.memory_space<semaphore_mem>>) {add = true}
        %dma_wait3A_135 = arith.constant 0 : i32
        %dma_wait3A_136 = arith.constant 0 : i32
        %dma_wait3A_137 = tpu.memref_slice %arg9[%dma_wait3A_135, %dma_wait3A_136] : memref<10000x128xf32, #tpu.memory_space<vmem_shared>> -> memref<10000x128xf32, #tpu.memory_space<vmem_shared>>
        tpu.wait_indirect_dma semaphore(%run_scoped3A : memref<!tpu.dma_semaphore, #tpu.memory_space<semaphore_mem>>) src(%arg8 : memref<80x128xf32, #tpu.memory_space<vmem>>) dst(%dma_wait3A_137 : memref<10000x128xf32, #tpu.memory_space<vmem_shared>>)
        tpu.yield
      }) : () -> ()
    }
    %scan3A_66 = arith.constant 125 : i32
    %barrier3A_67 = arith.constant 0 : index
    tpu.barrier barrier_id(%barrier3A_67)
    %add3A_68 = arith.constant 0 : i32
    %add3A_69 = arith.addi %arg1, %add3A_68 : i32
    %lt3A_70 = arith.constant 125 : i32
    %lt3A_71 = arith.cmpi slt, %add3A_69, %lt3A_70 : i32
    %convert_element_type3A_72 = arith.extui %lt3A_71 : i1 to i32
    %cond3A_73 = arith.constant 0 : i32
    %cond3A_74 = arith.cmpi ne, %convert_element_type3A_72, %cond3A_73 : i32
    scf.if %cond3A_74 {
      %mul3A_124 = arith.constant 80 : i32
      %mul3A_125 = arith.muli %add3A_69, %mul3A_124 : i32
      %multiple_of3A = tpu.assume_multiple %mul3A_125, 8 : i32
      "tpu.region"() ({
        %run_scoped3A = tpu.sem_alloc : memref<!tpu.dma_semaphore, #tpu.memory_space<semaphore_mem>>
        %dma_start3A = arith.constant 0 : i32
        %dma_start3A_126 = tpu.memref_slice %arg5[%arg0, %multiple_of3A, %dma_start3A] : memref<2x10000x128xf32, #tpu.memory_space<hbm>> -> memref<1x80x128xf32, #tpu.memory_space<hbm>>
        %dma_start3A_127 = tpu.memref_squeeze %dma_start3A_126 : memref<1x80x128xf32, #tpu.memory_space<hbm>> -> memref<80x128xf32, #tpu.memory_space<hbm>>
        %dma_start3A_128 = arith.constant 0 : i32
        %dma_start3A_129 = tpu.memref_slice %arg9[%multiple_of3A, %dma_start3A_128] : memref<10000x128xf32, #tpu.memory_space<vmem_shared>> -> memref<80x128xf32, #tpu.memory_space<vmem_shared>>
        tpu.enqueue_dma source(%dma_start3A_129 : memref<80x128xf32, #tpu.memory_space<vmem_shared>>) target(%dma_start3A_127 : memref<80x128xf32, #tpu.memory_space<hbm>>) target_semaphore(%run_scoped3A : memref<!tpu.dma_semaphore, #tpu.memory_space<semaphore_mem>>)
        %dma_wait3A = arith.constant 0 : i32
        %dma_wait3A_130 = tpu.memref_slice %arg5[%arg0, %multiple_of3A, %dma_wait3A] : memref<2x10000x128xf32, #tpu.memory_space<hbm>> -> memref<1x80x128xf32, #tpu.memory_space<hbm>>
        %dma_wait3A_131 = tpu.memref_squeeze %dma_wait3A_130 : memref<1x80x128xf32, #tpu.memory_space<hbm>> -> memref<80x128xf32, #tpu.memory_space<hbm>>
        %dma_wait3A_132 = arith.constant 0 : i32
        %dma_wait3A_133 = tpu.memref_slice %arg9[%multiple_of3A, %dma_wait3A_132] : memref<10000x128xf32, #tpu.memory_space<vmem_shared>> -> memref<80x128xf32, #tpu.memory_space<vmem_shared>>
        tpu.wait_dma2 semaphore(%run_scoped3A : memref<!tpu.dma_semaphore, #tpu.memory_space<semaphore_mem>>) src(%dma_wait3A_133 : memref<80x128xf32, #tpu.memory_space<vmem_shared>>) dst(%dma_wait3A_131 : memref<80x128xf32, #tpu.memory_space<hbm>>)
        tpu.yield
      }) : () -> ()
    } else {
    }
    %add3A_75 = arith.constant 16 : i32
    %add3A_76 = arith.addi %arg1, %add3A_75 : i32
    %lt3A_77 = arith.constant 125 : i32
    %lt3A_78 = arith.cmpi slt, %add3A_76, %lt3A_77 : i32
    %convert_element_type3A_79 = arith.extui %lt3A_78 : i1 to i32
    %cond3A_80 = arith.constant 0 : i32
    %cond3A_81 = arith.cmpi ne, %convert_element_type3A_79, %cond3A_80 : i32
    scf.if %cond3A_81 {
      %mul3A_124 = arith.constant 80 : i32
      %mul3A_125 = arith.muli %add3A_76, %mul3A_124 : i32
      %multiple_of3A = tpu.assume_multiple %mul3A_125, 8 : i32
      "tpu.region"() ({
        %run_scoped3A = tpu.sem_alloc : memref<!tpu.dma_semaphore, #tpu.memory_space<semaphore_mem>>
        %dma_start3A = arith.constant 0 : i32
        %dma_start3A_126 = tpu.memref_slice %arg5[%arg0, %multiple_of3A, %dma_start3A] : memref<2x10000x128xf32, #tpu.memory_space<hbm>> -> memref<1x80x128xf32, #tpu.memory_space<hbm>>
        %dma_start3A_127 = tpu.memref_squeeze %dma_start3A_126 : memref<1x80x128xf32, #tpu.memory_space<hbm>> -> memref<80x128xf32, #tpu.memory_space<hbm>>
        %dma_start3A_128 = arith.constant 0 : i32
        %dma_start3A_129 = tpu.memref_slice %arg9[%multiple_of3A, %dma_start3A_128] : memref<10000x128xf32, #tpu.memory_space<vmem_shared>> -> memref<80x128xf32, #tpu.memory_space<vmem_shared>>
        tpu.enqueue_dma source(%dma_start3A_129 : memref<80x128xf32, #tpu.memory_space<vmem_shared>>) target(%dma_start3A_127 : memref<80x128xf32, #tpu.memory_space<hbm>>) target_semaphore(%run_scoped3A : memref<!tpu.dma_semaphore, #tpu.memory_space<semaphore_mem>>)
        %dma_wait3A = arith.constant 0 : i32
        %dma_wait3A_130 = tpu.memref_slice %arg5[%arg0, %multiple_of3A, %dma_wait3A] : memref<2x10000x128xf32, #tpu.memory_space<hbm>> -> memref<1x80x128xf32, #tpu.memory_space<hbm>>
        %dma_wait3A_131 = tpu.memref_squeeze %dma_wait3A_130 : memref<1x80x128xf32, #tpu.memory_space<hbm>> -> memref<80x128xf32, #tpu.memory_space<hbm>>
        %dma_wait3A_132 = arith.constant 0 : i32
        %dma_wait3A_133 = tpu.memref_slice %arg9[%multiple_of3A, %dma_wait3A_132] : memref<10000x128xf32, #tpu.memory_space<vmem_shared>> -> memref<80x128xf32, #tpu.memory_space<vmem_shared>>
        tpu.wait_dma2 semaphore(%run_scoped3A : memref<!tpu.dma_semaphore, #tpu.memory_space<semaphore_mem>>) src(%dma_wait3A_133 : memref<80x128xf32, #tpu.memory_space<vmem_shared>>) dst(%dma_wait3A_131 : memref<80x128xf32, #tpu.memory_space<hbm>>)
        tpu.yield
      }) : () -> ()
    } else {
    }
    %add3A_82 = arith.constant 32 : i32
    %add3A_83 = arith.addi %arg1, %add3A_82 : i32
    %lt3A_84 = arith.constant 125 : i32
    %lt3A_85 = arith.cmpi slt, %add3A_83, %lt3A_84 : i32
    %convert_element_type3A_86 = arith.extui %lt3A_85 : i1 to i32
    %cond3A_87 = arith.constant 0 : i32
    %cond3A_88 = arith.cmpi ne, %convert_element_type3A_86, %cond3A_87 : i32
    scf.if %cond3A_88 {
      %mul3A_124 = arith.constant 80 : i32
      %mul3A_125 = arith.muli %add3A_83, %mul3A_124 : i32
      %multiple_of3A = tpu.assume_multiple %mul3A_125, 8 : i32
      "tpu.region"() ({
        %run_scoped3A = tpu.sem_alloc : memref<!tpu.dma_semaphore, #tpu.memory_space<semaphore_mem>>
        %dma_start3A = arith.constant 0 : i32
        %dma_start3A_126 = tpu.memref_slice %arg5[%arg0, %multiple_of3A, %dma_start3A] : memref<2x10000x128xf32, #tpu.memory_space<hbm>> -> memref<1x80x128xf32, #tpu.memory_space<hbm>>
        %dma_start3A_127 = tpu.memref_squeeze %dma_start3A_126 : memref<1x80x128xf32, #tpu.memory_space<hbm>> -> memref<80x128xf32, #tpu.memory_space<hbm>>
        %dma_start3A_128 = arith.constant 0 : i32
        %dma_start3A_129 = tpu.memref_slice %arg9[%multiple_of3A, %dma_start3A_128] : memref<10000x128xf32, #tpu.memory_space<vmem_shared>> -> memref<80x128xf32, #tpu.memory_space<vmem_shared>>
        tpu.enqueue_dma source(%dma_start3A_129 : memref<80x128xf32, #tpu.memory_space<vmem_shared>>) target(%dma_start3A_127 : memref<80x128xf32, #tpu.memory_space<hbm>>) target_semaphore(%run_scoped3A : memref<!tpu.dma_semaphore, #tpu.memory_space<semaphore_mem>>)
        %dma_wait3A = arith.constant 0 : i32
        %dma_wait3A_130 = tpu.memref_slice %arg5[%arg0, %multiple_of3A, %dma_wait3A] : memref<2x10000x128xf32, #tpu.memory_space<hbm>> -> memref<1x80x128xf32, #tpu.memory_space<hbm>>
        %dma_wait3A_131 = tpu.memref_squeeze %dma_wait3A_130 : memref<1x80x128xf32, #tpu.memory_space<hbm>> -> memref<80x128xf32, #tpu.memory_space<hbm>>
        %dma_wait3A_132 = arith.constant 0 : i32
        %dma_wait3A_133 = tpu.memref_slice %arg9[%multiple_of3A, %dma_wait3A_132] : memref<10000x128xf32, #tpu.memory_space<vmem_shared>> -> memref<80x128xf32, #tpu.memory_space<vmem_shared>>
        tpu.wait_dma2 semaphore(%run_scoped3A : memref<!tpu.dma_semaphore, #tpu.memory_space<semaphore_mem>>) src(%dma_wait3A_133 : memref<80x128xf32, #tpu.memory_space<vmem_shared>>) dst(%dma_wait3A_131 : memref<80x128xf32, #tpu.memory_space<hbm>>)
        tpu.yield
      }) : () -> ()
    } else {
    }
    %add3A_89 = arith.constant 48 : i32
    %add3A_90 = arith.addi %arg1, %add3A_89 : i32
    %lt3A_91 = arith.constant 125 : i32
    %lt3A_92 = arith.cmpi slt, %add3A_90, %lt3A_91 : i32
    %convert_element_type3A_93 = arith.extui %lt3A_92 : i1 to i32
    %cond3A_94 = arith.constant 0 : i32
    %cond3A_95 = arith.cmpi ne, %convert_element_type3A_93, %cond3A_94 : i32
    scf.if %cond3A_95 {
      %mul3A_124 = arith.constant 80 : i32
      %mul3A_125 = arith.muli %add3A_90, %mul3A_124 : i32
      %multiple_of3A = tpu.assume_multiple %mul3A_125, 8 : i32
      "tpu.region"() ({
        %run_scoped3A = tpu.sem_alloc : memref<!tpu.dma_semaphore, #tpu.memory_space<semaphore_mem>>
        %dma_start3A = arith.constant 0 : i32
        %dma_start3A_126 = tpu.memref_slice %arg5[%arg0, %multiple_of3A, %dma_start3A] : memref<2x10000x128xf32, #tpu.memory_space<hbm>> -> memref<1x80x128xf32, #tpu.memory_space<hbm>>
        %dma_start3A_127 = tpu.memref_squeeze %dma_start3A_126 : memref<1x80x128xf32, #tpu.memory_space<hbm>> -> memref<80x128xf32, #tpu.memory_space<hbm>>
        %dma_start3A_128 = arith.constant 0 : i32
        %dma_start3A_129 = tpu.memref_slice %arg9[%multiple_of3A, %dma_start3A_128] : memref<10000x128xf32, #tpu.memory_space<vmem_shared>> -> memref<80x128xf32, #tpu.memory_space<vmem_shared>>
        tpu.enqueue_dma source(%dma_start3A_129 : memref<80x128xf32, #tpu.memory_space<vmem_shared>>) target(%dma_start3A_127 : memref<80x128xf32, #tpu.memory_space<hbm>>) target_semaphore(%run_scoped3A : memref<!tpu.dma_semaphore, #tpu.memory_space<semaphore_mem>>)
        %dma_wait3A = arith.constant 0 : i32
        %dma_wait3A_130 = tpu.memref_slice %arg5[%arg0, %multiple_of3A, %dma_wait3A] : memref<2x10000x128xf32, #tpu.memory_space<hbm>> -> memref<1x80x128xf32, #tpu.memory_space<hbm>>
        %dma_wait3A_131 = tpu.memref_squeeze %dma_wait3A_130 : memref<1x80x128xf32, #tpu.memory_space<hbm>> -> memref<80x128xf32, #tpu.memory_space<hbm>>
        %dma_wait3A_132 = arith.constant 0 : i32
        %dma_wait3A_133 = tpu.memref_slice %arg9[%multiple_of3A, %dma_wait3A_132] : memref<10000x128xf32, #tpu.memory_space<vmem_shared>> -> memref<80x128xf32, #tpu.memory_space<vmem_shared>>
        tpu.wait_dma2 semaphore(%run_scoped3A : memref<!tpu.dma_semaphore, #tpu.memory_space<semaphore_mem>>) src(%dma_wait3A_133 : memref<80x128xf32, #tpu.memory_space<vmem_shared>>) dst(%dma_wait3A_131 : memref<80x128xf32, #tpu.memory_space<hbm>>)
        tpu.yield
      }) : () -> ()
    } else {
    }
    %add3A_96 = arith.constant 64 : i32
    %add3A_97 = arith.addi %arg1, %add3A_96 : i32
    %lt3A_98 = arith.constant 125 : i32
    %lt3A_99 = arith.cmpi slt, %add3A_97, %lt3A_98 : i32
    %convert_element_type3A_100 = arith.extui %lt3A_99 : i1 to i32
    %cond3A_101 = arith.constant 0 : i32
    %cond3A_102 = arith.cmpi ne, %convert_element_type3A_100, %cond3A_101 : i32
    scf.if %cond3A_102 {
      %mul3A_124 = arith.constant 80 : i32
      %mul3A_125 = arith.muli %add3A_97, %mul3A_124 : i32
      %multiple_of3A = tpu.assume_multiple %mul3A_125, 8 : i32
      "tpu.region"() ({
        %run_scoped3A = tpu.sem_alloc : memref<!tpu.dma_semaphore, #tpu.memory_space<semaphore_mem>>
        %dma_start3A = arith.constant 0 : i32
        %dma_start3A_126 = tpu.memref_slice %arg5[%arg0, %multiple_of3A, %dma_start3A] : memref<2x10000x128xf32, #tpu.memory_space<hbm>> -> memref<1x80x128xf32, #tpu.memory_space<hbm>>
        %dma_start3A_127 = tpu.memref_squeeze %dma_start3A_126 : memref<1x80x128xf32, #tpu.memory_space<hbm>> -> memref<80x128xf32, #tpu.memory_space<hbm>>
        %dma_start3A_128 = arith.constant 0 : i32
        %dma_start3A_129 = tpu.memref_slice %arg9[%multiple_of3A, %dma_start3A_128] : memref<10000x128xf32, #tpu.memory_space<vmem_shared>> -> memref<80x128xf32, #tpu.memory_space<vmem_shared>>
        tpu.enqueue_dma source(%dma_start3A_129 : memref<80x128xf32, #tpu.memory_space<vmem_shared>>) target(%dma_start3A_127 : memref<80x128xf32, #tpu.memory_space<hbm>>) target_semaphore(%run_scoped3A : memref<!tpu.dma_semaphore, #tpu.memory_space<semaphore_mem>>)
        %dma_wait3A = arith.constant 0 : i32
        %dma_wait3A_130 = tpu.memref_slice %arg5[%arg0, %multiple_of3A, %dma_wait3A] : memref<2x10000x128xf32, #tpu.memory_space<hbm>> -> memref<1x80x128xf32, #tpu.memory_space<hbm>>
        %dma_wait3A_131 = tpu.memref_squeeze %dma_wait3A_130 : memref<1x80x128xf32, #tpu.memory_space<hbm>> -> memref<80x128xf32, #tpu.memory_space<hbm>>
        %dma_wait3A_132 = arith.constant 0 : i32
        %dma_wait3A_133 = tpu.memref_slice %arg9[%multiple_of3A, %dma_wait3A_132] : memref<10000x128xf32, #tpu.memory_space<vmem_shared>> -> memref<80x128xf32, #tpu.memory_space<vmem_shared>>
        tpu.wait_dma2 semaphore(%run_scoped3A : memref<!tpu.dma_semaphore, #tpu.memory_space<semaphore_mem>>) src(%dma_wait3A_133 : memref<80x128xf32, #tpu.memory_space<vmem_shared>>) dst(%dma_wait3A_131 : memref<80x128xf32, #tpu.memory_space<hbm>>)
        tpu.yield
      }) : () -> ()
    } else {
    }
    %add3A_103 = arith.constant 80 : i32
    %add3A_104 = arith.addi %arg1, %add3A_103 : i32
    %lt3A_105 = arith.constant 125 : i32
    %lt3A_106 = arith.cmpi slt, %add3A_104, %lt3A_105 : i32
    %convert_element_type3A_107 = arith.extui %lt3A_106 : i1 to i32
    %cond3A_108 = arith.constant 0 : i32
    %cond3A_109 = arith.cmpi ne, %convert_element_type3A_107, %cond3A_108 : i32
    scf.if %cond3A_109 {
      %mul3A_124 = arith.constant 80 : i32
      %mul3A_125 = arith.muli %add3A_104, %mul3A_124 : i32
      %multiple_of3A = tpu.assume_multiple %mul3A_125, 8 : i32
      "tpu.region"() ({
        %run_scoped3A = tpu.sem_alloc : memref<!tpu.dma_semaphore, #tpu.memory_space<semaphore_mem>>
        %dma_start3A = arith.constant 0 : i32
        %dma_start3A_126 = tpu.memref_slice %arg5[%arg0, %multiple_of3A, %dma_start3A] : memref<2x10000x128xf32, #tpu.memory_space<hbm>> -> memref<1x80x128xf32, #tpu.memory_space<hbm>>
        %dma_start3A_127 = tpu.memref_squeeze %dma_start3A_126 : memref<1x80x128xf32, #tpu.memory_space<hbm>> -> memref<80x128xf32, #tpu.memory_space<hbm>>
        %dma_start3A_128 = arith.constant 0 : i32
        %dma_start3A_129 = tpu.memref_slice %arg9[%multiple_of3A, %dma_start3A_128] : memref<10000x128xf32, #tpu.memory_space<vmem_shared>> -> memref<80x128xf32, #tpu.memory_space<vmem_shared>>
        tpu.enqueue_dma source(%dma_start3A_129 : memref<80x128xf32, #tpu.memory_space<vmem_shared>>) target(%dma_start3A_127 : memref<80x128xf32, #tpu.memory_space<hbm>>) target_semaphore(%run_scoped3A : memref<!tpu.dma_semaphore, #tpu.memory_space<semaphore_mem>>)
        %dma_wait3A = arith.constant 0 : i32
        %dma_wait3A_130 = tpu.memref_slice %arg5[%arg0, %multiple_of3A, %dma_wait3A] : memref<2x10000x128xf32, #tpu.memory_space<hbm>> -> memref<1x80x128xf32, #tpu.memory_space<hbm>>
        %dma_wait3A_131 = tpu.memref_squeeze %dma_wait3A_130 : memref<1x80x128xf32, #tpu.memory_space<hbm>> -> memref<80x128xf32, #tpu.memory_space<hbm>>
        %dma_wait3A_132 = arith.constant 0 : i32
        %dma_wait3A_133 = tpu.memref_slice %arg9[%multiple_of3A, %dma_wait3A_132] : memref<10000x128xf32, #tpu.memory_space<vmem_shared>> -> memref<80x128xf32, #tpu.memory_space<vmem_shared>>
        tpu.wait_dma2 semaphore(%run_scoped3A : memref<!tpu.dma_semaphore, #tpu.memory_space<semaphore_mem>>) src(%dma_wait3A_133 : memref<80x128xf32, #tpu.memory_space<vmem_shared>>) dst(%dma_wait3A_131 : memref<80x128xf32, #tpu.memory_space<hbm>>)
        tpu.yield
      }) : () -> ()
    } else {
    }
    %add3A_110 = arith.constant 96 : i32
    %add3A_111 = arith.addi %arg1, %add3A_110 : i32
    %lt3A_112 = arith.constant 125 : i32
    %lt3A_113 = arith.cmpi slt, %add3A_111, %lt3A_112 : i32
    %convert_element_type3A_114 = arith.extui %lt3A_113 : i1 to i32
    %cond3A_115 = arith.constant 0 : i32
    %cond3A_116 = arith.cmpi ne, %convert_element_type3A_114, %cond3A_115 : i32
    scf.if %cond3A_116 {
      %mul3A_124 = arith.constant 80 : i32
      %mul3A_125 = arith.muli %add3A_111, %mul3A_124 : i32
      %multiple_of3A = tpu.assume_multiple %mul3A_125, 8 : i32
      "tpu.region"() ({
        %run_scoped3A = tpu.sem_alloc : memref<!tpu.dma_semaphore, #tpu.memory_space<semaphore_mem>>
        %dma_start3A = arith.constant 0 : i32
        %dma_start3A_126 = tpu.memref_slice %arg5[%arg0, %multiple_of3A, %dma_start3A] : memref<2x10000x128xf32, #tpu.memory_space<hbm>> -> memref<1x80x128xf32, #tpu.memory_space<hbm>>
        %dma_start3A_127 = tpu.memref_squeeze %dma_start3A_126 : memref<1x80x128xf32, #tpu.memory_space<hbm>> -> memref<80x128xf32, #tpu.memory_space<hbm>>
        %dma_start3A_128 = arith.constant 0 : i32
        %dma_start3A_129 = tpu.memref_slice %arg9[%multiple_of3A, %dma_start3A_128] : memref<10000x128xf32, #tpu.memory_space<vmem_shared>> -> memref<80x128xf32, #tpu.memory_space<vmem_shared>>
        tpu.enqueue_dma source(%dma_start3A_129 : memref<80x128xf32, #tpu.memory_space<vmem_shared>>) target(%dma_start3A_127 : memref<80x128xf32, #tpu.memory_space<hbm>>) target_semaphore(%run_scoped3A : memref<!tpu.dma_semaphore, #tpu.memory_space<semaphore_mem>>)
        %dma_wait3A = arith.constant 0 : i32
        %dma_wait3A_130 = tpu.memref_slice %arg5[%arg0, %multiple_of3A, %dma_wait3A] : memref<2x10000x128xf32, #tpu.memory_space<hbm>> -> memref<1x80x128xf32, #tpu.memory_space<hbm>>
        %dma_wait3A_131 = tpu.memref_squeeze %dma_wait3A_130 : memref<1x80x128xf32, #tpu.memory_space<hbm>> -> memref<80x128xf32, #tpu.memory_space<hbm>>
        %dma_wait3A_132 = arith.constant 0 : i32
        %dma_wait3A_133 = tpu.memref_slice %arg9[%multiple_of3A, %dma_wait3A_132] : memref<10000x128xf32, #tpu.memory_space<vmem_shared>> -> memref<80x128xf32, #tpu.memory_space<vmem_shared>>
        tpu.wait_dma2 semaphore(%run_scoped3A : memref<!tpu.dma_semaphore, #tpu.memory_space<semaphore_mem>>) src(%dma_wait3A_133 : memref<80x128xf32, #tpu.memory_space<vmem_shared>>) dst(%dma_wait3A_131 : memref<80x128xf32, #tpu.memory_space<hbm>>)
        tpu.yield
      }) : () -> ()
    } else {
    }
    %add3A_117 = arith.constant 112 : i32
    %add3A_118 = arith.addi %arg1, %add3A_117 : i32
    %lt3A_119 = arith.constant 125 : i32
    %lt3A_120 = arith.cmpi slt, %add3A_118, %lt3A_119 : i32
    %convert_element_type3A_121 = arith.extui %lt3A_120 : i1 to i32
    %cond3A_122 = arith.constant 0 : i32
    %cond3A_123 = arith.cmpi ne, %convert_element_type3A_121, %cond3A_122 : i32
    scf.if %cond3A_123 {
      %mul3A_124 = arith.constant 80 : i32
      %mul3A_125 = arith.muli %add3A_118, %mul3A_124 : i32
      %multiple_of3A = tpu.assume_multiple %mul3A_125, 8 : i32
      "tpu.region"() ({
        %run_scoped3A = tpu.sem_alloc : memref<!tpu.dma_semaphore, #tpu.memory_space<semaphore_mem>>
        %dma_start3A = arith.constant 0 : i32
        %dma_start3A_126 = tpu.memref_slice %arg5[%arg0, %multiple_of3A, %dma_start3A] : memref<2x10000x128xf32, #tpu.memory_space<hbm>> -> memref<1x80x128xf32, #tpu.memory_space<hbm>>
        %dma_start3A_127 = tpu.memref_squeeze %dma_start3A_126 : memref<1x80x128xf32, #tpu.memory_space<hbm>> -> memref<80x128xf32, #tpu.memory_space<hbm>>
        %dma_start3A_128 = arith.constant 0 : i32
        %dma_start3A_129 = tpu.memref_slice %arg9[%multiple_of3A, %dma_start3A_128] : memref<10000x128xf32, #tpu.memory_space<vmem_shared>> -> memref<80x128xf32, #tpu.memory_space<vmem_shared>>
        tpu.enqueue_dma source(%dma_start3A_129 : memref<80x128xf32, #tpu.memory_space<vmem_shared>>) target(%dma_start3A_127 : memref<80x128xf32, #tpu.memory_space<hbm>>) target_semaphore(%run_scoped3A : memref<!tpu.dma_semaphore, #tpu.memory_space<semaphore_mem>>)
        %dma_wait3A = arith.constant 0 : i32
        %dma_wait3A_130 = tpu.memref_slice %arg5[%arg0, %multiple_of3A, %dma_wait3A] : memref<2x10000x128xf32, #tpu.memory_space<hbm>> -> memref<1x80x128xf32, #tpu.memory_space<hbm>>
        %dma_wait3A_131 = tpu.memref_squeeze %dma_wait3A_130 : memref<1x80x128xf32, #tpu.memory_space<hbm>> -> memref<80x128xf32, #tpu.memory_space<hbm>>
        %dma_wait3A_132 = arith.constant 0 : i32
        %dma_wait3A_133 = tpu.memref_slice %arg9[%multiple_of3A, %dma_wait3A_132] : memref<10000x128xf32, #tpu.memory_space<vmem_shared>> -> memref<80x128xf32, #tpu.memory_space<vmem_shared>>
        tpu.wait_dma2 semaphore(%run_scoped3A : memref<!tpu.dma_semaphore, #tpu.memory_space<semaphore_mem>>) src(%dma_wait3A_133 : memref<80x128xf32, #tpu.memory_space<vmem_shared>>) dst(%dma_wait3A_131 : memref<80x128xf32, #tpu.memory_space<hbm>>)
        tpu.yield
      }) : () -> ()
    } else {
    }
    return
  }
}

#map = affine_map<(d0, d1) -> (0, 0)>
#map1 = affine_map<(d0, d1) -> (0)>
#map2 = affine_map<(d0, d1) -> (0, 0, 0)>
module attributes {stable_mosaic.version = 14 : i64} {
  func.func @_agg_body(%arg0: i32, %arg1: i32, %arg2: memref<10000x128xf32, #tpu.memory_space<hbm>>, %arg3: memref<320000xi32, #tpu.memory_space<hbm>>, %arg4: memref<320000xi32, #tpu.memory_space<hbm>>, %arg5: memref<2x10000x128xf32, #tpu.memory_space<hbm>>, %arg6: memref<80xi32, #tpu.memory_space<vmem>>, %arg7: memref<80xi32, #tpu.memory_space<vmem>>, %arg8: memref<80x128xf32, #tpu.memory_space<vmem>>, %arg9: memref<10000x128xf32, #tpu.memory_space<vmem_shared>>, %arg10: memref<!tpu.dma_semaphore, #tpu.memory_space<semaphore_mem>>) attributes {dimension_semantics = [#tpu.dimension_semantics<core_parallel>, #tpu.dimension_semantics<subcore_parallel>], iteration_bounds = array<i64: 2, 16>, scalar_prefetch = 0 : i64, scratch_operands = 5 : i64, tpu.core_type = #tpu.core_type<sc_vector_subcore>, window_params = [{transform_indices = #map}, {transform_indices = #map1}, {transform_indices = #map1}, {transform_indices = #map2}]} {
    %scan3A = arith.constant 0 : i32
    %scan3A_0 = arith.constant 0 : i32
    %scan3A_1 = arith.constant 80 : i32
    %scan3A_2 = arith.addi %scan3A_0, %scan3A_1 : i32
    %scan3A_3 = arith.constant 1 : i32
    scf.for %scan3A_124 = %scan3A_0 to %scan3A_2 step %scan3A_3  : i32 {
      %broadcast_in_dim3A = arith.constant 0.000000e+00 : f32
      %broadcast_in_dim3A_125 = vector.broadcast %broadcast_in_dim3A : f32 to vector<16xf32>
      %swap3A = arith.index_cast %scan3A_124 : i32 to index
      %swap3A_126 = arith.constant 0 : index
      %swap3A_127 = tpu.vector_load %arg8[%swap3A, %swap3A_126] {strides = array<i32>} : memref<80x128xf32, #tpu.memory_space<vmem>>, vector<1x16xf32>,
      %swap3A_128 = vector.shape_cast %swap3A_127 : vector<1x16xf32> to vector<16xf32>
      %swap3A_129 = vector.shape_cast %broadcast_in_dim3A_125 : vector<16xf32> to vector<1x16xf32>
      tpu.vector_store %arg8[%swap3A, %swap3A_126], %swap3A_129 {strides = array<i32>} : memref<80x128xf32, #tpu.memory_space<vmem>>, vector<1x16xf32>,
      %broadcast_in_dim3A_130 = arith.constant 0.000000e+00 : f32
      %broadcast_in_dim3A_131 = vector.broadcast %broadcast_in_dim3A_130 : f32 to vector<16xf32>
      %swap3A_132 = arith.index_cast %scan3A_124 : i32 to index
      %swap3A_133 = arith.constant 16 : index
      %swap3A_134 = tpu.vector_load %arg8[%swap3A_132, %swap3A_133] {strides = array<i32>} : memref<80x128xf32, #tpu.memory_space<vmem>>, vector<1x16xf32>,
      %swap3A_135 = vector.shape_cast %swap3A_134 : vector<1x16xf32> to vector<16xf32>
      %swap3A_136 = vector.shape_cast %broadcast_in_dim3A_131 : vector<16xf32> to vector<1x16xf32>
      tpu.vector_store %arg8[%swap3A_132, %swap3A_133], %swap3A_136 {strides = array<i32>} : memref<80x128xf32, #tpu.memory_space<vmem>>, vector<1x16xf32>,
      %broadcast_in_dim3A_137 = arith.constant 0.000000e+00 : f32
      %broadcast_in_dim3A_138 = vector.broadcast %broadcast_in_dim3A_137 : f32 to vector<16xf32>
      %swap3A_139 = arith.index_cast %scan3A_124 : i32 to index
      %swap3A_140 = arith.constant 32 : index
      %swap3A_141 = tpu.vector_load %arg8[%swap3A_139, %swap3A_140] {strides = array<i32>} : memref<80x128xf32, #tpu.memory_space<vmem>>, vector<1x16xf32>,
      %swap3A_142 = vector.shape_cast %swap3A_141 : vector<1x16xf32> to vector<16xf32>
      %swap3A_143 = vector.shape_cast %broadcast_in_dim3A_138 : vector<16xf32> to vector<1x16xf32>
      tpu.vector_store %arg8[%swap3A_139, %swap3A_140], %swap3A_143 {strides = array<i32>} : memref<80x128xf32, #tpu.memory_space<vmem>>, vector<1x16xf32>,
      %broadcast_in_dim3A_144 = arith.constant 0.000000e+00 : f32
      %broadcast_in_dim3A_145 = vector.broadcast %broadcast_in_dim3A_144 : f32 to vector<16xf32>
      %swap3A_146 = arith.index_cast %scan3A_124 : i32 to index
      %swap3A_147 = arith.constant 48 : index
      %swap3A_148 = tpu.vector_load %arg8[%swap3A_146, %swap3A_147] {strides = array<i32>} : memref<80x128xf32, #tpu.memory_space<vmem>>, vector<1x16xf32>,
      %swap3A_149 = vector.shape_cast %swap3A_148 : vector<1x16xf32> to vector<16xf32>
      %swap3A_150 = vector.shape_cast %broadcast_in_dim3A_145 : vector<16xf32> to vector<1x16xf32>
      tpu.vector_store %arg8[%swap3A_146, %swap3A_147], %swap3A_150 {strides = array<i32>} : memref<80x128xf32, #tpu.memory_space<vmem>>, vector<1x16xf32>,
      %broadcast_in_dim3A_151 = arith.constant 0.000000e+00 : f32
      %broadcast_in_dim3A_152 = vector.broadcast %broadcast_in_dim3A_151 : f32 to vector<16xf32>
      %swap3A_153 = arith.index_cast %scan3A_124 : i32 to index
      %swap3A_154 = arith.constant 64 : index
      %swap3A_155 = tpu.vector_load %arg8[%swap3A_153, %swap3A_154] {strides = array<i32>} : memref<80x128xf32, #tpu.memory_space<vmem>>, vector<1x16xf32>,
      %swap3A_156 = vector.shape_cast %swap3A_155 : vector<1x16xf32> to vector<16xf32>
      %swap3A_157 = vector.shape_cast %broadcast_in_dim3A_152 : vector<16xf32> to vector<1x16xf32>
      tpu.vector_store %arg8[%swap3A_153, %swap3A_154], %swap3A_157 {strides = array<i32>} : memref<80x128xf32, #tpu.memory_space<vmem>>, vector<1x16xf32>,
      %broadcast_in_dim3A_158 = arith.constant 0.000000e+00 : f32
      %broadcast_in_dim3A_159 = vector.broadcast %broadcast_in_dim3A_158 : f32 to vector<16xf32>
      %swap3A_160 = arith.index_cast %scan3A_124 : i32 to index
      %swap3A_161 = arith.constant 80 : index
      %swap3A_162 = tpu.vector_load %arg8[%swap3A_160, %swap3A_161] {strides = array<i32>} : memref<80x128xf32, #tpu.memory_space<vmem>>, vector<1x16xf32>,
      %swap3A_163 = vector.shape_cast %swap3A_162 : vector<1x16xf32> to vector<16xf32>
      %swap3A_164 = vector.shape_cast %broadcast_in_dim3A_159 : vector<16xf32> to vector<1x16xf32>
      tpu.vector_store %arg8[%swap3A_160, %swap3A_161], %swap3A_164 {strides = array<i32>} : memref<80x128xf32, #tpu.memory_space<vmem>>, vector<1x16xf32>,
      %broadcast_in_dim3A_165 = arith.constant 0.000000e+00 : f32
      %broadcast_in_dim3A_166 = vector.broadcast %broadcast_in_dim3A_165 : f32 to vector<16xf32>
      %swap3A_167 = arith.index_cast %scan3A_124 : i32 to index
      %swap3A_168 = arith.constant 96 : index
      %swap3A_169 = tpu.vector_load %arg8[%swap3A_167, %swap3A_168] {strides = array<i32>} : memref<80x128xf32, #tpu.memory_space<vmem>>, vector<1x16xf32>,
      %swap3A_170 = vector.shape_cast %swap3A_169 : vector<1x16xf32> to vector<16xf32>
      %swap3A_171 = vector.shape_cast %broadcast_in_dim3A_166 : vector<16xf32> to vector<1x16xf32>
      tpu.vector_store %arg8[%swap3A_167, %swap3A_168], %swap3A_171 {strides = array<i32>} : memref<80x128xf32, #tpu.memory_space<vmem>>, vector<1x16xf32>,
      %broadcast_in_dim3A_172 = arith.constant 0.000000e+00 : f32
      %broadcast_in_dim3A_173 = vector.broadcast %broadcast_in_dim3A_172 : f32 to vector<16xf32>
      %swap3A_174 = arith.index_cast %scan3A_124 : i32 to index
      %swap3A_175 = arith.constant 112 : index
      %swap3A_176 = tpu.vector_load %arg8[%swap3A_174, %swap3A_175] {strides = array<i32>} : memref<80x128xf32, #tpu.memory_space<vmem>>, vector<1x16xf32>,
      %swap3A_177 = vector.shape_cast %swap3A_176 : vector<1x16xf32> to vector<16xf32>
      %swap3A_178 = vector.shape_cast %broadcast_in_dim3A_173 : vector<16xf32> to vector<1x16xf32>
      tpu.vector_store %arg8[%swap3A_174, %swap3A_175], %swap3A_178 {strides = array<i32>} : memref<80x128xf32, #tpu.memory_space<vmem>>, vector<1x16xf32>,
    }
    %scan3A_4 = arith.constant 80 : i32
    %add3A = arith.constant 0 : i32
    %add3A_5 = arith.addi %arg1, %add3A : i32
    %lt3A = arith.constant 125 : i32
    %lt3A_6 = arith.cmpi slt, %add3A_5, %lt3A : i32
    %convert_element_type3A = arith.extui %lt3A_6 : i1 to i32
    %cond3A = arith.constant 0 : i32
    %cond3A_7 = arith.cmpi ne, %convert_element_type3A, %cond3A : i32
    scf.if %cond3A_7 {
      %mul3A_124 = arith.constant 80 : i32
      %mul3A_125 = arith.muli %add3A_5, %mul3A_124 : i32
      %multiple_of3A = tpu.assume_multiple %mul3A_125, 8 : i32
      "tpu.region"() ({
        %run_scoped3A = tpu.sem_alloc : memref<!tpu.dma_semaphore, #tpu.memory_space<semaphore_mem>>
        %dma_start3A = arith.constant 0 : i32
        %dma_start3A_126 = tpu.memref_slice %arg9[%multiple_of3A, %dma_start3A] : memref<10000x128xf32, #tpu.memory_space<vmem_shared>> -> memref<80x128xf32, #tpu.memory_space<vmem_shared>>
        %dma_start3A_127 = arith.constant 0 : i32
        %dma_start3A_128 = tpu.memref_slice %arg9[%multiple_of3A, %dma_start3A_127] : memref<10000x128xf32, #tpu.memory_space<vmem_shared>> -> memref<80x128xf32, #tpu.memory_space<vmem_shared>>
        tpu.enqueue_dma source(%arg8 : memref<80x128xf32, #tpu.memory_space<vmem>>) target(%dma_start3A_128 : memref<80x128xf32, #tpu.memory_space<vmem_shared>>) target_semaphore(%run_scoped3A : memref<!tpu.dma_semaphore, #tpu.memory_space<semaphore_mem>>)
        %dma_wait3A = arith.constant 0 : i32
        %dma_wait3A_129 = tpu.memref_slice %arg9[%multiple_of3A, %dma_wait3A] : memref<10000x128xf32, #tpu.memory_space<vmem_shared>> -> memref<80x128xf32, #tpu.memory_space<vmem_shared>>
        %dma_wait3A_130 = arith.constant 0 : i32
        %dma_wait3A_131 = tpu.memref_slice %arg9[%multiple_of3A, %dma_wait3A_130] : memref<10000x128xf32, #tpu.memory_space<vmem_shared>> -> memref<80x128xf32, #tpu.memory_space<vmem_shared>>
        tpu.wait_dma2 semaphore(%run_scoped3A : memref<!tpu.dma_semaphore, #tpu.memory_space<semaphore_mem>>) src(%arg8 : memref<80x128xf32, #tpu.memory_space<vmem>>) dst(%dma_wait3A_131 : memref<80x128xf32, #tpu.memory_space<vmem_shared>>)
        tpu.yield
      }) : () -> ()
    } else {
    }
    %add3A_8 = arith.constant 16 : i32
    %add3A_9 = arith.addi %arg1, %add3A_8 : i32
    %lt3A_10 = arith.constant 125 : i32
    %lt3A_11 = arith.cmpi slt, %add3A_9, %lt3A_10 : i32
    %convert_element_type3A_12 = arith.extui %lt3A_11 : i1 to i32
    %cond3A_13 = arith.constant 0 : i32
    %cond3A_14 = arith.cmpi ne, %convert_element_type3A_12, %cond3A_13 : i32
    scf.if %cond3A_14 {
      %mul3A_124 = arith.constant 80 : i32
      %mul3A_125 = arith.muli %add3A_9, %mul3A_124 : i32
      %multiple_of3A = tpu.assume_multiple %mul3A_125, 8 : i32
      "tpu.region"() ({
        %run_scoped3A = tpu.sem_alloc : memref<!tpu.dma_semaphore, #tpu.memory_space<semaphore_mem>>
        %dma_start3A = arith.constant 0 : i32
        %dma_start3A_126 = tpu.memref_slice %arg9[%multiple_of3A, %dma_start3A] : memref<10000x128xf32, #tpu.memory_space<vmem_shared>> -> memref<80x128xf32, #tpu.memory_space<vmem_shared>>
        %dma_start3A_127 = arith.constant 0 : i32
        %dma_start3A_128 = tpu.memref_slice %arg9[%multiple_of3A, %dma_start3A_127] : memref<10000x128xf32, #tpu.memory_space<vmem_shared>> -> memref<80x128xf32, #tpu.memory_space<vmem_shared>>
        tpu.enqueue_dma source(%arg8 : memref<80x128xf32, #tpu.memory_space<vmem>>) target(%dma_start3A_128 : memref<80x128xf32, #tpu.memory_space<vmem_shared>>) target_semaphore(%run_scoped3A : memref<!tpu.dma_semaphore, #tpu.memory_space<semaphore_mem>>)
        %dma_wait3A = arith.constant 0 : i32
        %dma_wait3A_129 = tpu.memref_slice %arg9[%multiple_of3A, %dma_wait3A] : memref<10000x128xf32, #tpu.memory_space<vmem_shared>> -> memref<80x128xf32, #tpu.memory_space<vmem_shared>>
        %dma_wait3A_130 = arith.constant 0 : i32
        %dma_wait3A_131 = tpu.memref_slice %arg9[%multiple_of3A, %dma_wait3A_130] : memref<10000x128xf32, #tpu.memory_space<vmem_shared>> -> memref<80x128xf32, #tpu.memory_space<vmem_shared>>
        tpu.wait_dma2 semaphore(%run_scoped3A : memref<!tpu.dma_semaphore, #tpu.memory_space<semaphore_mem>>) src(%arg8 : memref<80x128xf32, #tpu.memory_space<vmem>>) dst(%dma_wait3A_131 : memref<80x128xf32, #tpu.memory_space<vmem_shared>>)
        tpu.yield
      }) : () -> ()
    } else {
    }
    %add3A_15 = arith.constant 32 : i32
    %add3A_16 = arith.addi %arg1, %add3A_15 : i32
    %lt3A_17 = arith.constant 125 : i32
    %lt3A_18 = arith.cmpi slt, %add3A_16, %lt3A_17 : i32
    %convert_element_type3A_19 = arith.extui %lt3A_18 : i1 to i32
    %cond3A_20 = arith.constant 0 : i32
    %cond3A_21 = arith.cmpi ne, %convert_element_type3A_19, %cond3A_20 : i32
    scf.if %cond3A_21 {
      %mul3A_124 = arith.constant 80 : i32
      %mul3A_125 = arith.muli %add3A_16, %mul3A_124 : i32
      %multiple_of3A = tpu.assume_multiple %mul3A_125, 8 : i32
      "tpu.region"() ({
        %run_scoped3A = tpu.sem_alloc : memref<!tpu.dma_semaphore, #tpu.memory_space<semaphore_mem>>
        %dma_start3A = arith.constant 0 : i32
        %dma_start3A_126 = tpu.memref_slice %arg9[%multiple_of3A, %dma_start3A] : memref<10000x128xf32, #tpu.memory_space<vmem_shared>> -> memref<80x128xf32, #tpu.memory_space<vmem_shared>>
        %dma_start3A_127 = arith.constant 0 : i32
        %dma_start3A_128 = tpu.memref_slice %arg9[%multiple_of3A, %dma_start3A_127] : memref<10000x128xf32, #tpu.memory_space<vmem_shared>> -> memref<80x128xf32, #tpu.memory_space<vmem_shared>>
        tpu.enqueue_dma source(%arg8 : memref<80x128xf32, #tpu.memory_space<vmem>>) target(%dma_start3A_128 : memref<80x128xf32, #tpu.memory_space<vmem_shared>>) target_semaphore(%run_scoped3A : memref<!tpu.dma_semaphore, #tpu.memory_space<semaphore_mem>>)
        %dma_wait3A = arith.constant 0 : i32
        %dma_wait3A_129 = tpu.memref_slice %arg9[%multiple_of3A, %dma_wait3A] : memref<10000x128xf32, #tpu.memory_space<vmem_shared>> -> memref<80x128xf32, #tpu.memory_space<vmem_shared>>
        %dma_wait3A_130 = arith.constant 0 : i32
        %dma_wait3A_131 = tpu.memref_slice %arg9[%multiple_of3A, %dma_wait3A_130] : memref<10000x128xf32, #tpu.memory_space<vmem_shared>> -> memref<80x128xf32, #tpu.memory_space<vmem_shared>>
        tpu.wait_dma2 semaphore(%run_scoped3A : memref<!tpu.dma_semaphore, #tpu.memory_space<semaphore_mem>>) src(%arg8 : memref<80x128xf32, #tpu.memory_space<vmem>>) dst(%dma_wait3A_131 : memref<80x128xf32, #tpu.memory_space<vmem_shared>>)
        tpu.yield
      }) : () -> ()
    } else {
    }
    %add3A_22 = arith.constant 48 : i32
    %add3A_23 = arith.addi %arg1, %add3A_22 : i32
    %lt3A_24 = arith.constant 125 : i32
    %lt3A_25 = arith.cmpi slt, %add3A_23, %lt3A_24 : i32
    %convert_element_type3A_26 = arith.extui %lt3A_25 : i1 to i32
    %cond3A_27 = arith.constant 0 : i32
    %cond3A_28 = arith.cmpi ne, %convert_element_type3A_26, %cond3A_27 : i32
    scf.if %cond3A_28 {
      %mul3A_124 = arith.constant 80 : i32
      %mul3A_125 = arith.muli %add3A_23, %mul3A_124 : i32
      %multiple_of3A = tpu.assume_multiple %mul3A_125, 8 : i32
      "tpu.region"() ({
        %run_scoped3A = tpu.sem_alloc : memref<!tpu.dma_semaphore, #tpu.memory_space<semaphore_mem>>
        %dma_start3A = arith.constant 0 : i32
        %dma_start3A_126 = tpu.memref_slice %arg9[%multiple_of3A, %dma_start3A] : memref<10000x128xf32, #tpu.memory_space<vmem_shared>> -> memref<80x128xf32, #tpu.memory_space<vmem_shared>>
        %dma_start3A_127 = arith.constant 0 : i32
        %dma_start3A_128 = tpu.memref_slice %arg9[%multiple_of3A, %dma_start3A_127] : memref<10000x128xf32, #tpu.memory_space<vmem_shared>> -> memref<80x128xf32, #tpu.memory_space<vmem_shared>>
        tpu.enqueue_dma source(%arg8 : memref<80x128xf32, #tpu.memory_space<vmem>>) target(%dma_start3A_128 : memref<80x128xf32, #tpu.memory_space<vmem_shared>>) target_semaphore(%run_scoped3A : memref<!tpu.dma_semaphore, #tpu.memory_space<semaphore_mem>>)
        %dma_wait3A = arith.constant 0 : i32
        %dma_wait3A_129 = tpu.memref_slice %arg9[%multiple_of3A, %dma_wait3A] : memref<10000x128xf32, #tpu.memory_space<vmem_shared>> -> memref<80x128xf32, #tpu.memory_space<vmem_shared>>
        %dma_wait3A_130 = arith.constant 0 : i32
        %dma_wait3A_131 = tpu.memref_slice %arg9[%multiple_of3A, %dma_wait3A_130] : memref<10000x128xf32, #tpu.memory_space<vmem_shared>> -> memref<80x128xf32, #tpu.memory_space<vmem_shared>>
        tpu.wait_dma2 semaphore(%run_scoped3A : memref<!tpu.dma_semaphore, #tpu.memory_space<semaphore_mem>>) src(%arg8 : memref<80x128xf32, #tpu.memory_space<vmem>>) dst(%dma_wait3A_131 : memref<80x128xf32, #tpu.memory_space<vmem_shared>>)
        tpu.yield
      }) : () -> ()
    } else {
    }
    %add3A_29 = arith.constant 64 : i32
    %add3A_30 = arith.addi %arg1, %add3A_29 : i32
    %lt3A_31 = arith.constant 125 : i32
    %lt3A_32 = arith.cmpi slt, %add3A_30, %lt3A_31 : i32
    %convert_element_type3A_33 = arith.extui %lt3A_32 : i1 to i32
    %cond3A_34 = arith.constant 0 : i32
    %cond3A_35 = arith.cmpi ne, %convert_element_type3A_33, %cond3A_34 : i32
    scf.if %cond3A_35 {
      %mul3A_124 = arith.constant 80 : i32
      %mul3A_125 = arith.muli %add3A_30, %mul3A_124 : i32
      %multiple_of3A = tpu.assume_multiple %mul3A_125, 8 : i32
      "tpu.region"() ({
        %run_scoped3A = tpu.sem_alloc : memref<!tpu.dma_semaphore, #tpu.memory_space<semaphore_mem>>
        %dma_start3A = arith.constant 0 : i32
        %dma_start3A_126 = tpu.memref_slice %arg9[%multiple_of3A, %dma_start3A] : memref<10000x128xf32, #tpu.memory_space<vmem_shared>> -> memref<80x128xf32, #tpu.memory_space<vmem_shared>>
        %dma_start3A_127 = arith.constant 0 : i32
        %dma_start3A_128 = tpu.memref_slice %arg9[%multiple_of3A, %dma_start3A_127] : memref<10000x128xf32, #tpu.memory_space<vmem_shared>> -> memref<80x128xf32, #tpu.memory_space<vmem_shared>>
        tpu.enqueue_dma source(%arg8 : memref<80x128xf32, #tpu.memory_space<vmem>>) target(%dma_start3A_128 : memref<80x128xf32, #tpu.memory_space<vmem_shared>>) target_semaphore(%run_scoped3A : memref<!tpu.dma_semaphore, #tpu.memory_space<semaphore_mem>>)
        %dma_wait3A = arith.constant 0 : i32
        %dma_wait3A_129 = tpu.memref_slice %arg9[%multiple_of3A, %dma_wait3A] : memref<10000x128xf32, #tpu.memory_space<vmem_shared>> -> memref<80x128xf32, #tpu.memory_space<vmem_shared>>
        %dma_wait3A_130 = arith.constant 0 : i32
        %dma_wait3A_131 = tpu.memref_slice %arg9[%multiple_of3A, %dma_wait3A_130] : memref<10000x128xf32, #tpu.memory_space<vmem_shared>> -> memref<80x128xf32, #tpu.memory_space<vmem_shared>>
        tpu.wait_dma2 semaphore(%run_scoped3A : memref<!tpu.dma_semaphore, #tpu.memory_space<semaphore_mem>>) src(%arg8 : memref<80x128xf32, #tpu.memory_space<vmem>>) dst(%dma_wait3A_131 : memref<80x128xf32, #tpu.memory_space<vmem_shared>>)
        tpu.yield
      }) : () -> ()
    } else {
    }
    %add3A_36 = arith.constant 80 : i32
    %add3A_37 = arith.addi %arg1, %add3A_36 : i32
    %lt3A_38 = arith.constant 125 : i32
    %lt3A_39 = arith.cmpi slt, %add3A_37, %lt3A_38 : i32
    %convert_element_type3A_40 = arith.extui %lt3A_39 : i1 to i32
    %cond3A_41 = arith.constant 0 : i32
    %cond3A_42 = arith.cmpi ne, %convert_element_type3A_40, %cond3A_41 : i32
    scf.if %cond3A_42 {
      %mul3A_124 = arith.constant 80 : i32
      %mul3A_125 = arith.muli %add3A_37, %mul3A_124 : i32
      %multiple_of3A = tpu.assume_multiple %mul3A_125, 8 : i32
      "tpu.region"() ({
        %run_scoped3A = tpu.sem_alloc : memref<!tpu.dma_semaphore, #tpu.memory_space<semaphore_mem>>
        %dma_start3A = arith.constant 0 : i32
        %dma_start3A_126 = tpu.memref_slice %arg9[%multiple_of3A, %dma_start3A] : memref<10000x128xf32, #tpu.memory_space<vmem_shared>> -> memref<80x128xf32, #tpu.memory_space<vmem_shared>>
        %dma_start3A_127 = arith.constant 0 : i32
        %dma_start3A_128 = tpu.memref_slice %arg9[%multiple_of3A, %dma_start3A_127] : memref<10000x128xf32, #tpu.memory_space<vmem_shared>> -> memref<80x128xf32, #tpu.memory_space<vmem_shared>>
        tpu.enqueue_dma source(%arg8 : memref<80x128xf32, #tpu.memory_space<vmem>>) target(%dma_start3A_128 : memref<80x128xf32, #tpu.memory_space<vmem_shared>>) target_semaphore(%run_scoped3A : memref<!tpu.dma_semaphore, #tpu.memory_space<semaphore_mem>>)
        %dma_wait3A = arith.constant 0 : i32
        %dma_wait3A_129 = tpu.memref_slice %arg9[%multiple_of3A, %dma_wait3A] : memref<10000x128xf32, #tpu.memory_space<vmem_shared>> -> memref<80x128xf32, #tpu.memory_space<vmem_shared>>
        %dma_wait3A_130 = arith.constant 0 : i32
        %dma_wait3A_131 = tpu.memref_slice %arg9[%multiple_of3A, %dma_wait3A_130] : memref<10000x128xf32, #tpu.memory_space<vmem_shared>> -> memref<80x128xf32, #tpu.memory_space<vmem_shared>>
        tpu.wait_dma2 semaphore(%run_scoped3A : memref<!tpu.dma_semaphore, #tpu.memory_space<semaphore_mem>>) src(%arg8 : memref<80x128xf32, #tpu.memory_space<vmem>>) dst(%dma_wait3A_131 : memref<80x128xf32, #tpu.memory_space<vmem_shared>>)
        tpu.yield
      }) : () -> ()
    } else {
    }
    %add3A_43 = arith.constant 96 : i32
    %add3A_44 = arith.addi %arg1, %add3A_43 : i32
    %lt3A_45 = arith.constant 125 : i32
    %lt3A_46 = arith.cmpi slt, %add3A_44, %lt3A_45 : i32
    %convert_element_type3A_47 = arith.extui %lt3A_46 : i1 to i32
    %cond3A_48 = arith.constant 0 : i32
    %cond3A_49 = arith.cmpi ne, %convert_element_type3A_47, %cond3A_48 : i32
    scf.if %cond3A_49 {
      %mul3A_124 = arith.constant 80 : i32
      %mul3A_125 = arith.muli %add3A_44, %mul3A_124 : i32
      %multiple_of3A = tpu.assume_multiple %mul3A_125, 8 : i32
      "tpu.region"() ({
        %run_scoped3A = tpu.sem_alloc : memref<!tpu.dma_semaphore, #tpu.memory_space<semaphore_mem>>
        %dma_start3A = arith.constant 0 : i32
        %dma_start3A_126 = tpu.memref_slice %arg9[%multiple_of3A, %dma_start3A] : memref<10000x128xf32, #tpu.memory_space<vmem_shared>> -> memref<80x128xf32, #tpu.memory_space<vmem_shared>>
        %dma_start3A_127 = arith.constant 0 : i32
        %dma_start3A_128 = tpu.memref_slice %arg9[%multiple_of3A, %dma_start3A_127] : memref<10000x128xf32, #tpu.memory_space<vmem_shared>> -> memref<80x128xf32, #tpu.memory_space<vmem_shared>>
        tpu.enqueue_dma source(%arg8 : memref<80x128xf32, #tpu.memory_space<vmem>>) target(%dma_start3A_128 : memref<80x128xf32, #tpu.memory_space<vmem_shared>>) target_semaphore(%run_scoped3A : memref<!tpu.dma_semaphore, #tpu.memory_space<semaphore_mem>>)
        %dma_wait3A = arith.constant 0 : i32
        %dma_wait3A_129 = tpu.memref_slice %arg9[%multiple_of3A, %dma_wait3A] : memref<10000x128xf32, #tpu.memory_space<vmem_shared>> -> memref<80x128xf32, #tpu.memory_space<vmem_shared>>
        %dma_wait3A_130 = arith.constant 0 : i32
        %dma_wait3A_131 = tpu.memref_slice %arg9[%multiple_of3A, %dma_wait3A_130] : memref<10000x128xf32, #tpu.memory_space<vmem_shared>> -> memref<80x128xf32, #tpu.memory_space<vmem_shared>>
        tpu.wait_dma2 semaphore(%run_scoped3A : memref<!tpu.dma_semaphore, #tpu.memory_space<semaphore_mem>>) src(%arg8 : memref<80x128xf32, #tpu.memory_space<vmem>>) dst(%dma_wait3A_131 : memref<80x128xf32, #tpu.memory_space<vmem_shared>>)
        tpu.yield
      }) : () -> ()
    } else {
    }
    %add3A_50 = arith.constant 112 : i32
    %add3A_51 = arith.addi %arg1, %add3A_50 : i32
    %lt3A_52 = arith.constant 125 : i32
    %lt3A_53 = arith.cmpi slt, %add3A_51, %lt3A_52 : i32
    %convert_element_type3A_54 = arith.extui %lt3A_53 : i1 to i32
    %cond3A_55 = arith.constant 0 : i32
    %cond3A_56 = arith.cmpi ne, %convert_element_type3A_54, %cond3A_55 : i32
    scf.if %cond3A_56 {
      %mul3A_124 = arith.constant 80 : i32
      %mul3A_125 = arith.muli %add3A_51, %mul3A_124 : i32
      %multiple_of3A = tpu.assume_multiple %mul3A_125, 8 : i32
      "tpu.region"() ({
        %run_scoped3A = tpu.sem_alloc : memref<!tpu.dma_semaphore, #tpu.memory_space<semaphore_mem>>
        %dma_start3A = arith.constant 0 : i32
        %dma_start3A_126 = tpu.memref_slice %arg9[%multiple_of3A, %dma_start3A] : memref<10000x128xf32, #tpu.memory_space<vmem_shared>> -> memref<80x128xf32, #tpu.memory_space<vmem_shared>>
        %dma_start3A_127 = arith.constant 0 : i32
        %dma_start3A_128 = tpu.memref_slice %arg9[%multiple_of3A, %dma_start3A_127] : memref<10000x128xf32, #tpu.memory_space<vmem_shared>> -> memref<80x128xf32, #tpu.memory_space<vmem_shared>>
        tpu.enqueue_dma source(%arg8 : memref<80x128xf32, #tpu.memory_space<vmem>>) target(%dma_start3A_128 : memref<80x128xf32, #tpu.memory_space<vmem_shared>>) target_semaphore(%run_scoped3A : memref<!tpu.dma_semaphore, #tpu.memory_space<semaphore_mem>>)
        %dma_wait3A = arith.constant 0 : i32
        %dma_wait3A_129 = tpu.memref_slice %arg9[%multiple_of3A, %dma_wait3A] : memref<10000x128xf32, #tpu.memory_space<vmem_shared>> -> memref<80x128xf32, #tpu.memory_space<vmem_shared>>
        %dma_wait3A_130 = arith.constant 0 : i32
        %dma_wait3A_131 = tpu.memref_slice %arg9[%multiple_of3A, %dma_wait3A_130] : memref<10000x128xf32, #tpu.memory_space<vmem_shared>> -> memref<80x128xf32, #tpu.memory_space<vmem_shared>>
        tpu.wait_dma2 semaphore(%run_scoped3A : memref<!tpu.dma_semaphore, #tpu.memory_space<semaphore_mem>>) src(%arg8 : memref<80x128xf32, #tpu.memory_space<vmem>>) dst(%dma_wait3A_131 : memref<80x128xf32, #tpu.memory_space<vmem_shared>>)
        tpu.yield
      }) : () -> ()
    } else {
    }
    %barrier3A = arith.constant 0 : index
    tpu.barrier barrier_id(%barrier3A)
    %mul3A = arith.constant 16 : i32
    %mul3A_57 = arith.muli %arg0, %mul3A : i32
    %add3A_58 = arith.addi %mul3A_57, %arg1 : i32
    %mul3A_59 = arith.constant 10000 : i32
    %mul3A_60 = arith.muli %add3A_58, %mul3A_59 : i32
    %scan3A_61 = arith.constant 0 : i32
    %scan3A_62 = arith.constant 0 : i32
    %scan3A_63 = arith.constant 125 : i32
    %scan3A_64 = arith.addi %scan3A_62, %scan3A_63 : i32
    %scan3A_65 = arith.constant 1 : i32
    scf.for %scan3A_124 = %scan3A_62 to %scan3A_64 step %scan3A_65  : i32 {
      %mul3A_125 = arith.constant 80 : i32
      %mul3A_126 = arith.muli %scan3A_124, %mul3A_125 : i32
      %add3A_127 = arith.addi %mul3A_60, %mul3A_126 : i32
      %multiple_of3A = tpu.assume_multiple %add3A_127, 8 : i32
      "tpu.region"() ({
        %run_scoped3A = tpu.sem_alloc : memref<!tpu.dma_semaphore, #tpu.memory_space<semaphore_mem>>
        %dma_start3A_132 = tpu.memref_slice %arg3[%multiple_of3A] : memref<320000xi32, #tpu.memory_space<hbm>> -> memref<80xi32, #tpu.memory_space<hbm>>
        %dma_start3A_133 = tpu.memref_slice %arg3[%multiple_of3A] : memref<320000xi32, #tpu.memory_space<hbm>> -> memref<80xi32, #tpu.memory_space<hbm>>
        tpu.enqueue_dma source(%dma_start3A_133 : memref<80xi32, #tpu.memory_space<hbm>>) target(%arg6 : memref<80xi32, #tpu.memory_space<vmem>>) target_semaphore(%run_scoped3A : memref<!tpu.dma_semaphore, #tpu.memory_space<semaphore_mem>>)
        %dma_wait3A_134 = tpu.memref_slice %arg3[%multiple_of3A] : memref<320000xi32, #tpu.memory_space<hbm>> -> memref<80xi32, #tpu.memory_space<hbm>>
        %dma_wait3A_135 = tpu.memref_slice %arg3[%multiple_of3A] : memref<320000xi32, #tpu.memory_space<hbm>> -> memref<80xi32, #tpu.memory_space<hbm>>
        tpu.wait_dma2 semaphore(%run_scoped3A : memref<!tpu.dma_semaphore, #tpu.memory_space<semaphore_mem>>) src(%dma_wait3A_135 : memref<80xi32, #tpu.memory_space<hbm>>) dst(%arg6 : memref<80xi32, #tpu.memory_space<vmem>>)
        tpu.yield
      }) : () -> ()
      "tpu.region"() ({
        %run_scoped3A = tpu.sem_alloc : memref<!tpu.dma_semaphore, #tpu.memory_space<semaphore_mem>>
        %dma_start3A_132 = tpu.memref_slice %arg4[%multiple_of3A] : memref<320000xi32, #tpu.memory_space<hbm>> -> memref<80xi32, #tpu.memory_space<hbm>>
        %dma_start3A_133 = tpu.memref_slice %arg4[%multiple_of3A] : memref<320000xi32, #tpu.memory_space<hbm>> -> memref<80xi32, #tpu.memory_space<hbm>>
        tpu.enqueue_dma source(%dma_start3A_133 : memref<80xi32, #tpu.memory_space<hbm>>) target(%arg7 : memref<80xi32, #tpu.memory_space<vmem>>) target_semaphore(%run_scoped3A : memref<!tpu.dma_semaphore, #tpu.memory_space<semaphore_mem>>)
        %dma_wait3A_134 = tpu.memref_slice %arg4[%multiple_of3A] : memref<320000xi32, #tpu.memory_space<hbm>> -> memref<80xi32, #tpu.memory_space<hbm>>
        %dma_wait3A_135 = tpu.memref_slice %arg4[%multiple_of3A] : memref<320000xi32, #tpu.memory_space<hbm>> -> memref<80xi32, #tpu.memory_space<hbm>>
        tpu.wait_dma2 semaphore(%run_scoped3A : memref<!tpu.dma_semaphore, #tpu.memory_space<semaphore_mem>>) src(%dma_wait3A_135 : memref<80xi32, #tpu.memory_space<hbm>>) dst(%arg7 : memref<80xi32, #tpu.memory_space<vmem>>)
        tpu.yield
      }) : () -> ()
      %dma_start3A = arith.constant 0 : i32
      %dma_start3A_128 = arith.constant 0 : i32
      %dma_start3A_129 = tpu.memref_slice %arg2[%dma_start3A, %dma_start3A_128] : memref<10000x128xf32, #tpu.memory_space<hbm>> -> memref<10000x128xf32, #tpu.memory_space<hbm>>
      tpu.enqueue_indirect_dma source(%dma_start3A_129 : memref<10000x128xf32, #tpu.memory_space<hbm>>) target(%arg8 : memref<80x128xf32, #tpu.memory_space<vmem>>) offsets(%arg6 : memref<80xi32, #tpu.memory_space<vmem>>) semaphore(%arg10 : memref<!tpu.dma_semaphore, #tpu.memory_space<semaphore_mem>>)
      %dma_wait3A = arith.constant 0 : i32
      %dma_wait3A_130 = arith.constant 0 : i32
      %dma_wait3A_131 = tpu.memref_slice %arg2[%dma_wait3A, %dma_wait3A_130] : memref<10000x128xf32, #tpu.memory_space<hbm>> -> memref<10000x128xf32, #tpu.memory_space<hbm>>
      tpu.wait_indirect_dma semaphore(%arg10 : memref<!tpu.dma_semaphore, #tpu.memory_space<semaphore_mem>>) src(%dma_wait3A_131 : memref<10000x128xf32, #tpu.memory_space<hbm>>) dst(%arg8 : memref<80x128xf32, #tpu.memory_space<vmem>>)
      "tpu.region"() ({
        %run_scoped3A = tpu.sem_alloc : memref<!tpu.dma_semaphore, #tpu.memory_space<semaphore_mem>>
        %dma_start3A_132 = arith.constant 0 : i32
        %dma_start3A_133 = arith.constant 0 : i32
        %dma_start3A_134 = tpu.memref_slice %arg9[%dma_start3A_132, %dma_start3A_133] : memref<10000x128xf32, #tpu.memory_space<vmem_shared>> -> memref<10000x128xf32, #tpu.memory_space<vmem_shared>>
        tpu.enqueue_indirect_dma source(%arg8 : memref<80x128xf32, #tpu.memory_space<vmem>>) target(%dma_start3A_134 : memref<10000x128xf32, #tpu.memory_space<vmem_shared>>) offsets(%arg7 : memref<80xi32, #tpu.memory_space<vmem>>) semaphore(%run_scoped3A : memref<!tpu.dma_semaphore, #tpu.memory_space<semaphore_mem>>) {add = true}
        %dma_wait3A_135 = arith.constant 0 : i32
        %dma_wait3A_136 = arith.constant 0 : i32
        %dma_wait3A_137 = tpu.memref_slice %arg9[%dma_wait3A_135, %dma_wait3A_136] : memref<10000x128xf32, #tpu.memory_space<vmem_shared>> -> memref<10000x128xf32, #tpu.memory_space<vmem_shared>>
        tpu.wait_indirect_dma semaphore(%run_scoped3A : memref<!tpu.dma_semaphore, #tpu.memory_space<semaphore_mem>>) src(%arg8 : memref<80x128xf32, #tpu.memory_space<vmem>>) dst(%dma_wait3A_137 : memref<10000x128xf32, #tpu.memory_space<vmem_shared>>)
        tpu.yield
      }) : () -> ()
    }
    %scan3A_66 = arith.constant 125 : i32
    %barrier3A_67 = arith.constant 0 : index
    tpu.barrier barrier_id(%barrier3A_67)
    %add3A_68 = arith.constant 0 : i32
    %add3A_69 = arith.addi %arg1, %add3A_68 : i32
    %lt3A_70 = arith.constant 125 : i32
    %lt3A_71 = arith.cmpi slt, %add3A_69, %lt3A_70 : i32
    %convert_element_type3A_72 = arith.extui %lt3A_71 : i1 to i32
    %cond3A_73 = arith.constant 0 : i32
    %cond3A_74 = arith.cmpi ne, %convert_element_type3A_72, %cond3A_73 : i32
    scf.if %cond3A_74 {
      %mul3A_124 = arith.constant 80 : i32
      %mul3A_125 = arith.muli %add3A_69, %mul3A_124 : i32
      %multiple_of3A = tpu.assume_multiple %mul3A_125, 8 : i32
      "tpu.region"() ({
        %run_scoped3A = tpu.sem_alloc : memref<!tpu.dma_semaphore, #tpu.memory_space<semaphore_mem>>
        %dma_start3A = arith.constant 0 : i32
        %dma_start3A_126 = tpu.memref_slice %arg5[%arg0, %multiple_of3A, %dma_start3A] : memref<2x10000x128xf32, #tpu.memory_space<hbm>> -> memref<1x80x128xf32, #tpu.memory_space<hbm>>
        %dma_start3A_127 = tpu.memref_squeeze %dma_start3A_126 : memref<1x80x128xf32, #tpu.memory_space<hbm>> -> memref<80x128xf32, #tpu.memory_space<hbm>>
        %dma_start3A_128 = arith.constant 0 : i32
        %dma_start3A_129 = tpu.memref_slice %arg9[%multiple_of3A, %dma_start3A_128] : memref<10000x128xf32, #tpu.memory_space<vmem_shared>> -> memref<80x128xf32, #tpu.memory_space<vmem_shared>>
        tpu.enqueue_dma source(%dma_start3A_129 : memref<80x128xf32, #tpu.memory_space<vmem_shared>>) target(%dma_start3A_127 : memref<80x128xf32, #tpu.memory_space<hbm>>) target_semaphore(%run_scoped3A : memref<!tpu.dma_semaphore, #tpu.memory_space<semaphore_mem>>)
        %dma_wait3A = arith.constant 0 : i32
        %dma_wait3A_130 = tpu.memref_slice %arg5[%arg0, %multiple_of3A, %dma_wait3A] : memref<2x10000x128xf32, #tpu.memory_space<hbm>> -> memref<1x80x128xf32, #tpu.memory_space<hbm>>
        %dma_wait3A_131 = tpu.memref_squeeze %dma_wait3A_130 : memref<1x80x128xf32, #tpu.memory_space<hbm>> -> memref<80x128xf32, #tpu.memory_space<hbm>>
        %dma_wait3A_132 = arith.constant 0 : i32
        %dma_wait3A_133 = tpu.memref_slice %arg9[%multiple_of3A, %dma_wait3A_132] : memref<10000x128xf32, #tpu.memory_space<vmem_shared>> -> memref<80x128xf32, #tpu.memory_space<vmem_shared>>
        tpu.wait_dma2 semaphore(%run_scoped3A : memref<!tpu.dma_semaphore, #tpu.memory_space<semaphore_mem>>) src(%dma_wait3A_133 : memref<80x128xf32, #tpu.memory_space<vmem_shared>>) dst(%dma_wait3A_131 : memref<80x128xf32, #tpu.memory_space<hbm>>)
        tpu.yield
      }) : () -> ()
    } else {
    }
    %add3A_75 = arith.constant 16 : i32
    %add3A_76 = arith.addi %arg1, %add3A_75 : i32
    %lt3A_77 = arith.constant 125 : i32
    %lt3A_78 = arith.cmpi slt, %add3A_76, %lt3A_77 : i32
    %convert_element_type3A_79 = arith.extui %lt3A_78 : i1 to i32
    %cond3A_80 = arith.constant 0 : i32
    %cond3A_81 = arith.cmpi ne, %convert_element_type3A_79, %cond3A_80 : i32
    scf.if %cond3A_81 {
      %mul3A_124 = arith.constant 80 : i32
      %mul3A_125 = arith.muli %add3A_76, %mul3A_124 : i32
      %multiple_of3A = tpu.assume_multiple %mul3A_125, 8 : i32
      "tpu.region"() ({
        %run_scoped3A = tpu.sem_alloc : memref<!tpu.dma_semaphore, #tpu.memory_space<semaphore_mem>>
        %dma_start3A = arith.constant 0 : i32
        %dma_start3A_126 = tpu.memref_slice %arg5[%arg0, %multiple_of3A, %dma_start3A] : memref<2x10000x128xf32, #tpu.memory_space<hbm>> -> memref<1x80x128xf32, #tpu.memory_space<hbm>>
        %dma_start3A_127 = tpu.memref_squeeze %dma_start3A_126 : memref<1x80x128xf32, #tpu.memory_space<hbm>> -> memref<80x128xf32, #tpu.memory_space<hbm>>
        %dma_start3A_128 = arith.constant 0 : i32
        %dma_start3A_129 = tpu.memref_slice %arg9[%multiple_of3A, %dma_start3A_128] : memref<10000x128xf32, #tpu.memory_space<vmem_shared>> -> memref<80x128xf32, #tpu.memory_space<vmem_shared>>
        tpu.enqueue_dma source(%dma_start3A_129 : memref<80x128xf32, #tpu.memory_space<vmem_shared>>) target(%dma_start3A_127 : memref<80x128xf32, #tpu.memory_space<hbm>>) target_semaphore(%run_scoped3A : memref<!tpu.dma_semaphore, #tpu.memory_space<semaphore_mem>>)
        %dma_wait3A = arith.constant 0 : i32
        %dma_wait3A_130 = tpu.memref_slice %arg5[%arg0, %multiple_of3A, %dma_wait3A] : memref<2x10000x128xf32, #tpu.memory_space<hbm>> -> memref<1x80x128xf32, #tpu.memory_space<hbm>>
        %dma_wait3A_131 = tpu.memref_squeeze %dma_wait3A_130 : memref<1x80x128xf32, #tpu.memory_space<hbm>> -> memref<80x128xf32, #tpu.memory_space<hbm>>
        %dma_wait3A_132 = arith.constant 0 : i32
        %dma_wait3A_133 = tpu.memref_slice %arg9[%multiple_of3A, %dma_wait3A_132] : memref<10000x128xf32, #tpu.memory_space<vmem_shared>> -> memref<80x128xf32, #tpu.memory_space<vmem_shared>>
        tpu.wait_dma2 semaphore(%run_scoped3A : memref<!tpu.dma_semaphore, #tpu.memory_space<semaphore_mem>>) src(%dma_wait3A_133 : memref<80x128xf32, #tpu.memory_space<vmem_shared>>) dst(%dma_wait3A_131 : memref<80x128xf32, #tpu.memory_space<hbm>>)
        tpu.yield
      }) : () -> ()
    } else {
    }
    %add3A_82 = arith.constant 32 : i32
    %add3A_83 = arith.addi %arg1, %add3A_82 : i32
    %lt3A_84 = arith.constant 125 : i32
    %lt3A_85 = arith.cmpi slt, %add3A_83, %lt3A_84 : i32
    %convert_element_type3A_86 = arith.extui %lt3A_85 : i1 to i32
    %cond3A_87 = arith.constant 0 : i32
    %cond3A_88 = arith.cmpi ne, %convert_element_type3A_86, %cond3A_87 : i32
    scf.if %cond3A_88 {
      %mul3A_124 = arith.constant 80 : i32
      %mul3A_125 = arith.muli %add3A_83, %mul3A_124 : i32
      %multiple_of3A = tpu.assume_multiple %mul3A_125, 8 : i32
      "tpu.region"() ({
        %run_scoped3A = tpu.sem_alloc : memref<!tpu.dma_semaphore, #tpu.memory_space<semaphore_mem>>
        %dma_start3A = arith.constant 0 : i32
        %dma_start3A_126 = tpu.memref_slice %arg5[%arg0, %multiple_of3A, %dma_start3A] : memref<2x10000x128xf32, #tpu.memory_space<hbm>> -> memref<1x80x128xf32, #tpu.memory_space<hbm>>
        %dma_start3A_127 = tpu.memref_squeeze %dma_start3A_126 : memref<1x80x128xf32, #tpu.memory_space<hbm>> -> memref<80x128xf32, #tpu.memory_space<hbm>>
        %dma_start3A_128 = arith.constant 0 : i32
        %dma_start3A_129 = tpu.memref_slice %arg9[%multiple_of3A, %dma_start3A_128] : memref<10000x128xf32, #tpu.memory_space<vmem_shared>> -> memref<80x128xf32, #tpu.memory_space<vmem_shared>>
        tpu.enqueue_dma source(%dma_start3A_129 : memref<80x128xf32, #tpu.memory_space<vmem_shared>>) target(%dma_start3A_127 : memref<80x128xf32, #tpu.memory_space<hbm>>) target_semaphore(%run_scoped3A : memref<!tpu.dma_semaphore, #tpu.memory_space<semaphore_mem>>)
        %dma_wait3A = arith.constant 0 : i32
        %dma_wait3A_130 = tpu.memref_slice %arg5[%arg0, %multiple_of3A, %dma_wait3A] : memref<2x10000x128xf32, #tpu.memory_space<hbm>> -> memref<1x80x128xf32, #tpu.memory_space<hbm>>
        %dma_wait3A_131 = tpu.memref_squeeze %dma_wait3A_130 : memref<1x80x128xf32, #tpu.memory_space<hbm>> -> memref<80x128xf32, #tpu.memory_space<hbm>>
        %dma_wait3A_132 = arith.constant 0 : i32
        %dma_wait3A_133 = tpu.memref_slice %arg9[%multiple_of3A, %dma_wait3A_132] : memref<10000x128xf32, #tpu.memory_space<vmem_shared>> -> memref<80x128xf32, #tpu.memory_space<vmem_shared>>
        tpu.wait_dma2 semaphore(%run_scoped3A : memref<!tpu.dma_semaphore, #tpu.memory_space<semaphore_mem>>) src(%dma_wait3A_133 : memref<80x128xf32, #tpu.memory_space<vmem_shared>>) dst(%dma_wait3A_131 : memref<80x128xf32, #tpu.memory_space<hbm>>)
        tpu.yield
      }) : () -> ()
    } else {
    }
    %add3A_89 = arith.constant 48 : i32
    %add3A_90 = arith.addi %arg1, %add3A_89 : i32
    %lt3A_91 = arith.constant 125 : i32
    %lt3A_92 = arith.cmpi slt, %add3A_90, %lt3A_91 : i32
    %convert_element_type3A_93 = arith.extui %lt3A_92 : i1 to i32
    %cond3A_94 = arith.constant 0 : i32
    %cond3A_95 = arith.cmpi ne, %convert_element_type3A_93, %cond3A_94 : i32
    scf.if %cond3A_95 {
      %mul3A_124 = arith.constant 80 : i32
      %mul3A_125 = arith.muli %add3A_90, %mul3A_124 : i32
      %multiple_of3A = tpu.assume_multiple %mul3A_125, 8 : i32
      "tpu.region"() ({
        %run_scoped3A = tpu.sem_alloc : memref<!tpu.dma_semaphore, #tpu.memory_space<semaphore_mem>>
        %dma_start3A = arith.constant 0 : i32
        %dma_start3A_126 = tpu.memref_slice %arg5[%arg0, %multiple_of3A, %dma_start3A] : memref<2x10000x128xf32, #tpu.memory_space<hbm>> -> memref<1x80x128xf32, #tpu.memory_space<hbm>>
        %dma_start3A_127 = tpu.memref_squeeze %dma_start3A_126 : memref<1x80x128xf32, #tpu.memory_space<hbm>> -> memref<80x128xf32, #tpu.memory_space<hbm>>
        %dma_start3A_128 = arith.constant 0 : i32
        %dma_start3A_129 = tpu.memref_slice %arg9[%multiple_of3A, %dma_start3A_128] : memref<10000x128xf32, #tpu.memory_space<vmem_shared>> -> memref<80x128xf32, #tpu.memory_space<vmem_shared>>
        tpu.enqueue_dma source(%dma_start3A_129 : memref<80x128xf32, #tpu.memory_space<vmem_shared>>) target(%dma_start3A_127 : memref<80x128xf32, #tpu.memory_space<hbm>>) target_semaphore(%run_scoped3A : memref<!tpu.dma_semaphore, #tpu.memory_space<semaphore_mem>>)
        %dma_wait3A = arith.constant 0 : i32
        %dma_wait3A_130 = tpu.memref_slice %arg5[%arg0, %multiple_of3A, %dma_wait3A] : memref<2x10000x128xf32, #tpu.memory_space<hbm>> -> memref<1x80x128xf32, #tpu.memory_space<hbm>>
        %dma_wait3A_131 = tpu.memref_squeeze %dma_wait3A_130 : memref<1x80x128xf32, #tpu.memory_space<hbm>> -> memref<80x128xf32, #tpu.memory_space<hbm>>
        %dma_wait3A_132 = arith.constant 0 : i32
        %dma_wait3A_133 = tpu.memref_slice %arg9[%multiple_of3A, %dma_wait3A_132] : memref<10000x128xf32, #tpu.memory_space<vmem_shared>> -> memref<80x128xf32, #tpu.memory_space<vmem_shared>>
        tpu.wait_dma2 semaphore(%run_scoped3A : memref<!tpu.dma_semaphore, #tpu.memory_space<semaphore_mem>>) src(%dma_wait3A_133 : memref<80x128xf32, #tpu.memory_space<vmem_shared>>) dst(%dma_wait3A_131 : memref<80x128xf32, #tpu.memory_space<hbm>>)
        tpu.yield
      }) : () -> ()
    } else {
    }
    %add3A_96 = arith.constant 64 : i32
    %add3A_97 = arith.addi %arg1, %add3A_96 : i32
    %lt3A_98 = arith.constant 125 : i32
    %lt3A_99 = arith.cmpi slt, %add3A_97, %lt3A_98 : i32
    %convert_element_type3A_100 = arith.extui %lt3A_99 : i1 to i32
    %cond3A_101 = arith.constant 0 : i32
    %cond3A_102 = arith.cmpi ne, %convert_element_type3A_100, %cond3A_101 : i32
    scf.if %cond3A_102 {
      %mul3A_124 = arith.constant 80 : i32
      %mul3A_125 = arith.muli %add3A_97, %mul3A_124 : i32
      %multiple_of3A = tpu.assume_multiple %mul3A_125, 8 : i32
      "tpu.region"() ({
        %run_scoped3A = tpu.sem_alloc : memref<!tpu.dma_semaphore, #tpu.memory_space<semaphore_mem>>
        %dma_start3A = arith.constant 0 : i32
        %dma_start3A_126 = tpu.memref_slice %arg5[%arg0, %multiple_of3A, %dma_start3A] : memref<2x10000x128xf32, #tpu.memory_space<hbm>> -> memref<1x80x128xf32, #tpu.memory_space<hbm>>
        %dma_start3A_127 = tpu.memref_squeeze %dma_start3A_126 : memref<1x80x128xf32, #tpu.memory_space<hbm>> -> memref<80x128xf32, #tpu.memory_space<hbm>>
        %dma_start3A_128 = arith.constant 0 : i32
        %dma_start3A_129 = tpu.memref_slice %arg9[%multiple_of3A, %dma_start3A_128] : memref<10000x128xf32, #tpu.memory_space<vmem_shared>> -> memref<80x128xf32, #tpu.memory_space<vmem_shared>>
        tpu.enqueue_dma source(%dma_start3A_129 : memref<80x128xf32, #tpu.memory_space<vmem_shared>>) target(%dma_start3A_127 : memref<80x128xf32, #tpu.memory_space<hbm>>) target_semaphore(%run_scoped3A : memref<!tpu.dma_semaphore, #tpu.memory_space<semaphore_mem>>)
        %dma_wait3A = arith.constant 0 : i32
        %dma_wait3A_130 = tpu.memref_slice %arg5[%arg0, %multiple_of3A, %dma_wait3A] : memref<2x10000x128xf32, #tpu.memory_space<hbm>> -> memref<1x80x128xf32, #tpu.memory_space<hbm>>
        %dma_wait3A_131 = tpu.memref_squeeze %dma_wait3A_130 : memref<1x80x128xf32, #tpu.memory_space<hbm>> -> memref<80x128xf32, #tpu.memory_space<hbm>>
        %dma_wait3A_132 = arith.constant 0 : i32
        %dma_wait3A_133 = tpu.memref_slice %arg9[%multiple_of3A, %dma_wait3A_132] : memref<10000x128xf32, #tpu.memory_space<vmem_shared>> -> memref<80x128xf32, #tpu.memory_space<vmem_shared>>
        tpu.wait_dma2 semaphore(%run_scoped3A : memref<!tpu.dma_semaphore, #tpu.memory_space<semaphore_mem>>) src(%dma_wait3A_133 : memref<80x128xf32, #tpu.memory_space<vmem_shared>>) dst(%dma_wait3A_131 : memref<80x128xf32, #tpu.memory_space<hbm>>)
        tpu.yield
      }) : () -> ()
    } else {
    }
    %add3A_103 = arith.constant 80 : i32
    %add3A_104 = arith.addi %arg1, %add3A_103 : i32
    %lt3A_105 = arith.constant 125 : i32
    %lt3A_106 = arith.cmpi slt, %add3A_104, %lt3A_105 : i32
    %convert_element_type3A_107 = arith.extui %lt3A_106 : i1 to i32
    %cond3A_108 = arith.constant 0 : i32
    %cond3A_109 = arith.cmpi ne, %convert_element_type3A_107, %cond3A_108 : i32
    scf.if %cond3A_109 {
      %mul3A_124 = arith.constant 80 : i32
      %mul3A_125 = arith.muli %add3A_104, %mul3A_124 : i32
      %multiple_of3A = tpu.assume_multiple %mul3A_125, 8 : i32
      "tpu.region"() ({
        %run_scoped3A = tpu.sem_alloc : memref<!tpu.dma_semaphore, #tpu.memory_space<semaphore_mem>>
        %dma_start3A = arith.constant 0 : i32
        %dma_start3A_126 = tpu.memref_slice %arg5[%arg0, %multiple_of3A, %dma_start3A] : memref<2x10000x128xf32, #tpu.memory_space<hbm>> -> memref<1x80x128xf32, #tpu.memory_space<hbm>>
        %dma_start3A_127 = tpu.memref_squeeze %dma_start3A_126 : memref<1x80x128xf32, #tpu.memory_space<hbm>> -> memref<80x128xf32, #tpu.memory_space<hbm>>
        %dma_start3A_128 = arith.constant 0 : i32
        %dma_start3A_129 = tpu.memref_slice %arg9[%multiple_of3A, %dma_start3A_128] : memref<10000x128xf32, #tpu.memory_space<vmem_shared>> -> memref<80x128xf32, #tpu.memory_space<vmem_shared>>
        tpu.enqueue_dma source(%dma_start3A_129 : memref<80x128xf32, #tpu.memory_space<vmem_shared>>) target(%dma_start3A_127 : memref<80x128xf32, #tpu.memory_space<hbm>>) target_semaphore(%run_scoped3A : memref<!tpu.dma_semaphore, #tpu.memory_space<semaphore_mem>>)
        %dma_wait3A = arith.constant 0 : i32
        %dma_wait3A_130 = tpu.memref_slice %arg5[%arg0, %multiple_of3A, %dma_wait3A] : memref<2x10000x128xf32, #tpu.memory_space<hbm>> -> memref<1x80x128xf32, #tpu.memory_space<hbm>>
        %dma_wait3A_131 = tpu.memref_squeeze %dma_wait3A_130 : memref<1x80x128xf32, #tpu.memory_space<hbm>> -> memref<80x128xf32, #tpu.memory_space<hbm>>
        %dma_wait3A_132 = arith.constant 0 : i32
        %dma_wait3A_133 = tpu.memref_slice %arg9[%multiple_of3A, %dma_wait3A_132] : memref<10000x128xf32, #tpu.memory_space<vmem_shared>> -> memref<80x128xf32, #tpu.memory_space<vmem_shared>>
        tpu.wait_dma2 semaphore(%run_scoped3A : memref<!tpu.dma_semaphore, #tpu.memory_space<semaphore_mem>>) src(%dma_wait3A_133 : memref<80x128xf32, #tpu.memory_space<vmem_shared>>) dst(%dma_wait3A_131 : memref<80x128xf32, #tpu.memory_space<hbm>>)
        tpu.yield
      }) : () -> ()
    } else {
    }
    %add3A_110 = arith.constant 96 : i32
    %add3A_111 = arith.addi %arg1, %add3A_110 : i32
    %lt3A_112 = arith.constant 125 : i32
    %lt3A_113 = arith.cmpi slt, %add3A_111, %lt3A_112 : i32
    %convert_element_type3A_114 = arith.extui %lt3A_113 : i1 to i32
    %cond3A_115 = arith.constant 0 : i32
    %cond3A_116 = arith.cmpi ne, %convert_element_type3A_114, %cond3A_115 : i32
    scf.if %cond3A_116 {
      %mul3A_124 = arith.constant 80 : i32
      %mul3A_125 = arith.muli %add3A_111, %mul3A_124 : i32
      %multiple_of3A = tpu.assume_multiple %mul3A_125, 8 : i32
      "tpu.region"() ({
        %run_scoped3A = tpu.sem_alloc : memref<!tpu.dma_semaphore, #tpu.memory_space<semaphore_mem>>
        %dma_start3A = arith.constant 0 : i32
        %dma_start3A_126 = tpu.memref_slice %arg5[%arg0, %multiple_of3A, %dma_start3A] : memref<2x10000x128xf32, #tpu.memory_space<hbm>> -> memref<1x80x128xf32, #tpu.memory_space<hbm>>
        %dma_start3A_127 = tpu.memref_squeeze %dma_start3A_126 : memref<1x80x128xf32, #tpu.memory_space<hbm>> -> memref<80x128xf32, #tpu.memory_space<hbm>>
        %dma_start3A_128 = arith.constant 0 : i32
        %dma_start3A_129 = tpu.memref_slice %arg9[%multiple_of3A, %dma_start3A_128] : memref<10000x128xf32, #tpu.memory_space<vmem_shared>> -> memref<80x128xf32, #tpu.memory_space<vmem_shared>>
        tpu.enqueue_dma source(%dma_start3A_129 : memref<80x128xf32, #tpu.memory_space<vmem_shared>>) target(%dma_start3A_127 : memref<80x128xf32, #tpu.memory_space<hbm>>) target_semaphore(%run_scoped3A : memref<!tpu.dma_semaphore, #tpu.memory_space<semaphore_mem>>)
        %dma_wait3A = arith.constant 0 : i32
        %dma_wait3A_130 = tpu.memref_slice %arg5[%arg0, %multiple_of3A, %dma_wait3A] : memref<2x10000x128xf32, #tpu.memory_space<hbm>> -> memref<1x80x128xf32, #tpu.memory_space<hbm>>
        %dma_wait3A_131 = tpu.memref_squeeze %dma_wait3A_130 : memref<1x80x128xf32, #tpu.memory_space<hbm>> -> memref<80x128xf32, #tpu.memory_space<hbm>>
        %dma_wait3A_132 = arith.constant 0 : i32
        %dma_wait3A_133 = tpu.memref_slice %arg9[%multiple_of3A, %dma_wait3A_132] : memref<10000x128xf32, #tpu.memory_space<vmem_shared>> -> memref<80x128xf32, #tpu.memory_space<vmem_shared>>
        tpu.wait_dma2 semaphore(%run_scoped3A : memref<!tpu.dma_semaphore, #tpu.memory_space<semaphore_mem>>) src(%dma_wait3A_133 : memref<80x128xf32, #tpu.memory_space<vmem_shared>>) dst(%dma_wait3A_131 : memref<80x128xf32, #tpu.memory_space<hbm>>)
        tpu.yield
      }) : () -> ()
    } else {
    }
    %add3A_117 = arith.constant 112 : i32
    %add3A_118 = arith.addi %arg1, %add3A_117 : i32
    %lt3A_119 = arith.constant 125 : i32
    %lt3A_120 = arith.cmpi slt, %add3A_118, %lt3A_119 : i32
    %convert_element_type3A_121 = arith.extui %lt3A_120 : i1 to i32
    %cond3A_122 = arith.constant 0 : i32
    %cond3A_123 = arith.cmpi ne, %convert_element_type3A_121, %cond3A_122 : i32
    scf.if %cond3A_123 {
      %mul3A_124 = arith.constant 80 : i32
      %mul3A_125 = arith.muli %add3A_118, %mul3A_124 : i32
      %multiple_of3A = tpu.assume_multiple %mul3A_125, 8 : i32
      "tpu.region"() ({
        %run_scoped3A = tpu.sem_alloc : memref<!tpu.dma_semaphore, #tpu.memory_space<semaphore_mem>>
        %dma_start3A = arith.constant 0 : i32
        %dma_start3A_126 = tpu.memref_slice %arg5[%arg0, %multiple_of3A, %dma_start3A] : memref<2x10000x128xf32, #tpu.memory_space<hbm>> -> memref<1x80x128xf32, #tpu.memory_space<hbm>>
        %dma_start3A_127 = tpu.memref_squeeze %dma_start3A_126 : memref<1x80x128xf32, #tpu.memory_space<hbm>> -> memref<80x128xf32, #tpu.memory_space<hbm>>
        %dma_start3A_128 = arith.constant 0 : i32
        %dma_start3A_129 = tpu.memref_slice %arg9[%multiple_of3A, %dma_start3A_128] : memref<10000x128xf32, #tpu.memory_space<vmem_shared>> -> memref<80x128xf32, #tpu.memory_space<vmem_shared>>
        tpu.enqueue_dma source(%dma_start3A_129 : memref<80x128xf32, #tpu.memory_space<vmem_shared>>) target(%dma_start3A_127 : memref<80x128xf32, #tpu.memory_space<hbm>>) target_semaphore(%run_scoped3A : memref<!tpu.dma_semaphore, #tpu.memory_space<semaphore_mem>>)
        %dma_wait3A = arith.constant 0 : i32
        %dma_wait3A_130 = tpu.memref_slice %arg5[%arg0, %multiple_of3A, %dma_wait3A] : memref<2x10000x128xf32, #tpu.memory_space<hbm>> -> memref<1x80x128xf32, #tpu.memory_space<hbm>>
        %dma_wait3A_131 = tpu.memref_squeeze %dma_wait3A_130 : memref<1x80x128xf32, #tpu.memory_space<hbm>> -> memref<80x128xf32, #tpu.memory_space<hbm>>
        %dma_wait3A_132 = arith.constant 0 : i32
        %dma_wait3A_133 = tpu.memref_slice %arg9[%multiple_of3A, %dma_wait3A_132] : memref<10000x128xf32, #tpu.memory_space<vmem_shared>> -> memref<80x128xf32, #tpu.memory_space<vmem_shared>>
        tpu.wait_dma2 semaphore(%run_scoped3A : memref<!tpu.dma_semaphore, #tpu.memory_space<semaphore_mem>>) src(%dma_wait3A_133 : memref<80x128xf32, #tpu.memory_space<vmem_shared>>) dst(%dma_wait3A_131 : memref<80x128xf32, #tpu.memory_space<hbm>>)
        tpu.yield
      }) : () -> ()
    } else {
    }
    return
  }
}

module attributes {stable_mosaic.version = 14 : i64} {
  func.func @_atom_body(%arg0: i32, %arg1: memref<2000x9xi32, #tpu.memory_space<vmem>>, %arg2: memref<9x128x128xf32, #tpu.memory_space<vmem>>, %arg3: memref<2000x128xf32, #tpu.memory_space<vmem>>) attributes {dimension_semantics = [#tpu.dimension_semantics<arbitrary>], iteration_bounds = array<i64: 5>, scalar_prefetch = 0 : i64, scratch_operands = 0 : i64, tpu.core_type = #tpu.core_type<tc>, window_params = [{transform_indices = @transform_0, window_bounds = array<i64: 2000, 9>}, {pipeline_mode = #tpu.pipeline_mode<synchronous>, transform_indices = @transform_1, window_bounds = array<i64: 9, 128, 128>}, {transform_indices = @transform_2, window_bounds = array<i64: 2000, 128>}]} {
    %broadcast_in_dim3A = arith.constant 0.000000e+00 : f32
    %broadcast_in_dim3A_0 = vector.broadcast %broadcast_in_dim3A : f32 to vector<2000x128xf32>
    %iota3A = tpu.iota {dimensions = array<i32: 1>} : vector<2000x128xi32>
    %get3A = arith.constant 0 : index
    %get3A_1 = arith.constant 0 : index
    %get3A_2 = vector.load %arg1[%get3A, %get3A_1] : memref<2000x9xi32, #tpu.memory_space<vmem>>, vector<2000x1xi32>
    %eq3A = vector.broadcast %get3A_2 : vector<2000x1xi32> to vector<2000x128xi32>
    %eq3A_3 = arith.cmpi eq, %eq3A, %iota3A : vector<2000x128xi32>
    %convert_element_type3A = arith.extui %eq3A_3 : vector<2000x128xi1> to vector<2000x128xi32>
    %convert_element_type3A_4 = arith.sitofp %convert_element_type3A : vector<2000x128xi32> to vector<2000x128xf32>
    %get3A_5 = arith.constant 0 : index
    %get3A_6 = arith.constant 0 : index
    %get3A_7 = arith.constant 0 : index
    %get3A_8 = vector.load %arg2[%get3A_5, %get3A_6, %get3A_7] : memref<9x128x128xf32, #tpu.memory_space<vmem>>, vector<1x128x128xf32>
    %get3A_9 = vector.shape_cast %get3A_8 : vector<1x128x128xf32> to vector<128x128xf32>
    %dot_general3A = arith.constant dense<0.000000e+00> : vector<2000x128xf32>
    %dot_general3A_10 = tpu.matmul %convert_element_type3A_4, %get3A_9, %dot_general3A {dimension_numbers = #tpu.dot_dimension_numbers<[1], [0], [0], [1], [0, 0, 1, 1], [], []>, precision = #tpu.contract_precision<fp32>, transpose_lhs_hint = false} : vector<2000x128xf32>, vector<128x128xf32>, vector<2000x128xf32> -> vector<2000x128xf32>
    %add3A = arith.addf %broadcast_in_dim3A_0, %dot_general3A_10 : vector<2000x128xf32>
    %get3A_11 = arith.constant 0 : index
    %get3A_12 = arith.constant 1 : index
    %get3A_13 = vector.load %arg1[%get3A_11, %get3A_12] : memref<2000x9xi32, #tpu.memory_space<vmem>>, vector<2000x1xi32>
    %eq3A_14 = vector.broadcast %get3A_13 : vector<2000x1xi32> to vector<2000x128xi32>
    %eq3A_15 = arith.cmpi eq, %eq3A_14, %iota3A : vector<2000x128xi32>
    %convert_element_type3A_16 = arith.extui %eq3A_15 : vector<2000x128xi1> to vector<2000x128xi32>
    %convert_element_type3A_17 = arith.sitofp %convert_element_type3A_16 : vector<2000x128xi32> to vector<2000x128xf32>
    %get3A_18 = arith.constant 1 : index
    %get3A_19 = arith.constant 0 : index
    %get3A_20 = arith.constant 0 : index
    %get3A_21 = vector.load %arg2[%get3A_18, %get3A_19, %get3A_20] : memref<9x128x128xf32, #tpu.memory_space<vmem>>, vector<1x128x128xf32>
    %get3A_22 = vector.shape_cast %get3A_21 : vector<1x128x128xf32> to vector<128x128xf32>
    %dot_general3A_23 = arith.constant dense<0.000000e+00> : vector<2000x128xf32>
    %dot_general3A_24 = tpu.matmul %convert_element_type3A_17, %get3A_22, %dot_general3A_23 {dimension_numbers = #tpu.dot_dimension_numbers<[1], [0], [0], [1], [0, 0, 1, 1], [], []>, precision = #tpu.contract_precision<fp32>, transpose_lhs_hint = false} : vector<2000x128xf32>, vector<128x128xf32>, vector<2000x128xf32> -> vector<2000x128xf32>
    %add3A_25 = arith.addf %add3A, %dot_general3A_24 : vector<2000x128xf32>
    %get3A_26 = arith.constant 0 : index
    %get3A_27 = arith.constant 2 : index
    %get3A_28 = vector.load %arg1[%get3A_26, %get3A_27] : memref<2000x9xi32, #tpu.memory_space<vmem>>, vector<2000x1xi32>
    %eq3A_29 = vector.broadcast %get3A_28 : vector<2000x1xi32> to vector<2000x128xi32>
    %eq3A_30 = arith.cmpi eq, %eq3A_29, %iota3A : vector<2000x128xi32>
    %convert_element_type3A_31 = arith.extui %eq3A_30 : vector<2000x128xi1> to vector<2000x128xi32>
    %convert_element_type3A_32 = arith.sitofp %convert_element_type3A_31 : vector<2000x128xi32> to vector<2000x128xf32>
    %get3A_33 = arith.constant 2 : index
    %get3A_34 = arith.constant 0 : index
    %get3A_35 = arith.constant 0 : index
    %get3A_36 = vector.load %arg2[%get3A_33, %get3A_34, %get3A_35] : memref<9x128x128xf32, #tpu.memory_space<vmem>>, vector<1x128x128xf32>
    %get3A_37 = vector.shape_cast %get3A_36 : vector<1x128x128xf32> to vector<128x128xf32>
    %dot_general3A_38 = arith.constant dense<0.000000e+00> : vector<2000x128xf32>
    %dot_general3A_39 = tpu.matmul %convert_element_type3A_32, %get3A_37, %dot_general3A_38 {dimension_numbers = #tpu.dot_dimension_numbers<[1], [0], [0], [1], [0, 0, 1, 1], [], []>, precision = #tpu.contract_precision<fp32>, transpose_lhs_hint = false} : vector<2000x128xf32>, vector<128x128xf32>, vector<2000x128xf32> -> vector<2000x128xf32>
    %add3A_40 = arith.addf %add3A_25, %dot_general3A_39 : vector<2000x128xf32>
    %get3A_41 = arith.constant 0 : index
    %get3A_42 = arith.constant 3 : index
    %get3A_43 = vector.load %arg1[%get3A_41, %get3A_42] : memref<2000x9xi32, #tpu.memory_space<vmem>>, vector<2000x1xi32>
    %eq3A_44 = vector.broadcast %get3A_43 : vector<2000x1xi32> to vector<2000x128xi32>
    %eq3A_45 = arith.cmpi eq, %eq3A_44, %iota3A : vector<2000x128xi32>
    %convert_element_type3A_46 = arith.extui %eq3A_45 : vector<2000x128xi1> to vector<2000x128xi32>
    %convert_element_type3A_47 = arith.sitofp %convert_element_type3A_46 : vector<2000x128xi32> to vector<2000x128xf32>
    %get3A_48 = arith.constant 3 : index
    %get3A_49 = arith.constant 0 : index
    %get3A_50 = arith.constant 0 : index
    %get3A_51 = vector.load %arg2[%get3A_48, %get3A_49, %get3A_50] : memref<9x128x128xf32, #tpu.memory_space<vmem>>, vector<1x128x128xf32>
    %get3A_52 = vector.shape_cast %get3A_51 : vector<1x128x128xf32> to vector<128x128xf32>
    %dot_general3A_53 = arith.constant dense<0.000000e+00> : vector<2000x128xf32>
    %dot_general3A_54 = tpu.matmul %convert_element_type3A_47, %get3A_52, %dot_general3A_53 {dimension_numbers = #tpu.dot_dimension_numbers<[1], [0], [0], [1], [0, 0, 1, 1], [], []>, precision = #tpu.contract_precision<fp32>, transpose_lhs_hint = false} : vector<2000x128xf32>, vector<128x128xf32>, vector<2000x128xf32> -> vector<2000x128xf32>
    %add3A_55 = arith.addf %add3A_40, %dot_general3A_54 : vector<2000x128xf32>
    %get3A_56 = arith.constant 0 : index
    %get3A_57 = arith.constant 4 : index
    %get3A_58 = vector.load %arg1[%get3A_56, %get3A_57] : memref<2000x9xi32, #tpu.memory_space<vmem>>, vector<2000x1xi32>
    %eq3A_59 = vector.broadcast %get3A_58 : vector<2000x1xi32> to vector<2000x128xi32>
    %eq3A_60 = arith.cmpi eq, %eq3A_59, %iota3A : vector<2000x128xi32>
    %convert_element_type3A_61 = arith.extui %eq3A_60 : vector<2000x128xi1> to vector<2000x128xi32>
    %convert_element_type3A_62 = arith.sitofp %convert_element_type3A_61 : vector<2000x128xi32> to vector<2000x128xf32>
    %get3A_63 = arith.constant 4 : index
    %get3A_64 = arith.constant 0 : index
    %get3A_65 = arith.constant 0 : index
    %get3A_66 = vector.load %arg2[%get3A_63, %get3A_64, %get3A_65] : memref<9x128x128xf32, #tpu.memory_space<vmem>>, vector<1x128x128xf32>
    %get3A_67 = vector.shape_cast %get3A_66 : vector<1x128x128xf32> to vector<128x128xf32>
    %dot_general3A_68 = arith.constant dense<0.000000e+00> : vector<2000x128xf32>
    %dot_general3A_69 = tpu.matmul %convert_element_type3A_62, %get3A_67, %dot_general3A_68 {dimension_numbers = #tpu.dot_dimension_numbers<[1], [0], [0], [1], [0, 0, 1, 1], [], []>, precision = #tpu.contract_precision<fp32>, transpose_lhs_hint = false} : vector<2000x128xf32>, vector<128x128xf32>, vector<2000x128xf32> -> vector<2000x128xf32>
    %add3A_70 = arith.addf %add3A_55, %dot_general3A_69 : vector<2000x128xf32>
    %get3A_71 = arith.constant 0 : index
    %get3A_72 = arith.constant 5 : index
    %get3A_73 = vector.load %arg1[%get3A_71, %get3A_72] : memref<2000x9xi32, #tpu.memory_space<vmem>>, vector<2000x1xi32>
    %eq3A_74 = vector.broadcast %get3A_73 : vector<2000x1xi32> to vector<2000x128xi32>
    %eq3A_75 = arith.cmpi eq, %eq3A_74, %iota3A : vector<2000x128xi32>
    %convert_element_type3A_76 = arith.extui %eq3A_75 : vector<2000x128xi1> to vector<2000x128xi32>
    %convert_element_type3A_77 = arith.sitofp %convert_element_type3A_76 : vector<2000x128xi32> to vector<2000x128xf32>
    %get3A_78 = arith.constant 5 : index
    %get3A_79 = arith.constant 0 : index
    %get3A_80 = arith.constant 0 : index
    %get3A_81 = vector.load %arg2[%get3A_78, %get3A_79, %get3A_80] : memref<9x128x128xf32, #tpu.memory_space<vmem>>, vector<1x128x128xf32>
    %get3A_82 = vector.shape_cast %get3A_81 : vector<1x128x128xf32> to vector<128x128xf32>
    %dot_general3A_83 = arith.constant dense<0.000000e+00> : vector<2000x128xf32>
    %dot_general3A_84 = tpu.matmul %convert_element_type3A_77, %get3A_82, %dot_general3A_83 {dimension_numbers = #tpu.dot_dimension_numbers<[1], [0], [0], [1], [0, 0, 1, 1], [], []>, precision = #tpu.contract_precision<fp32>, transpose_lhs_hint = false} : vector<2000x128xf32>, vector<128x128xf32>, vector<2000x128xf32> -> vector<2000x128xf32>
    %add3A_85 = arith.addf %add3A_70, %dot_general3A_84 : vector<2000x128xf32>
    %get3A_86 = arith.constant 0 : index
    %get3A_87 = arith.constant 6 : index
    %get3A_88 = vector.load %arg1[%get3A_86, %get3A_87] : memref<2000x9xi32, #tpu.memory_space<vmem>>, vector<2000x1xi32>
    %eq3A_89 = vector.broadcast %get3A_88 : vector<2000x1xi32> to vector<2000x128xi32>
    %eq3A_90 = arith.cmpi eq, %eq3A_89, %iota3A : vector<2000x128xi32>
    %convert_element_type3A_91 = arith.extui %eq3A_90 : vector<2000x128xi1> to vector<2000x128xi32>
    %convert_element_type3A_92 = arith.sitofp %convert_element_type3A_91 : vector<2000x128xi32> to vector<2000x128xf32>
    %get3A_93 = arith.constant 6 : index
    %get3A_94 = arith.constant 0 : index
    %get3A_95 = arith.constant 0 : index
    %get3A_96 = vector.load %arg2[%get3A_93, %get3A_94, %get3A_95] : memref<9x128x128xf32, #tpu.memory_space<vmem>>, vector<1x128x128xf32>
    %get3A_97 = vector.shape_cast %get3A_96 : vector<1x128x128xf32> to vector<128x128xf32>
    %dot_general3A_98 = arith.constant dense<0.000000e+00> : vector<2000x128xf32>
    %dot_general3A_99 = tpu.matmul %convert_element_type3A_92, %get3A_97, %dot_general3A_98 {dimension_numbers = #tpu.dot_dimension_numbers<[1], [0], [0], [1], [0, 0, 1, 1], [], []>, precision = #tpu.contract_precision<fp32>, transpose_lhs_hint = false} : vector<2000x128xf32>, vector<128x128xf32>, vector<2000x128xf32> -> vector<2000x128xf32>
    %add3A_100 = arith.addf %add3A_85, %dot_general3A_99 : vector<2000x128xf32>
    %get3A_101 = arith.constant 0 : index
    %get3A_102 = arith.constant 7 : index
    %get3A_103 = vector.load %arg1[%get3A_101, %get3A_102] : memref<2000x9xi32, #tpu.memory_space<vmem>>, vector<2000x1xi32>
    %eq3A_104 = vector.broadcast %get3A_103 : vector<2000x1xi32> to vector<2000x128xi32>
    %eq3A_105 = arith.cmpi eq, %eq3A_104, %iota3A : vector<2000x128xi32>
    %convert_element_type3A_106 = arith.extui %eq3A_105 : vector<2000x128xi1> to vector<2000x128xi32>
    %convert_element_type3A_107 = arith.sitofp %convert_element_type3A_106 : vector<2000x128xi32> to vector<2000x128xf32>
    %get3A_108 = arith.constant 7 : index
    %get3A_109 = arith.constant 0 : index
    %get3A_110 = arith.constant 0 : index
    %get3A_111 = vector.load %arg2[%get3A_108, %get3A_109, %get3A_110] : memref<9x128x128xf32, #tpu.memory_space<vmem>>, vector<1x128x128xf32>
    %get3A_112 = vector.shape_cast %get3A_111 : vector<1x128x128xf32> to vector<128x128xf32>
    %dot_general3A_113 = arith.constant dense<0.000000e+00> : vector<2000x128xf32>
    %dot_general3A_114 = tpu.matmul %convert_element_type3A_107, %get3A_112, %dot_general3A_113 {dimension_numbers = #tpu.dot_dimension_numbers<[1], [0], [0], [1], [0, 0, 1, 1], [], []>, precision = #tpu.contract_precision<fp32>, transpose_lhs_hint = false} : vector<2000x128xf32>, vector<128x128xf32>, vector<2000x128xf32> -> vector<2000x128xf32>
    %add3A_115 = arith.addf %add3A_100, %dot_general3A_114 : vector<2000x128xf32>
    %get3A_116 = arith.constant 0 : index
    %get3A_117 = arith.constant 8 : index
    %get3A_118 = vector.load %arg1[%get3A_116, %get3A_117] : memref<2000x9xi32, #tpu.memory_space<vmem>>, vector<2000x1xi32>
    %eq3A_119 = vector.broadcast %get3A_118 : vector<2000x1xi32> to vector<2000x128xi32>
    %eq3A_120 = arith.cmpi eq, %eq3A_119, %iota3A : vector<2000x128xi32>
    %convert_element_type3A_121 = arith.extui %eq3A_120 : vector<2000x128xi1> to vector<2000x128xi32>
    %convert_element_type3A_122 = arith.sitofp %convert_element_type3A_121 : vector<2000x128xi32> to vector<2000x128xf32>
    %get3A_123 = arith.constant 8 : index
    %get3A_124 = arith.constant 0 : index
    %get3A_125 = arith.constant 0 : index
    %get3A_126 = vector.load %arg2[%get3A_123, %get3A_124, %get3A_125] : memref<9x128x128xf32, #tpu.memory_space<vmem>>, vector<1x128x128xf32>
    %get3A_127 = vector.shape_cast %get3A_126 : vector<1x128x128xf32> to vector<128x128xf32>
    %dot_general3A_128 = arith.constant dense<0.000000e+00> : vector<2000x128xf32>
    %dot_general3A_129 = tpu.matmul %convert_element_type3A_122, %get3A_127, %dot_general3A_128 {dimension_numbers = #tpu.dot_dimension_numbers<[1], [0], [0], [1], [0, 0, 1, 1], [], []>, precision = #tpu.contract_precision<fp32>, transpose_lhs_hint = false} : vector<2000x128xf32>, vector<128x128xf32>, vector<2000x128xf32> -> vector<2000x128xf32>
    %add3A_130 = arith.addf %add3A_115, %dot_general3A_129 : vector<2000x128xf32>
    %swap3A = arith.constant 0 : index
    %swap3A_131 = arith.constant 0 : index
    %swap3A_132 = vector.load %arg3[%swap3A, %swap3A_131] : memref<2000x128xf32, #tpu.memory_space<vmem>>, vector<2000x128xf32>
    tpu.vector_store %arg3[%swap3A, %swap3A_131], %add3A_130 {strides = array<i32>} : memref<2000x128xf32, #tpu.memory_space<vmem>>, vector<2000x128xf32>,
    return
  }
  func.func @transform_0(%arg0: i32) -> (i32, i32) {
    %c0_i32 = arith.constant 0 : i32
    %c0_i32_0 = arith.constant 0 : i32
    return %arg0, %c0_i32 : i32, i32
  }
  func.func @transform_1(%arg0: i32) -> (i32, i32, i32) {
    %c0_i32 = arith.constant 0 : i32
    %c0_i32_0 = arith.constant 0 : i32
    %c0_i32_1 = arith.constant 0 : i32
    %c0_i32_2 = arith.constant 0 : i32
    return %c0_i32, %c0_i32_0, %c0_i32_1 : i32, i32, i32
  }
  func.func @transform_2(%arg0: i32) -> (i32, i32) {
    %c0_i32 = arith.constant 0 : i32
    %c0_i32_0 = arith.constant 0 : i32
    return %arg0, %c0_i32 : i32, i32
  }
}

module attributes {stable_mosaic.version = 14 : i64} {
  func.func @_mlp_body(%arg0: i32, %arg1: memref<2000x128xf32, #tpu.memory_space<vmem>>, %arg2: memref<2x2000x128xf32, #tpu.memory_space<vmem>>, %arg3: memref<128x128xf32, #tpu.memory_space<vmem>>, %arg4: memref<1x128xf32, #tpu.memory_space<vmem>>, %arg5: memref<128x128xf32, #tpu.memory_space<vmem>>, %arg6: memref<1x128xf32, #tpu.memory_space<vmem>>, %arg7: memref<1xf32, #tpu.memory_space<smem>>, %arg8: memref<2000x128xf32, #tpu.memory_space<vmem>>, %arg9: memref<8x128xf32, #tpu.memory_space<vmem>>, %arg10: memref<8x128xf32, #tpu.memory_space<vmem>>) attributes {dimension_semantics = [#tpu.dimension_semantics<arbitrary>], iteration_bounds = array<i64: 5>, scalar_prefetch = 0 : i64, scratch_operands = 1 : i64, tpu.core_type = #tpu.core_type<tc>, window_params = [{transform_indices = @transform_0, window_bounds = array<i64: 2000, 128>}, {transform_indices = @transform_1, window_bounds = array<i64: 2, 2000, 128>}, {pipeline_mode = #tpu.pipeline_mode<synchronous>, transform_indices = @transform_2, window_bounds = array<i64: 128, 128>}, {pipeline_mode = #tpu.pipeline_mode<synchronous>, transform_indices = @transform_3, window_bounds = array<i64: 1, 128>}, {pipeline_mode = #tpu.pipeline_mode<synchronous>, transform_indices = @transform_4, window_bounds = array<i64: 128, 128>}, {pipeline_mode = #tpu.pipeline_mode<synchronous>, transform_indices = @transform_5, window_bounds = array<i64: 1, 128>}, {transform_indices = @transform_6, window_bounds = array<i64: 1>}, {transform_indices = @transform_7, window_bounds = array<i64: 2000, 128>}, {pipeline_mode = #tpu.pipeline_mode<synchronous>, transform_indices = @transform_8, window_bounds = array<i64: 8, 128>}]} {
    %get3A = arith.constant 0 : index
    %get3A_0 = arith.constant 0 : index
    %get3A_1 = vector.load %arg1[%get3A, %get3A_0] : memref<2000x128xf32, #tpu.memory_space<vmem>>, vector<2000x128xf32>
    %get3A_2 = arith.constant 0 : index
    %get3A_3 = memref.load %arg7[%get3A_2] : memref<1xf32, #tpu.memory_space<smem>>
    %add3A = arith.constant 1.000000e+00 : f32
    %add3A_4 = arith.addf %add3A, %get3A_3 : f32
    %mul3A = vector.broadcast %add3A_4 : f32 to vector<2000x128xf32>
    %mul3A_5 = arith.mulf %mul3A, %get3A_1 : vector<2000x128xf32>
    %get3A_6 = arith.constant 0 : index
    %get3A_7 = arith.constant 0 : index
    %get3A_8 = arith.constant 0 : index
    %get3A_9 = vector.load %arg2[%get3A_6, %get3A_7, %get3A_8] : memref<2x2000x128xf32, #tpu.memory_space<vmem>>, vector<1x2000x128xf32>
    %get3A_10 = vector.shape_cast %get3A_9 : vector<1x2000x128xf32> to vector<2000x128xf32>
    %add3A_11 = arith.addf %mul3A_5, %get3A_10 : vector<2000x128xf32>
    %get3A_12 = arith.constant 1 : index
    %get3A_13 = arith.constant 0 : index
    %get3A_14 = arith.constant 0 : index
    %get3A_15 = vector.load %arg2[%get3A_12, %get3A_13, %get3A_14] : memref<2x2000x128xf32, #tpu.memory_space<vmem>>, vector<1x2000x128xf32>
    %get3A_16 = vector.shape_cast %get3A_15 : vector<1x2000x128xf32> to vector<2000x128xf32>
    %add3A_17 = arith.addf %add3A_11, %get3A_16 : vector<2000x128xf32>
    %get3A_18 = arith.constant 0 : index
    %get3A_19 = arith.constant 0 : index
    %get3A_20 = vector.load %arg3[%get3A_18, %get3A_19] : memref<128x128xf32, #tpu.memory_space<vmem>>, vector<128x128xf32>
    %dot_general3A = arith.constant dense<0.000000e+00> : vector<2000x128xf32>
    %dot_general3A_21 = tpu.matmul %add3A_17, %get3A_20, %dot_general3A {dimension_numbers = #tpu.dot_dimension_numbers<[1], [0], [0], [1], [0, 0, 1, 1], [], []>, precision = #tpu.contract_precision<fp32>, transpose_lhs_hint = false} : vector<2000x128xf32>, vector<128x128xf32>, vector<2000x128xf32> -> vector<2000x128xf32>
    %get3A_22 = arith.constant 0 : index
    %get3A_23 = arith.constant 0 : index
    %get3A_24 = vector.load %arg4[%get3A_22, %get3A_23] : memref<1x128xf32, #tpu.memory_space<vmem>>, vector<1x128xf32>
    %add3A_25 = vector.broadcast %get3A_24 : vector<1x128xf32> to vector<2000x128xf32>
    %add3A_26 = arith.addf %dot_general3A_21, %add3A_25 : vector<2000x128xf32>
    %max3A = arith.constant 0.000000e+00 : f32
    %max3A_27 = vector.broadcast %max3A : f32 to vector<2000x128xf32>
    %max3A_28 = arith.maximumf %add3A_26, %max3A_27 : vector<2000x128xf32>
    %get3A_29 = arith.constant 0 : index
    %get3A_30 = arith.constant 0 : index
    %get3A_31 = vector.load %arg5[%get3A_29, %get3A_30] : memref<128x128xf32, #tpu.memory_space<vmem>>, vector<128x128xf32>
    %dot_general3A_32 = arith.constant dense<0.000000e+00> : vector<2000x128xf32>
    %dot_general3A_33 = tpu.matmul %max3A_28, %get3A_31, %dot_general3A_32 {dimension_numbers = #tpu.dot_dimension_numbers<[1], [0], [0], [1], [0, 0, 1, 1], [], []>, precision = #tpu.contract_precision<fp32>, transpose_lhs_hint = false} : vector<2000x128xf32>, vector<128x128xf32>, vector<2000x128xf32> -> vector<2000x128xf32>
    %get3A_34 = arith.constant 0 : index
    %get3A_35 = arith.constant 0 : index
    %get3A_36 = vector.load %arg6[%get3A_34, %get3A_35] : memref<1x128xf32, #tpu.memory_space<vmem>>, vector<1x128xf32>
    %add3A_37 = vector.broadcast %get3A_36 : vector<1x128xf32> to vector<2000x128xf32>
    %add3A_38 = arith.addf %dot_general3A_33, %add3A_37 : vector<2000x128xf32>
    %swap3A = arith.constant 0 : index
    %swap3A_39 = arith.constant 0 : index
    %swap3A_40 = vector.load %arg8[%swap3A, %swap3A_39] : memref<2000x128xf32, #tpu.memory_space<vmem>>, vector<2000x128xf32>
    tpu.vector_store %arg8[%swap3A, %swap3A_39], %add3A_38 {strides = array<i32>} : memref<2000x128xf32, #tpu.memory_space<vmem>>, vector<2000x128xf32>,
    %eq3A = arith.constant 0 : i32
    %eq3A_41 = arith.cmpi eq, %arg0, %eq3A : i32
    %convert_element_type3A = arith.extui %eq3A_41 : i1 to i32
    %cond3A = arith.constant 0 : i32
    %cond3A_42 = arith.cmpi ne, %convert_element_type3A, %cond3A : i32
    scf.if %cond3A_42 {
      %broadcast_in_dim3A_67 = arith.constant 0.000000e+00 : f32
      %broadcast_in_dim3A_68 = vector.broadcast %broadcast_in_dim3A_67 : f32 to vector<8x128xf32>
      %swap3A_69 = arith.constant 0 : index
      %swap3A_70 = arith.constant 0 : index
      %swap3A_71 = vector.load %arg10[%swap3A_69, %swap3A_70] : memref<8x128xf32, #tpu.memory_space<vmem>>, vector<8x128xf32>
      tpu.vector_store %arg10[%swap3A_69, %swap3A_70], %broadcast_in_dim3A_68 {strides = array<i32>} : memref<8x128xf32, #tpu.memory_space<vmem>>, vector<8x128xf32>,
    } else {
    }
    %get3A_43 = arith.constant 0 : index
    %get3A_44 = arith.constant 0 : index
    %get3A_45 = vector.load %arg10[%get3A_43, %get3A_44] : memref<8x128xf32, #tpu.memory_space<vmem>>, vector<1x128xf32>
    %reduce_sum3A = arith.constant dense<0.000000e+00> : vector<128xf32>
    %reduce_sum3A_46 = vector.multi_reduction <add>, %add3A_38, %reduce_sum3A [0] : vector<2000x128xf32> to vector<128xf32>
    %broadcast_in_dim3A = vector.shape_cast %reduce_sum3A_46 : vector<128xf32> to vector<1x128xf32>
    %add3A_47 = arith.addf %get3A_45, %broadcast_in_dim3A : vector<1x128xf32>
    %swap3A_48 = arith.constant 0 : index
    %swap3A_49 = arith.constant 0 : index
    %swap3A_50 = vector.load %arg10[%swap3A_48, %swap3A_49] : memref<8x128xf32, #tpu.memory_space<vmem>>, vector<1x128xf32>
    tpu.vector_store %arg10[%swap3A_48, %swap3A_49], %add3A_47 {strides = array<i32>} : memref<8x128xf32, #tpu.memory_space<vmem>>, vector<1x128xf32>,
    %get3A_51 = arith.constant 1 : index
    %get3A_52 = arith.constant 0 : index
    %get3A_53 = vector.load %arg10[%get3A_51, %get3A_52] : memref<8x128xf32, #tpu.memory_space<vmem>>, vector<1x128xf32>
    %mul3A_54 = arith.mulf %add3A_38, %add3A_38 : vector<2000x128xf32>
    %reduce_sum3A_55 = arith.constant dense<0.000000e+00> : vector<128xf32>
    %reduce_sum3A_56 = vector.multi_reduction <add>, %mul3A_54, %reduce_sum3A_55 [0] : vector<2000x128xf32> to vector<128xf32>
    %broadcast_in_dim3A_57 = vector.shape_cast %reduce_sum3A_56 : vector<128xf32> to vector<1x128xf32>
    %add3A_58 = arith.addf %get3A_53, %broadcast_in_dim3A_57 : vector<1x128xf32>
    %swap3A_59 = arith.constant 1 : index
    %swap3A_60 = arith.constant 0 : index
    %swap3A_61 = vector.load %arg10[%swap3A_59, %swap3A_60] : memref<8x128xf32, #tpu.memory_space<vmem>>, vector<1x128xf32>
    tpu.vector_store %arg10[%swap3A_59, %swap3A_60], %add3A_58 {strides = array<i32>} : memref<8x128xf32, #tpu.memory_space<vmem>>, vector<1x128xf32>,
    %eq3A_62 = arith.constant 4 : i32
    %eq3A_63 = arith.cmpi eq, %arg0, %eq3A_62 : i32
    %convert_element_type3A_64 = arith.extui %eq3A_63 : i1 to i32
    %cond3A_65 = arith.constant 0 : i32
    %cond3A_66 = arith.cmpi ne, %convert_element_type3A_64, %cond3A_65 : i32
    scf.if %cond3A_66 {
      %get3A_67 = arith.constant 0 : index
      %get3A_68 = arith.constant 0 : index
      %get3A_69 = vector.load %arg10[%get3A_67, %get3A_68] : memref<8x128xf32, #tpu.memory_space<vmem>>, vector<8x128xf32>
      %swap3A_70 = arith.constant 0 : index
      %swap3A_71 = arith.constant 0 : index
      %swap3A_72 = vector.load %arg9[%swap3A_70, %swap3A_71] : memref<8x128xf32, #tpu.memory_space<vmem>>, vector<8x128xf32>
      tpu.vector_store %arg9[%swap3A_70, %swap3A_71], %get3A_69 {strides = array<i32>} : memref<8x128xf32, #tpu.memory_space<vmem>>, vector<8x128xf32>,
    } else {
    }
    return
  }
  func.func @transform_0(%arg0: i32) -> (i32, i32) {
    %c0_i32 = arith.constant 0 : i32
    %c0_i32_0 = arith.constant 0 : i32
    return %arg0, %c0_i32 : i32, i32
  }
  func.func @transform_1(%arg0: i32) -> (i32, i32, i32) {
    %c0_i32 = arith.constant 0 : i32
    %c0_i32_0 = arith.constant 0 : i32
    %c0_i32_1 = arith.constant 0 : i32
    return %c0_i32, %arg0, %c0_i32_0 : i32, i32, i32
  }
  func.func @transform_2(%arg0: i32) -> (i32, i32) {
    %c0_i32 = arith.constant 0 : i32
    %c0_i32_0 = arith.constant 0 : i32
    %c0_i32_1 = arith.constant 0 : i32
    return %c0_i32, %c0_i32_0 : i32, i32
  }
  func.func @transform_3(%arg0: i32) -> (i32, i32) {
    %c0_i32 = arith.constant 0 : i32
    %c0_i32_0 = arith.constant 0 : i32
    %c0_i32_1 = arith.constant 0 : i32
    return %c0_i32, %c0_i32_0 : i32, i32
  }
  func.func @transform_4(%arg0: i32) -> (i32, i32) {
    %c0_i32 = arith.constant 0 : i32
    %c0_i32_0 = arith.constant 0 : i32
    %c0_i32_1 = arith.constant 0 : i32
    return %c0_i32, %c0_i32_0 : i32, i32
  }
  func.func @transform_5(%arg0: i32) -> (i32, i32) {
    %c0_i32 = arith.constant 0 : i32
    %c0_i32_0 = arith.constant 0 : i32
    %c0_i32_1 = arith.constant 0 : i32
    return %c0_i32, %c0_i32_0 : i32, i32
  }
  func.func @transform_6(%arg0: i32) -> i32 {
    %c0_i32 = arith.constant 0 : i32
    %c0_i32_0 = arith.constant 0 : i32
    return %c0_i32 : i32
  }
  func.func @transform_7(%arg0: i32) -> (i32, i32) {
    %c0_i32 = arith.constant 0 : i32
    %c0_i32_0 = arith.constant 0 : i32
    return %arg0, %c0_i32 : i32, i32
  }
  func.func @transform_8(%arg0: i32) -> (i32, i32) {
    %c0_i32 = arith.constant 0 : i32
    %c0_i32_0 = arith.constant 0 : i32
    %c0_i32_1 = arith.constant 0 : i32
    return %c0_i32, %c0_i32_0 : i32, i32
  }
}

module attributes {stable_mosaic.version = 14 : i64} {
  func.func @_bn_body(%arg0: i32, %arg1: memref<2000x128xf32, #tpu.memory_space<vmem>>, %arg2: memref<8x128xf32, #tpu.memory_space<vmem>>, %arg3: memref<1x128xf32, #tpu.memory_space<vmem>>, %arg4: memref<1x128xf32, #tpu.memory_space<vmem>>, %arg5: memref<2000x128xf32, #tpu.memory_space<vmem>>) attributes {dimension_semantics = [#tpu.dimension_semantics<arbitrary>], iteration_bounds = array<i64: 5>, scalar_prefetch = 0 : i64, scratch_operands = 0 : i64, tpu.core_type = #tpu.core_type<tc>, window_params = [{transform_indices = @transform_0, window_bounds = array<i64: 2000, 128>}, {pipeline_mode = #tpu.pipeline_mode<synchronous>, transform_indices = @transform_1, window_bounds = array<i64: 8, 128>}, {pipeline_mode = #tpu.pipeline_mode<synchronous>, transform_indices = @transform_2, window_bounds = array<i64: 1, 128>}, {pipeline_mode = #tpu.pipeline_mode<synchronous>, transform_indices = @transform_3, window_bounds = array<i64: 1, 128>}, {transform_indices = @transform_4, window_bounds = array<i64: 2000, 128>}]} {
    %get3A = arith.constant 0 : index
    %get3A_0 = arith.constant 0 : index
    %get3A_1 = vector.load %arg2[%get3A, %get3A_0] : memref<8x128xf32, #tpu.memory_space<vmem>>, vector<1x128xf32>
    %div3A = arith.constant 1.000000e+04 : f32
    %div3A_2 = vector.broadcast %div3A : f32 to vector<1x128xf32>
    %div3A_3 = arith.divf %get3A_1, %div3A_2 : vector<1x128xf32>
    %get3A_4 = arith.constant 1 : index
    %get3A_5 = arith.constant 0 : index
    %get3A_6 = vector.load %arg2[%get3A_4, %get3A_5] : memref<8x128xf32, #tpu.memory_space<vmem>>, vector<1x128xf32>
    %div3A_7 = arith.constant 1.000000e+04 : f32
    %div3A_8 = vector.broadcast %div3A_7 : f32 to vector<1x128xf32>
    %div3A_9 = arith.divf %get3A_6, %div3A_8 : vector<1x128xf32>
    %mul3A = arith.mulf %div3A_3, %div3A_3 : vector<1x128xf32>
    %sub3A = arith.subf %div3A_9, %mul3A : vector<1x128xf32>
    %get3A_10 = arith.constant 0 : index
    %get3A_11 = arith.constant 0 : index
    %get3A_12 = vector.load %arg1[%get3A_10, %get3A_11] : memref<2000x128xf32, #tpu.memory_space<vmem>>, vector<2000x128xf32>
    %get3A_13 = arith.constant 0 : index
    %get3A_14 = arith.constant 0 : index
    %get3A_15 = vector.load %arg3[%get3A_13, %get3A_14] : memref<1x128xf32, #tpu.memory_space<vmem>>, vector<1x128xf32>
    %sub3A_16 = vector.broadcast %div3A_3 : vector<1x128xf32> to vector<2000x128xf32>
    %sub3A_17 = arith.subf %get3A_12, %sub3A_16 : vector<2000x128xf32>
    %mul3A_18 = vector.broadcast %get3A_15 : vector<1x128xf32> to vector<2000x128xf32>
    %mul3A_19 = arith.mulf %mul3A_18, %sub3A_17 : vector<2000x128xf32>
    %add3A = arith.constant 9.99999974E-6 : f32
    %add3A_20 = vector.broadcast %add3A : f32 to vector<1x128xf32>
    %add3A_21 = arith.addf %sub3A, %add3A_20 : vector<1x128xf32>
    %rsqrt3A = math.rsqrt %add3A_21 : vector<1x128xf32>
    %mul3A_22 = vector.broadcast %rsqrt3A : vector<1x128xf32> to vector<2000x128xf32>
    %mul3A_23 = arith.mulf %mul3A_19, %mul3A_22 : vector<2000x128xf32>
    %get3A_24 = arith.constant 0 : index
    %get3A_25 = arith.constant 0 : index
    %get3A_26 = vector.load %arg4[%get3A_24, %get3A_25] : memref<1x128xf32, #tpu.memory_space<vmem>>, vector<1x128xf32>
    %add3A_27 = vector.broadcast %get3A_26 : vector<1x128xf32> to vector<2000x128xf32>
    %add3A_28 = arith.addf %mul3A_23, %add3A_27 : vector<2000x128xf32>
    %max3A = arith.constant 0.000000e+00 : f32
    %max3A_29 = vector.broadcast %max3A : f32 to vector<2000x128xf32>
    %max3A_30 = arith.maximumf %add3A_28, %max3A_29 : vector<2000x128xf32>
    %swap3A = arith.constant 0 : index
    %swap3A_31 = arith.constant 0 : index
    %swap3A_32 = vector.load %arg5[%swap3A, %swap3A_31] : memref<2000x128xf32, #tpu.memory_space<vmem>>, vector<2000x128xf32>
    tpu.vector_store %arg5[%swap3A, %swap3A_31], %max3A_30 {strides = array<i32>} : memref<2000x128xf32, #tpu.memory_space<vmem>>, vector<2000x128xf32>,
    return
  }
  func.func @transform_0(%arg0: i32) -> (i32, i32) {
    %c0_i32 = arith.constant 0 : i32
    %c0_i32_0 = arith.constant 0 : i32
    return %arg0, %c0_i32 : i32, i32
  }
  func.func @transform_1(%arg0: i32) -> (i32, i32) {
    %c0_i32 = arith.constant 0 : i32
    %c0_i32_0 = arith.constant 0 : i32
    %c0_i32_1 = arith.constant 0 : i32
    return %c0_i32, %c0_i32_0 : i32, i32
  }
  func.func @transform_2(%arg0: i32) -> (i32, i32) {
    %c0_i32 = arith.constant 0 : i32
    %c0_i32_0 = arith.constant 0 : i32
    %c0_i32_1 = arith.constant 0 : i32
    return %c0_i32, %c0_i32_0 : i32, i32
  }
  func.func @transform_3(%arg0: i32) -> (i32, i32) {
    %c0_i32 = arith.constant 0 : i32
    %c0_i32_0 = arith.constant 0 : i32
    %c0_i32_1 = arith.constant 0 : i32
    return %c0_i32, %c0_i32_0 : i32, i32
  }
  func.func @transform_4(%arg0: i32) -> (i32, i32) {
    %c0_i32 = arith.constant 0 : i32
    %c0_i32_0 = arith.constant 0 : i32
    return %arg0, %c0_i32 : i32, i32
  }
}

module attributes {stable_mosaic.version = 14 : i64} {
  func.func @_mlp_body(%arg0: i32, %arg1: memref<2000x128xf32, #tpu.memory_space<vmem>>, %arg2: memref<2x2000x128xf32, #tpu.memory_space<vmem>>, %arg3: memref<128x128xf32, #tpu.memory_space<vmem>>, %arg4: memref<1x128xf32, #tpu.memory_space<vmem>>, %arg5: memref<128x128xf32, #tpu.memory_space<vmem>>, %arg6: memref<1x128xf32, #tpu.memory_space<vmem>>, %arg7: memref<1xf32, #tpu.memory_space<smem>>, %arg8: memref<2000x128xf32, #tpu.memory_space<vmem>>, %arg9: memref<8x128xf32, #tpu.memory_space<vmem>>, %arg10: memref<8x128xf32, #tpu.memory_space<vmem>>) attributes {dimension_semantics = [#tpu.dimension_semantics<arbitrary>], iteration_bounds = array<i64: 5>, scalar_prefetch = 0 : i64, scratch_operands = 1 : i64, tpu.core_type = #tpu.core_type<tc>, window_params = [{transform_indices = @transform_0, window_bounds = array<i64: 2000, 128>}, {transform_indices = @transform_1, window_bounds = array<i64: 2, 2000, 128>}, {pipeline_mode = #tpu.pipeline_mode<synchronous>, transform_indices = @transform_2, window_bounds = array<i64: 128, 128>}, {pipeline_mode = #tpu.pipeline_mode<synchronous>, transform_indices = @transform_3, window_bounds = array<i64: 1, 128>}, {pipeline_mode = #tpu.pipeline_mode<synchronous>, transform_indices = @transform_4, window_bounds = array<i64: 128, 128>}, {pipeline_mode = #tpu.pipeline_mode<synchronous>, transform_indices = @transform_5, window_bounds = array<i64: 1, 128>}, {transform_indices = @transform_6, window_bounds = array<i64: 1>}, {transform_indices = @transform_7, window_bounds = array<i64: 2000, 128>}, {pipeline_mode = #tpu.pipeline_mode<synchronous>, transform_indices = @transform_8, window_bounds = array<i64: 8, 128>}]} {
    %get3A = arith.constant 0 : index
    %get3A_0 = arith.constant 0 : index
    %get3A_1 = vector.load %arg1[%get3A, %get3A_0] : memref<2000x128xf32, #tpu.memory_space<vmem>>, vector<2000x128xf32>
    %get3A_2 = arith.constant 0 : index
    %get3A_3 = memref.load %arg7[%get3A_2] : memref<1xf32, #tpu.memory_space<smem>>
    %add3A = arith.constant 1.000000e+00 : f32
    %add3A_4 = arith.addf %add3A, %get3A_3 : f32
    %mul3A = vector.broadcast %add3A_4 : f32 to vector<2000x128xf32>
    %mul3A_5 = arith.mulf %mul3A, %get3A_1 : vector<2000x128xf32>
    %get3A_6 = arith.constant 0 : index
    %get3A_7 = arith.constant 0 : index
    %get3A_8 = arith.constant 0 : index
    %get3A_9 = vector.load %arg2[%get3A_6, %get3A_7, %get3A_8] : memref<2x2000x128xf32, #tpu.memory_space<vmem>>, vector<1x2000x128xf32>
    %get3A_10 = vector.shape_cast %get3A_9 : vector<1x2000x128xf32> to vector<2000x128xf32>
    %add3A_11 = arith.addf %mul3A_5, %get3A_10 : vector<2000x128xf32>
    %get3A_12 = arith.constant 1 : index
    %get3A_13 = arith.constant 0 : index
    %get3A_14 = arith.constant 0 : index
    %get3A_15 = vector.load %arg2[%get3A_12, %get3A_13, %get3A_14] : memref<2x2000x128xf32, #tpu.memory_space<vmem>>, vector<1x2000x128xf32>
    %get3A_16 = vector.shape_cast %get3A_15 : vector<1x2000x128xf32> to vector<2000x128xf32>
    %add3A_17 = arith.addf %add3A_11, %get3A_16 : vector<2000x128xf32>
    %get3A_18 = arith.constant 0 : index
    %get3A_19 = arith.constant 0 : index
    %get3A_20 = vector.load %arg3[%get3A_18, %get3A_19] : memref<128x128xf32, #tpu.memory_space<vmem>>, vector<128x128xf32>
    %dot_general3A = arith.constant dense<0.000000e+00> : vector<2000x128xf32>
    %dot_general3A_21 = tpu.matmul %add3A_17, %get3A_20, %dot_general3A {dimension_numbers = #tpu.dot_dimension_numbers<[1], [0], [0], [1], [0, 0, 1, 1], [], []>, precision = #tpu.contract_precision<fp32>, transpose_lhs_hint = false} : vector<2000x128xf32>, vector<128x128xf32>, vector<2000x128xf32> -> vector<2000x128xf32>
    %get3A_22 = arith.constant 0 : index
    %get3A_23 = arith.constant 0 : index
    %get3A_24 = vector.load %arg4[%get3A_22, %get3A_23] : memref<1x128xf32, #tpu.memory_space<vmem>>, vector<1x128xf32>
    %add3A_25 = vector.broadcast %get3A_24 : vector<1x128xf32> to vector<2000x128xf32>
    %add3A_26 = arith.addf %dot_general3A_21, %add3A_25 : vector<2000x128xf32>
    %max3A = arith.constant 0.000000e+00 : f32
    %max3A_27 = vector.broadcast %max3A : f32 to vector<2000x128xf32>
    %max3A_28 = arith.maximumf %add3A_26, %max3A_27 : vector<2000x128xf32>
    %get3A_29 = arith.constant 0 : index
    %get3A_30 = arith.constant 0 : index
    %get3A_31 = vector.load %arg5[%get3A_29, %get3A_30] : memref<128x128xf32, #tpu.memory_space<vmem>>, vector<128x128xf32>
    %dot_general3A_32 = arith.constant dense<0.000000e+00> : vector<2000x128xf32>
    %dot_general3A_33 = tpu.matmul %max3A_28, %get3A_31, %dot_general3A_32 {dimension_numbers = #tpu.dot_dimension_numbers<[1], [0], [0], [1], [0, 0, 1, 1], [], []>, precision = #tpu.contract_precision<fp32>, transpose_lhs_hint = false} : vector<2000x128xf32>, vector<128x128xf32>, vector<2000x128xf32> -> vector<2000x128xf32>
    %get3A_34 = arith.constant 0 : index
    %get3A_35 = arith.constant 0 : index
    %get3A_36 = vector.load %arg6[%get3A_34, %get3A_35] : memref<1x128xf32, #tpu.memory_space<vmem>>, vector<1x128xf32>
    %add3A_37 = vector.broadcast %get3A_36 : vector<1x128xf32> to vector<2000x128xf32>
    %add3A_38 = arith.addf %dot_general3A_33, %add3A_37 : vector<2000x128xf32>
    %swap3A = arith.constant 0 : index
    %swap3A_39 = arith.constant 0 : index
    %swap3A_40 = vector.load %arg8[%swap3A, %swap3A_39] : memref<2000x128xf32, #tpu.memory_space<vmem>>, vector<2000x128xf32>
    tpu.vector_store %arg8[%swap3A, %swap3A_39], %add3A_38 {strides = array<i32>} : memref<2000x128xf32, #tpu.memory_space<vmem>>, vector<2000x128xf32>,
    return
  }
  func.func @transform_0(%arg0: i32) -> (i32, i32) {
    %c0_i32 = arith.constant 0 : i32
    %c0_i32_0 = arith.constant 0 : i32
    return %arg0, %c0_i32 : i32, i32
  }
  func.func @transform_1(%arg0: i32) -> (i32, i32, i32) {
    %c0_i32 = arith.constant 0 : i32
    %c0_i32_0 = arith.constant 0 : i32
    %c0_i32_1 = arith.constant 0 : i32
    return %c0_i32, %arg0, %c0_i32_0 : i32, i32, i32
  }
  func.func @transform_2(%arg0: i32) -> (i32, i32) {
    %c0_i32 = arith.constant 0 : i32
    %c0_i32_0 = arith.constant 0 : i32
    %c0_i32_1 = arith.constant 0 : i32
    return %c0_i32, %c0_i32_0 : i32, i32
  }
  func.func @transform_3(%arg0: i32) -> (i32, i32) {
    %c0_i32 = arith.constant 0 : i32
    %c0_i32_0 = arith.constant 0 : i32
    %c0_i32_1 = arith.constant 0 : i32
    return %c0_i32, %c0_i32_0 : i32, i32
  }
  func.func @transform_4(%arg0: i32) -> (i32, i32) {
    %c0_i32 = arith.constant 0 : i32
    %c0_i32_0 = arith.constant 0 : i32
    %c0_i32_1 = arith.constant 0 : i32
    return %c0_i32, %c0_i32_0 : i32, i32
  }
  func.func @transform_5(%arg0: i32) -> (i32, i32) {
    %c0_i32 = arith.constant 0 : i32
    %c0_i32_0 = arith.constant 0 : i32
    %c0_i32_1 = arith.constant 0 : i32
    return %c0_i32, %c0_i32_0 : i32, i32
  }
  func.func @transform_6(%arg0: i32) -> i32 {
    %c0_i32 = arith.constant 0 : i32
    %c0_i32_0 = arith.constant 0 : i32
    return %c0_i32 : i32
  }
  func.func @transform_7(%arg0: i32) -> (i32, i32) {
    %c0_i32 = arith.constant 0 : i32
    %c0_i32_0 = arith.constant 0 : i32
    return %arg0, %c0_i32 : i32, i32
  }
  func.func @transform_8(%arg0: i32) -> (i32, i32) {
    %c0_i32 = arith.constant 0 : i32
    %c0_i32_0 = arith.constant 0 : i32
    %c0_i32_1 = arith.constant 0 : i32
    return %c0_i32, %c0_i32_0 : i32, i32
  }
}

module attributes {stable_mosaic.version = 14 : i64} {
  func.func @_pool_body(%arg0: i32, %arg1: memref<2000x128xf32, #tpu.memory_space<vmem>>, %arg2: memref<2000x1xi32, #tpu.memory_space<vmem>>, %arg3: memref<128x128xf32, #tpu.memory_space<vmem>>, %arg4: memref<1x128xf32, #tpu.memory_space<vmem>>, %arg5: memref<128x128xf32, #tpu.memory_space<vmem>>, %arg6: memref<1xf32, #tpu.memory_space<smem>>, %arg7: memref<128x1xf32, #tpu.memory_space<vmem>>, %arg8: memref<128x128xf32, #tpu.memory_space<vmem>>) attributes {dimension_semantics = [#tpu.dimension_semantics<arbitrary>], iteration_bounds = array<i64: 5>, scalar_prefetch = 0 : i64, scratch_operands = 1 : i64, tpu.core_type = #tpu.core_type<tc>, window_params = [{transform_indices = @transform_0, window_bounds = array<i64: 2000, 128>}, {transform_indices = @transform_1, window_bounds = array<i64: 2000, 1>}, {pipeline_mode = #tpu.pipeline_mode<synchronous>, transform_indices = @transform_2, window_bounds = array<i64: 128, 128>}, {pipeline_mode = #tpu.pipeline_mode<synchronous>, transform_indices = @transform_3, window_bounds = array<i64: 1, 128>}, {pipeline_mode = #tpu.pipeline_mode<synchronous>, transform_indices = @transform_4, window_bounds = array<i64: 128, 128>}, {transform_indices = @transform_5, window_bounds = array<i64: 1>}, {pipeline_mode = #tpu.pipeline_mode<synchronous>, transform_indices = @transform_6, window_bounds = array<i64: 128, 1>}]} {
    %eq3A = arith.constant 0 : i32
    %eq3A_0 = arith.cmpi eq, %arg0, %eq3A : i32
    %convert_element_type3A = arith.extui %eq3A_0 : i1 to i32
    %cond3A = arith.constant 0 : i32
    %cond3A_1 = arith.cmpi ne, %convert_element_type3A, %cond3A : i32
    scf.if %cond3A_1 {
      %broadcast_in_dim3A = arith.constant 0.000000e+00 : f32
      %broadcast_in_dim3A_22 = vector.broadcast %broadcast_in_dim3A : f32 to vector<128x128xf32>
      %swap3A_23 = arith.constant 0 : index
      %swap3A_24 = arith.constant 0 : index
      %swap3A_25 = vector.load %arg8[%swap3A_23, %swap3A_24] : memref<128x128xf32, #tpu.memory_space<vmem>>, vector<128x128xf32>
      tpu.vector_store %arg8[%swap3A_23, %swap3A_24], %broadcast_in_dim3A_22 {strides = array<i32>} : memref<128x128xf32, #tpu.memory_space<vmem>>, vector<128x128xf32>,
    } else {
    }
    %iota3A = tpu.iota {dimensions = array<i32: 1>} : vector<2000x128xi32>
    %get3A = arith.constant 0 : index
    %get3A_2 = arith.constant 0 : index
    %get3A_3 = vector.load %arg2[%get3A, %get3A_2] : memref<2000x1xi32, #tpu.memory_space<vmem>>, vector<2000x1xi32>
    %eq3A_4 = vector.broadcast %get3A_3 : vector<2000x1xi32> to vector<2000x128xi32>
    %eq3A_5 = arith.cmpi eq, %eq3A_4, %iota3A : vector<2000x128xi32>
    %convert_element_type3A_6 = arith.extui %eq3A_5 : vector<2000x128xi1> to vector<2000x128xi32>
    %convert_element_type3A_7 = arith.sitofp %convert_element_type3A_6 : vector<2000x128xi32> to vector<2000x128xf32>
    %get3A_8 = arith.constant 0 : index
    %get3A_9 = arith.constant 0 : index
    %get3A_10 = vector.load %arg8[%get3A_8, %get3A_9] : memref<128x128xf32, #tpu.memory_space<vmem>>, vector<128x128xf32>
    %get3A_11 = arith.constant 0 : index
    %get3A_12 = arith.constant 0 : index
    %get3A_13 = vector.load %arg1[%get3A_11, %get3A_12] : memref<2000x128xf32, #tpu.memory_space<vmem>>, vector<2000x128xf32>
    %dot_general3A = arith.constant dense<0.000000e+00> : vector<128x128xf32>
    %dot_general3A_14 = tpu.matmul %convert_element_type3A_7, %get3A_13, %dot_general3A {dimension_numbers = #tpu.dot_dimension_numbers<[0], [0], [1], [1], [0, 1, 1, 1], [], []>, precision = #tpu.contract_precision<fp32>, transpose_lhs_hint = false} : vector<2000x128xf32>, vector<2000x128xf32>, vector<128x128xf32> -> vector<128x128xf32>
    %add3A = arith.addf %get3A_10, %dot_general3A_14 : vector<128x128xf32>
    %swap3A = arith.constant 0 : index
    %swap3A_15 = arith.constant 0 : index
    %swap3A_16 = vector.load %arg8[%swap3A, %swap3A_15] : memref<128x128xf32, #tpu.memory_space<vmem>>, vector<128x128xf32>
    tpu.vector_store %arg8[%swap3A, %swap3A_15], %add3A {strides = array<i32>} : memref<128x128xf32, #tpu.memory_space<vmem>>, vector<128x128xf32>,
    %eq3A_17 = arith.constant 4 : i32
    %eq3A_18 = arith.cmpi eq, %arg0, %eq3A_17 : i32
    %convert_element_type3A_19 = arith.extui %eq3A_18 : i1 to i32
    %cond3A_20 = arith.constant 0 : i32
    %cond3A_21 = arith.cmpi ne, %convert_element_type3A_19, %cond3A_20 : i32
    scf.if %cond3A_21 {
      %get3A_22 = arith.constant 0 : index
      %get3A_23 = arith.constant 0 : index
      %get3A_24 = vector.load %arg8[%get3A_22, %get3A_23] : memref<128x128xf32, #tpu.memory_space<vmem>>, vector<128x128xf32>
      %get3A_25 = arith.constant 0 : index
      %get3A_26 = arith.constant 0 : index
      %get3A_27 = vector.load %arg3[%get3A_25, %get3A_26] : memref<128x128xf32, #tpu.memory_space<vmem>>, vector<128x128xf32>
      %dot_general3A_28 = arith.constant dense<0.000000e+00> : vector<128x128xf32>
      %dot_general3A_29 = tpu.matmul %get3A_24, %get3A_27, %dot_general3A_28 {dimension_numbers = #tpu.dot_dimension_numbers<[1], [0], [0], [1], [0, 0, 1, 1], [], []>, precision = #tpu.contract_precision<fp32>, transpose_lhs_hint = false} : vector<128x128xf32>, vector<128x128xf32>, vector<128x128xf32> -> vector<128x128xf32>
      %get3A_30 = arith.constant 0 : index
      %get3A_31 = arith.constant 0 : index
      %get3A_32 = vector.load %arg4[%get3A_30, %get3A_31] : memref<1x128xf32, #tpu.memory_space<vmem>>, vector<1x128xf32>
      %add3A_33 = vector.broadcast %get3A_32 : vector<1x128xf32> to vector<128x128xf32>
      %add3A_34 = arith.addf %dot_general3A_29, %add3A_33 : vector<128x128xf32>
      %max3A = arith.constant 0.000000e+00 : f32
      %max3A_35 = vector.broadcast %max3A : f32 to vector<128x128xf32>
      %max3A_36 = arith.maximumf %add3A_34, %max3A_35 : vector<128x128xf32>
      %get3A_37 = arith.constant 0 : index
      %get3A_38 = arith.constant 0 : index
      %get3A_39 = vector.load %arg5[%get3A_37, %get3A_38] : memref<128x128xf32, #tpu.memory_space<vmem>>, vector<128x128xf32>
      %dot_general3A_40 = arith.constant dense<0.000000e+00> : vector<128x128xf32>
      %dot_general3A_41 = tpu.matmul %max3A_36, %get3A_39, %dot_general3A_40 {dimension_numbers = #tpu.dot_dimension_numbers<[1], [0], [0], [1], [0, 0, 1, 1], [], []>, precision = #tpu.contract_precision<fp32>, transpose_lhs_hint = false} : vector<128x128xf32>, vector<128x128xf32>, vector<128x128xf32> -> vector<128x128xf32>
      %slice3A = vector.extract_strided_slice %dot_general3A_41 {offsets = [0, 0], sizes = [128, 1], strides = [1, 1]} : vector<128x128xf32> to vector<128x1xf32>
      %get3A_42 = arith.constant 0 : index
      %get3A_43 = memref.load %arg6[%get3A_42] : memref<1xf32, #tpu.memory_space<smem>>
      %add3A_44 = vector.broadcast %get3A_43 : f32 to vector<128x1xf32>
      %add3A_45 = arith.addf %slice3A, %add3A_44 : vector<128x1xf32>
      %swap3A_46 = arith.constant 0 : index
      %swap3A_47 = arith.constant 0 : index
      %swap3A_48 = vector.load %arg7[%swap3A_46, %swap3A_47] : memref<128x1xf32, #tpu.memory_space<vmem>>, vector<128x1xf32>
      tpu.vector_store %arg7[%swap3A_46, %swap3A_47], %add3A_45 {strides = array<i32>} : memref<128x1xf32, #tpu.memory_space<vmem>>, vector<128x1xf32>,
    } else {
    }
    return
  }
  func.func @transform_0(%arg0: i32) -> (i32, i32) {
    %c0_i32 = arith.constant 0 : i32
    %c0_i32_0 = arith.constant 0 : i32
    return %arg0, %c0_i32 : i32, i32
  }
  func.func @transform_1(%arg0: i32) -> (i32, i32) {
    %c0_i32 = arith.constant 0 : i32
    %c0_i32_0 = arith.constant 0 : i32
    return %arg0, %c0_i32 : i32, i32
  }
  func.func @transform_2(%arg0: i32) -> (i32, i32) {
    %c0_i32 = arith.constant 0 : i32
    %c0_i32_0 = arith.constant 0 : i32
    %c0_i32_1 = arith.constant 0 : i32
    return %c0_i32, %c0_i32_0 : i32, i32
  }
  func.func @transform_3(%arg0: i32) -> (i32, i32) {
    %c0_i32 = arith.constant 0 : i32
    %c0_i32_0 = arith.constant 0 : i32
    %c0_i32_1 = arith.constant 0 : i32
    return %c0_i32, %c0_i32_0 : i32, i32
  }
  func.func @transform_4(%arg0: i32) -> (i32, i32) {
    %c0_i32 = arith.constant 0 : i32
    %c0_i32_0 = arith.constant 0 : i32
    %c0_i32_1 = arith.constant 0 : i32
    return %c0_i32, %c0_i32_0 : i32, i32
  }
  func.func @transform_5(%arg0: i32) -> i32 {
    %c0_i32 = arith.constant 0 : i32
    %c0_i32_0 = arith.constant 0 : i32
    return %c0_i32 : i32
  }
  func.func @transform_6(%arg0: i32) -> (i32, i32) {
    %c0_i32 = arith.constant 0 : i32
    %c0_i32_0 = arith.constant 0 : i32
    %c0_i32_1 = arith.constant 0 : i32
    return %c0_i32, %c0_i32_0 : i32, i32
  }
}

</mosaic_0001>

<sc_bundles>
// kernel: kernel.18.cloned.1.call-start
scs
__scs_entry_jumppad:
0x0: {  	(pc) =	sbr.rel $0x88, $3  }
0x1: {  	(tag) =	ssettag $0x0;
	lr =	simm.s32 $0x1  }
0x2: {  	[smem:$0x3F92] =	sst lr;
	_ =	strace $0xD0000000  }
0x3: {  	_ = 	snop  }
0x4: {  	_ = 	snop  }
0x5: {  	_ = 	snop  }
0x6: {  	_ = 	snop  }
0x7: {  	_ = 	snop  }
__scs_overlays_trampoline_lowered:
0x8: {  	[smem:$0x3FA1] =	sst s0  }
0x9: {  	[smem:$0x3FA2] =	sst s1  }
0xa: {  	[smem:$0x3FA3] =	sst s2  }
0xb: {  	[smem:$0x3FA4] =	sst s3  }
0xc: {  	[smem:$0x3FA5] =	sst s4  }
0xd: {  	[smem:$0x3FA6] =	sst s5  }
0xe: {  	[smem:$0x3FA7] =	sst s6  }
0xf: {  	[smem:$0x3FA8] =	sst s7  }
0x10: {  	[smem:$0x3FA9] =	sst s8  }
0x11: {  	[smem:$0x3FAA] =	sst s9;
	s0 =	simm.s32 @!p0 $0x0  }
0x12: {  	s1 =	sld [smem:$0x3F90];
	s0 =	simm.s32 @p0 $0x1  }
0x13: {  	[smem:$0x3FAB] =	sst s0;
	s0 =	simm.s32 @!p1 $0x0  }
0x14: {  	s2 =	sld [smem:$0x3F8F];
	s0 =	simm.s32 @p1 $0x1  }
0x15: {  	[smem:$0x3FAC] =	sst s0;
	s0 =	simm.s32 @!p2 $0x0  }
0x16: {  	s3 =	sld [smem:$0x3FDB];
	s0 =	simm.s32 @p2 $0x1  }
0x17: {  	s4 =	simm.s32 $0x1BF5;
	[smem:$0x3FAE] =	sst s0  }
0x18: {  	s0 =	sld [smem:$0x3F91];
	_ =	swait.ge [sflag:s4], $0x0  }
0x19: {  	s7 =	sld [smem:$0x3F92]  }
0x1a: {  	s8 =	sadd.s32 $0xFFFFE003, lr  }
0x1b: {  	s9 =	sadd.s32 $0xFFFFFEF7, lr;
	s5 =	simm.s32 $0xFFFFFFFF;
	p2 =	slt.u32 s8, $0xFFFFF086  }
0x1c: {  	p1 =	slt.u32 s9, $0xF7A;
	s5 =	simm.s32 @!p2 $0x0  }
0x1d: {  	s5 =	simm.s32 @p1 $0x1;
	p0 =	seq.s32 s7, s2  }
0x1e: {  	s7 =	smul.u32 @!p0 $0xF7A, s2;
	p2 =	seq.s32 @!p0 s5, $0x0  }
0x1f: {  	s9 =	smul.u32 $0xF7A, s1;
	s8 =	simm.s32 @!p0 $0x1BF5;
	p2 =	por !p2, p0  }
0x20: {  	[sflag:s8] =	ssyncset.s32 @!p0 $0xFFFFF086;
	s6 =	sadd.s32 @!p0 s3, s7;
	s7 =	simm.s32 @!p0 $0x108  }
0x21: {  	s3 =	sadd.s32 s3, s9;
	s6 =	sadd.s32 @!p0 $0x88, s6;
	s7 =	simm.s32 @p2 $0x1082  }
0x22: {  	[simem:s7], [sflag:s8] =	dma.local @!p0 [hbm:s6], $0xF7A  }
0x23: {  	s9 =	sor.u32 $0xD0000000, s2;
	s6 =	simm.s32 $0x108;
	_ =	swait.ge @!p0 [sflag:s8], $0x0  }
0x24: {  	s3 =	sadd.s32 $0x88, s3;
	s6 =	simm.s32 @!p1 $0x1082;
	[sflag:s4] =	ssyncset.s32 $0xFFFFF086  }
0x25: {  	[simem:s6], [sflag:s4] =	dma.local [hbm:s3], $0xF7A  }
0x26: {  	[smem:$0x3F92] =	sst s1;
	(tag) =	ssettag s2;
	_ =	strace s9  }
0x27: {  	s1 =	sld [smem:$0x3FA2]  }
0x28: {  	s2 =	sld [smem:$0x3FA3]  }
0x29: {  	s4 =	sld [smem:$0x3FA5]  }
0x2a: {  	p0 =	seq.s32 s5, $0x0;
	s5 =	sld [smem:$0x3FA6]  }
0x2b: {  	s6 =	sld [smem:$0x3FA7]  }
0x2c: {  	s7 =	sld [smem:$0x3FA8]  }
0x2d: {  	s3 =	simm.s32 $0x108;
	s8 =	sld [smem:$0x3FA9]  }
0x2e: {  	s3 =	simm.s32 @!p0 $0x1082;
	s9 =	sld [smem:$0x3FAA]  }
0x2f: {  	lr =	sadd.s32 s0, s3;
	s0 =	sld [smem:$0x3FA1]  }
0x30: {  	s3 =	sld [smem:$0x3FA4]  }
0x31: {  	[smem:$0x3FAD] =	sst s10  }
0x32: {  	s10 =	sld [smem:$0x3FAB];
	_ =	sdelay $0x3  }
0x33: {  	p0 =	seq.s32 s10, $0x1;
	s10 =	sld [smem:$0x3FAD];
	_ =	sdelay $0x3  }
0x34: {  	[smem:$0x3FAD] =	sst s10  }
0x35: {  	s10 =	sld [smem:$0x3FAC];
	_ =	sdelay $0x3  }
0x36: {  	p1 =	seq.s32 s10, $0x1;
	s10 =	sld [smem:$0x3FAD];
	_ =	sdelay $0x3  }
0x37: {  	[smem:$0x3FAD] =	sst s10  }
0x38: {  	s10 =	sld [smem:$0x3FAE]  }
0x39: {  	_ = 	snop;
	(pc) =	sbr.ind lr, $3  }
0x3a: {  	_ = 	snop  }
0x3b: {  	_ = 	snop  }
0x3c: {  	p2 =	seq.s32 s10, $0x1;
	s10 =	sld [smem:$0x3FAD]  }
0x3d: {  	_ =	shalt  }
0x3e: {  	_ =	shalt  }
0x3f: {  	_ =	shalt  }
0x40: {  	_ =	shalt  }
0x41: {  	_ =	shalt  }
0x42: {  	_ =	shalt  }
0x43: {  	_ =	shalt  }
0x44: {  	_ =	shalt  }
0x45: {  	_ =	shalt  }
0x46: {  	_ =	shalt  }
0x47: {  	_ =	shalt  }
0x48: {  	_ =	shalt  }
0x49: {  	_ =	shalt  }
0x4a: {  	_ =	shalt  }
0x4b: {  	_ =	shalt  }
0x4c: {  	_ =	shalt  }
0x4d: {  	_ =	shalt  }
0x4e: {  	_ =	shalt  }
0x4f: {  	_ =	shalt  }
0x50: {  	_ =	shalt  }
0x51: {  	_ =	shalt  }
0x52: {  	_ =	shalt  }
0x53: {  	_ =	shalt  }
0x54: {  	_ =	shalt  }
0x55: {  	_ =	shalt  }
0x56: {  	_ =	shalt  }
0x57: {  	_ =	shalt  }
0x58: {  	_ =	shalt  }
0x59: {  	_ =	shalt  }
0x5a: {  	_ =	shalt  }
0x5b: {  	_ =	shalt  }
0x5c: {  	_ =	shalt  }
0x5d: {  	_ =	shalt  }
0x5e: {  	_ =	shalt  }
0x5f: {  	_ =	shalt  }
0x60: {  	_ =	shalt  }
0x61: {  	_ =	shalt  }
0x62: {  	_ =	shalt  }
0x63: {  	_ =	shalt  }
0x64: {  	_ =	shalt  }
0x65: {  	_ =	shalt  }
0x66: {  	_ =	shalt  }
0x67: {  	_ =	shalt  }
0x68: {  	_ =	shalt  }
0x69: {  	_ =	shalt  }
0x6a: {  	_ =	shalt  }
0x6b: {  	_ =	shalt  }
0x6c: {  	_ =	shalt  }
0x6d: {  	_ =	shalt  }
0x6e: {  	_ =	shalt  }
0x6f: {  	_ =	shalt  }
0x70: {  	_ =	shalt  }
0x71: {  	_ =	shalt  }
0x72: {  	_ =	shalt  }
0x73: {  	_ =	shalt  }
0x74: {  	_ =	shalt  }
0x75: {  	_ =	shalt  }
0x76: {  	_ =	shalt  }
0x77: {  	_ =	shalt  }
0x78: {  	_ =	shalt  }
0x79: {  	_ =	shalt  }
0x7a: {  	_ =	shalt  }
0x7b: {  	_ =	shalt  }
0x7c: {  	_ =	shalt  }
0x7d: {  	_ =	shalt  }
0x7e: {  	_ =	shalt  }
0x7f: {  	_ =	shalt  }
0x80: {  	_ =	shalt  }
0x81: {  	_ =	shalt  }
0x82: {  	_ =	shalt  }
0x83: {  	_ =	shalt  }
0x84: {  	_ =	shalt  }
0x85: {  	_ =	shalt  }
0x86: {  	_ =	shalt  }
0x87: {  	_ =	shalt  }
.Lfunc_end0:
.L_simem_size_0:
called_computation_lowered:
.L_overlay_start_0:
0x88: {  	s2 =	sld [smem:$0x3FD9]  }
0x89: {  	s3 =	sld [smem:$0x3FFE];
	_ =	sdelay $0x1  }
0x8a: {  	s1 =	srdreg.scid  }
0x8b: {  	s0 =	sand.u32 $0x1, s1  }
0x8c: {  	s16 =	sshll.u32 s0, $0xA;
	s2 =	sadd.s32 s3, s2  }
0x8d: {  	s2 =	sadd.s32 s2, s16  }
0x8e: {  	[smem:$0x3FB9] =	sst s2  }
0x8f: {  	_ = 	snop  }
0x90: {  	(tm) =	ssettm $0x1  }
0x91: {  	s17 =	sld [smem:$0x3FFB];
	_ =	sdelay $0x3  }
0x92: {  	_ =	strace s17  }
0x93: {  	s2 =	sld [smem:$0x3FFC];
	_ =	sdelay $0x3  }
0x94: {  	_ =	strace s2  }
0x95: {  	s2 =	sld [smem:$0x3FFD];
	_ =	sdelay $0x3  }
0x96: {  	_ =	strace s2  }
0x97: {  	_ =	strace $0x8FFFFFFF  }
0x98: {  	s18 =	sld [smem:$0x3FDB];
	_ =	sdelay $0x1  }
0x99: {  	s19 =	simm.s32 $_scs_section_size  }
0x9a: {  	s4 =	simm.s32 $_size__tile_overlayer_lowered;
	s5 =	simm.s32 $_tile_overlayer_lowered  }
0x9b: {  	s22 =	simm.s32 $0x1BFF;
	s21 =	sshll.u32 s5, $0x1;
	s2 =	sadd.s32 s19, s18  }
0x9c: {  	s6 =	simm.s32 $0x0;
	s20 =	sshll.u32 s4, $0x1;
	s4 =	sadd.s32 s21, s2  }
0x9d: {  	[timem:s6], [sflag:s22] =	dma.local [hbm:s4], s20  }
0x9e: {  	_ =	swait.ge [sflag:s22], s20  }
0x9f: {  	s3 =	ssub.s32 $0x0, s20;
	[sflag:s22] =	ssyncset.done $0x0  }
0xa0: {  	[sflag:s22] =	ssyncadd.s32 s3;
	_ =	sdelay $0x1  }
0xa1: {  	s23 =	simm.s32 $0x1B8B  }
0xa2: {  	_ =	swait.ge [sflag:s23], $0x1  }
0xa3: {  	[sflag:s23] =	ssyncset.done $0x0  }
0xa4: {  	s25 =	simm.s32 $0x1B8E;
	s24 =	sld [smem:$0x3FFE];
	[sflag:s23] =	ssyncadd.s32 $0xFFFFFFFF  }
0xa5: {  	s26 =	simm.s32 $execute0_lowered;
	[smem:$0x3FD2] =	sst s25  }
0xa6: {  	s4 =	sshll.u32 s26, $0x1;
	_ =	strace $0x80000046;
	[dreg:$0x1] =	wrdreg $0xFFFFFFFF  }
0xa7: {  	s28 =	simm.s32 $_size_execute0_lowered;
	s2 =	sadd.s32 s2, s4;
	[dreg:$0x0] =	wrdreg $0x0  }
0xa8: {  	s4 =	sshll.u32 s28, $0x1;
	[dreg:$0x2] =	wrdreg s2  }
0xa9: {  	[dreg:$0x3] =	wrdreg s4  }
0xaa: {  	[dreg:$0x4] =	wrdreg $0xC0  }
0xab: {  	_ =	task [dreg:s6], $0x5FFFF  }
0xac: {  	[dreg:$0x1] =	wrdreg $0xFFFFFFFF  }
0xad: {  	[dreg:$0x0] =	wrdreg $0x60  }
0xae: {  	[dreg:$0x2] =	wrdreg s24  }
0xaf: {  	[dreg:$0x3] =	wrdreg $0x29000  }
0xb0: {  	[dreg:$0x4] =	wrdreg $0x9  }
0xb1: {  	_ =	task.clear_ibuf [dreg:s6], $0x5FFFF;
	_ =	strace $0x90000046  }
0xb2: {  	s29 =	simm.s32 $0x9;
	_ =	strace $0x80000048  }
0xb3: {  	_ =	swait.ge [sflag:s29], $0x1  }
0xb4: {  	[sflag:s29] =	ssyncadd.s32 $0xFFFFFFFF  }
0xb5: {  	_ =	strace $0x90000048  }
0xb6: {  	_ =	sfence  }
0xb7: {  	s30 =	sld [smem:$0x0];
	_ =	sdelay $0x2  }
0xb8: {  	s31 =	sshll.u32 s1, $0xD;
	s1 =	sshrl.u32 s1, $0x2  }
0xb9: {  	s3 =	sand.u32 $0x4000, s31;
	s1 =	sadd.s32 s1, s30  }
0xba: {  	s0 =	sor.u32 s3, s0;
	s1 =	sshll.u32 s1, $0x11  }
0xbb: {  	s0 =	sor.u32 s1, s0  }
0xbc: {  	s0 =	sadd.s32 $0x8F2B, s0  }
0xbd: {  	[sflag:s0] =	ssyncadd.remote.s32 $0x1  }
0xbe: {  	_ =	sfence.sel $0xFFFF  }
0xbf: {  	[dreg:$0x0] =	wrdreg $0xFFFFFFFF;
	(pc) =	sbr.abs _section_cstart, $3  }
0xc0: {  	[dreg:$0x1] =	wrdreg $0xFFFFFFFF  }
0xc1: {  	_ =	task.clear_ibuf [dreg:s6], $0x2FFFF;
	_ =	strace $0x9FFFFFFF  }
0xc2: {  	(tm) =	ssettm $0x7FFFFFFF  }
0xc3: {  	_ =	shalt  }
tec
execute0_lowered:
.L_overlay_start_1:
0x0: {  	(tag) =	ssettag $0x1  }
0x1: {  	s1 =	srdreg.scid  }
0x2: {  	s0 =	rddreg [dreg:$0x0];
	s9 =	sand.u32 $0x1, s1  }
0x3: {  	s1 =	stileid.u32;
	s4 =	smul.u32 $0x27100, s9  }
0x4: {  	s2 =	rddreg [dreg:$0x1];
	s5 =	smul.u32 $0x2710, s1  }
0x5: {  	s3 =	simm.s32 $0x0;
	s28 =	simm.s32 $0x50;
	s7 =	smul.u32 $0xA000, s1  }
0x6: {  	s29 =	simm.s32 $0x1;
	s31 =	sor.u32 $0x10, s1;
	s18 =	smul.u32 $0x138800, s9  }
0x7: {  	s30 =	simm.s32 $0x0;
	s11 =	sor.u32 $0x20, s1;
	s24 =	smul.u32 $0xA000, s31  }
0x8: {  	[smem:$0x7FF] =	sst s3;
	s14 =	sor.u32 $0x30, s1;
	s25 =	smul.u32 $0xA000, s11  }
0x9: {  	s20 =	sadd.s32 $0x40400, s0;
	s15 =	sor.u32 $0x40, s1;
	s8 =	smul.u32 $0xA000, s14  }
0xa: {  	_ =	strace $0x80000047;
	s16 =	sor.u32 $0x50, s1;
	s10 =	smul.u32 $0xA000, s15  }
0xb: {  	s6 =	ssub.s32 $0x2, s9;
	s17 =	sor.u32 $0x60, s1;
	s12 =	smul.u32 $0xA000, s16  }
0xc: {  	s19 =	sor.u32 $0x70, s1;
	p0 =	sgt.u32 s1, $0xC;
	s13 =	smul.u32 $0xA000, s17  }
0xd: {  	s26 =	sshrl.u32 s6, $0x1;
	s14 =	smul.u32 $0x2800, s14;
	s5 =	sadd.s32 s5, s4  }
0xe: {  	s4 =	sadd.s32 $0x19200, s0;
	s21 =	ssub.s32 s6, s26;
	s26 =	smul.u32 $0xA000, s19  }
0xf: {  	s22 =	sshrl.u32 s7, $0x2;
	s19 =	smul.u32 $0x2800, s19;
	s5 =	sshrl.u32 s5, $0x3  }
0x10: {  	s6 =	sshrl.u32 s24, $0x2;
	s7 =	sshrl.u32 s25, $0x2;
	s8 =	sshrl.u32 s8, $0x2  }
0x11: {  	s10 =	sshrl.u32 s10, $0x2;
	s12 =	sshrl.u32 s12, $0x2;
	s24 =	smul.u32 $0x2800, s11  }
0x12: {  	s13 =	sshrl.u32 s13, $0x2;
	s25 =	smul.u32 $0x2800, s15;
	s21 =	smax.u32 s21, $0x1  }
0x13: {  	s23 =	sadd.s32 s5, s0;
	s5 =	sadd.s32 s22, s2;
	s6 =	sadd.s32 s6, s2  }
0x14: {  	s7 =	sadd.s32 s7, s2;
	s8 =	sadd.s32 s8, s2;
	s22 =	smul.u32 $0x2800, s1  }
0x15: {  	s9 =	sadd.s32 s10, s2;
	s10 =	sadd.s32 s12, s2;
	s0 =	smul.u32 $0x2800, s31  }
0x16: {  	s12 =	sshrl.u32 s26, $0x2;
	s11 =	sadd.s32 s13, s2;
	s26 =	smul.u32 $0x2800, s16  }
0x17: {  	s19 =	sadd.s32 s18, s19;
	s12 =	sadd.s32 s12, s2;
	s22 =	sadd.s32 s22, s18  }
0x18: {  	s13 =	sadd.s32 s18, s24;
	s0 =	sadd.s32 s18, s0;
	s22 =	sshrl.u32 s22, $0x3  }
0x19: {  	s24 =	simm.s32 $0x100;
	s0 =	sshrl.u32 s0, $0x3;
	s31 =	sadd.s32 s20, s22  }
0x1a: {  	s22 =	sshrl.u32 s13, $0x3;
	s0 =	sadd.s32 s20, s0;
	[dreg:$0x3] =	wrdreg s31  }
0x1b: {  	s13 =	sadd.s32 s18, s25;
	[dreg:$0x4] =	wrdreg s0;
	s15 =	sadd.s32 s20, s22  }
0x1c: {  	s31 =	sadd.s32 s18, s14;
	s14 =	smul.u32 $0x2800, s17;
	s22 =	sshrl.u32 s13, $0x3  }
0x1d: {  	s0 =	sadd.s32 s18, s26;
	s16 =	sshrl.u32 s31, $0x3;
	s17 =	sadd.s32 s20, s22  }
0x1e: {  	s0 =	sshrl.u32 s0, $0x3;
	s31 =	sshrl.u32 s19, $0x3;
	s22 =	sadd.s32 $0x5600, s23  }
0x1f: {  	s23 =	sadd.s32 $0xF400, s23;
	s16 =	sadd.s32 s20, s16;
	s25 =	sadd.s32 s18, s14  }
0x20: {  	s18 =	sadd.s32 s20, s0;
	s26 =	sshrl.u32 s25, $0x3;
	s25 =	simm.s32 $0x2  }
0x21: {  	v0 =	vimm.f32 $0.0e+00;
	s19 =	sadd.s32 s20, s26;
	s20 =	sadd.s32 s20, s31;
	s26 =	simm.s32 $0x80  }
.LBB2_1:
0x22: {  	s31 =	simm.s32 $0x0;
	s0 =	simm.s32 $0x200  }
.LBB2_2:
0x23: {  	p1 =	sne.s32 s0, $0x9E00;
	[tilespmem:s31+$0x170] =	vst v0  }
0x24: {  	[tilespmem:s31+$0x100] =	vst v0  }
0x25: {  	[tilespmem:s31+$0x110] =	vst v0  }
.Ltmp0:
0x26: {  	[tilespmem:s31+$0x120] =	vst v0;
	(pc) =	sbr.rel @p1 .LBB2_2-.Ltmp0, $4  }
0x27: {  	[tilespmem:s31+$0x130] =	vst v0  }
0x28: {  	[tilespmem:s31+$0x140] =	vst v0  }
0x29: {  	[tilespmem:s31+$0x150] =	vst v0  }
0x2a: {  	[tilespmem:s31+$0x160] =	vst v0;
	s31 =	sshra.s32 s0, $0x2;
	s0 =	sadd.s32 $0x200, s0  }
0x2b: {  	[tilespmem:s31+$0x170] =	vst v0  }
0x2c: {  	[tilespmem:s31+$0x100] =	vst v0  }
0x2d: {  	[tilespmem:s31+$0x110] =	vst v0  }
0x2e: {  	[tilespmem:s31+$0x120] =	vst v0  }
0x2f: {  	[tilespmem:s31+$0x130] =	vst v0  }
0x30: {  	[tilespmem:s31+$0x140] =	vst v0  }
0x31: {  	[tilespmem:s31+$0x150] =	vst v0  }
0x32: {  	[tilespmem:s31+$0x160] =	vst v0  }
0x33: {  	[spmem:s5] =	stream.linear.scatter [tilespmem:s24], [sflag:$0x2], $0x2800, $0x38;
	[tilespmem:$0x16180] =	vst v63  }
0x34: {  	_ =	swait.ge [sflag:s25], $0x2800  }
0x35: {  	[sflag:s25] =	ssyncset.done $0x0  }
0x36: {  	[sflag:s25] =	ssyncadd.s32 $0xFFFFD800  }
0x37: {  	[spmem:s6] =	stream.linear.scatter [tilespmem:s24], [sflag:$0x2], $0x2800, $0x38;
	[tilespmem:$0x16180] =	vst v63  }
0x38: {  	_ =	swait.ge [sflag:s25], $0x2800  }
0x39: {  	[sflag:s25] =	ssyncset.done $0x0  }
0x3a: {  	[sflag:s25] =	ssyncadd.s32 $0xFFFFD800  }
0x3b: {  	[spmem:s7] =	stream.linear.scatter [tilespmem:s24], [sflag:$0x2], $0x2800, $0x38;
	[tilespmem:$0x16180] =	vst v63  }
0x3c: {  	_ =	swait.ge [sflag:s25], $0x2800  }
0x3d: {  	[sflag:s25] =	ssyncset.done $0x0  }
0x3e: {  	[sflag:s25] =	ssyncadd.s32 $0xFFFFD800  }
0x3f: {  	[spmem:s8] =	stream.linear.scatter [tilespmem:s24], [sflag:$0x2], $0x2800, $0x38;
	[tilespmem:$0x16180] =	vst v63  }
0x40: {  	_ =	swait.ge [sflag:s25], $0x2800  }
0x41: {  	[sflag:s25] =	ssyncset.done $0x0  }
0x42: {  	[sflag:s25] =	ssyncadd.s32 $0xFFFFD800  }
0x43: {  	[spmem:s9] =	stream.linear.scatter [tilespmem:s24], [sflag:$0x2], $0x2800, $0x38;
	[tilespmem:$0x16180] =	vst v63  }
0x44: {  	_ =	swait.ge [sflag:s25], $0x2800  }
0x45: {  	[sflag:s25] =	ssyncset.done $0x0  }
0x46: {  	[sflag:s25] =	ssyncadd.s32 $0xFFFFD800  }
0x47: {  	[spmem:s10] =	stream.linear.scatter [tilespmem:s24], [sflag:$0x2], $0x2800, $0x38;
	[tilespmem:$0x16180] =	vst v63  }
0x48: {  	_ =	swait.ge [sflag:s25], $0x2800  }
0x49: {  	[sflag:s25] =	ssyncset.done $0x0  }
0x4a: {  	[sflag:s25] =	ssyncadd.s32 $0xFFFFD800  }
0x4b: {  	[spmem:s11] =	stream.linear.scatter [tilespmem:s24], [sflag:$0x2], $0x2800, $0x38;
	[tilespmem:$0x16180] =	vst v63  }
0x4c: {  	_ =	swait.ge [sflag:s25], $0x2800  }
0x4d: {  	[sflag:s25] =	ssyncset.done $0x0  }
0x4e: {  	s0 =	simm.s32 @!p0 $0x100;
	[sflag:s25] =	ssyncadd.s32 $0xFFFFD800  }
0x4f: {  	[spmem:s12] =	stream.linear.scatter @!p0 [tilespmem:s0], [sflag:$0x2], $0x2800, $0x38;
	[tilespmem:$0x16180] =	vst v63  }
0x50: {  	s0 =	simm.s32 @!p0 $0x2  }
0x51: {  	_ =	swait.ge @!p0 [sflag:s0], $0x2800  }
0x52: {  	[sflag:s0] =	ssyncset.done @!p0 $0x0  }
0x53: {  	[sflag:s0] =	ssyncadd.s32 @!p0 $0xFFFFD800  }
0x54: {  	s13 =	sadd.s32 $0x0, s23;
	[bflag:$0x0] =	sbarrier.arrive $0xFFFF  }
0x55: {  	[tilespmem:s3], [sflag:$0x2] =	stream.linear.gather [hbm4b:s13+s3], $0x50, $0x38;
	[tilespmem:$0x16180] =	vst v63  }
0x56: {  	_ =	swait.ge [sflag:s25], $0x50  }
0x57: {  	[sflag:s25] =	ssyncset.done $0x0  }
0x58: {  	s14 =	sadd.s32 $0x0, s22;
	[sflag:s25] =	ssyncadd.s32 $0xFFFFFFB0  }
0x59: {  	[tilespmem:s26], [sflag:$0x2] =	stream.linear.gather [hbm4b:s14+s3], $0x50, $0x38;
	[tilespmem:$0x16180] =	vst v63  }
0x5a: {  	_ =	swait.ge [sflag:s25], $0x50  }
0x5b: {  	[sflag:s25] =	ssyncset.done $0x0  }
0x5c: {  	[sflag:s25] =	ssyncadd.s32 $0xFFFFFFB0  }
0x5d: {  	[tilespmem:s24], [sflag:$0x1] =	stream.indirect.gather [hbm4b:s4+s28], $0x80, s3, s28, $0xb8;
	[tilespmem:$0x16180] =	vst v63  }
0x5e: {  	_ =	swait.ge [sflag:s29], $0x2800  }
0x5f: {  	[sflag:s29] =	ssyncset.done $0x0  }
0x60: {  	[sflag:s29] =	ssyncadd.s32 $0xFFFFD800  }
0x61: {  	[spmem:s2] =	stream.indirect.scatter.add.f32 [tilespmem:s24], [sflag:$0x2], $0x80, s26, s28, $0xb8;
	[tilespmem:$0x16180] =	vst v63  }
0x62: {  	_ =	swait.ge [sflag:s25], $0x2800  }
0x63: {  	s31 =	simm.s32 $0xA;
	s0 =	simm.s32 $0x14;
	[sflag:s25] =	ssyncset.done $0x0  }
.LBB2_4:
0x64: {  	s1 =	sadd.s32 s31, s23  }
0x65: {  	[sflag:s25] =	ssyncadd.s32 $0xFFFFD800;
	s13 =	smov.u32 s0;
	s14 =	sadd.s32 $0xA, s0  }
0x66: {  	[tilespmem:s3], [sflag:$0x2] =	stream.linear.gather [hbm4b:s1+s3], $0x50, $0x38;
	[tilespmem:$0x16180] =	vst v63  }
0x67: {  	p1 =	sne.s32 s0, $0x4D8;
	_ =	swait.ge [sflag:s25], $0x50  }
0x68: {  	[sflag:s25] =	ssyncset.done $0x0  }
0x69: {  	s0 =	sadd.s32 s31, s22;
	s31 =	smov.u32 s13;
	[sflag:s25] =	ssyncadd.s32 $0xFFFFFFB0  }
0x6a: {  	[tilespmem:s26], [sflag:$0x2] =	stream.linear.gather [hbm4b:s0+s3], $0x50, $0x38;
	[tilespmem:$0x16180] =	vst v63  }
0x6b: {  	_ =	swait.ge [sflag:s25], $0x50  }
0x6c: {  	[sflag:s25] =	ssyncset.done $0x0  }
0x6d: {  	[sflag:s25] =	ssyncadd.s32 $0xFFFFFFB0  }
0x6e: {  	[tilespmem:s24], [sflag:$0x1] =	stream.indirect.gather [hbm4b:s4+s28], $0x80, s3, s28, $0xb8;
	[tilespmem:$0x16180] =	vst v63  }
0x6f: {  	_ =	swait.ge [sflag:s29], $0x2800  }
.Ltmp1:
0x70: {  	[sflag:s29] =	ssyncset.done $0x0;
	(pc) =	sbr.rel @p1 .LBB2_4-.Ltmp1, $4  }
0x71: {  	[sflag:s29] =	ssyncadd.s32 $0xFFFFD800  }
0x72: {  	[spmem:s2] =	stream.indirect.scatter.add.f32 [tilespmem:s24], [sflag:$0x2], $0x80, s26, s28, $0xb8;
	[tilespmem:$0x16180] =	vst v63  }
0x73: {  	_ =	swait.ge [sflag:s25], $0x2800  }
0x74: {  	s0 =	smov.u32 s14;
	[sflag:s25] =	ssyncset.done $0x0  }
0x75: {  	s0 =	sadd.s32 s31, s23;
	[sflag:s25] =	ssyncadd.s32 $0xFFFFD800  }
0x76: {  	[tilespmem:s3], [sflag:$0x2] =	stream.linear.gather [hbm4b:s0+s3], $0x50, $0x38;
	[tilespmem:$0x16180] =	vst v63  }
0x77: {  	_ =	swait.ge [sflag:s25], $0x50  }
0x78: {  	[sflag:s25] =	ssyncset.done $0x0  }
0x79: {  	s1 =	sadd.s32 s31, s22;
	[sflag:s25] =	ssyncadd.s32 $0xFFFFFFB0  }
0x7a: {  	[tilespmem:s26], [sflag:$0x2] =	stream.linear.gather [hbm4b:s1+s3], $0x50, $0x38;
	[tilespmem:$0x16180] =	vst v63  }
0x7b: {  	_ =	swait.ge [sflag:s25], $0x50  }
0x7c: {  	[sflag:s25] =	ssyncset.done $0x0  }
0x7d: {  	[sflag:s25] =	ssyncadd.s32 $0xFFFFFFB0  }
0x7e: {  	[tilespmem:s24], [sflag:$0x1] =	stream.indirect.gather [hbm4b:s4+s28], $0x80, s3, s28, $0xb8;
	[tilespmem:$0x16180] =	vst v63  }
0x7f: {  	_ =	swait.ge [sflag:s29], $0x2800  }
0x80: {  	[sflag:s29] =	ssyncset.done $0x0  }
0x81: {  	[sflag:s29] =	ssyncadd.s32 $0xFFFFD800  }
0x82: {  	[spmem:s2] =	stream.indirect.scatter.add.f32 [tilespmem:s24], [sflag:$0x2], $0x80, s26, s28, $0xb8;
	[tilespmem:$0x16180] =	vst v63  }
0x83: {  	_ =	swait.ge [sflag:s25], $0x2800  }
0x84: {  	[sflag:s25] =	ssyncset.done $0x0  }
0x85: {  	s13 =	stileid.u32;
	[sflag:s25] =	ssyncadd.s32 $0xFFFFD800  }
0x86: {  	s0 =	sshll.u32 s13, $0x6;
	[bflag:$0x0] =	sbarrier.arrive $0xFFFF  }
0x87: {  	s0 =	sor.u32 $0x1C02, s0;
	s1 =	sshrl.u32 s5, $0x3;
	s13 =	rddreg [dreg:$0x3]  }
0x88: {  	[hbm:s13], [sflag:s0] =	dma.local [spmem:s1], $0x500  }
0x89: {  	_ =	swait.ge [sflag:s25], $0x500  }
0x8a: {  	[sflag:s25] =	ssyncset.done $0x0  }
0x8b: {  	s14 =	sshrl.u32 s6, $0x3;
	s31 =	rddreg [dreg:$0x4];
	[sflag:s25] =	ssyncadd.s32 $0xFFFFFB00  }
0x8c: {  	[hbm:s31], [sflag:s0] =	dma.local [spmem:s14], $0x500  }
0x8d: {  	_ =	swait.ge [sflag:s25], $0x500  }
0x8e: {  	[sflag:s25] =	ssyncset.done $0x0  }
0x8f: {  	s14 =	sshrl.u32 s7, $0x3;
	[sflag:s25] =	ssyncadd.s32 $0xFFFFFB00  }
0x90: {  	[hbm:s15], [sflag:s0] =	dma.local [spmem:s14], $0x500  }
0x91: {  	_ =	swait.ge [sflag:s25], $0x500  }
0x92: {  	[sflag:s25] =	ssyncset.done $0x0  }
0x93: {  	s31 =	sshrl.u32 s8, $0x3;
	[sflag:s25] =	ssyncadd.s32 $0xFFFFFB00  }
0x94: {  	[hbm:s16], [sflag:s0] =	dma.local [spmem:s31], $0x500  }
0x95: {  	_ =	swait.ge [sflag:s25], $0x500  }
0x96: {  	[sflag:s25] =	ssyncset.done $0x0  }
0x97: {  	s13 =	sshrl.u32 s9, $0x3;
	[sflag:s25] =	ssyncadd.s32 $0xFFFFFB00  }
0x98: {  	[hbm:s17], [sflag:s0] =	dma.local [spmem:s13], $0x500  }
0x99: {  	_ =	swait.ge [sflag:s25], $0x500  }
0x9a: {  	[sflag:s25] =	ssyncset.done $0x0  }
0x9b: {  	s14 =	sshrl.u32 s10, $0x3;
	[sflag:s25] =	ssyncadd.s32 $0xFFFFFB00  }
0x9c: {  	[hbm:s18], [sflag:s0] =	dma.local [spmem:s14], $0x500  }
0x9d: {  	_ =	swait.ge [sflag:s25], $0x500  }
0x9e: {  	[sflag:s25] =	ssyncset.done $0x0  }
0x9f: {  	s31 =	sshrl.u32 s11, $0x3;
	[sflag:s25] =	ssyncadd.s32 $0xFFFFFB00  }
0xa0: {  	[hbm:s19], [sflag:s0] =	dma.local [spmem:s31], $0x500  }
0xa1: {  	_ =	swait.ge [sflag:s25], $0x500  }
0xa2: {  	s30 =	sadd.s32 $0x1, s30;
	[sflag:s25] =	ssyncset.done $0x0  }
0xa3: {  	p1 =	sne.s32 s30, s21;
	s1 =	sshrl.u32 @!p0 s12, $0x3;
	[sflag:s25] =	ssyncadd.s32 $0xFFFFFB00  }
0xa4: {  	[hbm:s20], [sflag:s0] =	dma.local @!p0 [spmem:s1], $0x500  }
.Ltmp2:
0xa5: {  	_ = 	snop;
	(pc) =	sbr.rel @p1 .LBB2_1-.Ltmp2, $4  }
0xa6: {  	s0 =	simm.s32 @!p0 $0x2  }
0xa7: {  	_ =	swait.ge @!p0 [sflag:s0], $0x500  }
0xa8: {  	[sflag:s0] =	ssyncset.done @!p0 $0x0  }
0xa9: {  	[sflag:s0] =	ssyncadd.s32 @!p0 $0xFFFFFB00  }
0xaa: {  	_ =	sfence.sel $0x180000  }
0xab: {  	[bflag:$0x0] =	sbarrier.arrive $0xFFFF  }
0xac: {  	_ =	strace $0x90000047  }
0xad: {  	s0 =	stileid.u32;
	[bflag:$0x2] =	sbarrier.arrive $0xFFFF  }
0xae: {  	p0 =	sne.s32 s0, $0x0;
	s0 =	rddreg [dreg:$0x2]  }
0xaf: {  	s0 =	sadd.s32 @!p0 $0x100000, s0  }
0xb0: {  	[sflag:s0] =	ssyncadd.tile.s32 @!p0 $0x1;
	_ =	shalt  }
.Lfunc_end2:
_tile_overlayer_lowered:
.L_overlay_start_2:
0xb1: {  	(tag) =	ssettag $0x2  }
0xb2: {  	s0 =	rddreg [dreg:$0x0];
	s2 =	stileid.u32  }
0xb3: {  	s1 =	rddreg [dreg:$0x1];
	p0 =	sne.s32 s2, $0x0  }
0xb4: {  	s3 =	rddreg [dreg:$0x2];
	[bflag:$0x3] =	sbarrier.arrive $0xFFFF;
	s2 =	simm.s32 @!p0 $0x1C02  }
0xb5: {  	[timem:s3], [sflag:s2] =	dma.local @!p0 [hbm:s0], s1  }
0xb6: {  	s0 =	simm.s32 @!p0 $0x2  }
0xb7: {  	_ =	swait.ge @!p0 [sflag:s0], s1  }
0xb8: {  	s1 =	ssub.s32 @!p0 $0x0, s1;
	[sflag:s0] =	ssyncset.done @!p0 $0x0  }
0xb9: {  	[sflag:s0] =	ssyncadd.s32 @!p0 s1  }
0xba: {  	[bflag:$0x3] =	sbarrier.arrive $0xFFFF  }
0xbb: {  	_ =	shalt  }

// kernel: kernel.21.cloned.1.call-start
scs
__scs_entry_jumppad:
0x0: {  	(pc) =	sbr.rel $0x88, $3  }
0x1: {  	(tag) =	ssettag $0x0;
	lr =	simm.s32 $0x1  }
0x2: {  	[smem:$0x3F92] =	sst lr;
	_ =	strace $0xD0000000  }
0x3: {  	_ = 	snop  }
0x4: {  	_ = 	snop  }
0x5: {  	_ = 	snop  }
0x6: {  	_ = 	snop  }
0x7: {  	_ = 	snop  }
__scs_overlays_trampoline_lowered:
0x8: {  	[smem:$0x3FA1] =	sst s0  }
0x9: {  	[smem:$0x3FA2] =	sst s1  }
0xa: {  	[smem:$0x3FA3] =	sst s2  }
0xb: {  	[smem:$0x3FA4] =	sst s3  }
0xc: {  	[smem:$0x3FA5] =	sst s4  }
0xd: {  	[smem:$0x3FA6] =	sst s5  }
0xe: {  	[smem:$0x3FA7] =	sst s6  }
0xf: {  	[smem:$0x3FA8] =	sst s7  }
0x10: {  	[smem:$0x3FA9] =	sst s8  }
0x11: {  	[smem:$0x3FAA] =	sst s9;
	s0 =	simm.s32 @!p0 $0x0  }
0x12: {  	s1 =	sld [smem:$0x3F90];
	s0 =	simm.s32 @p0 $0x1  }
0x13: {  	[smem:$0x3FAB] =	sst s0;
	s0 =	simm.s32 @!p1 $0x0  }
0x14: {  	s2 =	sld [smem:$0x3F8F];
	s0 =	simm.s32 @p1 $0x1  }
0x15: {  	[smem:$0x3FAC] =	sst s0;
	s0 =	simm.s32 @!p2 $0x0  }
0x16: {  	s3 =	sld [smem:$0x3FDB];
	s0 =	simm.s32 @p2 $0x1  }
0x17: {  	s4 =	simm.s32 $0x1BF5;
	[smem:$0x3FAE] =	sst s0  }
0x18: {  	s0 =	sld [smem:$0x3F91];
	_ =	swait.ge [sflag:s4], $0x0  }
0x19: {  	s7 =	sld [smem:$0x3F92]  }
0x1a: {  	s8 =	sadd.s32 $0xFFFFE003, lr  }
0x1b: {  	s9 =	sadd.s32 $0xFFFFFEF7, lr;
	s5 =	simm.s32 $0xFFFFFFFF;
	p2 =	slt.u32 s8, $0xFFFFF086  }
0x1c: {  	p1 =	slt.u32 s9, $0xF7A;
	s5 =	simm.s32 @!p2 $0x0  }
0x1d: {  	s5 =	simm.s32 @p1 $0x1;
	p0 =	seq.s32 s7, s2  }
0x1e: {  	s7 =	smul.u32 @!p0 $0xF7A, s2;
	p2 =	seq.s32 @!p0 s5, $0x0  }
0x1f: {  	s9 =	smul.u32 $0xF7A, s1;
	s8 =	simm.s32 @!p0 $0x1BF5;
	p2 =	por !p2, p0  }
0x20: {  	[sflag:s8] =	ssyncset.s32 @!p0 $0xFFFFF086;
	s6 =	sadd.s32 @!p0 s3, s7;
	s7 =	simm.s32 @!p0 $0x108  }
0x21: {  	s3 =	sadd.s32 s3, s9;
	s6 =	sadd.s32 @!p0 $0x88, s6;
	s7 =	simm.s32 @p2 $0x1082  }
0x22: {  	[simem:s7], [sflag:s8] =	dma.local @!p0 [hbm:s6], $0xF7A  }
0x23: {  	s9 =	sor.u32 $0xD0000000, s2;
	s6 =	simm.s32 $0x108;
	_ =	swait.ge @!p0 [sflag:s8], $0x0  }
0x24: {  	s3 =	sadd.s32 $0x88, s3;
	s6 =	simm.s32 @!p1 $0x1082;
	[sflag:s4] =	ssyncset.s32 $0xFFFFF086  }
0x25: {  	[simem:s6], [sflag:s4] =	dma.local [hbm:s3], $0xF7A  }
0x26: {  	[smem:$0x3F92] =	sst s1;
	(tag) =	ssettag s2;
	_ =	strace s9  }
0x27: {  	s1 =	sld [smem:$0x3FA2]  }
0x28: {  	s2 =	sld [smem:$0x3FA3]  }
0x29: {  	s4 =	sld [smem:$0x3FA5]  }
0x2a: {  	p0 =	seq.s32 s5, $0x0;
	s5 =	sld [smem:$0x3FA6]  }
0x2b: {  	s6 =	sld [smem:$0x3FA7]  }
0x2c: {  	s7 =	sld [smem:$0x3FA8]  }
0x2d: {  	s3 =	simm.s32 $0x108;
	s8 =	sld [smem:$0x3FA9]  }
0x2e: {  	s3 =	simm.s32 @!p0 $0x1082;
	s9 =	sld [smem:$0x3FAA]  }
0x2f: {  	lr =	sadd.s32 s0, s3;
	s0 =	sld [smem:$0x3FA1]  }
0x30: {  	s3 =	sld [smem:$0x3FA4]  }
0x31: {  	[smem:$0x3FAD] =	sst s10  }
0x32: {  	s10 =	sld [smem:$0x3FAB];
	_ =	sdelay $0x3  }
0x33: {  	p0 =	seq.s32 s10, $0x1;
	s10 =	sld [smem:$0x3FAD];
	_ =	sdelay $0x3  }
0x34: {  	[smem:$0x3FAD] =	sst s10  }
0x35: {  	s10 =	sld [smem:$0x3FAC];
	_ =	sdelay $0x3  }
0x36: {  	p1 =	seq.s32 s10, $0x1;
	s10 =	sld [smem:$0x3FAD];
	_ =	sdelay $0x3  }
0x37: {  	[smem:$0x3FAD] =	sst s10  }
0x38: {  	s10 =	sld [smem:$0x3FAE]  }
0x39: {  	_ = 	snop;
	(pc) =	sbr.ind lr, $3  }
0x3a: {  	_ = 	snop  }
0x3b: {  	_ = 	snop  }
0x3c: {  	p2 =	seq.s32 s10, $0x1;
	s10 =	sld [smem:$0x3FAD]  }
0x3d: {  	_ =	shalt  }
0x3e: {  	_ =	shalt  }
0x3f: {  	_ =	shalt  }
0x40: {  	_ =	shalt  }
0x41: {  	_ =	shalt  }
0x42: {  	_ =	shalt  }
0x43: {  	_ =	shalt  }
0x44: {  	_ =	shalt  }
0x45: {  	_ =	shalt  }
0x46: {  	_ =	shalt  }
0x47: {  	_ =	shalt  }
0x48: {  	_ =	shalt  }
0x49: {  	_ =	shalt  }
0x4a: {  	_ =	shalt  }
0x4b: {  	_ =	shalt  }
0x4c: {  	_ =	shalt  }
0x4d: {  	_ =	shalt  }
0x4e: {  	_ =	shalt  }
0x4f: {  	_ =	shalt  }
0x50: {  	_ =	shalt  }
0x51: {  	_ =	shalt  }
0x52: {  	_ =	shalt  }
0x53: {  	_ =	shalt  }
0x54: {  	_ =	shalt  }
0x55: {  	_ =	shalt  }
0x56: {  	_ =	shalt  }
0x57: {  	_ =	shalt  }
0x58: {  	_ =	shalt  }
0x59: {  	_ =	shalt  }
0x5a: {  	_ =	shalt  }
0x5b: {  	_ =	shalt  }
0x5c: {  	_ =	shalt  }
0x5d: {  	_ =	shalt  }
0x5e: {  	_ =	shalt  }
0x5f: {  	_ =	shalt  }
0x60: {  	_ =	shalt  }
0x61: {  	_ =	shalt  }
0x62: {  	_ =	shalt  }
0x63: {  	_ =	shalt  }
0x64: {  	_ =	shalt  }
0x65: {  	_ =	shalt  }
0x66: {  	_ =	shalt  }
0x67: {  	_ =	shalt  }
0x68: {  	_ =	shalt  }
0x69: {  	_ =	shalt  }
0x6a: {  	_ =	shalt  }
0x6b: {  	_ =	shalt  }
0x6c: {  	_ =	shalt  }
0x6d: {  	_ =	shalt  }
0x6e: {  	_ =	shalt  }
0x6f: {  	_ =	shalt  }
0x70: {  	_ =	shalt  }
0x71: {  	_ =	shalt  }
0x72: {  	_ =	shalt  }
0x73: {  	_ =	shalt  }
0x74: {  	_ =	shalt  }
0x75: {  	_ =	shalt  }
0x76: {  	_ =	shalt  }
0x77: {  	_ =	shalt  }
0x78: {  	_ =	shalt  }
0x79: {  	_ =	shalt  }
0x7a: {  	_ =	shalt  }
0x7b: {  	_ =	shalt  }
0x7c: {  	_ =	shalt  }
0x7d: {  	_ =	shalt  }
0x7e: {  	_ =	shalt  }
0x7f: {  	_ =	shalt  }
0x80: {  	_ =	shalt  }
0x81: {  	_ =	shalt  }
0x82: {  	_ =	shalt  }
0x83: {  	_ =	shalt  }
0x84: {  	_ =	shalt  }
0x85: {  	_ =	shalt  }
0x86: {  	_ =	shalt  }
0x87: {  	_ =	shalt  }
.Lfunc_end0:
.L_simem_size_0:
called_computation.1_lowered:
.L_overlay_start_0:
0x88: {  	s2 =	sld [smem:$0x3FD9]  }
0x89: {  	s3 =	sld [smem:$0x3FFE];
	_ =	sdelay $0x1  }
0x8a: {  	s1 =	srdreg.scid  }
0x8b: {  	s0 =	sand.u32 $0x1, s1  }
0x8c: {  	s16 =	sshll.u32 s0, $0xA;
	s2 =	sadd.s32 s3, s2  }
0x8d: {  	s2 =	sadd.s32 s2, s16  }
0x8e: {  	[smem:$0x3FB9] =	sst s2  }
0x8f: {  	_ = 	snop  }
0x90: {  	(tm) =	ssettm $0x1  }
0x91: {  	s17 =	sld [smem:$0x3FFB];
	_ =	sdelay $0x3  }
0x92: {  	_ =	strace s17  }
0x93: {  	s2 =	sld [smem:$0x3FFC];
	_ =	sdelay $0x3  }
0x94: {  	_ =	strace s2  }
0x95: {  	s2 =	sld [smem:$0x3FFD];
	_ =	sdelay $0x3  }
0x96: {  	_ =	strace s2  }
0x97: {  	_ =	strace $0x8FFFFFFF  }
0x98: {  	s18 =	sld [smem:$0x3FDB];
	_ =	sdelay $0x1  }
0x99: {  	s19 =	simm.s32 $_scs_section_size  }
0x9a: {  	s4 =	simm.s32 $_size__tile_overlayer_lowered;
	s5 =	simm.s32 $_tile_overlayer_lowered  }
0x9b: {  	s22 =	simm.s32 $0x1BFF;
	s21 =	sshll.u32 s5, $0x1;
	s2 =	sadd.s32 s19, s18  }
0x9c: {  	s6 =	simm.s32 $0x0;
	s20 =	sshll.u32 s4, $0x1;
	s4 =	sadd.s32 s21, s2  }
0x9d: {  	[timem:s6], [sflag:s22] =	dma.local [hbm:s4], s20  }
0x9e: {  	_ =	swait.ge [sflag:s22], s20  }
0x9f: {  	s3 =	ssub.s32 $0x0, s20;
	[sflag:s22] =	ssyncset.done $0x0  }
0xa0: {  	[sflag:s22] =	ssyncadd.s32 s3;
	_ =	sdelay $0x1  }
0xa1: {  	s23 =	simm.s32 $0x1B8B  }
0xa2: {  	_ =	swait.ge [sflag:s23], $0x1  }
0xa3: {  	[sflag:s23] =	ssyncset.done $0x0  }
0xa4: {  	s25 =	simm.s32 $0x1B8E;
	s24 =	sld [smem:$0x3FFE];
	[sflag:s23] =	ssyncadd.s32 $0xFFFFFFFF  }
0xa5: {  	s26 =	simm.s32 $execute0_lowered;
	[smem:$0x3FD2] =	sst s25  }
0xa6: {  	s4 =	sshll.u32 s26, $0x1;
	_ =	strace $0x80000049;
	[dreg:$0x1] =	wrdreg $0xFFFFFFFF  }
0xa7: {  	s28 =	simm.s32 $_size_execute0_lowered;
	s2 =	sadd.s32 s2, s4;
	[dreg:$0x0] =	wrdreg $0x0  }
0xa8: {  	s4 =	sshll.u32 s28, $0x1;
	[dreg:$0x2] =	wrdreg s2  }
0xa9: {  	[dreg:$0x3] =	wrdreg s4  }
0xaa: {  	[dreg:$0x4] =	wrdreg $0xC0  }
0xab: {  	_ =	task [dreg:s6], $0x5FFFF  }
0xac: {  	[dreg:$0x1] =	wrdreg $0xFFFFFFFF  }
0xad: {  	[dreg:$0x0] =	wrdreg $0x60  }
0xae: {  	[dreg:$0x2] =	wrdreg s24  }
0xaf: {  	[dreg:$0x3] =	wrdreg $0x29000  }
0xb0: {  	[dreg:$0x4] =	wrdreg $0x9  }
0xb1: {  	_ =	task.clear_ibuf [dreg:s6], $0x5FFFF;
	_ =	strace $0x90000049  }
0xb2: {  	s29 =	simm.s32 $0x9;
	_ =	strace $0x8000004B  }
0xb3: {  	_ =	swait.ge [sflag:s29], $0x1  }
0xb4: {  	[sflag:s29] =	ssyncadd.s32 $0xFFFFFFFF  }
0xb5: {  	_ =	strace $0x9000004B  }
0xb6: {  	_ =	sfence  }
0xb7: {  	s30 =	sld [smem:$0x0];
	_ =	sdelay $0x2  }
0xb8: {  	s31 =	sshll.u32 s1, $0xD;
	s1 =	sshrl.u32 s1, $0x2  }
0xb9: {  	s3 =	sand.u32 $0x4000, s31;
	s1 =	sadd.s32 s1, s30  }
0xba: {  	s0 =	sor.u32 s3, s0;
	s1 =	sshll.u32 s1, $0x11  }
0xbb: {  	s0 =	sor.u32 s1, s0  }
0xbc: {  	s0 =	sadd.s32 $0x8F2B, s0  }
0xbd: {  	[sflag:s0] =	ssyncadd.remote.s32 $0x1  }
0xbe: {  	_ =	sfence.sel $0xFFFF  }
0xbf: {  	[dreg:$0x0] =	wrdreg $0xFFFFFFFF;
	(pc) =	sbr.abs _section_cstart, $3  }
0xc0: {  	[dreg:$0x1] =	wrdreg $0xFFFFFFFF  }
0xc1: {  	_ =	task.clear_ibuf [dreg:s6], $0x2FFFF;
	_ =	strace $0x9FFFFFFF  }
0xc2: {  	(tm) =	ssettm $0x7FFFFFFF  }
0xc3: {  	_ =	shalt  }
tec
execute0_lowered:
.L_overlay_start_1:
0x0: {  	(tag) =	ssettag $0x1  }
0x1: {  	s1 =	srdreg.scid  }
0x2: {  	s0 =	rddreg [dreg:$0x0];
	s9 =	sand.u32 $0x1, s1  }
0x3: {  	s1 =	stileid.u32;
	s4 =	smul.u32 $0x27100, s9  }
0x4: {  	s2 =	rddreg [dreg:$0x1];
	s5 =	smul.u32 $0x2710, s1  }
0x5: {  	s3 =	simm.s32 $0x0;
	s28 =	simm.s32 $0x50;
	s7 =	smul.u32 $0xA000, s1  }
0x6: {  	s29 =	simm.s32 $0x1;
	s31 =	sor.u32 $0x10, s1;
	s18 =	smul.u32 $0x138800, s9  }
0x7: {  	s30 =	simm.s32 $0x0;
	s11 =	sor.u32 $0x20, s1;
	s24 =	smul.u32 $0xA000, s31  }
0x8: {  	[smem:$0x7FF] =	sst s3;
	s14 =	sor.u32 $0x30, s1;
	s25 =	smul.u32 $0xA000, s11  }
0x9: {  	s20 =	sadd.s32 $0x40400, s0;
	s15 =	sor.u32 $0x40, s1;
	s8 =	smul.u32 $0xA000, s14  }
0xa: {  	_ =	strace $0x8000004A;
	s16 =	sor.u32 $0x50, s1;
	s10 =	smul.u32 $0xA000, s15  }
0xb: {  	s6 =	ssub.s32 $0x2, s9;
	s17 =	sor.u32 $0x60, s1;
	s12 =	smul.u32 $0xA000, s16  }
0xc: {  	s19 =	sor.u32 $0x70, s1;
	p0 =	sgt.u32 s1, $0xC;
	s13 =	smul.u32 $0xA000, s17  }
0xd: {  	s26 =	sshrl.u32 s6, $0x1;
	s14 =	smul.u32 $0x2800, s14;
	s5 =	sadd.s32 s5, s4  }
0xe: {  	s4 =	sadd.s32 $0x19200, s0;
	s21 =	ssub.s32 s6, s26;
	s26 =	smul.u32 $0xA000, s19  }
0xf: {  	s22 =	sshrl.u32 s7, $0x2;
	s19 =	smul.u32 $0x2800, s19;
	s5 =	sshrl.u32 s5, $0x3  }
0x10: {  	s6 =	sshrl.u32 s24, $0x2;
	s7 =	sshrl.u32 s25, $0x2;
	s8 =	sshrl.u32 s8, $0x2  }
0x11: {  	s10 =	sshrl.u32 s10, $0x2;
	s12 =	sshrl.u32 s12, $0x2;
	s24 =	smul.u32 $0x2800, s11  }
0x12: {  	s13 =	sshrl.u32 s13, $0x2;
	s25 =	smul.u32 $0x2800, s15;
	s21 =	smax.u32 s21, $0x1  }
0x13: {  	s23 =	sadd.s32 s5, s0;
	s5 =	sadd.s32 s22, s2;
	s6 =	sadd.s32 s6, s2  }
0x14: {  	s7 =	sadd.s32 s7, s2;
	s8 =	sadd.s32 s8, s2;
	s22 =	smul.u32 $0x2800, s1  }
0x15: {  	s9 =	sadd.s32 s10, s2;
	s10 =	sadd.s32 s12, s2;
	s0 =	smul.u32 $0x2800, s31  }
0x16: {  	s12 =	sshrl.u32 s26, $0x2;
	s11 =	sadd.s32 s13, s2;
	s26 =	smul.u32 $0x2800, s16  }
0x17: {  	s19 =	sadd.s32 s18, s19;
	s12 =	sadd.s32 s12, s2;
	s22 =	sadd.s32 s22, s18  }
0x18: {  	s13 =	sadd.s32 s18, s24;
	s0 =	sadd.s32 s18, s0;
	s22 =	sshrl.u32 s22, $0x3  }
0x19: {  	s24 =	simm.s32 $0x100;
	s0 =	sshrl.u32 s0, $0x3;
	s31 =	sadd.s32 s20, s22  }
0x1a: {  	s22 =	sshrl.u32 s13, $0x3;
	s0 =	sadd.s32 s20, s0;
	[dreg:$0x3] =	wrdreg s31  }
0x1b: {  	s13 =	sadd.s32 s18, s25;
	[dreg:$0x4] =	wrdreg s0;
	s15 =	sadd.s32 s20, s22  }
0x1c: {  	s31 =	sadd.s32 s18, s14;
	s14 =	smul.u32 $0x2800, s17;
	s22 =	sshrl.u32 s13, $0x3  }
0x1d: {  	s0 =	sadd.s32 s18, s26;
	s16 =	sshrl.u32 s31, $0x3;
	s17 =	sadd.s32 s20, s22  }
0x1e: {  	s0 =	sshrl.u32 s0, $0x3;
	s31 =	sshrl.u32 s19, $0x3;
	s22 =	sadd.s32 $0x5600, s23  }
0x1f: {  	s23 =	sadd.s32 $0xF400, s23;
	s16 =	sadd.s32 s20, s16;
	s25 =	sadd.s32 s18, s14  }
0x20: {  	s18 =	sadd.s32 s20, s0;
	s26 =	sshrl.u32 s25, $0x3;
	s25 =	simm.s32 $0x2  }
0x21: {  	v0 =	vimm.f32 $0.0e+00;
	s19 =	sadd.s32 s20, s26;
	s20 =	sadd.s32 s20, s31;
	s26 =	simm.s32 $0x80  }
.LBB2_1:
0x22: {  	s31 =	simm.s32 $0x0;
	s0 =	simm.s32 $0x200  }
.LBB2_2:
0x23: {  	p1 =	sne.s32 s0, $0x9E00;
	[tilespmem:s31+$0x170] =	vst v0  }
0x24: {  	[tilespmem:s31+$0x100] =	vst v0  }
0x25: {  	[tilespmem:s31+$0x110] =	vst v0  }
.Ltmp0:
0x26: {  	[tilespmem:s31+$0x120] =	vst v0;
	(pc) =	sbr.rel @p1 .LBB2_2-.Ltmp0, $4  }
0x27: {  	[tilespmem:s31+$0x130] =	vst v0  }
0x28: {  	[tilespmem:s31+$0x140] =	vst v0  }
0x29: {  	[tilespmem:s31+$0x150] =	vst v0  }
0x2a: {  	[tilespmem:s31+$0x160] =	vst v0;
	s31 =	sshra.s32 s0, $0x2;
	s0 =	sadd.s32 $0x200, s0  }
0x2b: {  	[tilespmem:s31+$0x170] =	vst v0  }
0x2c: {  	[tilespmem:s31+$0x100] =	vst v0  }
0x2d: {  	[tilespmem:s31+$0x110] =	vst v0  }
0x2e: {  	[tilespmem:s31+$0x120] =	vst v0  }
0x2f: {  	[tilespmem:s31+$0x130] =	vst v0  }
0x30: {  	[tilespmem:s31+$0x140] =	vst v0  }
0x31: {  	[tilespmem:s31+$0x150] =	vst v0  }
0x32: {  	[tilespmem:s31+$0x160] =	vst v0  }
0x33: {  	[spmem:s5] =	stream.linear.scatter [tilespmem:s24], [sflag:$0x2], $0x2800, $0x38;
	[tilespmem:$0x16180] =	vst v63  }
0x34: {  	_ =	swait.ge [sflag:s25], $0x2800  }
0x35: {  	[sflag:s25] =	ssyncset.done $0x0  }
0x36: {  	[sflag:s25] =	ssyncadd.s32 $0xFFFFD800  }
0x37: {  	[spmem:s6] =	stream.linear.scatter [tilespmem:s24], [sflag:$0x2], $0x2800, $0x38;
	[tilespmem:$0x16180] =	vst v63  }
0x38: {  	_ =	swait.ge [sflag:s25], $0x2800  }
0x39: {  	[sflag:s25] =	ssyncset.done $0x0  }
0x3a: {  	[sflag:s25] =	ssyncadd.s32 $0xFFFFD800  }
0x3b: {  	[spmem:s7] =	stream.linear.scatter [tilespmem:s24], [sflag:$0x2], $0x2800, $0x38;
	[tilespmem:$0x16180] =	vst v63  }
0x3c: {  	_ =	swait.ge [sflag:s25], $0x2800  }
0x3d: {  	[sflag:s25] =	ssyncset.done $0x0  }
0x3e: {  	[sflag:s25] =	ssyncadd.s32 $0xFFFFD800  }
0x3f: {  	[spmem:s8] =	stream.linear.scatter [tilespmem:s24], [sflag:$0x2], $0x2800, $0x38;
	[tilespmem:$0x16180] =	vst v63  }
0x40: {  	_ =	swait.ge [sflag:s25], $0x2800  }
0x41: {  	[sflag:s25] =	ssyncset.done $0x0  }
0x42: {  	[sflag:s25] =	ssyncadd.s32 $0xFFFFD800  }
0x43: {  	[spmem:s9] =	stream.linear.scatter [tilespmem:s24], [sflag:$0x2], $0x2800, $0x38;
	[tilespmem:$0x16180] =	vst v63  }
0x44: {  	_ =	swait.ge [sflag:s25], $0x2800  }
0x45: {  	[sflag:s25] =	ssyncset.done $0x0  }
0x46: {  	[sflag:s25] =	ssyncadd.s32 $0xFFFFD800  }
0x47: {  	[spmem:s10] =	stream.linear.scatter [tilespmem:s24], [sflag:$0x2], $0x2800, $0x38;
	[tilespmem:$0x16180] =	vst v63  }
0x48: {  	_ =	swait.ge [sflag:s25], $0x2800  }
0x49: {  	[sflag:s25] =	ssyncset.done $0x0  }
0x4a: {  	[sflag:s25] =	ssyncadd.s32 $0xFFFFD800  }
0x4b: {  	[spmem:s11] =	stream.linear.scatter [tilespmem:s24], [sflag:$0x2], $0x2800, $0x38;
	[tilespmem:$0x16180] =	vst v63  }
0x4c: {  	_ =	swait.ge [sflag:s25], $0x2800  }
0x4d: {  	[sflag:s25] =	ssyncset.done $0x0  }
0x4e: {  	s0 =	simm.s32 @!p0 $0x100;
	[sflag:s25] =	ssyncadd.s32 $0xFFFFD800  }
0x4f: {  	[spmem:s12] =	stream.linear.scatter @!p0 [tilespmem:s0], [sflag:$0x2], $0x2800, $0x38;
	[tilespmem:$0x16180] =	vst v63  }
0x50: {  	s0 =	simm.s32 @!p0 $0x2  }
0x51: {  	_ =	swait.ge @!p0 [sflag:s0], $0x2800  }
0x52: {  	[sflag:s0] =	ssyncset.done @!p0 $0x0  }
0x53: {  	[sflag:s0] =	ssyncadd.s32 @!p0 $0xFFFFD800  }
0x54: {  	s13 =	sadd.s32 $0x0, s23;
	[bflag:$0x0] =	sbarrier.arrive $0xFFFF  }
0x55: {  	[tilespmem:s3], [sflag:$0x2] =	stream.linear.gather [hbm4b:s13+s3], $0x50, $0x38;
	[tilespmem:$0x16180] =	vst v63  }
0x56: {  	_ =	swait.ge [sflag:s25], $0x50  }
0x57: {  	[sflag:s25] =	ssyncset.done $0x0  }
0x58: {  	s14 =	sadd.s32 $0x0, s22;
	[sflag:s25] =	ssyncadd.s32 $0xFFFFFFB0  }
0x59: {  	[tilespmem:s26], [sflag:$0x2] =	stream.linear.gather [hbm4b:s14+s3], $0x50, $0x38;
	[tilespmem:$0x16180] =	vst v63  }
0x5a: {  	_ =	swait.ge [sflag:s25], $0x50  }
0x5b: {  	[sflag:s25] =	ssyncset.done $0x0  }
0x5c: {  	[sflag:s25] =	ssyncadd.s32 $0xFFFFFFB0  }
0x5d: {  	[tilespmem:s24], [sflag:$0x1] =	stream.indirect.gather [hbm4b:s4+s28], $0x80, s3, s28, $0xb8;
	[tilespmem:$0x16180] =	vst v63  }
0x5e: {  	_ =	swait.ge [sflag:s29], $0x2800  }
0x5f: {  	[sflag:s29] =	ssyncset.done $0x0  }
0x60: {  	[sflag:s29] =	ssyncadd.s32 $0xFFFFD800  }
0x61: {  	[spmem:s2] =	stream.indirect.scatter.add.f32 [tilespmem:s24], [sflag:$0x2], $0x80, s26, s28, $0xb8;
	[tilespmem:$0x16180] =	vst v63  }
0x62: {  	_ =	swait.ge [sflag:s25], $0x2800  }
0x63: {  	s31 =	simm.s32 $0xA;
	s0 =	simm.s32 $0x14;
	[sflag:s25] =	ssyncset.done $0x0  }
.LBB2_4:
0x64: {  	s1 =	sadd.s32 s31, s23  }
0x65: {  	[sflag:s25] =	ssyncadd.s32 $0xFFFFD800;
	s13 =	smov.u32 s0;
	s14 =	sadd.s32 $0xA, s0  }
0x66: {  	[tilespmem:s3], [sflag:$0x2] =	stream.linear.gather [hbm4b:s1+s3], $0x50, $0x38;
	[tilespmem:$0x16180] =	vst v63  }
0x67: {  	p1 =	sne.s32 s0, $0x4D8;
	_ =	swait.ge [sflag:s25], $0x50  }
0x68: {  	[sflag:s25] =	ssyncset.done $0x0  }
0x69: {  	s0 =	sadd.s32 s31, s22;
	s31 =	smov.u32 s13;
	[sflag:s25] =	ssyncadd.s32 $0xFFFFFFB0  }
0x6a: {  	[tilespmem:s26], [sflag:$0x2] =	stream.linear.gather [hbm4b:s0+s3], $0x50, $0x38;
	[tilespmem:$0x16180] =	vst v63  }
0x6b: {  	_ =	swait.ge [sflag:s25], $0x50  }
0x6c: {  	[sflag:s25] =	ssyncset.done $0x0  }
0x6d: {  	[sflag:s25] =	ssyncadd.s32 $0xFFFFFFB0  }
0x6e: {  	[tilespmem:s24], [sflag:$0x1] =	stream.indirect.gather [hbm4b:s4+s28], $0x80, s3, s28, $0xb8;
	[tilespmem:$0x16180] =	vst v63  }
0x6f: {  	_ =	swait.ge [sflag:s29], $0x2800  }
.Ltmp1:
0x70: {  	[sflag:s29] =	ssyncset.done $0x0;
	(pc) =	sbr.rel @p1 .LBB2_4-.Ltmp1, $4  }
0x71: {  	[sflag:s29] =	ssyncadd.s32 $0xFFFFD800  }
0x72: {  	[spmem:s2] =	stream.indirect.scatter.add.f32 [tilespmem:s24], [sflag:$0x2], $0x80, s26, s28, $0xb8;
	[tilespmem:$0x16180] =	vst v63  }
0x73: {  	_ =	swait.ge [sflag:s25], $0x2800  }
0x74: {  	s0 =	smov.u32 s14;
	[sflag:s25] =	ssyncset.done $0x0  }
0x75: {  	s0 =	sadd.s32 s31, s23;
	[sflag:s25] =	ssyncadd.s32 $0xFFFFD800  }
0x76: {  	[tilespmem:s3], [sflag:$0x2] =	stream.linear.gather [hbm4b:s0+s3], $0x50, $0x38;
	[tilespmem:$0x16180] =	vst v63  }
0x77: {  	_ =	swait.ge [sflag:s25], $0x50  }
0x78: {  	[sflag:s25] =	ssyncset.done $0x0  }
0x79: {  	s1 =	sadd.s32 s31, s22;
	[sflag:s25] =	ssyncadd.s32 $0xFFFFFFB0  }
0x7a: {  	[tilespmem:s26], [sflag:$0x2] =	stream.linear.gather [hbm4b:s1+s3], $0x50, $0x38;
	[tilespmem:$0x16180] =	vst v63  }
0x7b: {  	_ =	swait.ge [sflag:s25], $0x50  }
0x7c: {  	[sflag:s25] =	ssyncset.done $0x0  }
0x7d: {  	[sflag:s25] =	ssyncadd.s32 $0xFFFFFFB0  }
0x7e: {  	[tilespmem:s24], [sflag:$0x1] =	stream.indirect.gather [hbm4b:s4+s28], $0x80, s3, s28, $0xb8;
	[tilespmem:$0x16180] =	vst v63  }
0x7f: {  	_ =	swait.ge [sflag:s29], $0x2800  }
0x80: {  	[sflag:s29] =	ssyncset.done $0x0  }
0x81: {  	[sflag:s29] =	ssyncadd.s32 $0xFFFFD800  }
0x82: {  	[spmem:s2] =	stream.indirect.scatter.add.f32 [tilespmem:s24], [sflag:$0x2], $0x80, s26, s28, $0xb8;
	[tilespmem:$0x16180] =	vst v63  }
0x83: {  	_ =	swait.ge [sflag:s25], $0x2800  }
0x84: {  	[sflag:s25] =	ssyncset.done $0x0  }
0x85: {  	s13 =	stileid.u32;
	[sflag:s25] =	ssyncadd.s32 $0xFFFFD800  }
0x86: {  	s0 =	sshll.u32 s13, $0x6;
	[bflag:$0x0] =	sbarrier.arrive $0xFFFF  }
0x87: {  	s0 =	sor.u32 $0x1C02, s0;
	s1 =	sshrl.u32 s5, $0x3;
	s13 =	rddreg [dreg:$0x3]  }
0x88: {  	[hbm:s13], [sflag:s0] =	dma.local [spmem:s1], $0x500  }
0x89: {  	_ =	swait.ge [sflag:s25], $0x500  }
0x8a: {  	[sflag:s25] =	ssyncset.done $0x0  }
0x8b: {  	s14 =	sshrl.u32 s6, $0x3;
	s31 =	rddreg [dreg:$0x4];
	[sflag:s25] =	ssyncadd.s32 $0xFFFFFB00  }
0x8c: {  	[hbm:s31], [sflag:s0] =	dma.local [spmem:s14], $0x500  }
0x8d: {  	_ =	swait.ge [sflag:s25], $0x500  }
0x8e: {  	[sflag:s25] =	ssyncset.done $0x0  }
0x8f: {  	s14 =	sshrl.u32 s7, $0x3;
	[sflag:s25] =	ssyncadd.s32 $0xFFFFFB00  }
0x90: {  	[hbm:s15], [sflag:s0] =	dma.local [spmem:s14], $0x500  }
0x91: {  	_ =	swait.ge [sflag:s25], $0x500  }
0x92: {  	[sflag:s25] =	ssyncset.done $0x0  }
0x93: {  	s31 =	sshrl.u32 s8, $0x3;
	[sflag:s25] =	ssyncadd.s32 $0xFFFFFB00  }
0x94: {  	[hbm:s16], [sflag:s0] =	dma.local [spmem:s31], $0x500  }
0x95: {  	_ =	swait.ge [sflag:s25], $0x500  }
0x96: {  	[sflag:s25] =	ssyncset.done $0x0  }
0x97: {  	s13 =	sshrl.u32 s9, $0x3;
	[sflag:s25] =	ssyncadd.s32 $0xFFFFFB00  }
0x98: {  	[hbm:s17], [sflag:s0] =	dma.local [spmem:s13], $0x500  }
0x99: {  	_ =	swait.ge [sflag:s25], $0x500  }
0x9a: {  	[sflag:s25] =	ssyncset.done $0x0  }
0x9b: {  	s14 =	sshrl.u32 s10, $0x3;
	[sflag:s25] =	ssyncadd.s32 $0xFFFFFB00  }
0x9c: {  	[hbm:s18], [sflag:s0] =	dma.local [spmem:s14], $0x500  }
0x9d: {  	_ =	swait.ge [sflag:s25], $0x500  }
0x9e: {  	[sflag:s25] =	ssyncset.done $0x0  }
0x9f: {  	s31 =	sshrl.u32 s11, $0x3;
	[sflag:s25] =	ssyncadd.s32 $0xFFFFFB00  }
0xa0: {  	[hbm:s19], [sflag:s0] =	dma.local [spmem:s31], $0x500  }
0xa1: {  	_ =	swait.ge [sflag:s25], $0x500  }
0xa2: {  	s30 =	sadd.s32 $0x1, s30;
	[sflag:s25] =	ssyncset.done $0x0  }
0xa3: {  	p1 =	sne.s32 s30, s21;
	s1 =	sshrl.u32 @!p0 s12, $0x3;
	[sflag:s25] =	ssyncadd.s32 $0xFFFFFB00  }
0xa4: {  	[hbm:s20], [sflag:s0] =	dma.local @!p0 [spmem:s1], $0x500  }
.Ltmp2:
0xa5: {  	_ = 	snop;
	(pc) =	sbr.rel @p1 .LBB2_1-.Ltmp2, $4  }
0xa6: {  	s0 =	simm.s32 @!p0 $0x2  }
0xa7: {  	_ =	swait.ge @!p0 [sflag:s0], $0x500  }
0xa8: {  	[sflag:s0] =	ssyncset.done @!p0 $0x0  }
0xa9: {  	[sflag:s0] =	ssyncadd.s32 @!p0 $0xFFFFFB00  }
0xaa: {  	_ =	sfence.sel $0x180000  }
0xab: {  	[bflag:$0x0] =	sbarrier.arrive $0xFFFF  }
0xac: {  	_ =	strace $0x9000004A  }
0xad: {  	s0 =	stileid.u32;
	[bflag:$0x2] =	sbarrier.arrive $0xFFFF  }
0xae: {  	p0 =	sne.s32 s0, $0x0;
	s0 =	rddreg [dreg:$0x2]  }
0xaf: {  	s0 =	sadd.s32 @!p0 $0x100000, s0  }
0xb0: {  	[sflag:s0] =	ssyncadd.tile.s32 @!p0 $0x1;
	_ =	shalt  }
.Lfunc_end2:
_tile_overlayer_lowered:
.L_overlay_start_2:
0xb1: {  	(tag) =	ssettag $0x2  }
0xb2: {  	s0 =	rddreg [dreg:$0x0];
	s2 =	stileid.u32  }
0xb3: {  	s1 =	rddreg [dreg:$0x1];
	p0 =	sne.s32 s2, $0x0  }
0xb4: {  	s3 =	rddreg [dreg:$0x2];
	[bflag:$0x3] =	sbarrier.arrive $0xFFFF;
	s2 =	simm.s32 @!p0 $0x1C02  }
0xb5: {  	[timem:s3], [sflag:s2] =	dma.local @!p0 [hbm:s0], s1  }
0xb6: {  	s0 =	simm.s32 @!p0 $0x2  }
0xb7: {  	_ =	swait.ge @!p0 [sflag:s0], s1  }
0xb8: {  	s1 =	ssub.s32 @!p0 $0x0, s1;
	[sflag:s0] =	ssyncset.done @!p0 $0x0  }
0xb9: {  	[sflag:s0] =	ssyncadd.s32 @!p0 s1  }
0xba: {  	[bflag:$0x3] =	sbarrier.arrive $0xFFFF  }
0xbb: {  	_ =	shalt  }

// kernel: kernel.24.cloned.1.call-start
scs
__scs_entry_jumppad:
0x0: {  	(pc) =	sbr.rel $0x88, $3  }
0x1: {  	(tag) =	ssettag $0x0;
	lr =	simm.s32 $0x1  }
0x2: {  	[smem:$0x3F92] =	sst lr;
	_ =	strace $0xD0000000  }
0x3: {  	_ = 	snop  }
0x4: {  	_ = 	snop  }
0x5: {  	_ = 	snop  }
0x6: {  	_ = 	snop  }
0x7: {  	_ = 	snop  }
__scs_overlays_trampoline_lowered:
0x8: {  	[smem:$0x3FA1] =	sst s0  }
0x9: {  	[smem:$0x3FA2] =	sst s1  }
0xa: {  	[smem:$0x3FA3] =	sst s2  }
0xb: {  	[smem:$0x3FA4] =	sst s3  }
0xc: {  	[smem:$0x3FA5] =	sst s4  }
0xd: {  	[smem:$0x3FA6] =	sst s5  }
0xe: {  	[smem:$0x3FA7] =	sst s6  }
0xf: {  	[smem:$0x3FA8] =	sst s7  }
0x10: {  	[smem:$0x3FA9] =	sst s8  }
0x11: {  	[smem:$0x3FAA] =	sst s9;
	s0 =	simm.s32 @!p0 $0x0  }
0x12: {  	s1 =	sld [smem:$0x3F90];
	s0 =	simm.s32 @p0 $0x1  }
0x13: {  	[smem:$0x3FAB] =	sst s0;
	s0 =	simm.s32 @!p1 $0x0  }
0x14: {  	s2 =	sld [smem:$0x3F8F];
	s0 =	simm.s32 @p1 $0x1  }
0x15: {  	[smem:$0x3FAC] =	sst s0;
	s0 =	simm.s32 @!p2 $0x0  }
0x16: {  	s3 =	sld [smem:$0x3FDB];
	s0 =	simm.s32 @p2 $0x1  }
0x17: {  	s4 =	simm.s32 $0x1BF5;
	[smem:$0x3FAE] =	sst s0  }
0x18: {  	s0 =	sld [smem:$0x3F91];
	_ =	swait.ge [sflag:s4], $0x0  }
0x19: {  	s7 =	sld [smem:$0x3F92]  }
0x1a: {  	s8 =	sadd.s32 $0xFFFFE003, lr  }
0x1b: {  	s9 =	sadd.s32 $0xFFFFFEF7, lr;
	s5 =	simm.s32 $0xFFFFFFFF;
	p2 =	slt.u32 s8, $0xFFFFF086  }
0x1c: {  	p1 =	slt.u32 s9, $0xF7A;
	s5 =	simm.s32 @!p2 $0x0  }
0x1d: {  	s5 =	simm.s32 @p1 $0x1;
	p0 =	seq.s32 s7, s2  }
0x1e: {  	s7 =	smul.u32 @!p0 $0xF7A, s2;
	p2 =	seq.s32 @!p0 s5, $0x0  }
0x1f: {  	s9 =	smul.u32 $0xF7A, s1;
	s8 =	simm.s32 @!p0 $0x1BF5;
	p2 =	por !p2, p0  }
0x20: {  	[sflag:s8] =	ssyncset.s32 @!p0 $0xFFFFF086;
	s6 =	sadd.s32 @!p0 s3, s7;
	s7 =	simm.s32 @!p0 $0x108  }
0x21: {  	s3 =	sadd.s32 s3, s9;
	s6 =	sadd.s32 @!p0 $0x88, s6;
	s7 =	simm.s32 @p2 $0x1082  }
0x22: {  	[simem:s7], [sflag:s8] =	dma.local @!p0 [hbm:s6], $0xF7A  }
0x23: {  	s9 =	sor.u32 $0xD0000000, s2;
	s6 =	simm.s32 $0x108;
	_ =	swait.ge @!p0 [sflag:s8], $0x0  }
0x24: {  	s3 =	sadd.s32 $0x88, s3;
	s6 =	simm.s32 @!p1 $0x1082;
	[sflag:s4] =	ssyncset.s32 $0xFFFFF086  }
0x25: {  	[simem:s6], [sflag:s4] =	dma.local [hbm:s3], $0xF7A  }
0x26: {  	[smem:$0x3F92] =	sst s1;
	(tag) =	ssettag s2;
	_ =	strace s9  }
0x27: {  	s1 =	sld [smem:$0x3FA2]  }
0x28: {  	s2 =	sld [smem:$0x3FA3]  }
0x29: {  	s4 =	sld [smem:$0x3FA5]  }
0x2a: {  	p0 =	seq.s32 s5, $0x0;
	s5 =	sld [smem:$0x3FA6]  }
0x2b: {  	s6 =	sld [smem:$0x3FA7]  }
0x2c: {  	s7 =	sld [smem:$0x3FA8]  }
0x2d: {  	s3 =	simm.s32 $0x108;
	s8 =	sld [smem:$0x3FA9]  }
0x2e: {  	s3 =	simm.s32 @!p0 $0x1082;
	s9 =	sld [smem:$0x3FAA]  }
0x2f: {  	lr =	sadd.s32 s0, s3;
	s0 =	sld [smem:$0x3FA1]  }
0x30: {  	s3 =	sld [smem:$0x3FA4]  }
0x31: {  	[smem:$0x3FAD] =	sst s10  }
0x32: {  	s10 =	sld [smem:$0x3FAB];
	_ =	sdelay $0x3  }
0x33: {  	p0 =	seq.s32 s10, $0x1;
	s10 =	sld [smem:$0x3FAD];
	_ =	sdelay $0x3  }
0x34: {  	[smem:$0x3FAD] =	sst s10  }
0x35: {  	s10 =	sld [smem:$0x3FAC];
	_ =	sdelay $0x3  }
0x36: {  	p1 =	seq.s32 s10, $0x1;
	s10 =	sld [smem:$0x3FAD];
	_ =	sdelay $0x3  }
0x37: {  	[smem:$0x3FAD] =	sst s10  }
0x38: {  	s10 =	sld [smem:$0x3FAE]  }
0x39: {  	_ = 	snop;
	(pc) =	sbr.ind lr, $3  }
0x3a: {  	_ = 	snop  }
0x3b: {  	_ = 	snop  }
0x3c: {  	p2 =	seq.s32 s10, $0x1;
	s10 =	sld [smem:$0x3FAD]  }
0x3d: {  	_ =	shalt  }
0x3e: {  	_ =	shalt  }
0x3f: {  	_ =	shalt  }
0x40: {  	_ =	shalt  }
0x41: {  	_ =	shalt  }
0x42: {  	_ =	shalt  }
0x43: {  	_ =	shalt  }
0x44: {  	_ =	shalt  }
0x45: {  	_ =	shalt  }
0x46: {  	_ =	shalt  }
0x47: {  	_ =	shalt  }
0x48: {  	_ =	shalt  }
0x49: {  	_ =	shalt  }
0x4a: {  	_ =	shalt  }
0x4b: {  	_ =	shalt  }
0x4c: {  	_ =	shalt  }
0x4d: {  	_ =	shalt  }
0x4e: {  	_ =	shalt  }
0x4f: {  	_ =	shalt  }
0x50: {  	_ =	shalt  }
0x51: {  	_ =	shalt  }
0x52: {  	_ =	shalt  }
0x53: {  	_ =	shalt  }
0x54: {  	_ =	shalt  }
0x55: {  	_ =	shalt  }
0x56: {  	_ =	shalt  }
0x57: {  	_ =	shalt  }
0x58: {  	_ =	shalt  }
0x59: {  	_ =	shalt  }
0x5a: {  	_ =	shalt  }
0x5b: {  	_ =	shalt  }
0x5c: {  	_ =	shalt  }
0x5d: {  	_ =	shalt  }
0x5e: {  	_ =	shalt  }
0x5f: {  	_ =	shalt  }
0x60: {  	_ =	shalt  }
0x61: {  	_ =	shalt  }
0x62: {  	_ =	shalt  }
0x63: {  	_ =	shalt  }
0x64: {  	_ =	shalt  }
0x65: {  	_ =	shalt  }
0x66: {  	_ =	shalt  }
0x67: {  	_ =	shalt  }
0x68: {  	_ =	shalt  }
0x69: {  	_ =	shalt  }
0x6a: {  	_ =	shalt  }
0x6b: {  	_ =	shalt  }
0x6c: {  	_ =	shalt  }
0x6d: {  	_ =	shalt  }
0x6e: {  	_ =	shalt  }
0x6f: {  	_ =	shalt  }
0x70: {  	_ =	shalt  }
0x71: {  	_ =	shalt  }
0x72: {  	_ =	shalt  }
0x73: {  	_ =	shalt  }
0x74: {  	_ =	shalt  }
0x75: {  	_ =	shalt  }
0x76: {  	_ =	shalt  }
0x77: {  	_ =	shalt  }
0x78: {  	_ =	shalt  }
0x79: {  	_ =	shalt  }
0x7a: {  	_ =	shalt  }
0x7b: {  	_ =	shalt  }
0x7c: {  	_ =	shalt  }
0x7d: {  	_ =	shalt  }
0x7e: {  	_ =	shalt  }
0x7f: {  	_ =	shalt  }
0x80: {  	_ =	shalt  }
0x81: {  	_ =	shalt  }
0x82: {  	_ =	shalt  }
0x83: {  	_ =	shalt  }
0x84: {  	_ =	shalt  }
0x85: {  	_ =	shalt  }
0x86: {  	_ =	shalt  }
0x87: {  	_ =	shalt  }
.Lfunc_end0:
.L_simem_size_0:
called_computation.2_lowered:
.L_overlay_start_0:
0x88: {  	s2 =	sld [smem:$0x3FD9]  }
0x89: {  	s3 =	sld [smem:$0x3FFE];
	_ =	sdelay $0x1  }
0x8a: {  	s1 =	srdreg.scid  }
0x8b: {  	s0 =	sand.u32 $0x1, s1  }
0x8c: {  	s16 =	sshll.u32 s0, $0xA;
	s2 =	sadd.s32 s3, s2  }
0x8d: {  	s2 =	sadd.s32 s2, s16  }
0x8e: {  	[smem:$0x3FB9] =	sst s2  }
0x8f: {  	_ = 	snop  }
0x90: {  	(tm) =	ssettm $0x1  }
0x91: {  	s17 =	sld [smem:$0x3FFB];
	_ =	sdelay $0x3  }
0x92: {  	_ =	strace s17  }
0x93: {  	s2 =	sld [smem:$0x3FFC];
	_ =	sdelay $0x3  }
0x94: {  	_ =	strace s2  }
0x95: {  	s2 =	sld [smem:$0x3FFD];
	_ =	sdelay $0x3  }
0x96: {  	_ =	strace s2  }
0x97: {  	_ =	strace $0x8FFFFFFF  }
0x98: {  	s18 =	sld [smem:$0x3FDB];
	_ =	sdelay $0x1  }
0x99: {  	s19 =	simm.s32 $_scs_section_size  }
0x9a: {  	s4 =	simm.s32 $_size__tile_overlayer_lowered;
	s5 =	simm.s32 $_tile_overlayer_lowered  }
0x9b: {  	s22 =	simm.s32 $0x1BFF;
	s21 =	sshll.u32 s5, $0x1;
	s2 =	sadd.s32 s19, s18  }
0x9c: {  	s6 =	simm.s32 $0x0;
	s20 =	sshll.u32 s4, $0x1;
	s4 =	sadd.s32 s21, s2  }
0x9d: {  	[timem:s6], [sflag:s22] =	dma.local [hbm:s4], s20  }
0x9e: {  	_ =	swait.ge [sflag:s22], s20  }
0x9f: {  	s3 =	ssub.s32 $0x0, s20;
	[sflag:s22] =	ssyncset.done $0x0  }
0xa0: {  	[sflag:s22] =	ssyncadd.s32 s3;
	_ =	sdelay $0x1  }
0xa1: {  	s23 =	simm.s32 $0x1B8B  }
0xa2: {  	_ =	swait.ge [sflag:s23], $0x1  }
0xa3: {  	[sflag:s23] =	ssyncset.done $0x0  }
0xa4: {  	s25 =	simm.s32 $0x1B8E;
	s24 =	sld [smem:$0x3FFE];
	[sflag:s23] =	ssyncadd.s32 $0xFFFFFFFF  }
0xa5: {  	s26 =	simm.s32 $execute0_lowered;
	[smem:$0x3FD2] =	sst s25  }
0xa6: {  	s4 =	sshll.u32 s26, $0x1;
	_ =	strace $0x8000004C;
	[dreg:$0x1] =	wrdreg $0xFFFFFFFF  }
0xa7: {  	s28 =	simm.s32 $_size_execute0_lowered;
	s2 =	sadd.s32 s2, s4;
	[dreg:$0x0] =	wrdreg $0x0  }
0xa8: {  	s4 =	sshll.u32 s28, $0x1;
	[dreg:$0x2] =	wrdreg s2  }
0xa9: {  	[dreg:$0x3] =	wrdreg s4  }
0xaa: {  	[dreg:$0x4] =	wrdreg $0xC0  }
0xab: {  	_ =	task [dreg:s6], $0x5FFFF  }
0xac: {  	[dreg:$0x1] =	wrdreg $0xFFFFFFFF  }
0xad: {  	[dreg:$0x0] =	wrdreg $0x60  }
0xae: {  	[dreg:$0x2] =	wrdreg s24  }
0xaf: {  	[dreg:$0x3] =	wrdreg $0x29000  }
0xb0: {  	[dreg:$0x4] =	wrdreg $0x9  }
0xb1: {  	_ =	task.clear_ibuf [dreg:s6], $0x5FFFF;
	_ =	strace $0x9000004C  }
0xb2: {  	s29 =	simm.s32 $0x9;
	_ =	strace $0x8000004E  }
0xb3: {  	_ =	swait.ge [sflag:s29], $0x1  }
0xb4: {  	[sflag:s29] =	ssyncadd.s32 $0xFFFFFFFF  }
0xb5: {  	_ =	strace $0x9000004E  }
0xb6: {  	_ =	sfence  }
0xb7: {  	s30 =	sld [smem:$0x0];
	_ =	sdelay $0x2  }
0xb8: {  	s31 =	sshll.u32 s1, $0xD;
	s1 =	sshrl.u32 s1, $0x2  }
0xb9: {  	s3 =	sand.u32 $0x4000, s31;
	s1 =	sadd.s32 s1, s30  }
0xba: {  	s0 =	sor.u32 s3, s0;
	s1 =	sshll.u32 s1, $0x11  }
0xbb: {  	s0 =	sor.u32 s1, s0  }
0xbc: {  	s0 =	sadd.s32 $0x8F2B, s0  }
0xbd: {  	[sflag:s0] =	ssyncadd.remote.s32 $0x1  }
0xbe: {  	_ =	sfence.sel $0xFFFF  }
0xbf: {  	[dreg:$0x0] =	wrdreg $0xFFFFFFFF;
	(pc) =	sbr.abs _section_cstart, $3  }
0xc0: {  	[dreg:$0x1] =	wrdreg $0xFFFFFFFF  }
0xc1: {  	_ =	task.clear_ibuf [dreg:s6], $0x2FFFF;
	_ =	strace $0x9FFFFFFF  }
0xc2: {  	(tm) =	ssettm $0x7FFFFFFF  }
0xc3: {  	_ =	shalt  }
tec
execute0_lowered:
.L_overlay_start_1:
0x0: {  	(tag) =	ssettag $0x1  }
0x1: {  	s1 =	srdreg.scid  }
0x2: {  	s0 =	rddreg [dreg:$0x0];
	s9 =	sand.u32 $0x1, s1  }
0x3: {  	s1 =	stileid.u32;
	s4 =	smul.u32 $0x27100, s9  }
0x4: {  	s2 =	rddreg [dreg:$0x1];
	s5 =	smul.u32 $0x2710, s1  }
0x5: {  	s3 =	simm.s32 $0x0;
	s28 =	simm.s32 $0x50;
	s7 =	smul.u32 $0xA000, s1  }
0x6: {  	s29 =	simm.s32 $0x1;
	s31 =	sor.u32 $0x10, s1;
	s18 =	smul.u32 $0x138800, s9  }
0x7: {  	s30 =	simm.s32 $0x0;
	s11 =	sor.u32 $0x20, s1;
	s24 =	smul.u32 $0xA000, s31  }
0x8: {  	[smem:$0x7FF] =	sst s3;
	s14 =	sor.u32 $0x30, s1;
	s25 =	smul.u32 $0xA000, s11  }
0x9: {  	s20 =	sadd.s32 $0x40400, s0;
	s15 =	sor.u32 $0x40, s1;
	s8 =	smul.u32 $0xA000, s14  }
0xa: {  	_ =	strace $0x8000004D;
	s16 =	sor.u32 $0x50, s1;
	s10 =	smul.u32 $0xA000, s15  }
0xb: {  	s6 =	ssub.s32 $0x2, s9;
	s17 =	sor.u32 $0x60, s1;
	s12 =	smul.u32 $0xA000, s16  }
0xc: {  	s19 =	sor.u32 $0x70, s1;
	p0 =	sgt.u32 s1, $0xC;
	s13 =	smul.u32 $0xA000, s17  }
0xd: {  	s26 =	sshrl.u32 s6, $0x1;
	s14 =	smul.u32 $0x2800, s14;
	s5 =	sadd.s32 s5, s4  }
0xe: {  	s4 =	sadd.s32 $0x19200, s0;
	s21 =	ssub.s32 s6, s26;
	s26 =	smul.u32 $0xA000, s19  }
0xf: {  	s22 =	sshrl.u32 s7, $0x2;
	s19 =	smul.u32 $0x2800, s19;
	s5 =	sshrl.u32 s5, $0x3  }
0x10: {  	s6 =	sshrl.u32 s24, $0x2;
	s7 =	sshrl.u32 s25, $0x2;
	s8 =	sshrl.u32 s8, $0x2  }
0x11: {  	s10 =	sshrl.u32 s10, $0x2;
	s12 =	sshrl.u32 s12, $0x2;
	s24 =	smul.u32 $0x2800, s11  }
0x12: {  	s13 =	sshrl.u32 s13, $0x2;
	s25 =	smul.u32 $0x2800, s15;
	s21 =	smax.u32 s21, $0x1  }
0x13: {  	s23 =	sadd.s32 s5, s0;
	s5 =	sadd.s32 s22, s2;
	s6 =	sadd.s32 s6, s2  }
0x14: {  	s7 =	sadd.s32 s7, s2;
	s8 =	sadd.s32 s8, s2;
	s22 =	smul.u32 $0x2800, s1  }
0x15: {  	s9 =	sadd.s32 s10, s2;
	s10 =	sadd.s32 s12, s2;
	s0 =	smul.u32 $0x2800, s31  }
0x16: {  	s12 =	sshrl.u32 s26, $0x2;
	s11 =	sadd.s32 s13, s2;
	s26 =	smul.u32 $0x2800, s16  }
0x17: {  	s19 =	sadd.s32 s18, s19;
	s12 =	sadd.s32 s12, s2;
	s22 =	sadd.s32 s22, s18  }
0x18: {  	s13 =	sadd.s32 s18, s24;
	s0 =	sadd.s32 s18, s0;
	s22 =	sshrl.u32 s22, $0x3  }
0x19: {  	s24 =	simm.s32 $0x100;
	s0 =	sshrl.u32 s0, $0x3;
	s31 =	sadd.s32 s20, s22  }
0x1a: {  	s22 =	sshrl.u32 s13, $0x3;
	s0 =	sadd.s32 s20, s0;
	[dreg:$0x3] =	wrdreg s31  }
0x1b: {  	s13 =	sadd.s32 s18, s25;
	[dreg:$0x4] =	wrdreg s0;
	s15 =	sadd.s32 s20, s22  }
0x1c: {  	s31 =	sadd.s32 s18, s14;
	s14 =	smul.u32 $0x2800, s17;
	s22 =	sshrl.u32 s13, $0x3  }
0x1d: {  	s0 =	sadd.s32 s18, s26;
	s16 =	sshrl.u32 s31, $0x3;
	s17 =	sadd.s32 s20, s22  }
0x1e: {  	s0 =	sshrl.u32 s0, $0x3;
	s31 =	sshrl.u32 s19, $0x3;
	s22 =	sadd.s32 $0x5600, s23  }
0x1f: {  	s23 =	sadd.s32 $0xF400, s23;
	s16 =	sadd.s32 s20, s16;
	s25 =	sadd.s32 s18, s14  }
0x20: {  	s18 =	sadd.s32 s20, s0;
	s26 =	sshrl.u32 s25, $0x3;
	s25 =	simm.s32 $0x2  }
0x21: {  	v0 =	vimm.f32 $0.0e+00;
	s19 =	sadd.s32 s20, s26;
	s20 =	sadd.s32 s20, s31;
	s26 =	simm.s32 $0x80  }
.LBB2_1:
0x22: {  	s31 =	simm.s32 $0x0;
	s0 =	simm.s32 $0x200  }
.LBB2_2:
0x23: {  	p1 =	sne.s32 s0, $0x9E00;
	[tilespmem:s31+$0x170] =	vst v0  }
0x24: {  	[tilespmem:s31+$0x100] =	vst v0  }
0x25: {  	[tilespmem:s31+$0x110] =	vst v0  }
.Ltmp0:
0x26: {  	[tilespmem:s31+$0x120] =	vst v0;
	(pc) =	sbr.rel @p1 .LBB2_2-.Ltmp0, $4  }
0x27: {  	[tilespmem:s31+$0x130] =	vst v0  }
0x28: {  	[tilespmem:s31+$0x140] =	vst v0  }
0x29: {  	[tilespmem:s31+$0x150] =	vst v0  }
0x2a: {  	[tilespmem:s31+$0x160] =	vst v0;
	s31 =	sshra.s32 s0, $0x2;
	s0 =	sadd.s32 $0x200, s0  }
0x2b: {  	[tilespmem:s31+$0x170] =	vst v0  }
0x2c: {  	[tilespmem:s31+$0x100] =	vst v0  }
0x2d: {  	[tilespmem:s31+$0x110] =	vst v0  }
0x2e: {  	[tilespmem:s31+$0x120] =	vst v0  }
0x2f: {  	[tilespmem:s31+$0x130] =	vst v0  }
0x30: {  	[tilespmem:s31+$0x140] =	vst v0  }
0x31: {  	[tilespmem:s31+$0x150] =	vst v0  }
0x32: {  	[tilespmem:s31+$0x160] =	vst v0  }
0x33: {  	[spmem:s5] =	stream.linear.scatter [tilespmem:s24], [sflag:$0x2], $0x2800, $0x38;
	[tilespmem:$0x16180] =	vst v63  }
0x34: {  	_ =	swait.ge [sflag:s25], $0x2800  }
0x35: {  	[sflag:s25] =	ssyncset.done $0x0  }
0x36: {  	[sflag:s25] =	ssyncadd.s32 $0xFFFFD800  }
0x37: {  	[spmem:s6] =	stream.linear.scatter [tilespmem:s24], [sflag:$0x2], $0x2800, $0x38;
	[tilespmem:$0x16180] =	vst v63  }
0x38: {  	_ =	swait.ge [sflag:s25], $0x2800  }
0x39: {  	[sflag:s25] =	ssyncset.done $0x0  }
0x3a: {  	[sflag:s25] =	ssyncadd.s32 $0xFFFFD800  }
0x3b: {  	[spmem:s7] =	stream.linear.scatter [tilespmem:s24], [sflag:$0x2], $0x2800, $0x38;
	[tilespmem:$0x16180] =	vst v63  }
0x3c: {  	_ =	swait.ge [sflag:s25], $0x2800  }
0x3d: {  	[sflag:s25] =	ssyncset.done $0x0  }
0x3e: {  	[sflag:s25] =	ssyncadd.s32 $0xFFFFD800  }
0x3f: {  	[spmem:s8] =	stream.linear.scatter [tilespmem:s24], [sflag:$0x2], $0x2800, $0x38;
	[tilespmem:$0x16180] =	vst v63  }
0x40: {  	_ =	swait.ge [sflag:s25], $0x2800  }
0x41: {  	[sflag:s25] =	ssyncset.done $0x0  }
0x42: {  	[sflag:s25] =	ssyncadd.s32 $0xFFFFD800  }
0x43: {  	[spmem:s9] =	stream.linear.scatter [tilespmem:s24], [sflag:$0x2], $0x2800, $0x38;
	[tilespmem:$0x16180] =	vst v63  }
0x44: {  	_ =	swait.ge [sflag:s25], $0x2800  }
0x45: {  	[sflag:s25] =	ssyncset.done $0x0  }
0x46: {  	[sflag:s25] =	ssyncadd.s32 $0xFFFFD800  }
0x47: {  	[spmem:s10] =	stream.linear.scatter [tilespmem:s24], [sflag:$0x2], $0x2800, $0x38;
	[tilespmem:$0x16180] =	vst v63  }
0x48: {  	_ =	swait.ge [sflag:s25], $0x2800  }
0x49: {  	[sflag:s25] =	ssyncset.done $0x0  }
0x4a: {  	[sflag:s25] =	ssyncadd.s32 $0xFFFFD800  }
0x4b: {  	[spmem:s11] =	stream.linear.scatter [tilespmem:s24], [sflag:$0x2], $0x2800, $0x38;
	[tilespmem:$0x16180] =	vst v63  }
0x4c: {  	_ =	swait.ge [sflag:s25], $0x2800  }
0x4d: {  	[sflag:s25] =	ssyncset.done $0x0  }
0x4e: {  	s0 =	simm.s32 @!p0 $0x100;
	[sflag:s25] =	ssyncadd.s32 $0xFFFFD800  }
0x4f: {  	[spmem:s12] =	stream.linear.scatter @!p0 [tilespmem:s0], [sflag:$0x2], $0x2800, $0x38;
	[tilespmem:$0x16180] =	vst v63  }
0x50: {  	s0 =	simm.s32 @!p0 $0x2  }
0x51: {  	_ =	swait.ge @!p0 [sflag:s0], $0x2800  }
0x52: {  	[sflag:s0] =	ssyncset.done @!p0 $0x0  }
0x53: {  	[sflag:s0] =	ssyncadd.s32 @!p0 $0xFFFFD800  }
0x54: {  	s13 =	sadd.s32 $0x0, s23;
	[bflag:$0x0] =	sbarrier.arrive $0xFFFF  }
0x55: {  	[tilespmem:s3], [sflag:$0x2] =	stream.linear.gather [hbm4b:s13+s3], $0x50, $0x38;
	[tilespmem:$0x16180] =	vst v63  }
0x56: {  	_ =	swait.ge [sflag:s25], $0x50  }
0x57: {  	[sflag:s25] =	ssyncset.done $0x0  }
0x58: {  	s14 =	sadd.s32 $0x0, s22;
	[sflag:s25] =	ssyncadd.s32 $0xFFFFFFB0  }
0x59: {  	[tilespmem:s26], [sflag:$0x2] =	stream.linear.gather [hbm4b:s14+s3], $0x50, $0x38;
	[tilespmem:$0x16180] =	vst v63  }
0x5a: {  	_ =	swait.ge [sflag:s25], $0x50  }
0x5b: {  	[sflag:s25] =	ssyncset.done $0x0  }
0x5c: {  	[sflag:s25] =	ssyncadd.s32 $0xFFFFFFB0  }
0x5d: {  	[tilespmem:s24], [sflag:$0x1] =	stream.indirect.gather [hbm4b:s4+s28], $0x80, s3, s28, $0xb8;
	[tilespmem:$0x16180] =	vst v63  }
0x5e: {  	_ =	swait.ge [sflag:s29], $0x2800  }
0x5f: {  	[sflag:s29] =	ssyncset.done $0x0  }
0x60: {  	[sflag:s29] =	ssyncadd.s32 $0xFFFFD800  }
0x61: {  	[spmem:s2] =	stream.indirect.scatter.add.f32 [tilespmem:s24], [sflag:$0x2], $0x80, s26, s28, $0xb8;
	[tilespmem:$0x16180] =	vst v63  }
0x62: {  	_ =	swait.ge [sflag:s25], $0x2800  }
0x63: {  	s31 =	simm.s32 $0xA;
	s0 =	simm.s32 $0x14;
	[sflag:s25] =	ssyncset.done $0x0  }
.LBB2_4:
0x64: {  	s1 =	sadd.s32 s31, s23  }
0x65: {  	[sflag:s25] =	ssyncadd.s32 $0xFFFFD800;
	s13 =	smov.u32 s0;
	s14 =	sadd.s32 $0xA, s0  }
0x66: {  	[tilespmem:s3], [sflag:$0x2] =	stream.linear.gather [hbm4b:s1+s3], $0x50, $0x38;
	[tilespmem:$0x16180] =	vst v63  }
0x67: {  	p1 =	sne.s32 s0, $0x4D8;
	_ =	swait.ge [sflag:s25], $0x50  }
0x68: {  	[sflag:s25] =	ssyncset.done $0x0  }
0x69: {  	s0 =	sadd.s32 s31, s22;
	s31 =	smov.u32 s13;
	[sflag:s25] =	ssyncadd.s32 $0xFFFFFFB0  }
0x6a: {  	[tilespmem:s26], [sflag:$0x2] =	stream.linear.gather [hbm4b:s0+s3], $0x50, $0x38;
	[tilespmem:$0x16180] =	vst v63  }
0x6b: {  	_ =	swait.ge [sflag:s25], $0x50  }
0x6c: {  	[sflag:s25] =	ssyncset.done $0x0  }
0x6d: {  	[sflag:s25] =	ssyncadd.s32 $0xFFFFFFB0  }
0x6e: {  	[tilespmem:s24], [sflag:$0x1] =	stream.indirect.gather [hbm4b:s4+s28], $0x80, s3, s28, $0xb8;
	[tilespmem:$0x16180] =	vst v63  }
0x6f: {  	_ =	swait.ge [sflag:s29], $0x2800  }
.Ltmp1:
0x70: {  	[sflag:s29] =	ssyncset.done $0x0;
	(pc) =	sbr.rel @p1 .LBB2_4-.Ltmp1, $4  }
0x71: {  	[sflag:s29] =	ssyncadd.s32 $0xFFFFD800  }
0x72: {  	[spmem:s2] =	stream.indirect.scatter.add.f32 [tilespmem:s24], [sflag:$0x2], $0x80, s26, s28, $0xb8;
	[tilespmem:$0x16180] =	vst v63  }
0x73: {  	_ =	swait.ge [sflag:s25], $0x2800  }
0x74: {  	s0 =	smov.u32 s14;
	[sflag:s25] =	ssyncset.done $0x0  }
0x75: {  	s0 =	sadd.s32 s31, s23;
	[sflag:s25] =	ssyncadd.s32 $0xFFFFD800  }
0x76: {  	[tilespmem:s3], [sflag:$0x2] =	stream.linear.gather [hbm4b:s0+s3], $0x50, $0x38;
	[tilespmem:$0x16180] =	vst v63  }
0x77: {  	_ =	swait.ge [sflag:s25], $0x50  }
0x78: {  	[sflag:s25] =	ssyncset.done $0x0  }
0x79: {  	s1 =	sadd.s32 s31, s22;
	[sflag:s25] =	ssyncadd.s32 $0xFFFFFFB0  }
0x7a: {  	[tilespmem:s26], [sflag:$0x2] =	stream.linear.gather [hbm4b:s1+s3], $0x50, $0x38;
	[tilespmem:$0x16180] =	vst v63  }
0x7b: {  	_ =	swait.ge [sflag:s25], $0x50  }
0x7c: {  	[sflag:s25] =	ssyncset.done $0x0  }
0x7d: {  	[sflag:s25] =	ssyncadd.s32 $0xFFFFFFB0  }
0x7e: {  	[tilespmem:s24], [sflag:$0x1] =	stream.indirect.gather [hbm4b:s4+s28], $0x80, s3, s28, $0xb8;
	[tilespmem:$0x16180] =	vst v63  }
0x7f: {  	_ =	swait.ge [sflag:s29], $0x2800  }
0x80: {  	[sflag:s29] =	ssyncset.done $0x0  }
0x81: {  	[sflag:s29] =	ssyncadd.s32 $0xFFFFD800  }
0x82: {  	[spmem:s2] =	stream.indirect.scatter.add.f32 [tilespmem:s24], [sflag:$0x2], $0x80, s26, s28, $0xb8;
	[tilespmem:$0x16180] =	vst v63  }
0x83: {  	_ =	swait.ge [sflag:s25], $0x2800  }
0x84: {  	[sflag:s25] =	ssyncset.done $0x0  }
0x85: {  	s13 =	stileid.u32;
	[sflag:s25] =	ssyncadd.s32 $0xFFFFD800  }
0x86: {  	s0 =	sshll.u32 s13, $0x6;
	[bflag:$0x0] =	sbarrier.arrive $0xFFFF  }
0x87: {  	s0 =	sor.u32 $0x1C02, s0;
	s1 =	sshrl.u32 s5, $0x3;
	s13 =	rddreg [dreg:$0x3]  }
0x88: {  	[hbm:s13], [sflag:s0] =	dma.local [spmem:s1], $0x500  }
0x89: {  	_ =	swait.ge [sflag:s25], $0x500  }
0x8a: {  	[sflag:s25] =	ssyncset.done $0x0  }
0x8b: {  	s14 =	sshrl.u32 s6, $0x3;
	s31 =	rddreg [dreg:$0x4];
	[sflag:s25] =	ssyncadd.s32 $0xFFFFFB00  }
0x8c: {  	[hbm:s31], [sflag:s0] =	dma.local [spmem:s14], $0x500  }
0x8d: {  	_ =	swait.ge [sflag:s25], $0x500  }
0x8e: {  	[sflag:s25] =	ssyncset.done $0x0  }
0x8f: {  	s14 =	sshrl.u32 s7, $0x3;
	[sflag:s25] =	ssyncadd.s32 $0xFFFFFB00  }
0x90: {  	[hbm:s15], [sflag:s0] =	dma.local [spmem:s14], $0x500  }
0x91: {  	_ =	swait.ge [sflag:s25], $0x500  }
0x92: {  	[sflag:s25] =	ssyncset.done $0x0  }
0x93: {  	s31 =	sshrl.u32 s8, $0x3;
	[sflag:s25] =	ssyncadd.s32 $0xFFFFFB00  }
0x94: {  	[hbm:s16], [sflag:s0] =	dma.local [spmem:s31], $0x500  }
0x95: {  	_ =	swait.ge [sflag:s25], $0x500  }
0x96: {  	[sflag:s25] =	ssyncset.done $0x0  }
0x97: {  	s13 =	sshrl.u32 s9, $0x3;
	[sflag:s25] =	ssyncadd.s32 $0xFFFFFB00  }
0x98: {  	[hbm:s17], [sflag:s0] =	dma.local [spmem:s13], $0x500  }
0x99: {  	_ =	swait.ge [sflag:s25], $0x500  }
0x9a: {  	[sflag:s25] =	ssyncset.done $0x0  }
0x9b: {  	s14 =	sshrl.u32 s10, $0x3;
	[sflag:s25] =	ssyncadd.s32 $0xFFFFFB00  }
0x9c: {  	[hbm:s18], [sflag:s0] =	dma.local [spmem:s14], $0x500  }
0x9d: {  	_ =	swait.ge [sflag:s25], $0x500  }
0x9e: {  	[sflag:s25] =	ssyncset.done $0x0  }
0x9f: {  	s31 =	sshrl.u32 s11, $0x3;
	[sflag:s25] =	ssyncadd.s32 $0xFFFFFB00  }
0xa0: {  	[hbm:s19], [sflag:s0] =	dma.local [spmem:s31], $0x500  }
0xa1: {  	_ =	swait.ge [sflag:s25], $0x500  }
0xa2: {  	s30 =	sadd.s32 $0x1, s30;
	[sflag:s25] =	ssyncset.done $0x0  }
0xa3: {  	p1 =	sne.s32 s30, s21;
	s1 =	sshrl.u32 @!p0 s12, $0x3;
	[sflag:s25] =	ssyncadd.s32 $0xFFFFFB00  }
0xa4: {  	[hbm:s20], [sflag:s0] =	dma.local @!p0 [spmem:s1], $0x500  }
.Ltmp2:
0xa5: {  	_ = 	snop;
	(pc) =	sbr.rel @p1 .LBB2_1-.Ltmp2, $4  }
0xa6: {  	s0 =	simm.s32 @!p0 $0x2  }
0xa7: {  	_ =	swait.ge @!p0 [sflag:s0], $0x500  }
0xa8: {  	[sflag:s0] =	ssyncset.done @!p0 $0x0  }
0xa9: {  	[sflag:s0] =	ssyncadd.s32 @!p0 $0xFFFFFB00  }
0xaa: {  	_ =	sfence.sel $0x180000  }
0xab: {  	[bflag:$0x0] =	sbarrier.arrive $0xFFFF  }
0xac: {  	_ =	strace $0x9000004D  }
0xad: {  	s0 =	stileid.u32;
	[bflag:$0x2] =	sbarrier.arrive $0xFFFF  }
0xae: {  	p0 =	sne.s32 s0, $0x0;
	s0 =	rddreg [dreg:$0x2]  }
0xaf: {  	s0 =	sadd.s32 @!p0 $0x100000, s0  }
0xb0: {  	[sflag:s0] =	ssyncadd.tile.s32 @!p0 $0x1;
	_ =	shalt  }
.Lfunc_end2:
_tile_overlayer_lowered:
.L_overlay_start_2:
0xb1: {  	(tag) =	ssettag $0x2  }
0xb2: {  	s0 =	rddreg [dreg:$0x0];
	s2 =	stileid.u32  }
0xb3: {  	s1 =	rddreg [dreg:$0x1];
	p0 =	sne.s32 s2, $0x0  }
0xb4: {  	s3 =	rddreg [dreg:$0x2];
	[bflag:$0x3] =	sbarrier.arrive $0xFFFF;
	s2 =	simm.s32 @!p0 $0x1C02  }
0xb5: {  	[timem:s3], [sflag:s2] =	dma.local @!p0 [hbm:s0], s1  }
0xb6: {  	s0 =	simm.s32 @!p0 $0x2  }
0xb7: {  	_ =	swait.ge @!p0 [sflag:s0], s1  }
0xb8: {  	s1 =	ssub.s32 @!p0 $0x0, s1;
	[sflag:s0] =	ssyncset.done @!p0 $0x0  }
0xb9: {  	[sflag:s0] =	ssyncadd.s32 @!p0 s1  }
0xba: {  	[bflag:$0x3] =	sbarrier.arrive $0xFFFF  }
0xbb: {  	_ =	shalt  }

// kernel: kernel.27.cloned.1.call-start
scs
__scs_entry_jumppad:
0x0: {  	(pc) =	sbr.rel $0x88, $3  }
0x1: {  	(tag) =	ssettag $0x0;
	lr =	simm.s32 $0x1  }
0x2: {  	[smem:$0x3F92] =	sst lr;
	_ =	strace $0xD0000000  }
0x3: {  	_ = 	snop  }
0x4: {  	_ = 	snop  }
0x5: {  	_ = 	snop  }
0x6: {  	_ = 	snop  }
0x7: {  	_ = 	snop  }
__scs_overlays_trampoline_lowered:
0x8: {  	[smem:$0x3FA1] =	sst s0  }
0x9: {  	[smem:$0x3FA2] =	sst s1  }
0xa: {  	[smem:$0x3FA3] =	sst s2  }
0xb: {  	[smem:$0x3FA4] =	sst s3  }
0xc: {  	[smem:$0x3FA5] =	sst s4  }
0xd: {  	[smem:$0x3FA6] =	sst s5  }
0xe: {  	[smem:$0x3FA7] =	sst s6  }
0xf: {  	[smem:$0x3FA8] =	sst s7  }
0x10: {  	[smem:$0x3FA9] =	sst s8  }
0x11: {  	[smem:$0x3FAA] =	sst s9;
	s0 =	simm.s32 @!p0 $0x0  }
0x12: {  	s1 =	sld [smem:$0x3F90];
	s0 =	simm.s32 @p0 $0x1  }
0x13: {  	[smem:$0x3FAB] =	sst s0;
	s0 =	simm.s32 @!p1 $0x0  }
0x14: {  	s2 =	sld [smem:$0x3F8F];
	s0 =	simm.s32 @p1 $0x1  }
0x15: {  	[smem:$0x3FAC] =	sst s0;
	s0 =	simm.s32 @!p2 $0x0  }
0x16: {  	s3 =	sld [smem:$0x3FDB];
	s0 =	simm.s32 @p2 $0x1  }
0x17: {  	s4 =	simm.s32 $0x1BF5;
	[smem:$0x3FAE] =	sst s0  }
0x18: {  	s0 =	sld [smem:$0x3F91];
	_ =	swait.ge [sflag:s4], $0x0  }
0x19: {  	s7 =	sld [smem:$0x3F92]  }
0x1a: {  	s8 =	sadd.s32 $0xFFFFE003, lr  }
0x1b: {  	s9 =	sadd.s32 $0xFFFFFEF7, lr;
	s5 =	simm.s32 $0xFFFFFFFF;
	p2 =	slt.u32 s8, $0xFFFFF086  }
0x1c: {  	p1 =	slt.u32 s9, $0xF7A;
	s5 =	simm.s32 @!p2 $0x0  }
0x1d: {  	s5 =	simm.s32 @p1 $0x1;
	p0 =	seq.s32 s7, s2  }
0x1e: {  	s7 =	smul.u32 @!p0 $0xF7A, s2;
	p2 =	seq.s32 @!p0 s5, $0x0  }
0x1f: {  	s9 =	smul.u32 $0xF7A, s1;
	s8 =	simm.s32 @!p0 $0x1BF5;
	p2 =	por !p2, p0  }
0x20: {  	[sflag:s8] =	ssyncset.s32 @!p0 $0xFFFFF086;
	s6 =	sadd.s32 @!p0 s3, s7;
	s7 =	simm.s32 @!p0 $0x108  }
0x21: {  	s3 =	sadd.s32 s3, s9;
	s6 =	sadd.s32 @!p0 $0x88, s6;
	s7 =	simm.s32 @p2 $0x1082  }
0x22: {  	[simem:s7], [sflag:s8] =	dma.local @!p0 [hbm:s6], $0xF7A  }
0x23: {  	s9 =	sor.u32 $0xD0000000, s2;
	s6 =	simm.s32 $0x108;
	_ =	swait.ge @!p0 [sflag:s8], $0x0  }
0x24: {  	s3 =	sadd.s32 $0x88, s3;
	s6 =	simm.s32 @!p1 $0x1082;
	[sflag:s4] =	ssyncset.s32 $0xFFFFF086  }
0x25: {  	[simem:s6], [sflag:s4] =	dma.local [hbm:s3], $0xF7A  }
0x26: {  	[smem:$0x3F92] =	sst s1;
	(tag) =	ssettag s2;
	_ =	strace s9  }
0x27: {  	s1 =	sld [smem:$0x3FA2]  }
0x28: {  	s2 =	sld [smem:$0x3FA3]  }
0x29: {  	s4 =	sld [smem:$0x3FA5]  }
0x2a: {  	p0 =	seq.s32 s5, $0x0;
	s5 =	sld [smem:$0x3FA6]  }
0x2b: {  	s6 =	sld [smem:$0x3FA7]  }
0x2c: {  	s7 =	sld [smem:$0x3FA8]  }
0x2d: {  	s3 =	simm.s32 $0x108;
	s8 =	sld [smem:$0x3FA9]  }
0x2e: {  	s3 =	simm.s32 @!p0 $0x1082;
	s9 =	sld [smem:$0x3FAA]  }
0x2f: {  	lr =	sadd.s32 s0, s3;
	s0 =	sld [smem:$0x3FA1]  }
0x30: {  	s3 =	sld [smem:$0x3FA4]  }
0x31: {  	[smem:$0x3FAD] =	sst s10  }
0x32: {  	s10 =	sld [smem:$0x3FAB];
	_ =	sdelay $0x3  }
0x33: {  	p0 =	seq.s32 s10, $0x1;
	s10 =	sld [smem:$0x3FAD];
	_ =	sdelay $0x3  }
0x34: {  	[smem:$0x3FAD] =	sst s10  }
0x35: {  	s10 =	sld [smem:$0x3FAC];
	_ =	sdelay $0x3  }
0x36: {  	p1 =	seq.s32 s10, $0x1;
	s10 =	sld [smem:$0x3FAD];
	_ =	sdelay $0x3  }
0x37: {  	[smem:$0x3FAD] =	sst s10  }
0x38: {  	s10 =	sld [smem:$0x3FAE]  }
0x39: {  	_ = 	snop;
	(pc) =	sbr.ind lr, $3  }
0x3a: {  	_ = 	snop  }
0x3b: {  	_ = 	snop  }
0x3c: {  	p2 =	seq.s32 s10, $0x1;
	s10 =	sld [smem:$0x3FAD]  }
0x3d: {  	_ =	shalt  }
0x3e: {  	_ =	shalt  }
0x3f: {  	_ =	shalt  }
0x40: {  	_ =	shalt  }
0x41: {  	_ =	shalt  }
0x42: {  	_ =	shalt  }
0x43: {  	_ =	shalt  }
0x44: {  	_ =	shalt  }
0x45: {  	_ =	shalt  }
0x46: {  	_ =	shalt  }
0x47: {  	_ =	shalt  }
0x48: {  	_ =	shalt  }
0x49: {  	_ =	shalt  }
0x4a: {  	_ =	shalt  }
0x4b: {  	_ =	shalt  }
0x4c: {  	_ =	shalt  }
0x4d: {  	_ =	shalt  }
0x4e: {  	_ =	shalt  }
0x4f: {  	_ =	shalt  }
0x50: {  	_ =	shalt  }
0x51: {  	_ =	shalt  }
0x52: {  	_ =	shalt  }
0x53: {  	_ =	shalt  }
0x54: {  	_ =	shalt  }
0x55: {  	_ =	shalt  }
0x56: {  	_ =	shalt  }
0x57: {  	_ =	shalt  }
0x58: {  	_ =	shalt  }
0x59: {  	_ =	shalt  }
0x5a: {  	_ =	shalt  }
0x5b: {  	_ =	shalt  }
0x5c: {  	_ =	shalt  }
0x5d: {  	_ =	shalt  }
0x5e: {  	_ =	shalt  }
0x5f: {  	_ =	shalt  }
0x60: {  	_ =	shalt  }
0x61: {  	_ =	shalt  }
0x62: {  	_ =	shalt  }
0x63: {  	_ =	shalt  }
0x64: {  	_ =	shalt  }
0x65: {  	_ =	shalt  }
0x66: {  	_ =	shalt  }
0x67: {  	_ =	shalt  }
0x68: {  	_ =	shalt  }
0x69: {  	_ =	shalt  }
0x6a: {  	_ =	shalt  }
0x6b: {  	_ =	shalt  }
0x6c: {  	_ =	shalt  }
0x6d: {  	_ =	shalt  }
0x6e: {  	_ =	shalt  }
0x6f: {  	_ =	shalt  }
0x70: {  	_ =	shalt  }
0x71: {  	_ =	shalt  }
0x72: {  	_ =	shalt  }
0x73: {  	_ =	shalt  }
0x74: {  	_ =	shalt  }
0x75: {  	_ =	shalt  }
0x76: {  	_ =	shalt  }
0x77: {  	_ =	shalt  }
0x78: {  	_ =	shalt  }
0x79: {  	_ =	shalt  }
0x7a: {  	_ =	shalt  }
0x7b: {  	_ =	shalt  }
0x7c: {  	_ =	shalt  }
0x7d: {  	_ =	shalt  }
0x7e: {  	_ =	shalt  }
0x7f: {  	_ =	shalt  }
0x80: {  	_ =	shalt  }
0x81: {  	_ =	shalt  }
0x82: {  	_ =	shalt  }
0x83: {  	_ =	shalt  }
0x84: {  	_ =	shalt  }
0x85: {  	_ =	shalt  }
0x86: {  	_ =	shalt  }
0x87: {  	_ =	shalt  }
.Lfunc_end0:
.L_simem_size_0:
called_computation.3_lowered:
.L_overlay_start_0:
0x88: {  	s2 =	sld [smem:$0x3FD9]  }
0x89: {  	s3 =	sld [smem:$0x3FFE];
	_ =	sdelay $0x1  }
0x8a: {  	s1 =	srdreg.scid  }
0x8b: {  	s0 =	sand.u32 $0x1, s1  }
0x8c: {  	s16 =	sshll.u32 s0, $0xA;
	s2 =	sadd.s32 s3, s2  }
0x8d: {  	s2 =	sadd.s32 s2, s16  }
0x8e: {  	[smem:$0x3FB9] =	sst s2  }
0x8f: {  	_ = 	snop  }
0x90: {  	(tm) =	ssettm $0x1  }
0x91: {  	s17 =	sld [smem:$0x3FFB];
	_ =	sdelay $0x3  }
0x92: {  	_ =	strace s17  }
0x93: {  	s2 =	sld [smem:$0x3FFC];
	_ =	sdelay $0x3  }
0x94: {  	_ =	strace s2  }
0x95: {  	s2 =	sld [smem:$0x3FFD];
	_ =	sdelay $0x3  }
0x96: {  	_ =	strace s2  }
0x97: {  	_ =	strace $0x8FFFFFFF  }
0x98: {  	s18 =	sld [smem:$0x3FDB];
	_ =	sdelay $0x1  }
0x99: {  	s19 =	simm.s32 $_scs_section_size  }
0x9a: {  	s4 =	simm.s32 $_size__tile_overlayer_lowered;
	s5 =	simm.s32 $_tile_overlayer_lowered  }
0x9b: {  	s22 =	simm.s32 $0x1BFF;
	s21 =	sshll.u32 s5, $0x1;
	s2 =	sadd.s32 s19, s18  }
0x9c: {  	s6 =	simm.s32 $0x0;
	s20 =	sshll.u32 s4, $0x1;
	s4 =	sadd.s32 s21, s2  }
0x9d: {  	[timem:s6], [sflag:s22] =	dma.local [hbm:s4], s20  }
0x9e: {  	_ =	swait.ge [sflag:s22], s20  }
0x9f: {  	s3 =	ssub.s32 $0x0, s20;
	[sflag:s22] =	ssyncset.done $0x0  }
0xa0: {  	[sflag:s22] =	ssyncadd.s32 s3;
	_ =	sdelay $0x1  }
0xa1: {  	s23 =	simm.s32 $0x1B8B  }
0xa2: {  	_ =	swait.ge [sflag:s23], $0x1  }
0xa3: {  	[sflag:s23] =	ssyncset.done $0x0  }
0xa4: {  	s25 =	simm.s32 $0x1B8E;
	s24 =	sld [smem:$0x3FFE];
	[sflag:s23] =	ssyncadd.s32 $0xFFFFFFFF  }
0xa5: {  	s26 =	simm.s32 $execute0_lowered;
	[smem:$0x3FD2] =	sst s25  }
0xa6: {  	s4 =	sshll.u32 s26, $0x1;
	_ =	strace $0x8000004F;
	[dreg:$0x1] =	wrdreg $0xFFFFFFFF  }
0xa7: {  	s28 =	simm.s32 $_size_execute0_lowered;
	s2 =	sadd.s32 s2, s4;
	[dreg:$0x0] =	wrdreg $0x0  }
0xa8: {  	s4 =	sshll.u32 s28, $0x1;
	[dreg:$0x2] =	wrdreg s2  }
0xa9: {  	[dreg:$0x3] =	wrdreg s4  }
0xaa: {  	[dreg:$0x4] =	wrdreg $0xC0  }
0xab: {  	_ =	task [dreg:s6], $0x5FFFF  }
0xac: {  	[dreg:$0x1] =	wrdreg $0xFFFFFFFF  }
0xad: {  	[dreg:$0x0] =	wrdreg $0x60  }
0xae: {  	[dreg:$0x2] =	wrdreg s24  }
0xaf: {  	[dreg:$0x3] =	wrdreg $0x29000  }
0xb0: {  	[dreg:$0x4] =	wrdreg $0x9  }
0xb1: {  	_ =	task.clear_ibuf [dreg:s6], $0x5FFFF;
	_ =	strace $0x9000004F  }
0xb2: {  	s29 =	simm.s32 $0x9;
	_ =	strace $0x80000051  }
0xb3: {  	_ =	swait.ge [sflag:s29], $0x1  }
0xb4: {  	[sflag:s29] =	ssyncadd.s32 $0xFFFFFFFF  }
0xb5: {  	_ =	strace $0x90000051  }
0xb6: {  	_ =	sfence  }
0xb7: {  	s30 =	sld [smem:$0x0];
	_ =	sdelay $0x2  }
0xb8: {  	s31 =	sshll.u32 s1, $0xD;
	s1 =	sshrl.u32 s1, $0x2  }
0xb9: {  	s3 =	sand.u32 $0x4000, s31;
	s1 =	sadd.s32 s1, s30  }
0xba: {  	s0 =	sor.u32 s3, s0;
	s1 =	sshll.u32 s1, $0x11  }
0xbb: {  	s0 =	sor.u32 s1, s0  }
0xbc: {  	s0 =	sadd.s32 $0x8F2B, s0  }
0xbd: {  	[sflag:s0] =	ssyncadd.remote.s32 $0x1  }
0xbe: {  	_ =	sfence.sel $0xFFFF  }
0xbf: {  	[dreg:$0x0] =	wrdreg $0xFFFFFFFF;
	(pc) =	sbr.abs _section_cstart, $3  }
0xc0: {  	[dreg:$0x1] =	wrdreg $0xFFFFFFFF  }
0xc1: {  	_ =	task.clear_ibuf [dreg:s6], $0x2FFFF;
	_ =	strace $0x9FFFFFFF  }
0xc2: {  	(tm) =	ssettm $0x7FFFFFFF  }
0xc3: {  	_ =	shalt  }
tec
execute0_lowered:
.L_overlay_start_1:
0x0: {  	(tag) =	ssettag $0x1  }
0x1: {  	s1 =	srdreg.scid  }
0x2: {  	s0 =	rddreg [dreg:$0x0];
	s9 =	sand.u32 $0x1, s1  }
0x3: {  	s1 =	stileid.u32;
	s4 =	smul.u32 $0x27100, s9  }
0x4: {  	s2 =	rddreg [dreg:$0x1];
	s5 =	smul.u32 $0x2710, s1  }
0x5: {  	s3 =	simm.s32 $0x0;
	s28 =	simm.s32 $0x50;
	s7 =	smul.u32 $0xA000, s1  }
0x6: {  	s29 =	simm.s32 $0x1;
	s31 =	sor.u32 $0x10, s1;
	s18 =	smul.u32 $0x138800, s9  }
0x7: {  	s30 =	simm.s32 $0x0;
	s11 =	sor.u32 $0x20, s1;
	s24 =	smul.u32 $0xA000, s31  }
0x8: {  	[smem:$0x7FF] =	sst s3;
	s14 =	sor.u32 $0x30, s1;
	s25 =	smul.u32 $0xA000, s11  }
0x9: {  	s20 =	sadd.s32 $0x40400, s0;
	s15 =	sor.u32 $0x40, s1;
	s8 =	smul.u32 $0xA000, s14  }
0xa: {  	_ =	strace $0x80000050;
	s16 =	sor.u32 $0x50, s1;
	s10 =	smul.u32 $0xA000, s15  }
0xb: {  	s6 =	ssub.s32 $0x2, s9;
	s17 =	sor.u32 $0x60, s1;
	s12 =	smul.u32 $0xA000, s16  }
0xc: {  	s19 =	sor.u32 $0x70, s1;
	p0 =	sgt.u32 s1, $0xC;
	s13 =	smul.u32 $0xA000, s17  }
0xd: {  	s26 =	sshrl.u32 s6, $0x1;
	s14 =	smul.u32 $0x2800, s14;
	s5 =	sadd.s32 s5, s4  }
0xe: {  	s4 =	sadd.s32 $0x19200, s0;
	s21 =	ssub.s32 s6, s26;
	s26 =	smul.u32 $0xA000, s19  }
0xf: {  	s22 =	sshrl.u32 s7, $0x2;
	s19 =	smul.u32 $0x2800, s19;
	s5 =	sshrl.u32 s5, $0x3  }
0x10: {  	s6 =	sshrl.u32 s24, $0x2;
	s7 =	sshrl.u32 s25, $0x2;
	s8 =	sshrl.u32 s8, $0x2  }
0x11: {  	s10 =	sshrl.u32 s10, $0x2;
	s12 =	sshrl.u32 s12, $0x2;
	s24 =	smul.u32 $0x2800, s11  }
0x12: {  	s13 =	sshrl.u32 s13, $0x2;
	s25 =	smul.u32 $0x2800, s15;
	s21 =	smax.u32 s21, $0x1  }
0x13: {  	s23 =	sadd.s32 s5, s0;
	s5 =	sadd.s32 s22, s2;
	s6 =	sadd.s32 s6, s2  }
0x14: {  	s7 =	sadd.s32 s7, s2;
	s8 =	sadd.s32 s8, s2;
	s22 =	smul.u32 $0x2800, s1  }
0x15: {  	s9 =	sadd.s32 s10, s2;
	s10 =	sadd.s32 s12, s2;
	s0 =	smul.u32 $0x2800, s31  }
0x16: {  	s12 =	sshrl.u32 s26, $0x2;
	s11 =	sadd.s32 s13, s2;
	s26 =	smul.u32 $0x2800, s16  }
0x17: {  	s19 =	sadd.s32 s18, s19;
	s12 =	sadd.s32 s12, s2;
	s22 =	sadd.s32 s22, s18  }
0x18: {  	s13 =	sadd.s32 s18, s24;
	s0 =	sadd.s32 s18, s0;
	s22 =	sshrl.u32 s22, $0x3  }
0x19: {  	s24 =	simm.s32 $0x100;
	s0 =	sshrl.u32 s0, $0x3;
	s31 =	sadd.s32 s20, s22  }
0x1a: {  	s22 =	sshrl.u32 s13, $0x3;
	s0 =	sadd.s32 s20, s0;
	[dreg:$0x3] =	wrdreg s31  }
0x1b: {  	s13 =	sadd.s32 s18, s25;
	[dreg:$0x4] =	wrdreg s0;
	s15 =	sadd.s32 s20, s22  }
0x1c: {  	s31 =	sadd.s32 s18, s14;
	s14 =	smul.u32 $0x2800, s17;
	s22 =	sshrl.u32 s13, $0x3  }
0x1d: {  	s0 =	sadd.s32 s18, s26;
	s16 =	sshrl.u32 s31, $0x3;
	s17 =	sadd.s32 s20, s22  }
0x1e: {  	s0 =	sshrl.u32 s0, $0x3;
	s31 =	sshrl.u32 s19, $0x3;
	s22 =	sadd.s32 $0x5600, s23  }
0x1f: {  	s23 =	sadd.s32 $0xF400, s23;
	s16 =	sadd.s32 s20, s16;
	s25 =	sadd.s32 s18, s14  }
0x20: {  	s18 =	sadd.s32 s20, s0;
	s26 =	sshrl.u32 s25, $0x3;
	s25 =	simm.s32 $0x2  }
0x21: {  	v0 =	vimm.f32 $0.0e+00;
	s19 =	sadd.s32 s20, s26;
	s20 =	sadd.s32 s20, s31;
	s26 =	simm.s32 $0x80  }
.LBB2_1:
0x22: {  	s31 =	simm.s32 $0x0;
	s0 =	simm.s32 $0x200  }
.LBB2_2:
0x23: {  	p1 =	sne.s32 s0, $0x9E00;
	[tilespmem:s31+$0x170] =	vst v0  }
0x24: {  	[tilespmem:s31+$0x100] =	vst v0  }
0x25: {  	[tilespmem:s31+$0x110] =	vst v0  }
.Ltmp0:
0x26: {  	[tilespmem:s31+$0x120] =	vst v0;
	(pc) =	sbr.rel @p1 .LBB2_2-.Ltmp0, $4  }
0x27: {  	[tilespmem:s31+$0x130] =	vst v0  }
0x28: {  	[tilespmem:s31+$0x140] =	vst v0  }
0x29: {  	[tilespmem:s31+$0x150] =	vst v0  }
0x2a: {  	[tilespmem:s31+$0x160] =	vst v0;
	s31 =	sshra.s32 s0, $0x2;
	s0 =	sadd.s32 $0x200, s0  }
0x2b: {  	[tilespmem:s31+$0x170] =	vst v0  }
0x2c: {  	[tilespmem:s31+$0x100] =	vst v0  }
0x2d: {  	[tilespmem:s31+$0x110] =	vst v0  }
0x2e: {  	[tilespmem:s31+$0x120] =	vst v0  }
0x2f: {  	[tilespmem:s31+$0x130] =	vst v0  }
0x30: {  	[tilespmem:s31+$0x140] =	vst v0  }
0x31: {  	[tilespmem:s31+$0x150] =	vst v0  }
0x32: {  	[tilespmem:s31+$0x160] =	vst v0  }
0x33: {  	[spmem:s5] =	stream.linear.scatter [tilespmem:s24], [sflag:$0x2], $0x2800, $0x38;
	[tilespmem:$0x16180] =	vst v63  }
0x34: {  	_ =	swait.ge [sflag:s25], $0x2800  }
0x35: {  	[sflag:s25] =	ssyncset.done $0x0  }
0x36: {  	[sflag:s25] =	ssyncadd.s32 $0xFFFFD800  }
0x37: {  	[spmem:s6] =	stream.linear.scatter [tilespmem:s24], [sflag:$0x2], $0x2800, $0x38;
	[tilespmem:$0x16180] =	vst v63  }
0x38: {  	_ =	swait.ge [sflag:s25], $0x2800  }
0x39: {  	[sflag:s25] =	ssyncset.done $0x0  }
0x3a: {  	[sflag:s25] =	ssyncadd.s32 $0xFFFFD800  }
0x3b: {  	[spmem:s7] =	stream.linear.scatter [tilespmem:s24], [sflag:$0x2], $0x2800, $0x38;
	[tilespmem:$0x16180] =	vst v63  }
0x3c: {  	_ =	swait.ge [sflag:s25], $0x2800  }
0x3d: {  	[sflag:s25] =	ssyncset.done $0x0  }
0x3e: {  	[sflag:s25] =	ssyncadd.s32 $0xFFFFD800  }
0x3f: {  	[spmem:s8] =	stream.linear.scatter [tilespmem:s24], [sflag:$0x2], $0x2800, $0x38;
	[tilespmem:$0x16180] =	vst v63  }
0x40: {  	_ =	swait.ge [sflag:s25], $0x2800  }
0x41: {  	[sflag:s25] =	ssyncset.done $0x0  }
0x42: {  	[sflag:s25] =	ssyncadd.s32 $0xFFFFD800  }
0x43: {  	[spmem:s9] =	stream.linear.scatter [tilespmem:s24], [sflag:$0x2], $0x2800, $0x38;
	[tilespmem:$0x16180] =	vst v63  }
0x44: {  	_ =	swait.ge [sflag:s25], $0x2800  }
0x45: {  	[sflag:s25] =	ssyncset.done $0x0  }
0x46: {  	[sflag:s25] =	ssyncadd.s32 $0xFFFFD800  }
0x47: {  	[spmem:s10] =	stream.linear.scatter [tilespmem:s24], [sflag:$0x2], $0x2800, $0x38;
	[tilespmem:$0x16180] =	vst v63  }
0x48: {  	_ =	swait.ge [sflag:s25], $0x2800  }
0x49: {  	[sflag:s25] =	ssyncset.done $0x0  }
0x4a: {  	[sflag:s25] =	ssyncadd.s32 $0xFFFFD800  }
0x4b: {  	[spmem:s11] =	stream.linear.scatter [tilespmem:s24], [sflag:$0x2], $0x2800, $0x38;
	[tilespmem:$0x16180] =	vst v63  }
0x4c: {  	_ =	swait.ge [sflag:s25], $0x2800  }
0x4d: {  	[sflag:s25] =	ssyncset.done $0x0  }
0x4e: {  	s0 =	simm.s32 @!p0 $0x100;
	[sflag:s25] =	ssyncadd.s32 $0xFFFFD800  }
0x4f: {  	[spmem:s12] =	stream.linear.scatter @!p0 [tilespmem:s0], [sflag:$0x2], $0x2800, $0x38;
	[tilespmem:$0x16180] =	vst v63  }
0x50: {  	s0 =	simm.s32 @!p0 $0x2  }
0x51: {  	_ =	swait.ge @!p0 [sflag:s0], $0x2800  }
0x52: {  	[sflag:s0] =	ssyncset.done @!p0 $0x0  }
0x53: {  	[sflag:s0] =	ssyncadd.s32 @!p0 $0xFFFFD800  }
0x54: {  	s13 =	sadd.s32 $0x0, s23;
	[bflag:$0x0] =	sbarrier.arrive $0xFFFF  }
0x55: {  	[tilespmem:s3], [sflag:$0x2] =	stream.linear.gather [hbm4b:s13+s3], $0x50, $0x38;
	[tilespmem:$0x16180] =	vst v63  }
0x56: {  	_ =	swait.ge [sflag:s25], $0x50  }
0x57: {  	[sflag:s25] =	ssyncset.done $0x0  }
0x58: {  	s14 =	sadd.s32 $0x0, s22;
	[sflag:s25] =	ssyncadd.s32 $0xFFFFFFB0  }
0x59: {  	[tilespmem:s26], [sflag:$0x2] =	stream.linear.gather [hbm4b:s14+s3], $0x50, $0x38;
	[tilespmem:$0x16180] =	vst v63  }
0x5a: {  	_ =	swait.ge [sflag:s25], $0x50  }
0x5b: {  	[sflag:s25] =	ssyncset.done $0x0  }
0x5c: {  	[sflag:s25] =	ssyncadd.s32 $0xFFFFFFB0  }
0x5d: {  	[tilespmem:s24], [sflag:$0x1] =	stream.indirect.gather [hbm4b:s4+s28], $0x80, s3, s28, $0xb8;
	[tilespmem:$0x16180] =	vst v63  }
0x5e: {  	_ =	swait.ge [sflag:s29], $0x2800  }
0x5f: {  	[sflag:s29] =	ssyncset.done $0x0  }
0x60: {  	[sflag:s29] =	ssyncadd.s32 $0xFFFFD800  }
0x61: {  	[spmem:s2] =	stream.indirect.scatter.add.f32 [tilespmem:s24], [sflag:$0x2], $0x80, s26, s28, $0xb8;
	[tilespmem:$0x16180] =	vst v63  }
0x62: {  	_ =	swait.ge [sflag:s25], $0x2800  }
0x63: {  	s31 =	simm.s32 $0xA;
	s0 =	simm.s32 $0x14;
	[sflag:s25] =	ssyncset.done $0x0  }
.LBB2_4:
0x64: {  	s1 =	sadd.s32 s31, s23  }
0x65: {  	[sflag:s25] =	ssyncadd.s32 $0xFFFFD800;
	s13 =	smov.u32 s0;
	s14 =	sadd.s32 $0xA, s0  }
0x66: {  	[tilespmem:s3], [sflag:$0x2] =	stream.linear.gather [hbm4b:s1+s3], $0x50, $0x38;
	[tilespmem:$0x16180] =	vst v63  }
0x67: {  	p1 =	sne.s32 s0, $0x4D8;
	_ =	swait.ge [sflag:s25], $0x50  }
0x68: {  	[sflag:s25] =	ssyncset.done $0x0  }
0x69: {  	s0 =	sadd.s32 s31, s22;
	s31 =	smov.u32 s13;
	[sflag:s25] =	ssyncadd.s32 $0xFFFFFFB0  }
0x6a: {  	[tilespmem:s26], [sflag:$0x2] =	stream.linear.gather [hbm4b:s0+s3], $0x50, $0x38;
	[tilespmem:$0x16180] =	vst v63  }
0x6b: {  	_ =	swait.ge [sflag:s25], $0x50  }
0x6c: {  	[sflag:s25] =	ssyncset.done $0x0  }
0x6d: {  	[sflag:s25] =	ssyncadd.s32 $0xFFFFFFB0  }
0x6e: {  	[tilespmem:s24], [sflag:$0x1] =	stream.indirect.gather [hbm4b:s4+s28], $0x80, s3, s28, $0xb8;
	[tilespmem:$0x16180] =	vst v63  }
0x6f: {  	_ =	swait.ge [sflag:s29], $0x2800  }
.Ltmp1:
0x70: {  	[sflag:s29] =	ssyncset.done $0x0;
	(pc) =	sbr.rel @p1 .LBB2_4-.Ltmp1, $4  }
0x71: {  	[sflag:s29] =	ssyncadd.s32 $0xFFFFD800  }
0x72: {  	[spmem:s2] =	stream.indirect.scatter.add.f32 [tilespmem:s24], [sflag:$0x2], $0x80, s26, s28, $0xb8;
	[tilespmem:$0x16180] =	vst v63  }
0x73: {  	_ =	swait.ge [sflag:s25], $0x2800  }
0x74: {  	s0 =	smov.u32 s14;
	[sflag:s25] =	ssyncset.done $0x0  }
0x75: {  	s0 =	sadd.s32 s31, s23;
	[sflag:s25] =	ssyncadd.s32 $0xFFFFD800  }
0x76: {  	[tilespmem:s3], [sflag:$0x2] =	stream.linear.gather [hbm4b:s0+s3], $0x50, $0x38;
	[tilespmem:$0x16180] =	vst v63  }
0x77: {  	_ =	swait.ge [sflag:s25], $0x50  }
0x78: {  	[sflag:s25] =	ssyncset.done $0x0  }
0x79: {  	s1 =	sadd.s32 s31, s22;
	[sflag:s25] =	ssyncadd.s32 $0xFFFFFFB0  }
0x7a: {  	[tilespmem:s26], [sflag:$0x2] =	stream.linear.gather [hbm4b:s1+s3], $0x50, $0x38;
	[tilespmem:$0x16180] =	vst v63  }
0x7b: {  	_ =	swait.ge [sflag:s25], $0x50  }
0x7c: {  	[sflag:s25] =	ssyncset.done $0x0  }
0x7d: {  	[sflag:s25] =	ssyncadd.s32 $0xFFFFFFB0  }
0x7e: {  	[tilespmem:s24], [sflag:$0x1] =	stream.indirect.gather [hbm4b:s4+s28], $0x80, s3, s28, $0xb8;
	[tilespmem:$0x16180] =	vst v63  }
0x7f: {  	_ =	swait.ge [sflag:s29], $0x2800  }
0x80: {  	[sflag:s29] =	ssyncset.done $0x0  }
0x81: {  	[sflag:s29] =	ssyncadd.s32 $0xFFFFD800  }
0x82: {  	[spmem:s2] =	stream.indirect.scatter.add.f32 [tilespmem:s24], [sflag:$0x2], $0x80, s26, s28, $0xb8;
	[tilespmem:$0x16180] =	vst v63  }
0x83: {  	_ =	swait.ge [sflag:s25], $0x2800  }
0x84: {  	[sflag:s25] =	ssyncset.done $0x0  }
0x85: {  	s13 =	stileid.u32;
	[sflag:s25] =	ssyncadd.s32 $0xFFFFD800  }
0x86: {  	s0 =	sshll.u32 s13, $0x6;
	[bflag:$0x0] =	sbarrier.arrive $0xFFFF  }
0x87: {  	s0 =	sor.u32 $0x1C02, s0;
	s1 =	sshrl.u32 s5, $0x3;
	s13 =	rddreg [dreg:$0x3]  }
0x88: {  	[hbm:s13], [sflag:s0] =	dma.local [spmem:s1], $0x500  }
0x89: {  	_ =	swait.ge [sflag:s25], $0x500  }
0x8a: {  	[sflag:s25] =	ssyncset.done $0x0  }
0x8b: {  	s14 =	sshrl.u32 s6, $0x3;
	s31 =	rddreg [dreg:$0x4];
	[sflag:s25] =	ssyncadd.s32 $0xFFFFFB00  }
0x8c: {  	[hbm:s31], [sflag:s0] =	dma.local [spmem:s14], $0x500  }
0x8d: {  	_ =	swait.ge [sflag:s25], $0x500  }
0x8e: {  	[sflag:s25] =	ssyncset.done $0x0  }
0x8f: {  	s14 =	sshrl.u32 s7, $0x3;
	[sflag:s25] =	ssyncadd.s32 $0xFFFFFB00  }
0x90: {  	[hbm:s15], [sflag:s0] =	dma.local [spmem:s14], $0x500  }
0x91: {  	_ =	swait.ge [sflag:s25], $0x500  }
0x92: {  	[sflag:s25] =	ssyncset.done $0x0  }
0x93: {  	s31 =	sshrl.u32 s8, $0x3;
	[sflag:s25] =	ssyncadd.s32 $0xFFFFFB00  }
0x94: {  	[hbm:s16], [sflag:s0] =	dma.local [spmem:s31], $0x500  }
0x95: {  	_ =	swait.ge [sflag:s25], $0x500  }
0x96: {  	[sflag:s25] =	ssyncset.done $0x0  }
0x97: {  	s13 =	sshrl.u32 s9, $0x3;
	[sflag:s25] =	ssyncadd.s32 $0xFFFFFB00  }
0x98: {  	[hbm:s17], [sflag:s0] =	dma.local [spmem:s13], $0x500  }
0x99: {  	_ =	swait.ge [sflag:s25], $0x500  }
0x9a: {  	[sflag:s25] =	ssyncset.done $0x0  }
0x9b: {  	s14 =	sshrl.u32 s10, $0x3;
	[sflag:s25] =	ssyncadd.s32 $0xFFFFFB00  }
0x9c: {  	[hbm:s18], [sflag:s0] =	dma.local [spmem:s14], $0x500  }
0x9d: {  	_ =	swait.ge [sflag:s25], $0x500  }
0x9e: {  	[sflag:s25] =	ssyncset.done $0x0  }
0x9f: {  	s31 =	sshrl.u32 s11, $0x3;
	[sflag:s25] =	ssyncadd.s32 $0xFFFFFB00  }
0xa0: {  	[hbm:s19], [sflag:s0] =	dma.local [spmem:s31], $0x500  }
0xa1: {  	_ =	swait.ge [sflag:s25], $0x500  }
0xa2: {  	s30 =	sadd.s32 $0x1, s30;
	[sflag:s25] =	ssyncset.done $0x0  }
0xa3: {  	p1 =	sne.s32 s30, s21;
	s1 =	sshrl.u32 @!p0 s12, $0x3;
	[sflag:s25] =	ssyncadd.s32 $0xFFFFFB00  }
0xa4: {  	[hbm:s20], [sflag:s0] =	dma.local @!p0 [spmem:s1], $0x500  }
.Ltmp2:
0xa5: {  	_ = 	snop;
	(pc) =	sbr.rel @p1 .LBB2_1-.Ltmp2, $4  }
0xa6: {  	s0 =	simm.s32 @!p0 $0x2  }
0xa7: {  	_ =	swait.ge @!p0 [sflag:s0], $0x500  }
0xa8: {  	[sflag:s0] =	ssyncset.done @!p0 $0x0  }
0xa9: {  	[sflag:s0] =	ssyncadd.s32 @!p0 $0xFFFFFB00  }
0xaa: {  	_ =	sfence.sel $0x180000  }
0xab: {  	[bflag:$0x0] =	sbarrier.arrive $0xFFFF  }
0xac: {  	_ =	strace $0x90000050  }
0xad: {  	s0 =	stileid.u32;
	[bflag:$0x2] =	sbarrier.arrive $0xFFFF  }
0xae: {  	p0 =	sne.s32 s0, $0x0;
	s0 =	rddreg [dreg:$0x2]  }
0xaf: {  	s0 =	sadd.s32 @!p0 $0x100000, s0  }
0xb0: {  	[sflag:s0] =	ssyncadd.tile.s32 @!p0 $0x1;
	_ =	shalt  }
.Lfunc_end2:
_tile_overlayer_lowered:
.L_overlay_start_2:
0xb1: {  	(tag) =	ssettag $0x2  }
0xb2: {  	s0 =	rddreg [dreg:$0x0];
	s2 =	stileid.u32  }
0xb3: {  	s1 =	rddreg [dreg:$0x1];
	p0 =	sne.s32 s2, $0x0  }
0xb4: {  	s3 =	rddreg [dreg:$0x2];
	[bflag:$0x3] =	sbarrier.arrive $0xFFFF;
	s2 =	simm.s32 @!p0 $0x1C02  }
0xb5: {  	[timem:s3], [sflag:s2] =	dma.local @!p0 [hbm:s0], s1  }
0xb6: {  	s0 =	simm.s32 @!p0 $0x2  }
0xb7: {  	_ =	swait.ge @!p0 [sflag:s0], s1  }
0xb8: {  	s1 =	ssub.s32 @!p0 $0x0, s1;
	[sflag:s0] =	ssyncset.done @!p0 $0x0  }
0xb9: {  	[sflag:s0] =	ssyncadd.s32 @!p0 s1  }
0xba: {  	[bflag:$0x3] =	sbarrier.arrive $0xFFFF  }
0xbb: {  	_ =	shalt  }

// kernel: kernel.30.cloned.1.call-start
scs
__scs_entry_jumppad:
0x0: {  	(pc) =	sbr.rel $0x88, $3  }
0x1: {  	(tag) =	ssettag $0x0;
	lr =	simm.s32 $0x1  }
0x2: {  	[smem:$0x3F92] =	sst lr;
	_ =	strace $0xD0000000  }
0x3: {  	_ = 	snop  }
0x4: {  	_ = 	snop  }
0x5: {  	_ = 	snop  }
0x6: {  	_ = 	snop  }
0x7: {  	_ = 	snop  }
__scs_overlays_trampoline_lowered:
0x8: {  	[smem:$0x3FA1] =	sst s0  }
0x9: {  	[smem:$0x3FA2] =	sst s1  }
0xa: {  	[smem:$0x3FA3] =	sst s2  }
0xb: {  	[smem:$0x3FA4] =	sst s3  }
0xc: {  	[smem:$0x3FA5] =	sst s4  }
0xd: {  	[smem:$0x3FA6] =	sst s5  }
0xe: {  	[smem:$0x3FA7] =	sst s6  }
0xf: {  	[smem:$0x3FA8] =	sst s7  }
0x10: {  	[smem:$0x3FA9] =	sst s8  }
0x11: {  	[smem:$0x3FAA] =	sst s9;
	s0 =	simm.s32 @!p0 $0x0  }
0x12: {  	s1 =	sld [smem:$0x3F90];
	s0 =	simm.s32 @p0 $0x1  }
0x13: {  	[smem:$0x3FAB] =	sst s0;
	s0 =	simm.s32 @!p1 $0x0  }
0x14: {  	s2 =	sld [smem:$0x3F8F];
	s0 =	simm.s32 @p1 $0x1  }
0x15: {  	[smem:$0x3FAC] =	sst s0;
	s0 =	simm.s32 @!p2 $0x0  }
0x16: {  	s3 =	sld [smem:$0x3FDB];
	s0 =	simm.s32 @p2 $0x1  }
0x17: {  	s4 =	simm.s32 $0x1BF5;
	[smem:$0x3FAE] =	sst s0  }
0x18: {  	s0 =	sld [smem:$0x3F91];
	_ =	swait.ge [sflag:s4], $0x0  }
0x19: {  	s7 =	sld [smem:$0x3F92]  }
0x1a: {  	s8 =	sadd.s32 $0xFFFFE003, lr  }
0x1b: {  	s9 =	sadd.s32 $0xFFFFFEF7, lr;
	s5 =	simm.s32 $0xFFFFFFFF;
	p2 =	slt.u32 s8, $0xFFFFF086  }
0x1c: {  	p1 =	slt.u32 s9, $0xF7A;
	s5 =	simm.s32 @!p2 $0x0  }
0x1d: {  	s5 =	simm.s32 @p1 $0x1;
	p0 =	seq.s32 s7, s2  }
0x1e: {  	s7 =	smul.u32 @!p0 $0xF7A, s2;
	p2 =	seq.s32 @!p0 s5, $0x0  }
0x1f: {  	s9 =	smul.u32 $0xF7A, s1;
	s8 =	simm.s32 @!p0 $0x1BF5;
	p2 =	por !p2, p0  }
0x20: {  	[sflag:s8] =	ssyncset.s32 @!p0 $0xFFFFF086;
	s6 =	sadd.s32 @!p0 s3, s7;
	s7 =	simm.s32 @!p0 $0x108  }
0x21: {  	s3 =	sadd.s32 s3, s9;
	s6 =	sadd.s32 @!p0 $0x88, s6;
	s7 =	simm.s32 @p2 $0x1082  }
0x22: {  	[simem:s7], [sflag:s8] =	dma.local @!p0 [hbm:s6], $0xF7A  }
0x23: {  	s9 =	sor.u32 $0xD0000000, s2;
	s6 =	simm.s32 $0x108;
	_ =	swait.ge @!p0 [sflag:s8], $0x0  }
0x24: {  	s3 =	sadd.s32 $0x88, s3;
	s6 =	simm.s32 @!p1 $0x1082;
	[sflag:s4] =	ssyncset.s32 $0xFFFFF086  }
0x25: {  	[simem:s6], [sflag:s4] =	dma.local [hbm:s3], $0xF7A  }
0x26: {  	[smem:$0x3F92] =	sst s1;
	(tag) =	ssettag s2;
	_ =	strace s9  }
0x27: {  	s1 =	sld [smem:$0x3FA2]  }
0x28: {  	s2 =	sld [smem:$0x3FA3]  }
0x29: {  	s4 =	sld [smem:$0x3FA5]  }
0x2a: {  	p0 =	seq.s32 s5, $0x0;
	s5 =	sld [smem:$0x3FA6]  }
0x2b: {  	s6 =	sld [smem:$0x3FA7]  }
0x2c: {  	s7 =	sld [smem:$0x3FA8]  }
0x2d: {  	s3 =	simm.s32 $0x108;
	s8 =	sld [smem:$0x3FA9]  }
0x2e: {  	s3 =	simm.s32 @!p0 $0x1082;
	s9 =	sld [smem:$0x3FAA]  }
0x2f: {  	lr =	sadd.s32 s0, s3;
	s0 =	sld [smem:$0x3FA1]  }
0x30: {  	s3 =	sld [smem:$0x3FA4]  }
0x31: {  	[smem:$0x3FAD] =	sst s10  }
0x32: {  	s10 =	sld [smem:$0x3FAB];
	_ =	sdelay $0x3  }
0x33: {  	p0 =	seq.s32 s10, $0x1;
	s10 =	sld [smem:$0x3FAD];
	_ =	sdelay $0x3  }
0x34: {  	[smem:$0x3FAD] =	sst s10  }
0x35: {  	s10 =	sld [smem:$0x3FAC];
	_ =	sdelay $0x3  }
0x36: {  	p1 =	seq.s32 s10, $0x1;
	s10 =	sld [smem:$0x3FAD];
	_ =	sdelay $0x3  }
0x37: {  	[smem:$0x3FAD] =	sst s10  }
0x38: {  	s10 =	sld [smem:$0x3FAE]  }
0x39: {  	_ = 	snop;
	(pc) =	sbr.ind lr, $3  }
0x3a: {  	_ = 	snop  }
0x3b: {  	_ = 	snop  }
0x3c: {  	p2 =	seq.s32 s10, $0x1;
	s10 =	sld [smem:$0x3FAD]  }
0x3d: {  	_ =	shalt  }
0x3e: {  	_ =	shalt  }
0x3f: {  	_ =	shalt  }
0x40: {  	_ =	shalt  }
0x41: {  	_ =	shalt  }
0x42: {  	_ =	shalt  }
0x43: {  	_ =	shalt  }
0x44: {  	_ =	shalt  }
0x45: {  	_ =	shalt  }
0x46: {  	_ =	shalt  }
0x47: {  	_ =	shalt  }
0x48: {  	_ =	shalt  }
0x49: {  	_ =	shalt  }
0x4a: {  	_ =	shalt  }
0x4b: {  	_ =	shalt  }
0x4c: {  	_ =	shalt  }
0x4d: {  	_ =	shalt  }
0x4e: {  	_ =	shalt  }
0x4f: {  	_ =	shalt  }
0x50: {  	_ =	shalt  }
0x51: {  	_ =	shalt  }
0x52: {  	_ =	shalt  }
0x53: {  	_ =	shalt  }
0x54: {  	_ =	shalt  }
0x55: {  	_ =	shalt  }
0x56: {  	_ =	shalt  }
0x57: {  	_ =	shalt  }
0x58: {  	_ =	shalt  }
0x59: {  	_ =	shalt  }
0x5a: {  	_ =	shalt  }
0x5b: {  	_ =	shalt  }
0x5c: {  	_ =	shalt  }
0x5d: {  	_ =	shalt  }
0x5e: {  	_ =	shalt  }
0x5f: {  	_ =	shalt  }
0x60: {  	_ =	shalt  }
0x61: {  	_ =	shalt  }
0x62: {  	_ =	shalt  }
0x63: {  	_ =	shalt  }
0x64: {  	_ =	shalt  }
0x65: {  	_ =	shalt  }
0x66: {  	_ =	shalt  }
0x67: {  	_ =	shalt  }
0x68: {  	_ =	shalt  }
0x69: {  	_ =	shalt  }
0x6a: {  	_ =	shalt  }
0x6b: {  	_ =	shalt  }
0x6c: {  	_ =	shalt  }
0x6d: {  	_ =	shalt  }
0x6e: {  	_ =	shalt  }
0x6f: {  	_ =	shalt  }
0x70: {  	_ =	shalt  }
0x71: {  	_ =	shalt  }
0x72: {  	_ =	shalt  }
0x73: {  	_ =	shalt  }
0x74: {  	_ =	shalt  }
0x75: {  	_ =	shalt  }
0x76: {  	_ =	shalt  }
0x77: {  	_ =	shalt  }
0x78: {  	_ =	shalt  }
0x79: {  	_ =	shalt  }
0x7a: {  	_ =	shalt  }
0x7b: {  	_ =	shalt  }
0x7c: {  	_ =	shalt  }
0x7d: {  	_ =	shalt  }
0x7e: {  	_ =	shalt  }
0x7f: {  	_ =	shalt  }
0x80: {  	_ =	shalt  }
0x81: {  	_ =	shalt  }
0x82: {  	_ =	shalt  }
0x83: {  	_ =	shalt  }
0x84: {  	_ =	shalt  }
0x85: {  	_ =	shalt  }
0x86: {  	_ =	shalt  }
0x87: {  	_ =	shalt  }
.Lfunc_end0:
.L_simem_size_0:
called_computation.4_lowered:
.L_overlay_start_0:
0x88: {  	s2 =	sld [smem:$0x3FD9]  }
0x89: {  	s3 =	sld [smem:$0x3FFE];
	_ =	sdelay $0x1  }
0x8a: {  	s1 =	srdreg.scid  }
0x8b: {  	s0 =	sand.u32 $0x1, s1  }
0x8c: {  	s16 =	sshll.u32 s0, $0xA;
	s2 =	sadd.s32 s3, s2  }
0x8d: {  	s2 =	sadd.s32 s2, s16  }
0x8e: {  	[smem:$0x3FB9] =	sst s2  }
0x8f: {  	_ = 	snop  }
0x90: {  	(tm) =	ssettm $0x1  }
0x91: {  	s17 =	sld [smem:$0x3FFB];
	_ =	sdelay $0x3  }
0x92: {  	_ =	strace s17  }
0x93: {  	s2 =	sld [smem:$0x3FFC];
	_ =	sdelay $0x3  }
0x94: {  	_ =	strace s2  }
0x95: {  	s2 =	sld [smem:$0x3FFD];
	_ =	sdelay $0x3  }
0x96: {  	_ =	strace s2  }
0x97: {  	_ =	strace $0x8FFFFFFF  }
0x98: {  	s18 =	sld [smem:$0x3FDB];
	_ =	sdelay $0x1  }
0x99: {  	s19 =	simm.s32 $_scs_section_size  }
0x9a: {  	s4 =	simm.s32 $_size__tile_overlayer_lowered;
	s5 =	simm.s32 $_tile_overlayer_lowered  }
0x9b: {  	s22 =	simm.s32 $0x1BFF;
	s21 =	sshll.u32 s5, $0x1;
	s2 =	sadd.s32 s19, s18  }
0x9c: {  	s6 =	simm.s32 $0x0;
	s20 =	sshll.u32 s4, $0x1;
	s4 =	sadd.s32 s21, s2  }
0x9d: {  	[timem:s6], [sflag:s22] =	dma.local [hbm:s4], s20  }
0x9e: {  	_ =	swait.ge [sflag:s22], s20  }
0x9f: {  	s3 =	ssub.s32 $0x0, s20;
	[sflag:s22] =	ssyncset.done $0x0  }
0xa0: {  	[sflag:s22] =	ssyncadd.s32 s3;
	_ =	sdelay $0x1  }
0xa1: {  	s23 =	simm.s32 $0x1B8B  }
0xa2: {  	_ =	swait.ge [sflag:s23], $0x1  }
0xa3: {  	[sflag:s23] =	ssyncset.done $0x0  }
0xa4: {  	s25 =	simm.s32 $0x1B8E;
	s24 =	sld [smem:$0x3FFE];
	[sflag:s23] =	ssyncadd.s32 $0xFFFFFFFF  }
0xa5: {  	s26 =	simm.s32 $execute0_lowered;
	[smem:$0x3FD2] =	sst s25  }
0xa6: {  	s4 =	sshll.u32 s26, $0x1;
	_ =	strace $0x80000052;
	[dreg:$0x1] =	wrdreg $0xFFFFFFFF  }
0xa7: {  	s28 =	simm.s32 $_size_execute0_lowered;
	s2 =	sadd.s32 s2, s4;
	[dreg:$0x0] =	wrdreg $0x0  }
0xa8: {  	s4 =	sshll.u32 s28, $0x1;
	[dreg:$0x2] =	wrdreg s2  }
0xa9: {  	[dreg:$0x3] =	wrdreg s4  }
0xaa: {  	[dreg:$0x4] =	wrdreg $0xC0  }
0xab: {  	_ =	task [dreg:s6], $0x5FFFF  }
0xac: {  	[dreg:$0x1] =	wrdreg $0xFFFFFFFF  }
0xad: {  	[dreg:$0x0] =	wrdreg $0x60  }
0xae: {  	[dreg:$0x2] =	wrdreg s24  }
0xaf: {  	[dreg:$0x3] =	wrdreg $0x29000  }
0xb0: {  	[dreg:$0x4] =	wrdreg $0x9  }
0xb1: {  	_ =	task.clear_ibuf [dreg:s6], $0x5FFFF;
	_ =	strace $0x90000052  }
0xb2: {  	s29 =	simm.s32 $0x9;
	_ =	strace $0x80000054  }
0xb3: {  	_ =	swait.ge [sflag:s29], $0x1  }
0xb4: {  	[sflag:s29] =	ssyncadd.s32 $0xFFFFFFFF  }
0xb5: {  	_ =	strace $0x90000054  }
0xb6: {  	_ =	sfence  }
0xb7: {  	s30 =	sld [smem:$0x0];
	_ =	sdelay $0x2  }
0xb8: {  	s31 =	sshll.u32 s1, $0xD;
	s1 =	sshrl.u32 s1, $0x2  }
0xb9: {  	s3 =	sand.u32 $0x4000, s31;
	s1 =	sadd.s32 s1, s30  }
0xba: {  	s0 =	sor.u32 s3, s0;
	s1 =	sshll.u32 s1, $0x11  }
0xbb: {  	s0 =	sor.u32 s1, s0  }
0xbc: {  	s0 =	sadd.s32 $0x8F2B, s0  }
0xbd: {  	[sflag:s0] =	ssyncadd.remote.s32 $0x1  }
0xbe: {  	_ =	sfence.sel $0xFFFF  }
0xbf: {  	[dreg:$0x0] =	wrdreg $0xFFFFFFFF;
	(pc) =	sbr.abs _section_cstart, $3  }
0xc0: {  	[dreg:$0x1] =	wrdreg $0xFFFFFFFF  }
0xc1: {  	_ =	task.clear_ibuf [dreg:s6], $0x2FFFF;
	_ =	strace $0x9FFFFFFF  }
0xc2: {  	(tm) =	ssettm $0x7FFFFFFF  }
0xc3: {  	_ =	shalt  }
tec
execute0_lowered:
.L_overlay_start_1:
0x0: {  	(tag) =	ssettag $0x1  }
0x1: {  	s1 =	srdreg.scid  }
0x2: {  	s0 =	rddreg [dreg:$0x0];
	s9 =	sand.u32 $0x1, s1  }
0x3: {  	s1 =	stileid.u32;
	s4 =	smul.u32 $0x27100, s9  }
0x4: {  	s2 =	rddreg [dreg:$0x1];
	s5 =	smul.u32 $0x2710, s1  }
0x5: {  	s3 =	simm.s32 $0x0;
	s28 =	simm.s32 $0x50;
	s7 =	smul.u32 $0xA000, s1  }
0x6: {  	s29 =	simm.s32 $0x1;
	s31 =	sor.u32 $0x10, s1;
	s18 =	smul.u32 $0x138800, s9  }
0x7: {  	s30 =	simm.s32 $0x0;
	s11 =	sor.u32 $0x20, s1;
	s24 =	smul.u32 $0xA000, s31  }
0x8: {  	[smem:$0x7FF] =	sst s3;
	s14 =	sor.u32 $0x30, s1;
	s25 =	smul.u32 $0xA000, s11  }
0x9: {  	s20 =	sadd.s32 $0x40400, s0;
	s15 =	sor.u32 $0x40, s1;
	s8 =	smul.u32 $0xA000, s14  }
0xa: {  	_ =	strace $0x80000053;
	s16 =	sor.u32 $0x50, s1;
	s10 =	smul.u32 $0xA000, s15  }
0xb: {  	s6 =	ssub.s32 $0x2, s9;
	s17 =	sor.u32 $0x60, s1;
	s12 =	smul.u32 $0xA000, s16  }
0xc: {  	s19 =	sor.u32 $0x70, s1;
	p0 =	sgt.u32 s1, $0xC;
	s13 =	smul.u32 $0xA000, s17  }
0xd: {  	s26 =	sshrl.u32 s6, $0x1;
	s14 =	smul.u32 $0x2800, s14;
	s5 =	sadd.s32 s5, s4  }
0xe: {  	s4 =	sadd.s32 $0x19200, s0;
	s21 =	ssub.s32 s6, s26;
	s26 =	smul.u32 $0xA000, s19  }
0xf: {  	s22 =	sshrl.u32 s7, $0x2;
	s19 =	smul.u32 $0x2800, s19;
	s5 =	sshrl.u32 s5, $0x3  }
0x10: {  	s6 =	sshrl.u32 s24, $0x2;
	s7 =	sshrl.u32 s25, $0x2;
	s8 =	sshrl.u32 s8, $0x2  }
0x11: {  	s10 =	sshrl.u32 s10, $0x2;
	s12 =	sshrl.u32 s12, $0x2;
	s24 =	smul.u32 $0x2800, s11  }
0x12: {  	s13 =	sshrl.u32 s13, $0x2;
	s25 =	smul.u32 $0x2800, s15;
	s21 =	smax.u32 s21, $0x1  }
0x13: {  	s23 =	sadd.s32 s5, s0;
	s5 =	sadd.s32 s22, s2;
	s6 =	sadd.s32 s6, s2  }
0x14: {  	s7 =	sadd.s32 s7, s2;
	s8 =	sadd.s32 s8, s2;
	s22 =	smul.u32 $0x2800, s1  }
0x15: {  	s9 =	sadd.s32 s10, s2;
	s10 =	sadd.s32 s12, s2;
	s0 =	smul.u32 $0x2800, s31  }
0x16: {  	s12 =	sshrl.u32 s26, $0x2;
	s11 =	sadd.s32 s13, s2;
	s26 =	smul.u32 $0x2800, s16  }
0x17: {  	s19 =	sadd.s32 s18, s19;
	s12 =	sadd.s32 s12, s2;
	s22 =	sadd.s32 s22, s18  }
0x18: {  	s13 =	sadd.s32 s18, s24;
	s0 =	sadd.s32 s18, s0;
	s22 =	sshrl.u32 s22, $0x3  }
0x19: {  	s24 =	simm.s32 $0x100;
	s0 =	sshrl.u32 s0, $0x3;
	s31 =	sadd.s32 s20, s22  }
0x1a: {  	s22 =	sshrl.u32 s13, $0x3;
	s0 =	sadd.s32 s20, s0;
	[dreg:$0x3] =	wrdreg s31  }
0x1b: {  	s13 =	sadd.s32 s18, s25;
	[dreg:$0x4] =	wrdreg s0;
	s15 =	sadd.s32 s20, s22  }
0x1c: {  	s31 =	sadd.s32 s18, s14;
	s14 =	smul.u32 $0x2800, s17;
	s22 =	sshrl.u32 s13, $0x3  }
0x1d: {  	s0 =	sadd.s32 s18, s26;
	s16 =	sshrl.u32 s31, $0x3;
	s17 =	sadd.s32 s20, s22  }
0x1e: {  	s0 =	sshrl.u32 s0, $0x3;
	s31 =	sshrl.u32 s19, $0x3;
	s22 =	sadd.s32 $0x5600, s23  }
0x1f: {  	s23 =	sadd.s32 $0xF400, s23;
	s16 =	sadd.s32 s20, s16;
	s25 =	sadd.s32 s18, s14  }
0x20: {  	s18 =	sadd.s32 s20, s0;
	s26 =	sshrl.u32 s25, $0x3;
	s25 =	simm.s32 $0x2  }
0x21: {  	v0 =	vimm.f32 $0.0e+00;
	s19 =	sadd.s32 s20, s26;
	s20 =	sadd.s32 s20, s31;
	s26 =	simm.s32 $0x80  }
.LBB2_1:
0x22: {  	s31 =	simm.s32 $0x0;
	s0 =	simm.s32 $0x200  }
.LBB2_2:
0x23: {  	p1 =	sne.s32 s0, $0x9E00;
	[tilespmem:s31+$0x170] =	vst v0  }
0x24: {  	[tilespmem:s31+$0x100] =	vst v0  }
0x25: {  	[tilespmem:s31+$0x110] =	vst v0  }
.Ltmp0:
0x26: {  	[tilespmem:s31+$0x120] =	vst v0;
	(pc) =	sbr.rel @p1 .LBB2_2-.Ltmp0, $4  }
0x27: {  	[tilespmem:s31+$0x130] =	vst v0  }
0x28: {  	[tilespmem:s31+$0x140] =	vst v0  }
0x29: {  	[tilespmem:s31+$0x150] =	vst v0  }
0x2a: {  	[tilespmem:s31+$0x160] =	vst v0;
	s31 =	sshra.s32 s0, $0x2;
	s0 =	sadd.s32 $0x200, s0  }
0x2b: {  	[tilespmem:s31+$0x170] =	vst v0  }
0x2c: {  	[tilespmem:s31+$0x100] =	vst v0  }
0x2d: {  	[tilespmem:s31+$0x110] =	vst v0  }
0x2e: {  	[tilespmem:s31+$0x120] =	vst v0  }
0x2f: {  	[tilespmem:s31+$0x130] =	vst v0  }
0x30: {  	[tilespmem:s31+$0x140] =	vst v0  }
0x31: {  	[tilespmem:s31+$0x150] =	vst v0  }
0x32: {  	[tilespmem:s31+$0x160] =	vst v0  }
0x33: {  	[spmem:s5] =	stream.linear.scatter [tilespmem:s24], [sflag:$0x2], $0x2800, $0x38;
	[tilespmem:$0x16180] =	vst v63  }
0x34: {  	_ =	swait.ge [sflag:s25], $0x2800  }
0x35: {  	[sflag:s25] =	ssyncset.done $0x0  }
0x36: {  	[sflag:s25] =	ssyncadd.s32 $0xFFFFD800  }
0x37: {  	[spmem:s6] =	stream.linear.scatter [tilespmem:s24], [sflag:$0x2], $0x2800, $0x38;
	[tilespmem:$0x16180] =	vst v63  }
0x38: {  	_ =	swait.ge [sflag:s25], $0x2800  }
0x39: {  	[sflag:s25] =	ssyncset.done $0x0  }
0x3a: {  	[sflag:s25] =	ssyncadd.s32 $0xFFFFD800  }
0x3b: {  	[spmem:s7] =	stream.linear.scatter [tilespmem:s24], [sflag:$0x2], $0x2800, $0x38;
	[tilespmem:$0x16180] =	vst v63  }
0x3c: {  	_ =	swait.ge [sflag:s25], $0x2800  }
0x3d: {  	[sflag:s25] =	ssyncset.done $0x0  }
0x3e: {  	[sflag:s25] =	ssyncadd.s32 $0xFFFFD800  }
0x3f: {  	[spmem:s8] =	stream.linear.scatter [tilespmem:s24], [sflag:$0x2], $0x2800, $0x38;
	[tilespmem:$0x16180] =	vst v63  }
0x40: {  	_ =	swait.ge [sflag:s25], $0x2800  }
0x41: {  	[sflag:s25] =	ssyncset.done $0x0  }
0x42: {  	[sflag:s25] =	ssyncadd.s32 $0xFFFFD800  }
0x43: {  	[spmem:s9] =	stream.linear.scatter [tilespmem:s24], [sflag:$0x2], $0x2800, $0x38;
	[tilespmem:$0x16180] =	vst v63  }
0x44: {  	_ =	swait.ge [sflag:s25], $0x2800  }
0x45: {  	[sflag:s25] =	ssyncset.done $0x0  }
0x46: {  	[sflag:s25] =	ssyncadd.s32 $0xFFFFD800  }
0x47: {  	[spmem:s10] =	stream.linear.scatter [tilespmem:s24], [sflag:$0x2], $0x2800, $0x38;
	[tilespmem:$0x16180] =	vst v63  }
0x48: {  	_ =	swait.ge [sflag:s25], $0x2800  }
0x49: {  	[sflag:s25] =	ssyncset.done $0x0  }
0x4a: {  	[sflag:s25] =	ssyncadd.s32 $0xFFFFD800  }
0x4b: {  	[spmem:s11] =	stream.linear.scatter [tilespmem:s24], [sflag:$0x2], $0x2800, $0x38;
	[tilespmem:$0x16180] =	vst v63  }
0x4c: {  	_ =	swait.ge [sflag:s25], $0x2800  }
0x4d: {  	[sflag:s25] =	ssyncset.done $0x0  }
0x4e: {  	s0 =	simm.s32 @!p0 $0x100;
	[sflag:s25] =	ssyncadd.s32 $0xFFFFD800  }
0x4f: {  	[spmem:s12] =	stream.linear.scatter @!p0 [tilespmem:s0], [sflag:$0x2], $0x2800, $0x38;
	[tilespmem:$0x16180] =	vst v63  }
0x50: {  	s0 =	simm.s32 @!p0 $0x2  }
0x51: {  	_ =	swait.ge @!p0 [sflag:s0], $0x2800  }
0x52: {  	[sflag:s0] =	ssyncset.done @!p0 $0x0  }
0x53: {  	[sflag:s0] =	ssyncadd.s32 @!p0 $0xFFFFD800  }
0x54: {  	s13 =	sadd.s32 $0x0, s23;
	[bflag:$0x0] =	sbarrier.arrive $0xFFFF  }
0x55: {  	[tilespmem:s3], [sflag:$0x2] =	stream.linear.gather [hbm4b:s13+s3], $0x50, $0x38;
	[tilespmem:$0x16180] =	vst v63  }
0x56: {  	_ =	swait.ge [sflag:s25], $0x50  }
0x57: {  	[sflag:s25] =	ssyncset.done $0x0  }
0x58: {  	s14 =	sadd.s32 $0x0, s22;
	[sflag:s25] =	ssyncadd.s32 $0xFFFFFFB0  }
0x59: {  	[tilespmem:s26], [sflag:$0x2] =	stream.linear.gather [hbm4b:s14+s3], $0x50, $0x38;
	[tilespmem:$0x16180] =	vst v63  }
0x5a: {  	_ =	swait.ge [sflag:s25], $0x50  }
0x5b: {  	[sflag:s25] =	ssyncset.done $0x0  }
0x5c: {  	[sflag:s25] =	ssyncadd.s32 $0xFFFFFFB0  }
0x5d: {  	[tilespmem:s24], [sflag:$0x1] =	stream.indirect.gather [hbm4b:s4+s28], $0x80, s3, s28, $0xb8;
	[tilespmem:$0x16180] =	vst v63  }
0x5e: {  	_ =	swait.ge [sflag:s29], $0x2800  }
0x5f: {  	[sflag:s29] =	ssyncset.done $0x0  }
0x60: {  	[sflag:s29] =	ssyncadd.s32 $0xFFFFD800  }
0x61: {  	[spmem:s2] =	stream.indirect.scatter.add.f32 [tilespmem:s24], [sflag:$0x2], $0x80, s26, s28, $0xb8;
	[tilespmem:$0x16180] =	vst v63  }
0x62: {  	_ =	swait.ge [sflag:s25], $0x2800  }
0x63: {  	s31 =	simm.s32 $0xA;
	s0 =	simm.s32 $0x14;
	[sflag:s25] =	ssyncset.done $0x0  }
.LBB2_4:
0x64: {  	s1 =	sadd.s32 s31, s23  }
0x65: {  	[sflag:s25] =	ssyncadd.s32 $0xFFFFD800;
	s13 =	smov.u32 s0;
	s14 =	sadd.s32 $0xA, s0  }
0x66: {  	[tilespmem:s3], [sflag:$0x2] =	stream.linear.gather [hbm4b:s1+s3], $0x50, $0x38;
	[tilespmem:$0x16180] =	vst v63  }
0x67: {  	p1 =	sne.s32 s0, $0x4D8;
	_ =	swait.ge [sflag:s25], $0x50  }
0x68: {  	[sflag:s25] =	ssyncset.done $0x0  }
0x69: {  	s0 =	sadd.s32 s31, s22;
	s31 =	smov.u32 s13;
	[sflag:s25] =	ssyncadd.s32 $0xFFFFFFB0  }
0x6a: {  	[tilespmem:s26], [sflag:$0x2] =	stream.linear.gather [hbm4b:s0+s3], $0x50, $0x38;
	[tilespmem:$0x16180] =	vst v63  }
0x6b: {  	_ =	swait.ge [sflag:s25], $0x50  }
0x6c: {  	[sflag:s25] =	ssyncset.done $0x0  }
0x6d: {  	[sflag:s25] =	ssyncadd.s32 $0xFFFFFFB0  }
0x6e: {  	[tilespmem:s24], [sflag:$0x1] =	stream.indirect.gather [hbm4b:s4+s28], $0x80, s3, s28, $0xb8;
	[tilespmem:$0x16180] =	vst v63  }
0x6f: {  	_ =	swait.ge [sflag:s29], $0x2800  }
.Ltmp1:
0x70: {  	[sflag:s29] =	ssyncset.done $0x0;
	(pc) =	sbr.rel @p1 .LBB2_4-.Ltmp1, $4  }
0x71: {  	[sflag:s29] =	ssyncadd.s32 $0xFFFFD800  }
0x72: {  	[spmem:s2] =	stream.indirect.scatter.add.f32 [tilespmem:s24], [sflag:$0x2], $0x80, s26, s28, $0xb8;
	[tilespmem:$0x16180] =	vst v63  }
0x73: {  	_ =	swait.ge [sflag:s25], $0x2800  }
0x74: {  	s0 =	smov.u32 s14;
	[sflag:s25] =	ssyncset.done $0x0  }
0x75: {  	s0 =	sadd.s32 s31, s23;
	[sflag:s25] =	ssyncadd.s32 $0xFFFFD800  }
0x76: {  	[tilespmem:s3], [sflag:$0x2] =	stream.linear.gather [hbm4b:s0+s3], $0x50, $0x38;
	[tilespmem:$0x16180] =	vst v63  }
0x77: {  	_ =	swait.ge [sflag:s25], $0x50  }
0x78: {  	[sflag:s25] =	ssyncset.done $0x0  }
0x79: {  	s1 =	sadd.s32 s31, s22;
	[sflag:s25] =	ssyncadd.s32 $0xFFFFFFB0  }
0x7a: {  	[tilespmem:s26], [sflag:$0x2] =	stream.linear.gather [hbm4b:s1+s3], $0x50, $0x38;
	[tilespmem:$0x16180] =	vst v63  }
0x7b: {  	_ =	swait.ge [sflag:s25], $0x50  }
0x7c: {  	[sflag:s25] =	ssyncset.done $0x0  }
0x7d: {  	[sflag:s25] =	ssyncadd.s32 $0xFFFFFFB0  }
0x7e: {  	[tilespmem:s24], [sflag:$0x1] =	stream.indirect.gather [hbm4b:s4+s28], $0x80, s3, s28, $0xb8;
	[tilespmem:$0x16180] =	vst v63  }
0x7f: {  	_ =	swait.ge [sflag:s29], $0x2800  }
0x80: {  	[sflag:s29] =	ssyncset.done $0x0  }
0x81: {  	[sflag:s29] =	ssyncadd.s32 $0xFFFFD800  }
0x82: {  	[spmem:s2] =	stream.indirect.scatter.add.f32 [tilespmem:s24], [sflag:$0x2], $0x80, s26, s28, $0xb8;
	[tilespmem:$0x16180] =	vst v63  }
0x83: {  	_ =	swait.ge [sflag:s25], $0x2800  }
0x84: {  	[sflag:s25] =	ssyncset.done $0x0  }
0x85: {  	s13 =	stileid.u32;
	[sflag:s25] =	ssyncadd.s32 $0xFFFFD800  }
0x86: {  	s0 =	sshll.u32 s13, $0x6;
	[bflag:$0x0] =	sbarrier.arrive $0xFFFF  }
0x87: {  	s0 =	sor.u32 $0x1C02, s0;
	s1 =	sshrl.u32 s5, $0x3;
	s13 =	rddreg [dreg:$0x3]  }
0x88: {  	[hbm:s13], [sflag:s0] =	dma.local [spmem:s1], $0x500  }
0x89: {  	_ =	swait.ge [sflag:s25], $0x500  }
0x8a: {  	[sflag:s25] =	ssyncset.done $0x0  }
0x8b: {  	s14 =	sshrl.u32 s6, $0x3;
	s31 =	rddreg [dreg:$0x4];
	[sflag:s25] =	ssyncadd.s32 $0xFFFFFB00  }
0x8c: {  	[hbm:s31], [sflag:s0] =	dma.local [spmem:s14], $0x500  }
0x8d: {  	_ =	swait.ge [sflag:s25], $0x500  }
0x8e: {  	[sflag:s25] =	ssyncset.done $0x0  }
0x8f: {  	s14 =	sshrl.u32 s7, $0x3;
	[sflag:s25] =	ssyncadd.s32 $0xFFFFFB00  }
0x90: {  	[hbm:s15], [sflag:s0] =	dma.local [spmem:s14], $0x500  }
0x91: {  	_ =	swait.ge [sflag:s25], $0x500  }
0x92: {  	[sflag:s25] =	ssyncset.done $0x0  }
0x93: {  	s31 =	sshrl.u32 s8, $0x3;
	[sflag:s25] =	ssyncadd.s32 $0xFFFFFB00  }
0x94: {  	[hbm:s16], [sflag:s0] =	dma.local [spmem:s31], $0x500  }
0x95: {  	_ =	swait.ge [sflag:s25], $0x500  }
0x96: {  	[sflag:s25] =	ssyncset.done $0x0  }
0x97: {  	s13 =	sshrl.u32 s9, $0x3;
	[sflag:s25] =	ssyncadd.s32 $0xFFFFFB00  }
0x98: {  	[hbm:s17], [sflag:s0] =	dma.local [spmem:s13], $0x500  }
0x99: {  	_ =	swait.ge [sflag:s25], $0x500  }
0x9a: {  	[sflag:s25] =	ssyncset.done $0x0  }
0x9b: {  	s14 =	sshrl.u32 s10, $0x3;
	[sflag:s25] =	ssyncadd.s32 $0xFFFFFB00  }
0x9c: {  	[hbm:s18], [sflag:s0] =	dma.local [spmem:s14], $0x500  }
0x9d: {  	_ =	swait.ge [sflag:s25], $0x500  }
0x9e: {  	[sflag:s25] =	ssyncset.done $0x0  }
0x9f: {  	s31 =	sshrl.u32 s11, $0x3;
	[sflag:s25] =	ssyncadd.s32 $0xFFFFFB00  }
0xa0: {  	[hbm:s19], [sflag:s0] =	dma.local [spmem:s31], $0x500  }
0xa1: {  	_ =	swait.ge [sflag:s25], $0x500  }
0xa2: {  	s30 =	sadd.s32 $0x1, s30;
	[sflag:s25] =	ssyncset.done $0x0  }
0xa3: {  	p1 =	sne.s32 s30, s21;
	s1 =	sshrl.u32 @!p0 s12, $0x3;
	[sflag:s25] =	ssyncadd.s32 $0xFFFFFB00  }
0xa4: {  	[hbm:s20], [sflag:s0] =	dma.local @!p0 [spmem:s1], $0x500  }
.Ltmp2:
0xa5: {  	_ = 	snop;
	(pc) =	sbr.rel @p1 .LBB2_1-.Ltmp2, $4  }
0xa6: {  	s0 =	simm.s32 @!p0 $0x2  }
0xa7: {  	_ =	swait.ge @!p0 [sflag:s0], $0x500  }
0xa8: {  	[sflag:s0] =	ssyncset.done @!p0 $0x0  }
0xa9: {  	[sflag:s0] =	ssyncadd.s32 @!p0 $0xFFFFFB00  }
0xaa: {  	_ =	sfence.sel $0x180000  }
0xab: {  	[bflag:$0x0] =	sbarrier.arrive $0xFFFF  }
0xac: {  	_ =	strace $0x90000053  }
0xad: {  	s0 =	stileid.u32;
	[bflag:$0x2] =	sbarrier.arrive $0xFFFF  }
0xae: {  	p0 =	sne.s32 s0, $0x0;
	s0 =	rddreg [dreg:$0x2]  }
0xaf: {  	s0 =	sadd.s32 @!p0 $0x100000, s0  }
0xb0: {  	[sflag:s0] =	ssyncadd.tile.s32 @!p0 $0x1;
	_ =	shalt  }
.Lfunc_end2:
_tile_overlayer_lowered:
.L_overlay_start_2:
0xb1: {  	(tag) =	ssettag $0x2  }
0xb2: {  	s0 =	rddreg [dreg:$0x0];
	s2 =	stileid.u32  }
0xb3: {  	s1 =	rddreg [dreg:$0x1];
	p0 =	sne.s32 s2, $0x0  }
0xb4: {  	s3 =	rddreg [dreg:$0x2];
	[bflag:$0x3] =	sbarrier.arrive $0xFFFF;
	s2 =	simm.s32 @!p0 $0x1C02  }
0xb5: {  	[timem:s3], [sflag:s2] =	dma.local @!p0 [hbm:s0], s1  }
0xb6: {  	s0 =	simm.s32 @!p0 $0x2  }
0xb7: {  	_ =	swait.ge @!p0 [sflag:s0], s1  }
0xb8: {  	s1 =	ssub.s32 @!p0 $0x0, s1;
	[sflag:s0] =	ssyncset.done @!p0 $0x0  }
0xb9: {  	[sflag:s0] =	ssyncadd.s32 @!p0 s1  }
0xba: {  	[bflag:$0x3] =	sbarrier.arrive $0xFFFF  }
0xbb: {  	_ =	shalt  }

</sc_bundles>
